<compile_context>
chip_gen: v7x
topology: tpu7x:2x2x1
jax: 0.10.2.dev20260603
libtpu: 0.0.44.dev20260713+nightly
codegen_flags: <defaults>
</compile_context>

<pallas_src>
import functools

import jax
import jax.numpy as jnp
from jax import lax
from jax.experimental import pallas as pl
from jax.experimental.pallas import tpu as pltpu
from jax.experimental.pallas import tpu_sc as plsc

N_NODES = 10000
N_EDGES = 320000
NS = 16
NW = 32
CH = 128
NCH = 80
EPW = CH * NCH
E_PAD = NW * EPW
NCHT = N_EDGES // CH
NCHR = NCHT - (NW - 1) * NCH
NBC = 5
NG = NCH // NBC
NP = 10240
RPT = NP // NS

_MESH = plsc.VectorSubcoreMesh(core_axis_name="c", subcore_axis_name="s")
_SC_PARAMS = pltpu.CompilerParams(use_tc_tiling_on_sc=False)


def _make_agg(F):

    @functools.partial(
        pl.kernel,
        out_type=jax.ShapeDtypeStruct((2, NP, F), jnp.float32),
        mesh=_MESH,
        compiler_params=_SC_PARAMS,
        scratch_types=[
            pltpu.VMEM((NCH, CH), jnp.int32),
            pltpu.VMEM((NCH, CH), jnp.int32),
            pltpu.VMEM((NBC, CH, F), jnp.float32),
            pltpu.VMEM((NBC, CH, F), jnp.float32),
            pltpu.VMEM_SHARED((NP, F), jnp.float32),
            pltpu.SemaphoreType.DMA,
            pltpu.SemaphoreType.DMA,
            pltpu.SemaphoreType.DMA,
            pltpu.SemaphoreType.DMA,
        ],
    )
    def agg(g_hbm, ei_hbm, pad_hbm, z_hbm, out_hbm, src_v, dst_v, bufa, bufb,
            acc_sh, gsema, gsemb, ssema, ssemb):
        c = lax.axis_index("c")
        s = lax.axis_index("s")
        w = c * NS + s
        pltpu.sync_copy(z_hbm.at[pl.ds(s * RPT, RPT)],
                        acc_sh.at[pl.ds(s * RPT, RPT)])

        @pl.when(w < NW - 1)
        def _():
            pltpu.sync_copy(ei_hbm.at[0, pl.ds(w * NCH, NCH)], src_v)
            pltpu.sync_copy(ei_hbm.at[1, pl.ds(w * NCH, NCH)], dst_v)

        @pl.when(w == NW - 1)
        def _():
            pltpu.sync_copy(ei_hbm.at[0, pl.ds(w * NCH, NCHR)],
                            src_v.at[pl.ds(0, NCHR)])
            pltpu.sync_copy(ei_hbm.at[1, pl.ds(w * NCH, NCHR)],
                            dst_v.at[pl.ds(0, NCHR)])
            pltpu.sync_copy(pad_hbm.at[0], src_v.at[pl.ds(NCHR, NCH - NCHR)])
            pltpu.sync_copy(pad_hbm.at[1], dst_v.at[pl.ds(NCHR, NCH - NCHR)])

        plsc.subcore_barrier()

        def gather(ch, buf, b, sem):
            pltpu.async_copy(g_hbm.at[src_v.at[ch]], buf.at[b], sem)

        def gather_wait(buf, b, sem):
            pltpu.make_async_copy(g_hbm.at[src_v.at[0]], buf.at[b], sem).wait()

        def scat(ch, buf, b, sem):
            pltpu.async_copy(buf.at[b], acc_sh.at[dst_v.at[ch]], sem, add=True)

        def scat_wait(buf, b, sem):
            pltpu.make_async_copy(buf.at[b], acc_sh.at[dst_v.at[0]],
                                  sem).wait()

        for b in range(NBC):
            gather(b, bufa, b, gsema)

        def phase(j, buf, gsem, obuf, osem_s, gsem_o, first, last):
            for b in range(NBC):
                gather_wait(buf, b, gsem)
            for b in range(NBC):
                scat(j * NBC + b, buf, b,
                     ssema if buf is bufa else ssemb)
            if first is None:
                for b in range(NBC):
                    scat_wait(obuf, b, osem_s)
            else:
                @pl.when(jnp.logical_not(first))
                def _():
                    for b in range(NBC):
                        scat_wait(obuf, b, osem_s)

            @pl.when(jnp.logical_not(last))
            def _():
                for b in range(NBC):
                    gather((j + 1) * NBC + b, obuf, b, gsem_o)

        def body(j, carry):
            @pl.when(j % 2 == 0)
            def _():
                phase(j, bufa, gsema, bufb, ssemb, gsemb,
                      first=j == 0, last=j >= NG - 1)

            @pl.when(j % 2 == 1)
            def _():
                phase(j, bufb, gsemb, bufa, ssema, gsema,
                      first=None, last=j >= NG - 1)

            return carry

        lax.fori_loop(0, NG, body, 0)
        for b in range(NBC):
            scat_wait(bufb if NG % 2 == 0 else bufa, b,
                      ssemb if NG % 2 == 0 else ssema)
        plsc.subcore_barrier()
        pltpu.sync_copy(acc_sh.at[pl.ds(s * RPT, RPT)],
                        out_hbm.at[c, pl.ds(s * RPT, RPT)])

    return agg


_agg16 = _make_agg(16)


@functools.partial(
    pl.kernel,
    out_type=jax.ShapeDtypeStruct((2, NP, 16), jnp.float32),
    mesh=_MESH,
    compiler_params=_SC_PARAMS,
    scratch_types=[
        pltpu.VMEM((NCH, CH), jnp.int32),
        pltpu.VMEM((CH, 16), jnp.float32),
        pltpu.VMEM_SHARED((NP, 16), jnp.float32),
        pltpu.SemaphoreType.DMA,
    ],
)
def _deg(ei_hbm, pad_hbm, ones_hbm, z_hbm, out_hbm, dst_v, ones_v, acc_sh,
         sem):
    c = lax.axis_index("c")
    s = lax.axis_index("s")
    w = c * NS + s
    pltpu.sync_copy(z_hbm.at[pl.ds(s * RPT, RPT)],
                    acc_sh.at[pl.ds(s * RPT, RPT)])
    pltpu.sync_copy(ones_hbm, ones_v)

    @pl.when(w < NW - 1)
    def _():
        pltpu.sync_copy(ei_hbm.at[1, pl.ds(w * NCH, NCH)], dst_v)

    @pl.when(w == NW - 1)
    def _():
        pltpu.sync_copy(ei_hbm.at[1, pl.ds(w * NCH, NCHR)],
                        dst_v.at[pl.ds(0, NCHR)])
        pltpu.sync_copy(pad_hbm.at[1], dst_v.at[pl.ds(NCHR, NCH - NCHR)])

    plsc.subcore_barrier()

    K = 8

    def scat(ch):
        pltpu.async_copy(ones_v, acc_sh.at[dst_v.at[ch]], sem, add=True)

    def scat_wait():
        pltpu.make_async_copy(ones_v, acc_sh.at[dst_v.at[0]], sem).wait()

    for b in range(K):
        scat(b)

    def body(j, carry):
        for b in range(K):
            scat(j * K + b)
        for b in range(K):
            scat_wait()
        return carry

    lax.fori_loop(1, NCH // K, body, 0)
    for b in range(K):
        scat_wait()
    plsc.subcore_barrier()
    pltpu.sync_copy(acc_sh.at[pl.ds(s * RPT, RPT)],
                    out_hbm.at[c, pl.ds(s * RPT, RPT)])


NPF = NP * 16 // 128
NF1 = N_NODES * 16 // 128


def _k1a_body(x3_ref, we_ref, h_ref):
    hf = jnp.dot(x3_ref[:, 0, :], we_ref[0],
                 preferred_element_type=jnp.float32)
    for a in range(1, 8):
        hf = hf + jnp.dot(x3_ref[:, a, :], we_ref[a],
                          preferred_element_type=jnp.float32)
    h_ref[...] = hf


def _k1b_body(hf_ref, daccf_ref, g_ref, dis_ref):
    degf = daccf_ref[0] + daccf_ref[1] + 1.0
    disf = lax.rsqrt(degf)
    dis_ref[...] = disf
    g = hf_ref[...] * disf[:NF1]
    g_ref[...] = jnp.concatenate(
        [g, jnp.zeros((NPF - NF1, 128), jnp.float32)], axis=0)


def _k2_body(af_ref, gf_ref, disf_ref, bf_ref, wf_ref, out_ref):
    disf = disf_ref[...]
    z = jnp.maximum(disf * (af_ref[0] + af_ref[1] + gf_ref[...]) + bf_ref[...],
                    0.0)
    out_ref[...] = (
        jnp.dot(z, wf_ref[...], preferred_element_type=jnp.float32) * disf)


def _k3_body(af_ref, gf_ref, disf_ref, bf_ref, out_ref):
    disf = disf_ref[...]
    z = jnp.maximum(disf * (af_ref[0] + af_ref[1] + gf_ref[...]) + bf_ref[...],
                    0.0)
    out_ref[...] = z * disf


def _k4_body(af_ref, gf_ref, disf_ref, we_ref, b_ref, out_ref):
    qdf = disf_ref[...] * (af_ref[0] + af_ref[1] + gf_ref[...])
    cols = []
    for a in range(8):
        h = jnp.dot(qdf, we_ref[a], preferred_element_type=jnp.float32)
        p = h + b_ref[...]
        m = jnp.max(p, axis=1, keepdims=True)
        e = jnp.exp(p - m)
        o = p - m - jnp.log(jnp.sum(e, axis=1, keepdims=True))
        cols.append(jnp.reshape(o, (NPF, 1, 40)))
    full = jnp.concatenate(cols, axis=1).reshape(NP, 40)
    out_ref[...] = full[:N_NODES]


def _f32(*shape):
    return jax.ShapeDtypeStruct(shape, jnp.float32)


_K1A = pl.pallas_call(_k1a_body, out_shape=_f32(NF1, 128))
_K1B = pl.pallas_call(_k1b_body, out_shape=[_f32(NPF, 128), _f32(NPF, 128)])
_K2 = pl.pallas_call(_k2_body, out_shape=_f32(NPF, 128))
_K3 = pl.pallas_call(_k3_body, out_shape=_f32(NPF, 128))
_K4 = pl.pallas_call(_k4_body, out_shape=_f32(N_NODES, 40))


def kernel(x, edge_index, W1, b1, W2, b2, W3, b3):
    npad = E_PAD - N_EDGES
    k = jnp.arange(npad, dtype=jnp.int32)
    pad3 = jnp.stack([k % N_NODES, N_NODES + k % (NP - N_NODES)]
                     ).reshape(2, NCH - NCHR, CH)
    ei = edge_index.reshape(2, NCHT, CH)
    z16 = jnp.zeros((NP, 16), jnp.float32)
    ones = jnp.ones((CH, 16), jnp.float32)
    e8 = jnp.eye(8, dtype=jnp.float32)
    w1e = (e8[:, None, :, None] * W1[None, :, None, :]).reshape(8, 128, 128)
    w2f = (e8[:, None, :, None] * W2[None, :, None, :]).reshape(128, 128)

    hf = _K1A(x.reshape(NF1, 8, 128), w1e)
    dacc = _deg(ei, pad3, ones, z16)
    g1f, disf = _K1B(hf, dacc.reshape(2, NPF, 128))
    a1 = _agg16(g1f.reshape(NP, 16), ei, pad3, z16)
    g2f = _K2(a1.reshape(2, NPF, 128), g1f, disf,
              jnp.tile(b1, 8).reshape(1, 128), w2f)
    a2 = _agg16(g2f.reshape(NP, 16), ei, pad3, z16)
    g3f = _K3(a2.reshape(2, NPF, 128), g2f, disf,
              jnp.tile(b2, 8).reshape(1, 128))
    a3 = _agg16(g3f.reshape(NP, 16), ei, pad3, z16)
    w3e = (e8[:, :, None, None] * W3[None, None, :, :]).reshape(8, 128, 40)
    return _K4(a3.reshape(2, NPF, 128), g3f, disf, w3e, b3.reshape(1, 40))

# --- scband reference (transcript-rebuilt; emitter-appended) ---
"""Pipeline reference for scband-gcn-23124103922098 (READ-ONLY COPY).

The authoritative reference and input builder live on the scoring server;
editing this copy changes nothing except your own understanding.
"""

import jax, jax.numpy as jnp
import numpy as np

N_NODES = 10000
N_EDGES = 320000
NUM_FEATURES = 128
HIDDEN_DIM = 16
NUM_CLASSES = 40


def gcn_conv(x, edge_index, W, b):
    # PyG GCNConv: add self-loops, symmetric normalization D^-1/2 (A+I) D^-1/2 X W + b
    n = x.shape[0]
    src = edge_index[0]
    dst = edge_index[1]
    loop = jnp.arange(n, dtype=src.dtype)
    src = jnp.concatenate([src, loop])
    dst = jnp.concatenate([dst, loop])
    h = x @ W
    ones = jnp.ones(src.shape[0], dtype=x.dtype)
    deg = jax.ops.segment_sum(ones, dst, num_segments=n)
    deg_inv_sqrt = jnp.where(deg > 0, deg ** -0.5, 0.0)
    norm = deg_inv_sqrt[src] * deg_inv_sqrt[dst]
    msg = h[src] * norm[:, None]
    out = jax.ops.segment_sum(msg, dst, num_segments=n)
    return out + b


def setup_inputs(seed: int = 0) -> dict:
    key = jax.random.key(seed)
    ks = jax.random.split(key, 8)
    x = jax.random.normal(ks[0], (N_NODES, NUM_FEATURES), dtype=jnp.float32)
    edge_index = jax.random.randint(ks[1], (2, N_EDGES), 0, N_NODES, dtype=jnp.int32)
    W1 = jax.random.normal(ks[2], (NUM_FEATURES, HIDDEN_DIM), dtype=jnp.float32) * 0.1
    b1 = jnp.zeros((HIDDEN_DIM,), dtype=jnp.float32)
    W2 = jax.random.normal(ks[3], (HIDDEN_DIM, HIDDEN_DIM), dtype=jnp.float32) * 0.1
    b2 = jnp.zeros((HIDDEN_DIM,), dtype=jnp.float32)
    W3 = jax.random.normal(ks[4], (HIDDEN_DIM, NUM_CLASSES), dtype=jnp.float32) * 0.1
    b3 = jnp.zeros((NUM_CLASSES,), dtype=jnp.float32)
    return {"x": x, "edge_index": edge_index, "W1": W1, "b1": b1, "W2": W2, "b2": b2, "W3": W3, "b3": b3}


def reference(x, edge_index, W1, b1, W2, b2, W3, b3):
    # Dropout is identity in eval mode
    h = jax.nn.relu(gcn_conv(x, edge_index, W1, b1))
    h = jax.nn.relu(gcn_conv(h, edge_index, W2, b2))
    h = gcn_conv(h, edge_index, W3, b3)
    return jax.nn.log_softmax(h, axis=-1)

if __name__ == "__main__":
    import jax
    _d = setup_inputs()
    print(jax.jit(kernel)(*tuple(_d.values())))

</pallas_src>

<mosaic_0001>
#map = affine_map<(d0, d1) -> (0, 0)>
#map1 = affine_map<(d0, d1) -> (0, 0, 0)>
module attributes {stable_mosaic.version = 14 : i64} {
  func.func @agg(%arg0: i32, %arg1: i32, %arg2: memref<10240x16xf32, #tpu.memory_space<hbm>>, %arg3: memref<2x2500x128xi32, #tpu.memory_space<hbm>>, %arg4: memref<2x60x128xi32, #tpu.memory_space<hbm>>, %arg5: memref<10240x16xf32, #tpu.memory_space<hbm>>, %arg6: memref<2x10240x16xf32, #tpu.memory_space<hbm>>, %arg7: memref<80x128xi32, #tpu.memory_space<vmem>>, %arg8: memref<80x128xi32, #tpu.memory_space<vmem>>, %arg9: memref<5x128x16xf32, #tpu.memory_space<vmem>>, %arg10: memref<5x128x16xf32, #tpu.memory_space<vmem>>, %arg11: memref<10240x16xf32, #tpu.memory_space<vmem_shared>>, %arg12: memref<!tpu.dma_semaphore, #tpu.memory_space<semaphore_mem>>, %arg13: memref<!tpu.dma_semaphore, #tpu.memory_space<semaphore_mem>>, %arg14: memref<!tpu.dma_semaphore, #tpu.memory_space<semaphore_mem>>, %arg15: memref<!tpu.dma_semaphore, #tpu.memory_space<semaphore_mem>>) attributes {dimension_semantics = [#tpu.dimension_semantics<core_parallel>, #tpu.dimension_semantics<subcore_parallel>], iteration_bounds = array<i64: 2, 16>, scalar_prefetch = 0 : i64, scratch_operands = 9 : i64, tpu.core_type = #tpu.core_type<sc_vector_subcore>, window_params = [{transform_indices = #map}, {transform_indices = #map1}, {transform_indices = #map1}, {transform_indices = #map}, {transform_indices = #map1}]} {
    %mul3A = arith.constant 16 : i32
    %mul3A_0 = arith.muli %arg0, %mul3A : i32
    %add3A = arith.addi %mul3A_0, %arg1 : i32
    %mul3A_1 = arith.constant 640 : i32
    %mul3A_2 = arith.muli %arg1, %mul3A_1 : i32
    %mul3A_3 = arith.constant 640 : i32
    %mul3A_4 = arith.muli %arg1, %mul3A_3 : i32
    "tpu.region"() ({
      %run_scoped3A = tpu.sem_alloc : memref<!tpu.dma_semaphore, #tpu.memory_space<semaphore_mem>>
      %dma_start3A_139 = arith.constant 0 : i32
      %dma_start3A_140 = tpu.memref_slice %arg11[%mul3A_4, %dma_start3A_139] : memref<10240x16xf32, #tpu.memory_space<vmem_shared>> -> memref<640x16xf32, #tpu.memory_space<vmem_shared>>
      %dma_start3A_141 = arith.constant 0 : i32
      %dma_start3A_142 = tpu.memref_slice %arg5[%mul3A_2, %dma_start3A_141] : memref<10240x16xf32, #tpu.memory_space<hbm>> -> memref<640x16xf32, #tpu.memory_space<hbm>>
      tpu.enqueue_dma source(%dma_start3A_142 : memref<640x16xf32, #tpu.memory_space<hbm>>) target(%dma_start3A_140 : memref<640x16xf32, #tpu.memory_space<vmem_shared>>) target_semaphore(%run_scoped3A : memref<!tpu.dma_semaphore, #tpu.memory_space<semaphore_mem>>)
      %dma_wait3A_143 = arith.constant 0 : i32
      %dma_wait3A_144 = tpu.memref_slice %arg11[%mul3A_4, %dma_wait3A_143] : memref<10240x16xf32, #tpu.memory_space<vmem_shared>> -> memref<640x16xf32, #tpu.memory_space<vmem_shared>>
      %dma_wait3A_145 = arith.constant 0 : i32
      %dma_wait3A_146 = tpu.memref_slice %arg5[%mul3A_2, %dma_wait3A_145] : memref<10240x16xf32, #tpu.memory_space<hbm>> -> memref<640x16xf32, #tpu.memory_space<hbm>>
      tpu.wait_dma2 semaphore(%run_scoped3A : memref<!tpu.dma_semaphore, #tpu.memory_space<semaphore_mem>>) src(%dma_wait3A_146 : memref<640x16xf32, #tpu.memory_space<hbm>>) dst(%dma_wait3A_144 : memref<640x16xf32, #tpu.memory_space<vmem_shared>>)
      tpu.yield
    }) : () -> ()
    %lt3A = arith.constant 31 : i32
    %lt3A_5 = arith.cmpi slt, %add3A, %lt3A : i32
    %convert_element_type3A = arith.extui %lt3A_5 : i1 to i32
    %cond3A = arith.constant 0 : i32
    %cond3A_6 = arith.cmpi ne, %convert_element_type3A, %cond3A : i32
    scf.if %cond3A_6 {
      %mul3A_139 = arith.constant 80 : i32
      %mul3A_140 = arith.muli %add3A, %mul3A_139 : i32
      %run_scoped3A = arith.constant 0 : i32
      "tpu.region"() ({
        %run_scoped3A_144 = tpu.sem_alloc : memref<!tpu.dma_semaphore, #tpu.memory_space<semaphore_mem>>
        %dma_start3A_145 = arith.constant 0 : i32
        %dma_start3A_146 = tpu.memref_slice %arg3[%run_scoped3A, %mul3A_140, %dma_start3A_145] : memref<2x2500x128xi32, #tpu.memory_space<hbm>> -> memref<1x80x128xi32, #tpu.memory_space<hbm>>
        %dma_start3A_147 = tpu.memref_squeeze %dma_start3A_146 : memref<1x80x128xi32, #tpu.memory_space<hbm>> -> memref<80x128xi32, #tpu.memory_space<hbm>>
        %dma_start3A_148 = arith.constant 0 : i32
        %dma_start3A_149 = tpu.memref_slice %arg3[%run_scoped3A, %mul3A_140, %dma_start3A_148] : memref<2x2500x128xi32, #tpu.memory_space<hbm>> -> memref<1x80x128xi32, #tpu.memory_space<hbm>>
        %dma_start3A_150 = tpu.memref_squeeze %dma_start3A_149 : memref<1x80x128xi32, #tpu.memory_space<hbm>> -> memref<80x128xi32, #tpu.memory_space<hbm>>
        tpu.enqueue_dma source(%dma_start3A_150 : memref<80x128xi32, #tpu.memory_space<hbm>>) target(%arg7 : memref<80x128xi32, #tpu.memory_space<vmem>>) target_semaphore(%run_scoped3A_144 : memref<!tpu.dma_semaphore, #tpu.memory_space<semaphore_mem>>)
        %dma_wait3A_151 = arith.constant 0 : i32
        %dma_wait3A_152 = tpu.memref_slice %arg3[%run_scoped3A, %mul3A_140, %dma_wait3A_151] : memref<2x2500x128xi32, #tpu.memory_space<hbm>> -> memref<1x80x128xi32, #tpu.memory_space<hbm>>
        %dma_wait3A_153 = tpu.memref_squeeze %dma_wait3A_152 : memref<1x80x128xi32, #tpu.memory_space<hbm>> -> memref<80x128xi32, #tpu.memory_space<hbm>>
        %dma_wait3A_154 = arith.constant 0 : i32
        %dma_wait3A_155 = tpu.memref_slice %arg3[%run_scoped3A, %mul3A_140, %dma_wait3A_154] : memref<2x2500x128xi32, #tpu.memory_space<hbm>> -> memref<1x80x128xi32, #tpu.memory_space<hbm>>
        %dma_wait3A_156 = tpu.memref_squeeze %dma_wait3A_155 : memref<1x80x128xi32, #tpu.memory_space<hbm>> -> memref<80x128xi32, #tpu.memory_space<hbm>>
        tpu.wait_dma2 semaphore(%run_scoped3A_144 : memref<!tpu.dma_semaphore, #tpu.memory_space<semaphore_mem>>) src(%dma_wait3A_156 : memref<80x128xi32, #tpu.memory_space<hbm>>) dst(%arg7 : memref<80x128xi32, #tpu.memory_space<vmem>>)
        tpu.yield
      }) : () -> ()
      %mul3A_141 = arith.constant 80 : i32
      %mul3A_142 = arith.muli %add3A, %mul3A_141 : i32
      %run_scoped3A_143 = arith.constant 1 : i32
      "tpu.region"() ({
        %run_scoped3A_144 = tpu.sem_alloc : memref<!tpu.dma_semaphore, #tpu.memory_space<semaphore_mem>>
        %dma_start3A_145 = arith.constant 0 : i32
        %dma_start3A_146 = tpu.memref_slice %arg3[%run_scoped3A_143, %mul3A_142, %dma_start3A_145] : memref<2x2500x128xi32, #tpu.memory_space<hbm>> -> memref<1x80x128xi32, #tpu.memory_space<hbm>>
        %dma_start3A_147 = tpu.memref_squeeze %dma_start3A_146 : memref<1x80x128xi32, #tpu.memory_space<hbm>> -> memref<80x128xi32, #tpu.memory_space<hbm>>
        %dma_start3A_148 = arith.constant 0 : i32
        %dma_start3A_149 = tpu.memref_slice %arg3[%run_scoped3A_143, %mul3A_142, %dma_start3A_148] : memref<2x2500x128xi32, #tpu.memory_space<hbm>> -> memref<1x80x128xi32, #tpu.memory_space<hbm>>
        %dma_start3A_150 = tpu.memref_squeeze %dma_start3A_149 : memref<1x80x128xi32, #tpu.memory_space<hbm>> -> memref<80x128xi32, #tpu.memory_space<hbm>>
        tpu.enqueue_dma source(%dma_start3A_150 : memref<80x128xi32, #tpu.memory_space<hbm>>) target(%arg8 : memref<80x128xi32, #tpu.memory_space<vmem>>) target_semaphore(%run_scoped3A_144 : memref<!tpu.dma_semaphore, #tpu.memory_space<semaphore_mem>>)
        %dma_wait3A_151 = arith.constant 0 : i32
        %dma_wait3A_152 = tpu.memref_slice %arg3[%run_scoped3A_143, %mul3A_142, %dma_wait3A_151] : memref<2x2500x128xi32, #tpu.memory_space<hbm>> -> memref<1x80x128xi32, #tpu.memory_space<hbm>>
        %dma_wait3A_153 = tpu.memref_squeeze %dma_wait3A_152 : memref<1x80x128xi32, #tpu.memory_space<hbm>> -> memref<80x128xi32, #tpu.memory_space<hbm>>
        %dma_wait3A_154 = arith.constant 0 : i32
        %dma_wait3A_155 = tpu.memref_slice %arg3[%run_scoped3A_143, %mul3A_142, %dma_wait3A_154] : memref<2x2500x128xi32, #tpu.memory_space<hbm>> -> memref<1x80x128xi32, #tpu.memory_space<hbm>>
        %dma_wait3A_156 = tpu.memref_squeeze %dma_wait3A_155 : memref<1x80x128xi32, #tpu.memory_space<hbm>> -> memref<80x128xi32, #tpu.memory_space<hbm>>
        tpu.wait_dma2 semaphore(%run_scoped3A_144 : memref<!tpu.dma_semaphore, #tpu.memory_space<semaphore_mem>>) src(%dma_wait3A_156 : memref<80x128xi32, #tpu.memory_space<hbm>>) dst(%arg8 : memref<80x128xi32, #tpu.memory_space<vmem>>)
        tpu.yield
      }) : () -> ()
    } else {
    }
    %eq3A = arith.constant 31 : i32
    %eq3A_7 = arith.cmpi eq, %add3A, %eq3A : i32
    %convert_element_type3A_8 = arith.extui %eq3A_7 : i1 to i32
    %cond3A_9 = arith.constant 0 : i32
    %cond3A_10 = arith.cmpi ne, %convert_element_type3A_8, %cond3A_9 : i32
    scf.if %cond3A_10 {
      %mul3A_139 = arith.constant 80 : i32
      %mul3A_140 = arith.muli %add3A, %mul3A_139 : i32
      %run_scoped3A = arith.constant 0 : i32
      "tpu.region"() ({
        %run_scoped3A_146 = tpu.sem_alloc : memref<!tpu.dma_semaphore, #tpu.memory_space<semaphore_mem>>
        %dma_start3A_147 = arith.constant 0 : i32
        %dma_start3A_148 = arith.constant 0 : i32
        %dma_start3A_149 = tpu.memref_slice %arg7[%dma_start3A_147, %dma_start3A_148] : memref<80x128xi32, #tpu.memory_space<vmem>> -> memref<20x128xi32, #tpu.memory_space<vmem>>
        %dma_start3A_150 = arith.constant 0 : i32
        %dma_start3A_151 = tpu.memref_slice %arg3[%run_scoped3A, %mul3A_140, %dma_start3A_150] : memref<2x2500x128xi32, #tpu.memory_space<hbm>> -> memref<1x20x128xi32, #tpu.memory_space<hbm>>
        %dma_start3A_152 = tpu.memref_squeeze %dma_start3A_151 : memref<1x20x128xi32, #tpu.memory_space<hbm>> -> memref<20x128xi32, #tpu.memory_space<hbm>>
        %dma_start3A_153 = arith.constant 0 : i32
        %dma_start3A_154 = arith.constant 0 : i32
        %dma_start3A_155 = tpu.memref_slice %arg7[%dma_start3A_153, %dma_start3A_154] : memref<80x128xi32, #tpu.memory_space<vmem>> -> memref<20x128xi32, #tpu.memory_space<vmem>>
        %dma_start3A_156 = arith.constant 0 : i32
        %dma_start3A_157 = tpu.memref_slice %arg3[%run_scoped3A, %mul3A_140, %dma_start3A_156] : memref<2x2500x128xi32, #tpu.memory_space<hbm>> -> memref<1x20x128xi32, #tpu.memory_space<hbm>>
        %dma_start3A_158 = tpu.memref_squeeze %dma_start3A_157 : memref<1x20x128xi32, #tpu.memory_space<hbm>> -> memref<20x128xi32, #tpu.memory_space<hbm>>
        tpu.enqueue_dma source(%dma_start3A_158 : memref<20x128xi32, #tpu.memory_space<hbm>>) target(%dma_start3A_155 : memref<20x128xi32, #tpu.memory_space<vmem>>) target_semaphore(%run_scoped3A_146 : memref<!tpu.dma_semaphore, #tpu.memory_space<semaphore_mem>>)
        %dma_wait3A_159 = arith.constant 0 : i32
        %dma_wait3A_160 = arith.constant 0 : i32
        %dma_wait3A_161 = tpu.memref_slice %arg7[%dma_wait3A_159, %dma_wait3A_160] : memref<80x128xi32, #tpu.memory_space<vmem>> -> memref<20x128xi32, #tpu.memory_space<vmem>>
        %dma_wait3A_162 = arith.constant 0 : i32
        %dma_wait3A_163 = tpu.memref_slice %arg3[%run_scoped3A, %mul3A_140, %dma_wait3A_162] : memref<2x2500x128xi32, #tpu.memory_space<hbm>> -> memref<1x20x128xi32, #tpu.memory_space<hbm>>
        %dma_wait3A_164 = tpu.memref_squeeze %dma_wait3A_163 : memref<1x20x128xi32, #tpu.memory_space<hbm>> -> memref<20x128xi32, #tpu.memory_space<hbm>>
        %dma_wait3A_165 = arith.constant 0 : i32
        %dma_wait3A_166 = arith.constant 0 : i32
        %dma_wait3A_167 = tpu.memref_slice %arg7[%dma_wait3A_165, %dma_wait3A_166] : memref<80x128xi32, #tpu.memory_space<vmem>> -> memref<20x128xi32, #tpu.memory_space<vmem>>
        %dma_wait3A_168 = arith.constant 0 : i32
        %dma_wait3A_169 = tpu.memref_slice %arg3[%run_scoped3A, %mul3A_140, %dma_wait3A_168] : memref<2x2500x128xi32, #tpu.memory_space<hbm>> -> memref<1x20x128xi32, #tpu.memory_space<hbm>>
        %dma_wait3A_170 = tpu.memref_squeeze %dma_wait3A_169 : memref<1x20x128xi32, #tpu.memory_space<hbm>> -> memref<20x128xi32, #tpu.memory_space<hbm>>
        tpu.wait_dma2 semaphore(%run_scoped3A_146 : memref<!tpu.dma_semaphore, #tpu.memory_space<semaphore_mem>>) src(%dma_wait3A_170 : memref<20x128xi32, #tpu.memory_space<hbm>>) dst(%dma_wait3A_167 : memref<20x128xi32, #tpu.memory_space<vmem>>)
        tpu.yield
      }) : () -> ()
      %mul3A_141 = arith.constant 80 : i32
      %mul3A_142 = arith.muli %add3A, %mul3A_141 : i32
      %run_scoped3A_143 = arith.constant 1 : i32
      "tpu.region"() ({
        %run_scoped3A_146 = tpu.sem_alloc : memref<!tpu.dma_semaphore, #tpu.memory_space<semaphore_mem>>
        %dma_start3A_147 = arith.constant 0 : i32
        %dma_start3A_148 = arith.constant 0 : i32
        %dma_start3A_149 = tpu.memref_slice %arg8[%dma_start3A_147, %dma_start3A_148] : memref<80x128xi32, #tpu.memory_space<vmem>> -> memref<20x128xi32, #tpu.memory_space<vmem>>
        %dma_start3A_150 = arith.constant 0 : i32
        %dma_start3A_151 = tpu.memref_slice %arg3[%run_scoped3A_143, %mul3A_142, %dma_start3A_150] : memref<2x2500x128xi32, #tpu.memory_space<hbm>> -> memref<1x20x128xi32, #tpu.memory_space<hbm>>
        %dma_start3A_152 = tpu.memref_squeeze %dma_start3A_151 : memref<1x20x128xi32, #tpu.memory_space<hbm>> -> memref<20x128xi32, #tpu.memory_space<hbm>>
        %dma_start3A_153 = arith.constant 0 : i32
        %dma_start3A_154 = arith.constant 0 : i32
        %dma_start3A_155 = tpu.memref_slice %arg8[%dma_start3A_153, %dma_start3A_154] : memref<80x128xi32, #tpu.memory_space<vmem>> -> memref<20x128xi32, #tpu.memory_space<vmem>>
        %dma_start3A_156 = arith.constant 0 : i32
        %dma_start3A_157 = tpu.memref_slice %arg3[%run_scoped3A_143, %mul3A_142, %dma_start3A_156] : memref<2x2500x128xi32, #tpu.memory_space<hbm>> -> memref<1x20x128xi32, #tpu.memory_space<hbm>>
        %dma_start3A_158 = tpu.memref_squeeze %dma_start3A_157 : memref<1x20x128xi32, #tpu.memory_space<hbm>> -> memref<20x128xi32, #tpu.memory_space<hbm>>
        tpu.enqueue_dma source(%dma_start3A_158 : memref<20x128xi32, #tpu.memory_space<hbm>>) target(%dma_start3A_155 : memref<20x128xi32, #tpu.memory_space<vmem>>) target_semaphore(%run_scoped3A_146 : memref<!tpu.dma_semaphore, #tpu.memory_space<semaphore_mem>>)
        %dma_wait3A_159 = arith.constant 0 : i32
        %dma_wait3A_160 = arith.constant 0 : i32
        %dma_wait3A_161 = tpu.memref_slice %arg8[%dma_wait3A_159, %dma_wait3A_160] : memref<80x128xi32, #tpu.memory_space<vmem>> -> memref<20x128xi32, #tpu.memory_space<vmem>>
        %dma_wait3A_162 = arith.constant 0 : i32
        %dma_wait3A_163 = tpu.memref_slice %arg3[%run_scoped3A_143, %mul3A_142, %dma_wait3A_162] : memref<2x2500x128xi32, #tpu.memory_space<hbm>> -> memref<1x20x128xi32, #tpu.memory_space<hbm>>
        %dma_wait3A_164 = tpu.memref_squeeze %dma_wait3A_163 : memref<1x20x128xi32, #tpu.memory_space<hbm>> -> memref<20x128xi32, #tpu.memory_space<hbm>>
        %dma_wait3A_165 = arith.constant 0 : i32
        %dma_wait3A_166 = arith.constant 0 : i32
        %dma_wait3A_167 = tpu.memref_slice %arg8[%dma_wait3A_165, %dma_wait3A_166] : memref<80x128xi32, #tpu.memory_space<vmem>> -> memref<20x128xi32, #tpu.memory_space<vmem>>
        %dma_wait3A_168 = arith.constant 0 : i32
        %dma_wait3A_169 = tpu.memref_slice %arg3[%run_scoped3A_143, %mul3A_142, %dma_wait3A_168] : memref<2x2500x128xi32, #tpu.memory_space<hbm>> -> memref<1x20x128xi32, #tpu.memory_space<hbm>>
        %dma_wait3A_170 = tpu.memref_squeeze %dma_wait3A_169 : memref<1x20x128xi32, #tpu.memory_space<hbm>> -> memref<20x128xi32, #tpu.memory_space<hbm>>
        tpu.wait_dma2 semaphore(%run_scoped3A_146 : memref<!tpu.dma_semaphore, #tpu.memory_space<semaphore_mem>>) src(%dma_wait3A_170 : memref<20x128xi32, #tpu.memory_space<hbm>>) dst(%dma_wait3A_167 : memref<20x128xi32, #tpu.memory_space<vmem>>)
        tpu.yield
      }) : () -> ()
      %run_scoped3A_144 = arith.constant 0 : i32
      "tpu.region"() ({
        %run_scoped3A_146 = tpu.sem_alloc : memref<!tpu.dma_semaphore, #tpu.memory_space<semaphore_mem>>
        %dma_start3A_147 = arith.constant 20 : i32
        %dma_start3A_148 = arith.constant 0 : i32
        %dma_start3A_149 = tpu.memref_slice %arg7[%dma_start3A_147, %dma_start3A_148] : memref<80x128xi32, #tpu.memory_space<vmem>> -> memref<60x128xi32, #tpu.memory_space<vmem>>
        %dma_start3A_150 = arith.constant 0 : i32
        %dma_start3A_151 = arith.constant 0 : i32
        %dma_start3A_152 = tpu.memref_slice %arg4[%run_scoped3A_144, %dma_start3A_150, %dma_start3A_151] : memref<2x60x128xi32, #tpu.memory_space<hbm>> -> memref<1x60x128xi32, #tpu.memory_space<hbm>>
        %dma_start3A_153 = tpu.memref_squeeze %dma_start3A_152 : memref<1x60x128xi32, #tpu.memory_space<hbm>> -> memref<60x128xi32, #tpu.memory_space<hbm>>
        %dma_start3A_154 = arith.constant 20 : i32
        %dma_start3A_155 = arith.constant 0 : i32
        %dma_start3A_156 = tpu.memref_slice %arg7[%dma_start3A_154, %dma_start3A_155] : memref<80x128xi32, #tpu.memory_space<vmem>> -> memref<60x128xi32, #tpu.memory_space<vmem>>
        %dma_start3A_157 = arith.constant 0 : i32
        %dma_start3A_158 = arith.constant 0 : i32
        %dma_start3A_159 = tpu.memref_slice %arg4[%run_scoped3A_144, %dma_start3A_157, %dma_start3A_158] : memref<2x60x128xi32, #tpu.memory_space<hbm>> -> memref<1x60x128xi32, #tpu.memory_space<hbm>>
        %dma_start3A_160 = tpu.memref_squeeze %dma_start3A_159 : memref<1x60x128xi32, #tpu.memory_space<hbm>> -> memref<60x128xi32, #tpu.memory_space<hbm>>
        tpu.enqueue_dma source(%dma_start3A_160 : memref<60x128xi32, #tpu.memory_space<hbm>>) target(%dma_start3A_156 : memref<60x128xi32, #tpu.memory_space<vmem>>) target_semaphore(%run_scoped3A_146 : memref<!tpu.dma_semaphore, #tpu.memory_space<semaphore_mem>>)
        %dma_wait3A_161 = arith.constant 20 : i32
        %dma_wait3A_162 = arith.constant 0 : i32
        %dma_wait3A_163 = tpu.memref_slice %arg7[%dma_wait3A_161, %dma_wait3A_162] : memref<80x128xi32, #tpu.memory_space<vmem>> -> memref<60x128xi32, #tpu.memory_space<vmem>>
        %dma_wait3A_164 = arith.constant 0 : i32
        %dma_wait3A_165 = arith.constant 0 : i32
        %dma_wait3A_166 = tpu.memref_slice %arg4[%run_scoped3A_144, %dma_wait3A_164, %dma_wait3A_165] : memref<2x60x128xi32, #tpu.memory_space<hbm>> -> memref<1x60x128xi32, #tpu.memory_space<hbm>>
        %dma_wait3A_167 = tpu.memref_squeeze %dma_wait3A_166 : memref<1x60x128xi32, #tpu.memory_space<hbm>> -> memref<60x128xi32, #tpu.memory_space<hbm>>
        %dma_wait3A_168 = arith.constant 20 : i32
        %dma_wait3A_169 = arith.constant 0 : i32
        %dma_wait3A_170 = tpu.memref_slice %arg7[%dma_wait3A_168, %dma_wait3A_169] : memref<80x128xi32, #tpu.memory_space<vmem>> -> memref<60x128xi32, #tpu.memory_space<vmem>>
        %dma_wait3A_171 = arith.constant 0 : i32
        %dma_wait3A_172 = arith.constant 0 : i32
        %dma_wait3A_173 = tpu.memref_slice %arg4[%run_scoped3A_144, %dma_wait3A_171, %dma_wait3A_172] : memref<2x60x128xi32, #tpu.memory_space<hbm>> -> memref<1x60x128xi32, #tpu.memory_space<hbm>>
        %dma_wait3A_174 = tpu.memref_squeeze %dma_wait3A_173 : memref<1x60x128xi32, #tpu.memory_space<hbm>> -> memref<60x128xi32, #tpu.memory_space<hbm>>
        tpu.wait_dma2 semaphore(%run_scoped3A_146 : memref<!tpu.dma_semaphore, #tpu.memory_space<semaphore_mem>>) src(%dma_wait3A_174 : memref<60x128xi32, #tpu.memory_space<hbm>>) dst(%dma_wait3A_170 : memref<60x128xi32, #tpu.memory_space<vmem>>)
        tpu.yield
      }) : () -> ()
      %run_scoped3A_145 = arith.constant 1 : i32
      "tpu.region"() ({
        %run_scoped3A_146 = tpu.sem_alloc : memref<!tpu.dma_semaphore, #tpu.memory_space<semaphore_mem>>
        %dma_start3A_147 = arith.constant 20 : i32
        %dma_start3A_148 = arith.constant 0 : i32
        %dma_start3A_149 = tpu.memref_slice %arg8[%dma_start3A_147, %dma_start3A_148] : memref<80x128xi32, #tpu.memory_space<vmem>> -> memref<60x128xi32, #tpu.memory_space<vmem>>
        %dma_start3A_150 = arith.constant 0 : i32
        %dma_start3A_151 = arith.constant 0 : i32
        %dma_start3A_152 = tpu.memref_slice %arg4[%run_scoped3A_145, %dma_start3A_150, %dma_start3A_151] : memref<2x60x128xi32, #tpu.memory_space<hbm>> -> memref<1x60x128xi32, #tpu.memory_space<hbm>>
        %dma_start3A_153 = tpu.memref_squeeze %dma_start3A_152 : memref<1x60x128xi32, #tpu.memory_space<hbm>> -> memref<60x128xi32, #tpu.memory_space<hbm>>
        %dma_start3A_154 = arith.constant 20 : i32
        %dma_start3A_155 = arith.constant 0 : i32
        %dma_start3A_156 = tpu.memref_slice %arg8[%dma_start3A_154, %dma_start3A_155] : memref<80x128xi32, #tpu.memory_space<vmem>> -> memref<60x128xi32, #tpu.memory_space<vmem>>
        %dma_start3A_157 = arith.constant 0 : i32
        %dma_start3A_158 = arith.constant 0 : i32
        %dma_start3A_159 = tpu.memref_slice %arg4[%run_scoped3A_145, %dma_start3A_157, %dma_start3A_158] : memref<2x60x128xi32, #tpu.memory_space<hbm>> -> memref<1x60x128xi32, #tpu.memory_space<hbm>>
        %dma_start3A_160 = tpu.memref_squeeze %dma_start3A_159 : memref<1x60x128xi32, #tpu.memory_space<hbm>> -> memref<60x128xi32, #tpu.memory_space<hbm>>
        tpu.enqueue_dma source(%dma_start3A_160 : memref<60x128xi32, #tpu.memory_space<hbm>>) target(%dma_start3A_156 : memref<60x128xi32, #tpu.memory_space<vmem>>) target_semaphore(%run_scoped3A_146 : memref<!tpu.dma_semaphore, #tpu.memory_space<semaphore_mem>>)
        %dma_wait3A_161 = arith.constant 20 : i32
        %dma_wait3A_162 = arith.constant 0 : i32
        %dma_wait3A_163 = tpu.memref_slice %arg8[%dma_wait3A_161, %dma_wait3A_162] : memref<80x128xi32, #tpu.memory_space<vmem>> -> memref<60x128xi32, #tpu.memory_space<vmem>>
        %dma_wait3A_164 = arith.constant 0 : i32
        %dma_wait3A_165 = arith.constant 0 : i32
        %dma_wait3A_166 = tpu.memref_slice %arg4[%run_scoped3A_145, %dma_wait3A_164, %dma_wait3A_165] : memref<2x60x128xi32, #tpu.memory_space<hbm>> -> memref<1x60x128xi32, #tpu.memory_space<hbm>>
        %dma_wait3A_167 = tpu.memref_squeeze %dma_wait3A_166 : memref<1x60x128xi32, #tpu.memory_space<hbm>> -> memref<60x128xi32, #tpu.memory_space<hbm>>
        %dma_wait3A_168 = arith.constant 20 : i32
        %dma_wait3A_169 = arith.constant 0 : i32
        %dma_wait3A_170 = tpu.memref_slice %arg8[%dma_wait3A_168, %dma_wait3A_169] : memref<80x128xi32, #tpu.memory_space<vmem>> -> memref<60x128xi32, #tpu.memory_space<vmem>>
        %dma_wait3A_171 = arith.constant 0 : i32
        %dma_wait3A_172 = arith.constant 0 : i32
        %dma_wait3A_173 = tpu.memref_slice %arg4[%run_scoped3A_145, %dma_wait3A_171, %dma_wait3A_172] : memref<2x60x128xi32, #tpu.memory_space<hbm>> -> memref<1x60x128xi32, #tpu.memory_space<hbm>>
        %dma_wait3A_174 = tpu.memref_squeeze %dma_wait3A_173 : memref<1x60x128xi32, #tpu.memory_space<hbm>> -> memref<60x128xi32, #tpu.memory_space<hbm>>
        tpu.wait_dma2 semaphore(%run_scoped3A_146 : memref<!tpu.dma_semaphore, #tpu.memory_space<semaphore_mem>>) src(%dma_wait3A_174 : memref<60x128xi32, #tpu.memory_space<hbm>>) dst(%dma_wait3A_170 : memref<60x128xi32, #tpu.memory_space<vmem>>)
        tpu.yield
      }) : () -> ()
    } else {
    }
    %barrier3A = arith.constant 0 : index
    tpu.barrier barrier_id(%barrier3A)
    %dma_start3A = arith.constant 0 : i32
    %dma_start3A_11 = arith.constant 0 : i32
    %dma_start3A_12 = arith.constant 0 : i32
    %dma_start3A_13 = arith.constant 0 : i32
    %dma_start3A_14 = tpu.memref_slice %arg9[%dma_start3A_11, %dma_start3A_12, %dma_start3A_13] : memref<5x128x16xf32, #tpu.memory_space<vmem>> -> memref<1x128x16xf32, #tpu.memory_space<vmem>>
    %dma_start3A_15 = tpu.memref_squeeze %dma_start3A_14 : memref<1x128x16xf32, #tpu.memory_space<vmem>> -> memref<128x16xf32, #tpu.memory_space<vmem>>
    %dma_start3A_16 = arith.constant 0 : i32
    %dma_start3A_17 = tpu.memref_slice %arg7[%dma_start3A, %dma_start3A_16] : memref<80x128xi32, #tpu.memory_space<vmem>> -> memref<1x128xi32, #tpu.memory_space<vmem>>
    %dma_start3A_18 = tpu.memref_squeeze %dma_start3A_17 : memref<1x128xi32, #tpu.memory_space<vmem>> -> memref<128xi32, #tpu.memory_space<vmem>>
    %dma_start3A_19 = arith.constant 0 : i32
    %dma_start3A_20 = arith.constant 0 : i32
    %dma_start3A_21 = tpu.memref_slice %arg2[%dma_start3A_19, %dma_start3A_20] : memref<10240x16xf32, #tpu.memory_space<hbm>> -> memref<10240x16xf32, #tpu.memory_space<hbm>>
    tpu.enqueue_indirect_dma source(%dma_start3A_21 : memref<10240x16xf32, #tpu.memory_space<hbm>>) target(%dma_start3A_15 : memref<128x16xf32, #tpu.memory_space<vmem>>) offsets(%dma_start3A_18 : memref<128xi32, #tpu.memory_space<vmem>>) semaphore(%arg12 : memref<!tpu.dma_semaphore, #tpu.memory_space<semaphore_mem>>)
    %dma_start3A_22 = arith.constant 1 : i32
    %dma_start3A_23 = arith.constant 1 : i32
    %dma_start3A_24 = arith.constant 0 : i32
    %dma_start3A_25 = arith.constant 0 : i32
    %dma_start3A_26 = tpu.memref_slice %arg9[%dma_start3A_23, %dma_start3A_24, %dma_start3A_25] : memref<5x128x16xf32, #tpu.memory_space<vmem>> -> memref<1x128x16xf32, #tpu.memory_space<vmem>>
    %dma_start3A_27 = tpu.memref_squeeze %dma_start3A_26 : memref<1x128x16xf32, #tpu.memory_space<vmem>> -> memref<128x16xf32, #tpu.memory_space<vmem>>
    %dma_start3A_28 = arith.constant 0 : i32
    %dma_start3A_29 = tpu.memref_slice %arg7[%dma_start3A_22, %dma_start3A_28] : memref<80x128xi32, #tpu.memory_space<vmem>> -> memref<1x128xi32, #tpu.memory_space<vmem>>
    %dma_start3A_30 = tpu.memref_squeeze %dma_start3A_29 : memref<1x128xi32, #tpu.memory_space<vmem>> -> memref<128xi32, #tpu.memory_space<vmem>>
    %dma_start3A_31 = arith.constant 0 : i32
    %dma_start3A_32 = arith.constant 0 : i32
    %dma_start3A_33 = tpu.memref_slice %arg2[%dma_start3A_31, %dma_start3A_32] : memref<10240x16xf32, #tpu.memory_space<hbm>> -> memref<10240x16xf32, #tpu.memory_space<hbm>>
    tpu.enqueue_indirect_dma source(%dma_start3A_33 : memref<10240x16xf32, #tpu.memory_space<hbm>>) target(%dma_start3A_27 : memref<128x16xf32, #tpu.memory_space<vmem>>) offsets(%dma_start3A_30 : memref<128xi32, #tpu.memory_space<vmem>>) semaphore(%arg12 : memref<!tpu.dma_semaphore, #tpu.memory_space<semaphore_mem>>)
    %dma_start3A_34 = arith.constant 2 : i32
    %dma_start3A_35 = arith.constant 2 : i32
    %dma_start3A_36 = arith.constant 0 : i32
    %dma_start3A_37 = arith.constant 0 : i32
    %dma_start3A_38 = tpu.memref_slice %arg9[%dma_start3A_35, %dma_start3A_36, %dma_start3A_37] : memref<5x128x16xf32, #tpu.memory_space<vmem>> -> memref<1x128x16xf32, #tpu.memory_space<vmem>>
    %dma_start3A_39 = tpu.memref_squeeze %dma_start3A_38 : memref<1x128x16xf32, #tpu.memory_space<vmem>> -> memref<128x16xf32, #tpu.memory_space<vmem>>
    %dma_start3A_40 = arith.constant 0 : i32
    %dma_start3A_41 = tpu.memref_slice %arg7[%dma_start3A_34, %dma_start3A_40] : memref<80x128xi32, #tpu.memory_space<vmem>> -> memref<1x128xi32, #tpu.memory_space<vmem>>
    %dma_start3A_42 = tpu.memref_squeeze %dma_start3A_41 : memref<1x128xi32, #tpu.memory_space<vmem>> -> memref<128xi32, #tpu.memory_space<vmem>>
    %dma_start3A_43 = arith.constant 0 : i32
    %dma_start3A_44 = arith.constant 0 : i32
    %dma_start3A_45 = tpu.memref_slice %arg2[%dma_start3A_43, %dma_start3A_44] : memref<10240x16xf32, #tpu.memory_space<hbm>> -> memref<10240x16xf32, #tpu.memory_space<hbm>>
    tpu.enqueue_indirect_dma source(%dma_start3A_45 : memref<10240x16xf32, #tpu.memory_space<hbm>>) target(%dma_start3A_39 : memref<128x16xf32, #tpu.memory_space<vmem>>) offsets(%dma_start3A_42 : memref<128xi32, #tpu.memory_space<vmem>>) semaphore(%arg12 : memref<!tpu.dma_semaphore, #tpu.memory_space<semaphore_mem>>)
    %dma_start3A_46 = arith.constant 3 : i32
    %dma_start3A_47 = arith.constant 3 : i32
    %dma_start3A_48 = arith.constant 0 : i32
    %dma_start3A_49 = arith.constant 0 : i32
    %dma_start3A_50 = tpu.memref_slice %arg9[%dma_start3A_47, %dma_start3A_48, %dma_start3A_49] : memref<5x128x16xf32, #tpu.memory_space<vmem>> -> memref<1x128x16xf32, #tpu.memory_space<vmem>>
    %dma_start3A_51 = tpu.memref_squeeze %dma_start3A_50 : memref<1x128x16xf32, #tpu.memory_space<vmem>> -> memref<128x16xf32, #tpu.memory_space<vmem>>
    %dma_start3A_52 = arith.constant 0 : i32
    %dma_start3A_53 = tpu.memref_slice %arg7[%dma_start3A_46, %dma_start3A_52] : memref<80x128xi32, #tpu.memory_space<vmem>> -> memref<1x128xi32, #tpu.memory_space<vmem>>
    %dma_start3A_54 = tpu.memref_squeeze %dma_start3A_53 : memref<1x128xi32, #tpu.memory_space<vmem>> -> memref<128xi32, #tpu.memory_space<vmem>>
    %dma_start3A_55 = arith.constant 0 : i32
    %dma_start3A_56 = arith.constant 0 : i32
    %dma_start3A_57 = tpu.memref_slice %arg2[%dma_start3A_55, %dma_start3A_56] : memref<10240x16xf32, #tpu.memory_space<hbm>> -> memref<10240x16xf32, #tpu.memory_space<hbm>>
    tpu.enqueue_indirect_dma source(%dma_start3A_57 : memref<10240x16xf32, #tpu.memory_space<hbm>>) target(%dma_start3A_51 : memref<128x16xf32, #tpu.memory_space<vmem>>) offsets(%dma_start3A_54 : memref<128xi32, #tpu.memory_space<vmem>>) semaphore(%arg12 : memref<!tpu.dma_semaphore, #tpu.memory_space<semaphore_mem>>)
    %dma_start3A_58 = arith.constant 4 : i32
    %dma_start3A_59 = arith.constant 4 : i32
    %dma_start3A_60 = arith.constant 0 : i32
    %dma_start3A_61 = arith.constant 0 : i32
    %dma_start3A_62 = tpu.memref_slice %arg9[%dma_start3A_59, %dma_start3A_60, %dma_start3A_61] : memref<5x128x16xf32, #tpu.memory_space<vmem>> -> memref<1x128x16xf32, #tpu.memory_space<vmem>>
    %dma_start3A_63 = tpu.memref_squeeze %dma_start3A_62 : memref<1x128x16xf32, #tpu.memory_space<vmem>> -> memref<128x16xf32, #tpu.memory_space<vmem>>
    %dma_start3A_64 = arith.constant 0 : i32
    %dma_start3A_65 = tpu.memref_slice %arg7[%dma_start3A_58, %dma_start3A_64] : memref<80x128xi32, #tpu.memory_space<vmem>> -> memref<1x128xi32, #tpu.memory_space<vmem>>
    %dma_start3A_66 = tpu.memref_squeeze %dma_start3A_65 : memref<1x128xi32, #tpu.memory_space<vmem>> -> memref<128xi32, #tpu.memory_space<vmem>>
    %dma_start3A_67 = arith.constant 0 : i32
    %dma_start3A_68 = arith.constant 0 : i32
    %dma_start3A_69 = tpu.memref_slice %arg2[%dma_start3A_67, %dma_start3A_68] : memref<10240x16xf32, #tpu.memory_space<hbm>> -> memref<10240x16xf32, #tpu.memory_space<hbm>>
    tpu.enqueue_indirect_dma source(%dma_start3A_69 : memref<10240x16xf32, #tpu.memory_space<hbm>>) target(%dma_start3A_63 : memref<128x16xf32, #tpu.memory_space<vmem>>) offsets(%dma_start3A_66 : memref<128xi32, #tpu.memory_space<vmem>>) semaphore(%arg12 : memref<!tpu.dma_semaphore, #tpu.memory_space<semaphore_mem>>)
    %scan3A = arith.constant 0 : i32
    %scan3A_70 = arith.constant 0 : i32
    %scan3A_71 = arith.constant 16 : i32
    %scan3A_72 = arith.addi %scan3A_70, %scan3A_71 : i32
    %scan3A_73 = arith.constant 1 : i32
    scf.for %scan3A_139 = %scan3A_70 to %scan3A_72 step %scan3A_73  : i32 {
      %jit3A = arith.constant 2 : i32
      %eq3A_140 = arith.constant 0 : i32
      %eq3A_141 = arith.cmpi eq, %jit3A, %eq3A_140 : i32
      %jit3A_142 = arith.constant 1 : i32
      %select_n3A = arith.select %eq3A_141, %jit3A_142, %jit3A : i32
      %rem3A = arith.remsi %scan3A_139, %select_n3A : i32
      %ne3A = arith.constant 0 : i32
      %ne3A_143 = arith.cmpi ne, %rem3A, %ne3A : i32
      %lt3A_144 = arith.constant 0 : i32
      %lt3A_145 = arith.cmpi slt, %rem3A, %lt3A_144 : i32
      %lt3A_146 = arith.constant 0 : i32
      %lt3A_147 = arith.cmpi slt, %select_n3A, %lt3A_146 : i32
      %ne3A_148 = arith.xori %lt3A_145, %lt3A_147 : i1
      %and3A = arith.andi %ne3A_148, %ne3A_143 : i1
      %add3A_149 = arith.addi %rem3A, %select_n3A : i32
      %select_n3A_150 = arith.select %and3A, %add3A_149, %rem3A : i32
      %eq3A_151 = arith.constant 0 : i32
      %eq3A_152 = arith.cmpi eq, %select_n3A_150, %eq3A_151 : i32
      %convert_element_type3A_153 = arith.extui %eq3A_152 : i1 to i32
      %cond3A_154 = arith.constant 0 : i32
      %cond3A_155 = arith.cmpi ne, %convert_element_type3A_153, %cond3A_154 : i32
      scf.if %cond3A_155 {
        %eq3A_177 = arith.constant 0 : i32
        %eq3A_178 = arith.cmpi eq, %scan3A_139, %eq3A_177 : i32
        %ge3A = arith.constant 15 : i32
        %ge3A_179 = arith.cmpi sge, %scan3A_139, %ge3A : i32
        %dma_wait3A_180 = arith.constant 0 : i32
        %dma_wait3A_181 = arith.constant 0 : i32
        %dma_wait3A_182 = arith.constant 0 : i32
        %dma_wait3A_183 = arith.constant 0 : i32
        %dma_wait3A_184 = tpu.memref_slice %arg9[%dma_wait3A_181, %dma_wait3A_182, %dma_wait3A_183] : memref<5x128x16xf32, #tpu.memory_space<vmem>> -> memref<1x128x16xf32, #tpu.memory_space<vmem>>
        %dma_wait3A_185 = tpu.memref_squeeze %dma_wait3A_184 : memref<1x128x16xf32, #tpu.memory_space<vmem>> -> memref<128x16xf32, #tpu.memory_space<vmem>>
        %dma_wait3A_186 = arith.constant 0 : i32
        %dma_wait3A_187 = tpu.memref_slice %arg7[%dma_wait3A_180, %dma_wait3A_186] : memref<80x128xi32, #tpu.memory_space<vmem>> -> memref<1x128xi32, #tpu.memory_space<vmem>>
        %dma_wait3A_188 = tpu.memref_squeeze %dma_wait3A_187 : memref<1x128xi32, #tpu.memory_space<vmem>> -> memref<128xi32, #tpu.memory_space<vmem>>
        %dma_wait3A_189 = arith.constant 0 : i32
        %dma_wait3A_190 = arith.constant 0 : i32
        %dma_wait3A_191 = tpu.memref_slice %arg2[%dma_wait3A_189, %dma_wait3A_190] : memref<10240x16xf32, #tpu.memory_space<hbm>> -> memref<10240x16xf32, #tpu.memory_space<hbm>>
        tpu.wait_indirect_dma semaphore(%arg12 : memref<!tpu.dma_semaphore, #tpu.memory_space<semaphore_mem>>) src(%dma_wait3A_191 : memref<10240x16xf32, #tpu.memory_space<hbm>>) dst(%dma_wait3A_185 : memref<128x16xf32, #tpu.memory_space<vmem>>)
        %dma_wait3A_192 = arith.constant 0 : i32
        %dma_wait3A_193 = arith.constant 1 : i32
        %dma_wait3A_194 = arith.constant 0 : i32
        %dma_wait3A_195 = arith.constant 0 : i32
        %dma_wait3A_196 = tpu.memref_slice %arg9[%dma_wait3A_193, %dma_wait3A_194, %dma_wait3A_195] : memref<5x128x16xf32, #tpu.memory_space<vmem>> -> memref<1x128x16xf32, #tpu.memory_space<vmem>>
        %dma_wait3A_197 = tpu.memref_squeeze %dma_wait3A_196 : memref<1x128x16xf32, #tpu.memory_space<vmem>> -> memref<128x16xf32, #tpu.memory_space<vmem>>
        %dma_wait3A_198 = arith.constant 0 : i32
        %dma_wait3A_199 = tpu.memref_slice %arg7[%dma_wait3A_192, %dma_wait3A_198] : memref<80x128xi32, #tpu.memory_space<vmem>> -> memref<1x128xi32, #tpu.memory_space<vmem>>
        %dma_wait3A_200 = tpu.memref_squeeze %dma_wait3A_199 : memref<1x128xi32, #tpu.memory_space<vmem>> -> memref<128xi32, #tpu.memory_space<vmem>>
        %dma_wait3A_201 = arith.constant 0 : i32
        %dma_wait3A_202 = arith.constant 0 : i32
        %dma_wait3A_203 = tpu.memref_slice %arg2[%dma_wait3A_201, %dma_wait3A_202] : memref<10240x16xf32, #tpu.memory_space<hbm>> -> memref<10240x16xf32, #tpu.memory_space<hbm>>
        tpu.wait_indirect_dma semaphore(%arg12 : memref<!tpu.dma_semaphore, #tpu.memory_space<semaphore_mem>>) src(%dma_wait3A_203 : memref<10240x16xf32, #tpu.memory_space<hbm>>) dst(%dma_wait3A_197 : memref<128x16xf32, #tpu.memory_space<vmem>>)
        %dma_wait3A_204 = arith.constant 0 : i32
        %dma_wait3A_205 = arith.constant 2 : i32
        %dma_wait3A_206 = arith.constant 0 : i32
        %dma_wait3A_207 = arith.constant 0 : i32
        %dma_wait3A_208 = tpu.memref_slice %arg9[%dma_wait3A_205, %dma_wait3A_206, %dma_wait3A_207] : memref<5x128x16xf32, #tpu.memory_space<vmem>> -> memref<1x128x16xf32, #tpu.memory_space<vmem>>
        %dma_wait3A_209 = tpu.memref_squeeze %dma_wait3A_208 : memref<1x128x16xf32, #tpu.memory_space<vmem>> -> memref<128x16xf32, #tpu.memory_space<vmem>>
        %dma_wait3A_210 = arith.constant 0 : i32
        %dma_wait3A_211 = tpu.memref_slice %arg7[%dma_wait3A_204, %dma_wait3A_210] : memref<80x128xi32, #tpu.memory_space<vmem>> -> memref<1x128xi32, #tpu.memory_space<vmem>>
        %dma_wait3A_212 = tpu.memref_squeeze %dma_wait3A_211 : memref<1x128xi32, #tpu.memory_space<vmem>> -> memref<128xi32, #tpu.memory_space<vmem>>
        %dma_wait3A_213 = arith.constant 0 : i32
        %dma_wait3A_214 = arith.constant 0 : i32
        %dma_wait3A_215 = tpu.memref_slice %arg2[%dma_wait3A_213, %dma_wait3A_214] : memref<10240x16xf32, #tpu.memory_space<hbm>> -> memref<10240x16xf32, #tpu.memory_space<hbm>>
        tpu.wait_indirect_dma semaphore(%arg12 : memref<!tpu.dma_semaphore, #tpu.memory_space<semaphore_mem>>) src(%dma_wait3A_215 : memref<10240x16xf32, #tpu.memory_space<hbm>>) dst(%dma_wait3A_209 : memref<128x16xf32, #tpu.memory_space<vmem>>)
        %dma_wait3A_216 = arith.constant 0 : i32
        %dma_wait3A_217 = arith.constant 3 : i32
        %dma_wait3A_218 = arith.constant 0 : i32
        %dma_wait3A_219 = arith.constant 0 : i32
        %dma_wait3A_220 = tpu.memref_slice %arg9[%dma_wait3A_217, %dma_wait3A_218, %dma_wait3A_219] : memref<5x128x16xf32, #tpu.memory_space<vmem>> -> memref<1x128x16xf32, #tpu.memory_space<vmem>>
        %dma_wait3A_221 = tpu.memref_squeeze %dma_wait3A_220 : memref<1x128x16xf32, #tpu.memory_space<vmem>> -> memref<128x16xf32, #tpu.memory_space<vmem>>
        %dma_wait3A_222 = arith.constant 0 : i32
        %dma_wait3A_223 = tpu.memref_slice %arg7[%dma_wait3A_216, %dma_wait3A_222] : memref<80x128xi32, #tpu.memory_space<vmem>> -> memref<1x128xi32, #tpu.memory_space<vmem>>
        %dma_wait3A_224 = tpu.memref_squeeze %dma_wait3A_223 : memref<1x128xi32, #tpu.memory_space<vmem>> -> memref<128xi32, #tpu.memory_space<vmem>>
        %dma_wait3A_225 = arith.constant 0 : i32
        %dma_wait3A_226 = arith.constant 0 : i32
        %dma_wait3A_227 = tpu.memref_slice %arg2[%dma_wait3A_225, %dma_wait3A_226] : memref<10240x16xf32, #tpu.memory_space<hbm>> -> memref<10240x16xf32, #tpu.memory_space<hbm>>
        tpu.wait_indirect_dma semaphore(%arg12 : memref<!tpu.dma_semaphore, #tpu.memory_space<semaphore_mem>>) src(%dma_wait3A_227 : memref<10240x16xf32, #tpu.memory_space<hbm>>) dst(%dma_wait3A_221 : memref<128x16xf32, #tpu.memory_space<vmem>>)
        %dma_wait3A_228 = arith.constant 0 : i32
        %dma_wait3A_229 = arith.constant 4 : i32
        %dma_wait3A_230 = arith.constant 0 : i32
        %dma_wait3A_231 = arith.constant 0 : i32
        %dma_wait3A_232 = tpu.memref_slice %arg9[%dma_wait3A_229, %dma_wait3A_230, %dma_wait3A_231] : memref<5x128x16xf32, #tpu.memory_space<vmem>> -> memref<1x128x16xf32, #tpu.memory_space<vmem>>
        %dma_wait3A_233 = tpu.memref_squeeze %dma_wait3A_232 : memref<1x128x16xf32, #tpu.memory_space<vmem>> -> memref<128x16xf32, #tpu.memory_space<vmem>>
        %dma_wait3A_234 = arith.constant 0 : i32
        %dma_wait3A_235 = tpu.memref_slice %arg7[%dma_wait3A_228, %dma_wait3A_234] : memref<80x128xi32, #tpu.memory_space<vmem>> -> memref<1x128xi32, #tpu.memory_space<vmem>>
        %dma_wait3A_236 = tpu.memref_squeeze %dma_wait3A_235 : memref<1x128xi32, #tpu.memory_space<vmem>> -> memref<128xi32, #tpu.memory_space<vmem>>
        %dma_wait3A_237 = arith.constant 0 : i32
        %dma_wait3A_238 = arith.constant 0 : i32
        %dma_wait3A_239 = tpu.memref_slice %arg2[%dma_wait3A_237, %dma_wait3A_238] : memref<10240x16xf32, #tpu.memory_space<hbm>> -> memref<10240x16xf32, #tpu.memory_space<hbm>>
        tpu.wait_indirect_dma semaphore(%arg12 : memref<!tpu.dma_semaphore, #tpu.memory_space<semaphore_mem>>) src(%dma_wait3A_239 : memref<10240x16xf32, #tpu.memory_space<hbm>>) dst(%dma_wait3A_233 : memref<128x16xf32, #tpu.memory_space<vmem>>)
        %mul3A_240 = arith.constant 5 : i32
        %mul3A_241 = arith.muli %scan3A_139, %mul3A_240 : i32
        %add3A_242 = arith.constant 0 : i32
        %add3A_243 = arith.addi %mul3A_241, %add3A_242 : i32
        %dma_start3A_244 = arith.constant 0 : i32
        %dma_start3A_245 = arith.constant 0 : i32
        %dma_start3A_246 = arith.constant 0 : i32
        %dma_start3A_247 = tpu.memref_slice %arg9[%dma_start3A_244, %dma_start3A_245, %dma_start3A_246] : memref<5x128x16xf32, #tpu.memory_space<vmem>> -> memref<1x128x16xf32, #tpu.memory_space<vmem>>
        %dma_start3A_248 = tpu.memref_squeeze %dma_start3A_247 : memref<1x128x16xf32, #tpu.memory_space<vmem>> -> memref<128x16xf32, #tpu.memory_space<vmem>>
        %dma_start3A_249 = arith.constant 0 : i32
        %dma_start3A_250 = tpu.memref_slice %arg8[%add3A_243, %dma_start3A_249] : memref<80x128xi32, #tpu.memory_space<vmem>> -> memref<1x128xi32, #tpu.memory_space<vmem>>
        %dma_start3A_251 = tpu.memref_squeeze %dma_start3A_250 : memref<1x128xi32, #tpu.memory_space<vmem>> -> memref<128xi32, #tpu.memory_space<vmem>>
        %dma_start3A_252 = arith.constant 0 : i32
        %dma_start3A_253 = arith.constant 0 : i32
        %dma_start3A_254 = tpu.memref_slice %arg11[%dma_start3A_252, %dma_start3A_253] : memref<10240x16xf32, #tpu.memory_space<vmem_shared>> -> memref<10240x16xf32, #tpu.memory_space<vmem_shared>>
        tpu.enqueue_indirect_dma source(%dma_start3A_248 : memref<128x16xf32, #tpu.memory_space<vmem>>) target(%dma_start3A_254 : memref<10240x16xf32, #tpu.memory_space<vmem_shared>>) offsets(%dma_start3A_251 : memref<128xi32, #tpu.memory_space<vmem>>) semaphore(%arg14 : memref<!tpu.dma_semaphore, #tpu.memory_space<semaphore_mem>>) {add = true}
        %mul3A_255 = arith.constant 5 : i32
        %mul3A_256 = arith.muli %scan3A_139, %mul3A_255 : i32
        %add3A_257 = arith.constant 1 : i32
        %add3A_258 = arith.addi %mul3A_256, %add3A_257 : i32
        %dma_start3A_259 = arith.constant 1 : i32
        %dma_start3A_260 = arith.constant 0 : i32
        %dma_start3A_261 = arith.constant 0 : i32
        %dma_start3A_262 = tpu.memref_slice %arg9[%dma_start3A_259, %dma_start3A_260, %dma_start3A_261] : memref<5x128x16xf32, #tpu.memory_space<vmem>> -> memref<1x128x16xf32, #tpu.memory_space<vmem>>
        %dma_start3A_263 = tpu.memref_squeeze %dma_start3A_262 : memref<1x128x16xf32, #tpu.memory_space<vmem>> -> memref<128x16xf32, #tpu.memory_space<vmem>>
        %dma_start3A_264 = arith.constant 0 : i32
        %dma_start3A_265 = tpu.memref_slice %arg8[%add3A_258, %dma_start3A_264] : memref<80x128xi32, #tpu.memory_space<vmem>> -> memref<1x128xi32, #tpu.memory_space<vmem>>
        %dma_start3A_266 = tpu.memref_squeeze %dma_start3A_265 : memref<1x128xi32, #tpu.memory_space<vmem>> -> memref<128xi32, #tpu.memory_space<vmem>>
        %dma_start3A_267 = arith.constant 0 : i32
        %dma_start3A_268 = arith.constant 0 : i32
        %dma_start3A_269 = tpu.memref_slice %arg11[%dma_start3A_267, %dma_start3A_268] : memref<10240x16xf32, #tpu.memory_space<vmem_shared>> -> memref<10240x16xf32, #tpu.memory_space<vmem_shared>>
        tpu.enqueue_indirect_dma source(%dma_start3A_263 : memref<128x16xf32, #tpu.memory_space<vmem>>) target(%dma_start3A_269 : memref<10240x16xf32, #tpu.memory_space<vmem_shared>>) offsets(%dma_start3A_266 : memref<128xi32, #tpu.memory_space<vmem>>) semaphore(%arg14 : memref<!tpu.dma_semaphore, #tpu.memory_space<semaphore_mem>>) {add = true}
        %mul3A_270 = arith.constant 5 : i32
        %mul3A_271 = arith.muli %scan3A_139, %mul3A_270 : i32
        %add3A_272 = arith.constant 2 : i32
        %add3A_273 = arith.addi %mul3A_271, %add3A_272 : i32
        %dma_start3A_274 = arith.constant 2 : i32
        %dma_start3A_275 = arith.constant 0 : i32
        %dma_start3A_276 = arith.constant 0 : i32
        %dma_start3A_277 = tpu.memref_slice %arg9[%dma_start3A_274, %dma_start3A_275, %dma_start3A_276] : memref<5x128x16xf32, #tpu.memory_space<vmem>> -> memref<1x128x16xf32, #tpu.memory_space<vmem>>
        %dma_start3A_278 = tpu.memref_squeeze %dma_start3A_277 : memref<1x128x16xf32, #tpu.memory_space<vmem>> -> memref<128x16xf32, #tpu.memory_space<vmem>>
        %dma_start3A_279 = arith.constant 0 : i32
        %dma_start3A_280 = tpu.memref_slice %arg8[%add3A_273, %dma_start3A_279] : memref<80x128xi32, #tpu.memory_space<vmem>> -> memref<1x128xi32, #tpu.memory_space<vmem>>
        %dma_start3A_281 = tpu.memref_squeeze %dma_start3A_280 : memref<1x128xi32, #tpu.memory_space<vmem>> -> memref<128xi32, #tpu.memory_space<vmem>>
        %dma_start3A_282 = arith.constant 0 : i32
        %dma_start3A_283 = arith.constant 0 : i32
        %dma_start3A_284 = tpu.memref_slice %arg11[%dma_start3A_282, %dma_start3A_283] : memref<10240x16xf32, #tpu.memory_space<vmem_shared>> -> memref<10240x16xf32, #tpu.memory_space<vmem_shared>>
        tpu.enqueue_indirect_dma source(%dma_start3A_278 : memref<128x16xf32, #tpu.memory_space<vmem>>) target(%dma_start3A_284 : memref<10240x16xf32, #tpu.memory_space<vmem_shared>>) offsets(%dma_start3A_281 : memref<128xi32, #tpu.memory_space<vmem>>) semaphore(%arg14 : memref<!tpu.dma_semaphore, #tpu.memory_space<semaphore_mem>>) {add = true}
        %mul3A_285 = arith.constant 5 : i32
        %mul3A_286 = arith.muli %scan3A_139, %mul3A_285 : i32
        %add3A_287 = arith.constant 3 : i32
        %add3A_288 = arith.addi %mul3A_286, %add3A_287 : i32
        %dma_start3A_289 = arith.constant 3 : i32
        %dma_start3A_290 = arith.constant 0 : i32
        %dma_start3A_291 = arith.constant 0 : i32
        %dma_start3A_292 = tpu.memref_slice %arg9[%dma_start3A_289, %dma_start3A_290, %dma_start3A_291] : memref<5x128x16xf32, #tpu.memory_space<vmem>> -> memref<1x128x16xf32, #tpu.memory_space<vmem>>
        %dma_start3A_293 = tpu.memref_squeeze %dma_start3A_292 : memref<1x128x16xf32, #tpu.memory_space<vmem>> -> memref<128x16xf32, #tpu.memory_space<vmem>>
        %dma_start3A_294 = arith.constant 0 : i32
        %dma_start3A_295 = tpu.memref_slice %arg8[%add3A_288, %dma_start3A_294] : memref<80x128xi32, #tpu.memory_space<vmem>> -> memref<1x128xi32, #tpu.memory_space<vmem>>
        %dma_start3A_296 = tpu.memref_squeeze %dma_start3A_295 : memref<1x128xi32, #tpu.memory_space<vmem>> -> memref<128xi32, #tpu.memory_space<vmem>>
        %dma_start3A_297 = arith.constant 0 : i32
        %dma_start3A_298 = arith.constant 0 : i32
        %dma_start3A_299 = tpu.memref_slice %arg11[%dma_start3A_297, %dma_start3A_298] : memref<10240x16xf32, #tpu.memory_space<vmem_shared>> -> memref<10240x16xf32, #tpu.memory_space<vmem_shared>>
        tpu.enqueue_indirect_dma source(%dma_start3A_293 : memref<128x16xf32, #tpu.memory_space<vmem>>) target(%dma_start3A_299 : memref<10240x16xf32, #tpu.memory_space<vmem_shared>>) offsets(%dma_start3A_296 : memref<128xi32, #tpu.memory_space<vmem>>) semaphore(%arg14 : memref<!tpu.dma_semaphore, #tpu.memory_space<semaphore_mem>>) {add = true}
        %mul3A_300 = arith.constant 5 : i32
        %mul3A_301 = arith.muli %scan3A_139, %mul3A_300 : i32
        %add3A_302 = arith.constant 4 : i32
        %add3A_303 = arith.addi %mul3A_301, %add3A_302 : i32
        %dma_start3A_304 = arith.constant 4 : i32
        %dma_start3A_305 = arith.constant 0 : i32
        %dma_start3A_306 = arith.constant 0 : i32
        %dma_start3A_307 = tpu.memref_slice %arg9[%dma_start3A_304, %dma_start3A_305, %dma_start3A_306] : memref<5x128x16xf32, #tpu.memory_space<vmem>> -> memref<1x128x16xf32, #tpu.memory_space<vmem>>
        %dma_start3A_308 = tpu.memref_squeeze %dma_start3A_307 : memref<1x128x16xf32, #tpu.memory_space<vmem>> -> memref<128x16xf32, #tpu.memory_space<vmem>>
        %dma_start3A_309 = arith.constant 0 : i32
        %dma_start3A_310 = tpu.memref_slice %arg8[%add3A_303, %dma_start3A_309] : memref<80x128xi32, #tpu.memory_space<vmem>> -> memref<1x128xi32, #tpu.memory_space<vmem>>
        %dma_start3A_311 = tpu.memref_squeeze %dma_start3A_310 : memref<1x128xi32, #tpu.memory_space<vmem>> -> memref<128xi32, #tpu.memory_space<vmem>>
        %dma_start3A_312 = arith.constant 0 : i32
        %dma_start3A_313 = arith.constant 0 : i32
        %dma_start3A_314 = tpu.memref_slice %arg11[%dma_start3A_312, %dma_start3A_313] : memref<10240x16xf32, #tpu.memory_space<vmem_shared>> -> memref<10240x16xf32, #tpu.memory_space<vmem_shared>>
        tpu.enqueue_indirect_dma source(%dma_start3A_308 : memref<128x16xf32, #tpu.memory_space<vmem>>) target(%dma_start3A_314 : memref<10240x16xf32, #tpu.memory_space<vmem_shared>>) offsets(%dma_start3A_311 : memref<128xi32, #tpu.memory_space<vmem>>) semaphore(%arg14 : memref<!tpu.dma_semaphore, #tpu.memory_space<semaphore_mem>>) {add = true}
        %not3A = arith.constant true
        %not3A_315 = arith.xori %eq3A_178, %not3A : i1
        %convert_element_type3A_316 = arith.extui %not3A_315 : i1 to i32
        %cond3A_317 = arith.constant 0 : i32
        %cond3A_318 = arith.cmpi ne, %convert_element_type3A_316, %cond3A_317 : i32
        scf.if %cond3A_318 {
          %dma_wait3A_324 = arith.constant 0 : i32
          %dma_wait3A_325 = arith.constant 0 : i32
          %dma_wait3A_326 = arith.constant 0 : i32
          %dma_wait3A_327 = arith.constant 0 : i32
          %dma_wait3A_328 = tpu.memref_slice %arg10[%dma_wait3A_324, %dma_wait3A_326, %dma_wait3A_327] : memref<5x128x16xf32, #tpu.memory_space<vmem>> -> memref<1x128x16xf32, #tpu.memory_space<vmem>>
          %dma_wait3A_329 = tpu.memref_squeeze %dma_wait3A_328 : memref<1x128x16xf32, #tpu.memory_space<vmem>> -> memref<128x16xf32, #tpu.memory_space<vmem>>
          %dma_wait3A_330 = arith.constant 0 : i32
          %dma_wait3A_331 = tpu.memref_slice %arg8[%dma_wait3A_325, %dma_wait3A_330] : memref<80x128xi32, #tpu.memory_space<vmem>> -> memref<1x128xi32, #tpu.memory_space<vmem>>
          %dma_wait3A_332 = tpu.memref_squeeze %dma_wait3A_331 : memref<1x128xi32, #tpu.memory_space<vmem>> -> memref<128xi32, #tpu.memory_space<vmem>>
          %dma_wait3A_333 = arith.constant 0 : i32
          %dma_wait3A_334 = arith.constant 0 : i32
          %dma_wait3A_335 = tpu.memref_slice %arg11[%dma_wait3A_333, %dma_wait3A_334] : memref<10240x16xf32, #tpu.memory_space<vmem_shared>> -> memref<10240x16xf32, #tpu.memory_space<vmem_shared>>
          tpu.wait_indirect_dma semaphore(%arg15 : memref<!tpu.dma_semaphore, #tpu.memory_space<semaphore_mem>>) src(%dma_wait3A_329 : memref<128x16xf32, #tpu.memory_space<vmem>>) dst(%dma_wait3A_335 : memref<10240x16xf32, #tpu.memory_space<vmem_shared>>)
          %dma_wait3A_336 = arith.constant 1 : i32
          %dma_wait3A_337 = arith.constant 0 : i32
          %dma_wait3A_338 = arith.constant 0 : i32
          %dma_wait3A_339 = arith.constant 0 : i32
          %dma_wait3A_340 = tpu.memref_slice %arg10[%dma_wait3A_336, %dma_wait3A_338, %dma_wait3A_339] : memref<5x128x16xf32, #tpu.memory_space<vmem>> -> memref<1x128x16xf32, #tpu.memory_space<vmem>>
          %dma_wait3A_341 = tpu.memref_squeeze %dma_wait3A_340 : memref<1x128x16xf32, #tpu.memory_space<vmem>> -> memref<128x16xf32, #tpu.memory_space<vmem>>
          %dma_wait3A_342 = arith.constant 0 : i32
          %dma_wait3A_343 = tpu.memref_slice %arg8[%dma_wait3A_337, %dma_wait3A_342] : memref<80x128xi32, #tpu.memory_space<vmem>> -> memref<1x128xi32, #tpu.memory_space<vmem>>
          %dma_wait3A_344 = tpu.memref_squeeze %dma_wait3A_343 : memref<1x128xi32, #tpu.memory_space<vmem>> -> memref<128xi32, #tpu.memory_space<vmem>>
          %dma_wait3A_345 = arith.constant 0 : i32
          %dma_wait3A_346 = arith.constant 0 : i32
          %dma_wait3A_347 = tpu.memref_slice %arg11[%dma_wait3A_345, %dma_wait3A_346] : memref<10240x16xf32, #tpu.memory_space<vmem_shared>> -> memref<10240x16xf32, #tpu.memory_space<vmem_shared>>
          tpu.wait_indirect_dma semaphore(%arg15 : memref<!tpu.dma_semaphore, #tpu.memory_space<semaphore_mem>>) src(%dma_wait3A_341 : memref<128x16xf32, #tpu.memory_space<vmem>>) dst(%dma_wait3A_347 : memref<10240x16xf32, #tpu.memory_space<vmem_shared>>)
          %dma_wait3A_348 = arith.constant 2 : i32
          %dma_wait3A_349 = arith.constant 0 : i32
          %dma_wait3A_350 = arith.constant 0 : i32
          %dma_wait3A_351 = arith.constant 0 : i32
          %dma_wait3A_352 = tpu.memref_slice %arg10[%dma_wait3A_348, %dma_wait3A_350, %dma_wait3A_351] : memref<5x128x16xf32, #tpu.memory_space<vmem>> -> memref<1x128x16xf32, #tpu.memory_space<vmem>>
          %dma_wait3A_353 = tpu.memref_squeeze %dma_wait3A_352 : memref<1x128x16xf32, #tpu.memory_space<vmem>> -> memref<128x16xf32, #tpu.memory_space<vmem>>
          %dma_wait3A_354 = arith.constant 0 : i32
          %dma_wait3A_355 = tpu.memref_slice %arg8[%dma_wait3A_349, %dma_wait3A_354] : memref<80x128xi32, #tpu.memory_space<vmem>> -> memref<1x128xi32, #tpu.memory_space<vmem>>
          %dma_wait3A_356 = tpu.memref_squeeze %dma_wait3A_355 : memref<1x128xi32, #tpu.memory_space<vmem>> -> memref<128xi32, #tpu.memory_space<vmem>>
          %dma_wait3A_357 = arith.constant 0 : i32
          %dma_wait3A_358 = arith.constant 0 : i32
          %dma_wait3A_359 = tpu.memref_slice %arg11[%dma_wait3A_357, %dma_wait3A_358] : memref<10240x16xf32, #tpu.memory_space<vmem_shared>> -> memref<10240x16xf32, #tpu.memory_space<vmem_shared>>
          tpu.wait_indirect_dma semaphore(%arg15 : memref<!tpu.dma_semaphore, #tpu.memory_space<semaphore_mem>>) src(%dma_wait3A_353 : memref<128x16xf32, #tpu.memory_space<vmem>>) dst(%dma_wait3A_359 : memref<10240x16xf32, #tpu.memory_space<vmem_shared>>)
          %dma_wait3A_360 = arith.constant 3 : i32
          %dma_wait3A_361 = arith.constant 0 : i32
          %dma_wait3A_362 = arith.constant 0 : i32
          %dma_wait3A_363 = arith.constant 0 : i32
          %dma_wait3A_364 = tpu.memref_slice %arg10[%dma_wait3A_360, %dma_wait3A_362, %dma_wait3A_363] : memref<5x128x16xf32, #tpu.memory_space<vmem>> -> memref<1x128x16xf32, #tpu.memory_space<vmem>>
          %dma_wait3A_365 = tpu.memref_squeeze %dma_wait3A_364 : memref<1x128x16xf32, #tpu.memory_space<vmem>> -> memref<128x16xf32, #tpu.memory_space<vmem>>
          %dma_wait3A_366 = arith.constant 0 : i32
          %dma_wait3A_367 = tpu.memref_slice %arg8[%dma_wait3A_361, %dma_wait3A_366] : memref<80x128xi32, #tpu.memory_space<vmem>> -> memref<1x128xi32, #tpu.memory_space<vmem>>
          %dma_wait3A_368 = tpu.memref_squeeze %dma_wait3A_367 : memref<1x128xi32, #tpu.memory_space<vmem>> -> memref<128xi32, #tpu.memory_space<vmem>>
          %dma_wait3A_369 = arith.constant 0 : i32
          %dma_wait3A_370 = arith.constant 0 : i32
          %dma_wait3A_371 = tpu.memref_slice %arg11[%dma_wait3A_369, %dma_wait3A_370] : memref<10240x16xf32, #tpu.memory_space<vmem_shared>> -> memref<10240x16xf32, #tpu.memory_space<vmem_shared>>
          tpu.wait_indirect_dma semaphore(%arg15 : memref<!tpu.dma_semaphore, #tpu.memory_space<semaphore_mem>>) src(%dma_wait3A_365 : memref<128x16xf32, #tpu.memory_space<vmem>>) dst(%dma_wait3A_371 : memref<10240x16xf32, #tpu.memory_space<vmem_shared>>)
          %dma_wait3A_372 = arith.constant 4 : i32
          %dma_wait3A_373 = arith.constant 0 : i32
          %dma_wait3A_374 = arith.constant 0 : i32
          %dma_wait3A_375 = arith.constant 0 : i32
          %dma_wait3A_376 = tpu.memref_slice %arg10[%dma_wait3A_372, %dma_wait3A_374, %dma_wait3A_375] : memref<5x128x16xf32, #tpu.memory_space<vmem>> -> memref<1x128x16xf32, #tpu.memory_space<vmem>>
          %dma_wait3A_377 = tpu.memref_squeeze %dma_wait3A_376 : memref<1x128x16xf32, #tpu.memory_space<vmem>> -> memref<128x16xf32, #tpu.memory_space<vmem>>
          %dma_wait3A_378 = arith.constant 0 : i32
          %dma_wait3A_379 = tpu.memref_slice %arg8[%dma_wait3A_373, %dma_wait3A_378] : memref<80x128xi32, #tpu.memory_space<vmem>> -> memref<1x128xi32, #tpu.memory_space<vmem>>
          %dma_wait3A_380 = tpu.memref_squeeze %dma_wait3A_379 : memref<1x128xi32, #tpu.memory_space<vmem>> -> memref<128xi32, #tpu.memory_space<vmem>>
          %dma_wait3A_381 = arith.constant 0 : i32
          %dma_wait3A_382 = arith.constant 0 : i32
          %dma_wait3A_383 = tpu.memref_slice %arg11[%dma_wait3A_381, %dma_wait3A_382] : memref<10240x16xf32, #tpu.memory_space<vmem_shared>> -> memref<10240x16xf32, #tpu.memory_space<vmem_shared>>
          tpu.wait_indirect_dma semaphore(%arg15 : memref<!tpu.dma_semaphore, #tpu.memory_space<semaphore_mem>>) src(%dma_wait3A_377 : memref<128x16xf32, #tpu.memory_space<vmem>>) dst(%dma_wait3A_383 : memref<10240x16xf32, #tpu.memory_space<vmem_shared>>)
        } else {
        }
        %not3A_319 = arith.constant true
        %not3A_320 = arith.xori %ge3A_179, %not3A_319 : i1
        %convert_element_type3A_321 = arith.extui %not3A_320 : i1 to i32
        %cond3A_322 = arith.constant 0 : i32
        %cond3A_323 = arith.cmpi ne, %convert_element_type3A_321, %cond3A_322 : i32
        scf.if %cond3A_323 {
          %add3A_324 = arith.constant 1 : i32
          %add3A_325 = arith.addi %scan3A_139, %add3A_324 : i32
          %mul3A_326 = arith.constant 5 : i32
          %mul3A_327 = arith.muli %add3A_325, %mul3A_326 : i32
          %add3A_328 = arith.constant 0 : i32
          %add3A_329 = arith.addi %mul3A_327, %add3A_328 : i32
          %dma_start3A_330 = arith.constant 0 : i32
          %dma_start3A_331 = arith.constant 0 : i32
          %dma_start3A_332 = arith.constant 0 : i32
          %dma_start3A_333 = tpu.memref_slice %arg10[%dma_start3A_330, %dma_start3A_331, %dma_start3A_332] : memref<5x128x16xf32, #tpu.memory_space<vmem>> -> memref<1x128x16xf32, #tpu.memory_space<vmem>>
          %dma_start3A_334 = tpu.memref_squeeze %dma_start3A_333 : memref<1x128x16xf32, #tpu.memory_space<vmem>> -> memref<128x16xf32, #tpu.memory_space<vmem>>
          %dma_start3A_335 = arith.constant 0 : i32
          %dma_start3A_336 = tpu.memref_slice %arg7[%add3A_329, %dma_start3A_335] : memref<80x128xi32, #tpu.memory_space<vmem>> -> memref<1x128xi32, #tpu.memory_space<vmem>>
          %dma_start3A_337 = tpu.memref_squeeze %dma_start3A_336 : memref<1x128xi32, #tpu.memory_space<vmem>> -> memref<128xi32, #tpu.memory_space<vmem>>
          %dma_start3A_338 = arith.constant 0 : i32
          %dma_start3A_339 = arith.constant 0 : i32
          %dma_start3A_340 = tpu.memref_slice %arg2[%dma_start3A_338, %dma_start3A_339] : memref<10240x16xf32, #tpu.memory_space<hbm>> -> memref<10240x16xf32, #tpu.memory_space<hbm>>
          tpu.enqueue_indirect_dma source(%dma_start3A_340 : memref<10240x16xf32, #tpu.memory_space<hbm>>) target(%dma_start3A_334 : memref<128x16xf32, #tpu.memory_space<vmem>>) offsets(%dma_start3A_337 : memref<128xi32, #tpu.memory_space<vmem>>) semaphore(%arg13 : memref<!tpu.dma_semaphore, #tpu.memory_space<semaphore_mem>>)
          %add3A_341 = arith.constant 1 : i32
          %add3A_342 = arith.addi %scan3A_139, %add3A_341 : i32
          %mul3A_343 = arith.constant 5 : i32
          %mul3A_344 = arith.muli %add3A_342, %mul3A_343 : i32
          %add3A_345 = arith.constant 1 : i32
          %add3A_346 = arith.addi %mul3A_344, %add3A_345 : i32
          %dma_start3A_347 = arith.constant 1 : i32
          %dma_start3A_348 = arith.constant 0 : i32
          %dma_start3A_349 = arith.constant 0 : i32
          %dma_start3A_350 = tpu.memref_slice %arg10[%dma_start3A_347, %dma_start3A_348, %dma_start3A_349] : memref<5x128x16xf32, #tpu.memory_space<vmem>> -> memref<1x128x16xf32, #tpu.memory_space<vmem>>
          %dma_start3A_351 = tpu.memref_squeeze %dma_start3A_350 : memref<1x128x16xf32, #tpu.memory_space<vmem>> -> memref<128x16xf32, #tpu.memory_space<vmem>>
          %dma_start3A_352 = arith.constant 0 : i32
          %dma_start3A_353 = tpu.memref_slice %arg7[%add3A_346, %dma_start3A_352] : memref<80x128xi32, #tpu.memory_space<vmem>> -> memref<1x128xi32, #tpu.memory_space<vmem>>
          %dma_start3A_354 = tpu.memref_squeeze %dma_start3A_353 : memref<1x128xi32, #tpu.memory_space<vmem>> -> memref<128xi32, #tpu.memory_space<vmem>>
          %dma_start3A_355 = arith.constant 0 : i32
          %dma_start3A_356 = arith.constant 0 : i32
          %dma_start3A_357 = tpu.memref_slice %arg2[%dma_start3A_355, %dma_start3A_356] : memref<10240x16xf32, #tpu.memory_space<hbm>> -> memref<10240x16xf32, #tpu.memory_space<hbm>>
          tpu.enqueue_indirect_dma source(%dma_start3A_357 : memref<10240x16xf32, #tpu.memory_space<hbm>>) target(%dma_start3A_351 : memref<128x16xf32, #tpu.memory_space<vmem>>) offsets(%dma_start3A_354 : memref<128xi32, #tpu.memory_space<vmem>>) semaphore(%arg13 : memref<!tpu.dma_semaphore, #tpu.memory_space<semaphore_mem>>)
          %add3A_358 = arith.constant 1 : i32
          %add3A_359 = arith.addi %scan3A_139, %add3A_358 : i32
          %mul3A_360 = arith.constant 5 : i32
          %mul3A_361 = arith.muli %add3A_359, %mul3A_360 : i32
          %add3A_362 = arith.constant 2 : i32
          %add3A_363 = arith.addi %mul3A_361, %add3A_362 : i32
          %dma_start3A_364 = arith.constant 2 : i32
          %dma_start3A_365 = arith.constant 0 : i32
          %dma_start3A_366 = arith.constant 0 : i32
          %dma_start3A_367 = tpu.memref_slice %arg10[%dma_start3A_364, %dma_start3A_365, %dma_start3A_366] : memref<5x128x16xf32, #tpu.memory_space<vmem>> -> memref<1x128x16xf32, #tpu.memory_space<vmem>>
          %dma_start3A_368 = tpu.memref_squeeze %dma_start3A_367 : memref<1x128x16xf32, #tpu.memory_space<vmem>> -> memref<128x16xf32, #tpu.memory_space<vmem>>
          %dma_start3A_369 = arith.constant 0 : i32
          %dma_start3A_370 = tpu.memref_slice %arg7[%add3A_363, %dma_start3A_369] : memref<80x128xi32, #tpu.memory_space<vmem>> -> memref<1x128xi32, #tpu.memory_space<vmem>>
          %dma_start3A_371 = tpu.memref_squeeze %dma_start3A_370 : memref<1x128xi32, #tpu.memory_space<vmem>> -> memref<128xi32, #tpu.memory_space<vmem>>
          %dma_start3A_372 = arith.constant 0 : i32
          %dma_start3A_373 = arith.constant 0 : i32
          %dma_start3A_374 = tpu.memref_slice %arg2[%dma_start3A_372, %dma_start3A_373] : memref<10240x16xf32, #tpu.memory_space<hbm>> -> memref<10240x16xf32, #tpu.memory_space<hbm>>
          tpu.enqueue_indirect_dma source(%dma_start3A_374 : memref<10240x16xf32, #tpu.memory_space<hbm>>) target(%dma_start3A_368 : memref<128x16xf32, #tpu.memory_space<vmem>>) offsets(%dma_start3A_371 : memref<128xi32, #tpu.memory_space<vmem>>) semaphore(%arg13 : memref<!tpu.dma_semaphore, #tpu.memory_space<semaphore_mem>>)
          %add3A_375 = arith.constant 1 : i32
          %add3A_376 = arith.addi %scan3A_139, %add3A_375 : i32
          %mul3A_377 = arith.constant 5 : i32
          %mul3A_378 = arith.muli %add3A_376, %mul3A_377 : i32
          %add3A_379 = arith.constant 3 : i32
          %add3A_380 = arith.addi %mul3A_378, %add3A_379 : i32
          %dma_start3A_381 = arith.constant 3 : i32
          %dma_start3A_382 = arith.constant 0 : i32
          %dma_start3A_383 = arith.constant 0 : i32
          %dma_start3A_384 = tpu.memref_slice %arg10[%dma_start3A_381, %dma_start3A_382, %dma_start3A_383] : memref<5x128x16xf32, #tpu.memory_space<vmem>> -> memref<1x128x16xf32, #tpu.memory_space<vmem>>
          %dma_start3A_385 = tpu.memref_squeeze %dma_start3A_384 : memref<1x128x16xf32, #tpu.memory_space<vmem>> -> memref<128x16xf32, #tpu.memory_space<vmem>>
          %dma_start3A_386 = arith.constant 0 : i32
          %dma_start3A_387 = tpu.memref_slice %arg7[%add3A_380, %dma_start3A_386] : memref<80x128xi32, #tpu.memory_space<vmem>> -> memref<1x128xi32, #tpu.memory_space<vmem>>
          %dma_start3A_388 = tpu.memref_squeeze %dma_start3A_387 : memref<1x128xi32, #tpu.memory_space<vmem>> -> memref<128xi32, #tpu.memory_space<vmem>>
          %dma_start3A_389 = arith.constant 0 : i32
          %dma_start3A_390 = arith.constant 0 : i32
          %dma_start3A_391 = tpu.memref_slice %arg2[%dma_start3A_389, %dma_start3A_390] : memref<10240x16xf32, #tpu.memory_space<hbm>> -> memref<10240x16xf32, #tpu.memory_space<hbm>>
          tpu.enqueue_indirect_dma source(%dma_start3A_391 : memref<10240x16xf32, #tpu.memory_space<hbm>>) target(%dma_start3A_385 : memref<128x16xf32, #tpu.memory_space<vmem>>) offsets(%dma_start3A_388 : memref<128xi32, #tpu.memory_space<vmem>>) semaphore(%arg13 : memref<!tpu.dma_semaphore, #tpu.memory_space<semaphore_mem>>)
          %add3A_392 = arith.constant 1 : i32
          %add3A_393 = arith.addi %scan3A_139, %add3A_392 : i32
          %mul3A_394 = arith.constant 5 : i32
          %mul3A_395 = arith.muli %add3A_393, %mul3A_394 : i32
          %add3A_396 = arith.constant 4 : i32
          %add3A_397 = arith.addi %mul3A_395, %add3A_396 : i32
          %dma_start3A_398 = arith.constant 4 : i32
          %dma_start3A_399 = arith.constant 0 : i32
          %dma_start3A_400 = arith.constant 0 : i32
          %dma_start3A_401 = tpu.memref_slice %arg10[%dma_start3A_398, %dma_start3A_399, %dma_start3A_400] : memref<5x128x16xf32, #tpu.memory_space<vmem>> -> memref<1x128x16xf32, #tpu.memory_space<vmem>>
          %dma_start3A_402 = tpu.memref_squeeze %dma_start3A_401 : memref<1x128x16xf32, #tpu.memory_space<vmem>> -> memref<128x16xf32, #tpu.memory_space<vmem>>
          %dma_start3A_403 = arith.constant 0 : i32
          %dma_start3A_404 = tpu.memref_slice %arg7[%add3A_397, %dma_start3A_403] : memref<80x128xi32, #tpu.memory_space<vmem>> -> memref<1x128xi32, #tpu.memory_space<vmem>>
          %dma_start3A_405 = tpu.memref_squeeze %dma_start3A_404 : memref<1x128xi32, #tpu.memory_space<vmem>> -> memref<128xi32, #tpu.memory_space<vmem>>
          %dma_start3A_406 = arith.constant 0 : i32
          %dma_start3A_407 = arith.constant 0 : i32
          %dma_start3A_408 = tpu.memref_slice %arg2[%dma_start3A_406, %dma_start3A_407] : memref<10240x16xf32, #tpu.memory_space<hbm>> -> memref<10240x16xf32, #tpu.memory_space<hbm>>
          tpu.enqueue_indirect_dma source(%dma_start3A_408 : memref<10240x16xf32, #tpu.memory_space<hbm>>) target(%dma_start3A_402 : memref<128x16xf32, #tpu.memory_space<vmem>>) offsets(%dma_start3A_405 : memref<128xi32, #tpu.memory_space<vmem>>) semaphore(%arg13 : memref<!tpu.dma_semaphore, #tpu.memory_space<semaphore_mem>>)
        } else {
        }
      } else {
      }
      %jit3A_156 = arith.constant 2 : i32
      %eq3A_157 = arith.constant 0 : i32
      %eq3A_158 = arith.cmpi eq, %jit3A_156, %eq3A_157 : i32
      %jit3A_159 = arith.constant 1 : i32
      %select_n3A_160 = arith.select %eq3A_158, %jit3A_159, %jit3A_156 : i32
      %rem3A_161 = arith.remsi %scan3A_139, %select_n3A_160 : i32
      %ne3A_162 = arith.constant 0 : i32
      %ne3A_163 = arith.cmpi ne, %rem3A_161, %ne3A_162 : i32
      %lt3A_164 = arith.constant 0 : i32
      %lt3A_165 = arith.cmpi slt, %rem3A_161, %lt3A_164 : i32
      %lt3A_166 = arith.constant 0 : i32
      %lt3A_167 = arith.cmpi slt, %select_n3A_160, %lt3A_166 : i32
      %ne3A_168 = arith.xori %lt3A_165, %lt3A_167 : i1
      %and3A_169 = arith.andi %ne3A_168, %ne3A_163 : i1
      %add3A_170 = arith.addi %rem3A_161, %select_n3A_160 : i32
      %select_n3A_171 = arith.select %and3A_169, %add3A_170, %rem3A_161 : i32
      %eq3A_172 = arith.constant 1 : i32
      %eq3A_173 = arith.cmpi eq, %select_n3A_171, %eq3A_172 : i32
      %convert_element_type3A_174 = arith.extui %eq3A_173 : i1 to i32
      %cond3A_175 = arith.constant 0 : i32
      %cond3A_176 = arith.cmpi ne, %convert_element_type3A_174, %cond3A_175 : i32
      scf.if %cond3A_176 {
        %ge3A = arith.constant 15 : i32
        %ge3A_177 = arith.cmpi sge, %scan3A_139, %ge3A : i32
        %dma_wait3A_178 = arith.constant 0 : i32
        %dma_wait3A_179 = arith.constant 0 : i32
        %dma_wait3A_180 = arith.constant 0 : i32
        %dma_wait3A_181 = arith.constant 0 : i32
        %dma_wait3A_182 = tpu.memref_slice %arg10[%dma_wait3A_179, %dma_wait3A_180, %dma_wait3A_181] : memref<5x128x16xf32, #tpu.memory_space<vmem>> -> memref<1x128x16xf32, #tpu.memory_space<vmem>>
        %dma_wait3A_183 = tpu.memref_squeeze %dma_wait3A_182 : memref<1x128x16xf32, #tpu.memory_space<vmem>> -> memref<128x16xf32, #tpu.memory_space<vmem>>
        %dma_wait3A_184 = arith.constant 0 : i32
        %dma_wait3A_185 = tpu.memref_slice %arg7[%dma_wait3A_178, %dma_wait3A_184] : memref<80x128xi32, #tpu.memory_space<vmem>> -> memref<1x128xi32, #tpu.memory_space<vmem>>
        %dma_wait3A_186 = tpu.memref_squeeze %dma_wait3A_185 : memref<1x128xi32, #tpu.memory_space<vmem>> -> memref<128xi32, #tpu.memory_space<vmem>>
        %dma_wait3A_187 = arith.constant 0 : i32
        %dma_wait3A_188 = arith.constant 0 : i32
        %dma_wait3A_189 = tpu.memref_slice %arg2[%dma_wait3A_187, %dma_wait3A_188] : memref<10240x16xf32, #tpu.memory_space<hbm>> -> memref<10240x16xf32, #tpu.memory_space<hbm>>
        tpu.wait_indirect_dma semaphore(%arg13 : memref<!tpu.dma_semaphore, #tpu.memory_space<semaphore_mem>>) src(%dma_wait3A_189 : memref<10240x16xf32, #tpu.memory_space<hbm>>) dst(%dma_wait3A_183 : memref<128x16xf32, #tpu.memory_space<vmem>>)
        %dma_wait3A_190 = arith.constant 0 : i32
        %dma_wait3A_191 = arith.constant 1 : i32
        %dma_wait3A_192 = arith.constant 0 : i32
        %dma_wait3A_193 = arith.constant 0 : i32
        %dma_wait3A_194 = tpu.memref_slice %arg10[%dma_wait3A_191, %dma_wait3A_192, %dma_wait3A_193] : memref<5x128x16xf32, #tpu.memory_space<vmem>> -> memref<1x128x16xf32, #tpu.memory_space<vmem>>
        %dma_wait3A_195 = tpu.memref_squeeze %dma_wait3A_194 : memref<1x128x16xf32, #tpu.memory_space<vmem>> -> memref<128x16xf32, #tpu.memory_space<vmem>>
        %dma_wait3A_196 = arith.constant 0 : i32
        %dma_wait3A_197 = tpu.memref_slice %arg7[%dma_wait3A_190, %dma_wait3A_196] : memref<80x128xi32, #tpu.memory_space<vmem>> -> memref<1x128xi32, #tpu.memory_space<vmem>>
        %dma_wait3A_198 = tpu.memref_squeeze %dma_wait3A_197 : memref<1x128xi32, #tpu.memory_space<vmem>> -> memref<128xi32, #tpu.memory_space<vmem>>
        %dma_wait3A_199 = arith.constant 0 : i32
        %dma_wait3A_200 = arith.constant 0 : i32
        %dma_wait3A_201 = tpu.memref_slice %arg2[%dma_wait3A_199, %dma_wait3A_200] : memref<10240x16xf32, #tpu.memory_space<hbm>> -> memref<10240x16xf32, #tpu.memory_space<hbm>>
        tpu.wait_indirect_dma semaphore(%arg13 : memref<!tpu.dma_semaphore, #tpu.memory_space<semaphore_mem>>) src(%dma_wait3A_201 : memref<10240x16xf32, #tpu.memory_space<hbm>>) dst(%dma_wait3A_195 : memref<128x16xf32, #tpu.memory_space<vmem>>)
        %dma_wait3A_202 = arith.constant 0 : i32
        %dma_wait3A_203 = arith.constant 2 : i32
        %dma_wait3A_204 = arith.constant 0 : i32
        %dma_wait3A_205 = arith.constant 0 : i32
        %dma_wait3A_206 = tpu.memref_slice %arg10[%dma_wait3A_203, %dma_wait3A_204, %dma_wait3A_205] : memref<5x128x16xf32, #tpu.memory_space<vmem>> -> memref<1x128x16xf32, #tpu.memory_space<vmem>>
        %dma_wait3A_207 = tpu.memref_squeeze %dma_wait3A_206 : memref<1x128x16xf32, #tpu.memory_space<vmem>> -> memref<128x16xf32, #tpu.memory_space<vmem>>
        %dma_wait3A_208 = arith.constant 0 : i32
        %dma_wait3A_209 = tpu.memref_slice %arg7[%dma_wait3A_202, %dma_wait3A_208] : memref<80x128xi32, #tpu.memory_space<vmem>> -> memref<1x128xi32, #tpu.memory_space<vmem>>
        %dma_wait3A_210 = tpu.memref_squeeze %dma_wait3A_209 : memref<1x128xi32, #tpu.memory_space<vmem>> -> memref<128xi32, #tpu.memory_space<vmem>>
        %dma_wait3A_211 = arith.constant 0 : i32
        %dma_wait3A_212 = arith.constant 0 : i32
        %dma_wait3A_213 = tpu.memref_slice %arg2[%dma_wait3A_211, %dma_wait3A_212] : memref<10240x16xf32, #tpu.memory_space<hbm>> -> memref<10240x16xf32, #tpu.memory_space<hbm>>
        tpu.wait_indirect_dma semaphore(%arg13 : memref<!tpu.dma_semaphore, #tpu.memory_space<semaphore_mem>>) src(%dma_wait3A_213 : memref<10240x16xf32, #tpu.memory_space<hbm>>) dst(%dma_wait3A_207 : memref<128x16xf32, #tpu.memory_space<vmem>>)
        %dma_wait3A_214 = arith.constant 0 : i32
        %dma_wait3A_215 = arith.constant 3 : i32
        %dma_wait3A_216 = arith.constant 0 : i32
        %dma_wait3A_217 = arith.constant 0 : i32
        %dma_wait3A_218 = tpu.memref_slice %arg10[%dma_wait3A_215, %dma_wait3A_216, %dma_wait3A_217] : memref<5x128x16xf32, #tpu.memory_space<vmem>> -> memref<1x128x16xf32, #tpu.memory_space<vmem>>
        %dma_wait3A_219 = tpu.memref_squeeze %dma_wait3A_218 : memref<1x128x16xf32, #tpu.memory_space<vmem>> -> memref<128x16xf32, #tpu.memory_space<vmem>>
        %dma_wait3A_220 = arith.constant 0 : i32
        %dma_wait3A_221 = tpu.memref_slice %arg7[%dma_wait3A_214, %dma_wait3A_220] : memref<80x128xi32, #tpu.memory_space<vmem>> -> memref<1x128xi32, #tpu.memory_space<vmem>>
        %dma_wait3A_222 = tpu.memref_squeeze %dma_wait3A_221 : memref<1x128xi32, #tpu.memory_space<vmem>> -> memref<128xi32, #tpu.memory_space<vmem>>
        %dma_wait3A_223 = arith.constant 0 : i32
        %dma_wait3A_224 = arith.constant 0 : i32
        %dma_wait3A_225 = tpu.memref_slice %arg2[%dma_wait3A_223, %dma_wait3A_224] : memref<10240x16xf32, #tpu.memory_space<hbm>> -> memref<10240x16xf32, #tpu.memory_space<hbm>>
        tpu.wait_indirect_dma semaphore(%arg13 : memref<!tpu.dma_semaphore, #tpu.memory_space<semaphore_mem>>) src(%dma_wait3A_225 : memref<10240x16xf32, #tpu.memory_space<hbm>>) dst(%dma_wait3A_219 : memref<128x16xf32, #tpu.memory_space<vmem>>)
        %dma_wait3A_226 = arith.constant 0 : i32
        %dma_wait3A_227 = arith.constant 4 : i32
        %dma_wait3A_228 = arith.constant 0 : i32
        %dma_wait3A_229 = arith.constant 0 : i32
        %dma_wait3A_230 = tpu.memref_slice %arg10[%dma_wait3A_227, %dma_wait3A_228, %dma_wait3A_229] : memref<5x128x16xf32, #tpu.memory_space<vmem>> -> memref<1x128x16xf32, #tpu.memory_space<vmem>>
        %dma_wait3A_231 = tpu.memref_squeeze %dma_wait3A_230 : memref<1x128x16xf32, #tpu.memory_space<vmem>> -> memref<128x16xf32, #tpu.memory_space<vmem>>
        %dma_wait3A_232 = arith.constant 0 : i32
        %dma_wait3A_233 = tpu.memref_slice %arg7[%dma_wait3A_226, %dma_wait3A_232] : memref<80x128xi32, #tpu.memory_space<vmem>> -> memref<1x128xi32, #tpu.memory_space<vmem>>
        %dma_wait3A_234 = tpu.memref_squeeze %dma_wait3A_233 : memref<1x128xi32, #tpu.memory_space<vmem>> -> memref<128xi32, #tpu.memory_space<vmem>>
        %dma_wait3A_235 = arith.constant 0 : i32
        %dma_wait3A_236 = arith.constant 0 : i32
        %dma_wait3A_237 = tpu.memref_slice %arg2[%dma_wait3A_235, %dma_wait3A_236] : memref<10240x16xf32, #tpu.memory_space<hbm>> -> memref<10240x16xf32, #tpu.memory_space<hbm>>
        tpu.wait_indirect_dma semaphore(%arg13 : memref<!tpu.dma_semaphore, #tpu.memory_space<semaphore_mem>>) src(%dma_wait3A_237 : memref<10240x16xf32, #tpu.memory_space<hbm>>) dst(%dma_wait3A_231 : memref<128x16xf32, #tpu.memory_space<vmem>>)
        %mul3A_238 = arith.constant 5 : i32
        %mul3A_239 = arith.muli %scan3A_139, %mul3A_238 : i32
        %add3A_240 = arith.constant 0 : i32
        %add3A_241 = arith.addi %mul3A_239, %add3A_240 : i32
        %dma_start3A_242 = arith.constant 0 : i32
        %dma_start3A_243 = arith.constant 0 : i32
        %dma_start3A_244 = arith.constant 0 : i32
        %dma_start3A_245 = tpu.memref_slice %arg10[%dma_start3A_242, %dma_start3A_243, %dma_start3A_244] : memref<5x128x16xf32, #tpu.memory_space<vmem>> -> memref<1x128x16xf32, #tpu.memory_space<vmem>>
        %dma_start3A_246 = tpu.memref_squeeze %dma_start3A_245 : memref<1x128x16xf32, #tpu.memory_space<vmem>> -> memref<128x16xf32, #tpu.memory_space<vmem>>
        %dma_start3A_247 = arith.constant 0 : i32
        %dma_start3A_248 = tpu.memref_slice %arg8[%add3A_241, %dma_start3A_247] : memref<80x128xi32, #tpu.memory_space<vmem>> -> memref<1x128xi32, #tpu.memory_space<vmem>>
        %dma_start3A_249 = tpu.memref_squeeze %dma_start3A_248 : memref<1x128xi32, #tpu.memory_space<vmem>> -> memref<128xi32, #tpu.memory_space<vmem>>
        %dma_start3A_250 = arith.constant 0 : i32
        %dma_start3A_251 = arith.constant 0 : i32
        %dma_start3A_252 = tpu.memref_slice %arg11[%dma_start3A_250, %dma_start3A_251] : memref<10240x16xf32, #tpu.memory_space<vmem_shared>> -> memref<10240x16xf32, #tpu.memory_space<vmem_shared>>
        tpu.enqueue_indirect_dma source(%dma_start3A_246 : memref<128x16xf32, #tpu.memory_space<vmem>>) target(%dma_start3A_252 : memref<10240x16xf32, #tpu.memory_space<vmem_shared>>) offsets(%dma_start3A_249 : memref<128xi32, #tpu.memory_space<vmem>>) semaphore(%arg15 : memref<!tpu.dma_semaphore, #tpu.memory_space<semaphore_mem>>) {add = true}
        %mul3A_253 = arith.constant 5 : i32
        %mul3A_254 = arith.muli %scan3A_139, %mul3A_253 : i32
        %add3A_255 = arith.constant 1 : i32
        %add3A_256 = arith.addi %mul3A_254, %add3A_255 : i32
        %dma_start3A_257 = arith.constant 1 : i32
        %dma_start3A_258 = arith.constant 0 : i32
        %dma_start3A_259 = arith.constant 0 : i32
        %dma_start3A_260 = tpu.memref_slice %arg10[%dma_start3A_257, %dma_start3A_258, %dma_start3A_259] : memref<5x128x16xf32, #tpu.memory_space<vmem>> -> memref<1x128x16xf32, #tpu.memory_space<vmem>>
        %dma_start3A_261 = tpu.memref_squeeze %dma_start3A_260 : memref<1x128x16xf32, #tpu.memory_space<vmem>> -> memref<128x16xf32, #tpu.memory_space<vmem>>
        %dma_start3A_262 = arith.constant 0 : i32
        %dma_start3A_263 = tpu.memref_slice %arg8[%add3A_256, %dma_start3A_262] : memref<80x128xi32, #tpu.memory_space<vmem>> -> memref<1x128xi32, #tpu.memory_space<vmem>>
        %dma_start3A_264 = tpu.memref_squeeze %dma_start3A_263 : memref<1x128xi32, #tpu.memory_space<vmem>> -> memref<128xi32, #tpu.memory_space<vmem>>
        %dma_start3A_265 = arith.constant 0 : i32
        %dma_start3A_266 = arith.constant 0 : i32
        %dma_start3A_267 = tpu.memref_slice %arg11[%dma_start3A_265, %dma_start3A_266] : memref<10240x16xf32, #tpu.memory_space<vmem_shared>> -> memref<10240x16xf32, #tpu.memory_space<vmem_shared>>
        tpu.enqueue_indirect_dma source(%dma_start3A_261 : memref<128x16xf32, #tpu.memory_space<vmem>>) target(%dma_start3A_267 : memref<10240x16xf32, #tpu.memory_space<vmem_shared>>) offsets(%dma_start3A_264 : memref<128xi32, #tpu.memory_space<vmem>>) semaphore(%arg15 : memref<!tpu.dma_semaphore, #tpu.memory_space<semaphore_mem>>) {add = true}
        %mul3A_268 = arith.constant 5 : i32
        %mul3A_269 = arith.muli %scan3A_139, %mul3A_268 : i32
        %add3A_270 = arith.constant 2 : i32
        %add3A_271 = arith.addi %mul3A_269, %add3A_270 : i32
        %dma_start3A_272 = arith.constant 2 : i32
        %dma_start3A_273 = arith.constant 0 : i32
        %dma_start3A_274 = arith.constant 0 : i32
        %dma_start3A_275 = tpu.memref_slice %arg10[%dma_start3A_272, %dma_start3A_273, %dma_start3A_274] : memref<5x128x16xf32, #tpu.memory_space<vmem>> -> memref<1x128x16xf32, #tpu.memory_space<vmem>>
        %dma_start3A_276 = tpu.memref_squeeze %dma_start3A_275 : memref<1x128x16xf32, #tpu.memory_space<vmem>> -> memref<128x16xf32, #tpu.memory_space<vmem>>
        %dma_start3A_277 = arith.constant 0 : i32
        %dma_start3A_278 = tpu.memref_slice %arg8[%add3A_271, %dma_start3A_277] : memref<80x128xi32, #tpu.memory_space<vmem>> -> memref<1x128xi32, #tpu.memory_space<vmem>>
        %dma_start3A_279 = tpu.memref_squeeze %dma_start3A_278 : memref<1x128xi32, #tpu.memory_space<vmem>> -> memref<128xi32, #tpu.memory_space<vmem>>
        %dma_start3A_280 = arith.constant 0 : i32
        %dma_start3A_281 = arith.constant 0 : i32
        %dma_start3A_282 = tpu.memref_slice %arg11[%dma_start3A_280, %dma_start3A_281] : memref<10240x16xf32, #tpu.memory_space<vmem_shared>> -> memref<10240x16xf32, #tpu.memory_space<vmem_shared>>
        tpu.enqueue_indirect_dma source(%dma_start3A_276 : memref<128x16xf32, #tpu.memory_space<vmem>>) target(%dma_start3A_282 : memref<10240x16xf32, #tpu.memory_space<vmem_shared>>) offsets(%dma_start3A_279 : memref<128xi32, #tpu.memory_space<vmem>>) semaphore(%arg15 : memref<!tpu.dma_semaphore, #tpu.memory_space<semaphore_mem>>) {add = true}
        %mul3A_283 = arith.constant 5 : i32
        %mul3A_284 = arith.muli %scan3A_139, %mul3A_283 : i32
        %add3A_285 = arith.constant 3 : i32
        %add3A_286 = arith.addi %mul3A_284, %add3A_285 : i32
        %dma_start3A_287 = arith.constant 3 : i32
        %dma_start3A_288 = arith.constant 0 : i32
        %dma_start3A_289 = arith.constant 0 : i32
        %dma_start3A_290 = tpu.memref_slice %arg10[%dma_start3A_287, %dma_start3A_288, %dma_start3A_289] : memref<5x128x16xf32, #tpu.memory_space<vmem>> -> memref<1x128x16xf32, #tpu.memory_space<vmem>>
        %dma_start3A_291 = tpu.memref_squeeze %dma_start3A_290 : memref<1x128x16xf32, #tpu.memory_space<vmem>> -> memref<128x16xf32, #tpu.memory_space<vmem>>
        %dma_start3A_292 = arith.constant 0 : i32
        %dma_start3A_293 = tpu.memref_slice %arg8[%add3A_286, %dma_start3A_292] : memref<80x128xi32, #tpu.memory_space<vmem>> -> memref<1x128xi32, #tpu.memory_space<vmem>>
        %dma_start3A_294 = tpu.memref_squeeze %dma_start3A_293 : memref<1x128xi32, #tpu.memory_space<vmem>> -> memref<128xi32, #tpu.memory_space<vmem>>
        %dma_start3A_295 = arith.constant 0 : i32
        %dma_start3A_296 = arith.constant 0 : i32
        %dma_start3A_297 = tpu.memref_slice %arg11[%dma_start3A_295, %dma_start3A_296] : memref<10240x16xf32, #tpu.memory_space<vmem_shared>> -> memref<10240x16xf32, #tpu.memory_space<vmem_shared>>
        tpu.enqueue_indirect_dma source(%dma_start3A_291 : memref<128x16xf32, #tpu.memory_space<vmem>>) target(%dma_start3A_297 : memref<10240x16xf32, #tpu.memory_space<vmem_shared>>) offsets(%dma_start3A_294 : memref<128xi32, #tpu.memory_space<vmem>>) semaphore(%arg15 : memref<!tpu.dma_semaphore, #tpu.memory_space<semaphore_mem>>) {add = true}
        %mul3A_298 = arith.constant 5 : i32
        %mul3A_299 = arith.muli %scan3A_139, %mul3A_298 : i32
        %add3A_300 = arith.constant 4 : i32
        %add3A_301 = arith.addi %mul3A_299, %add3A_300 : i32
        %dma_start3A_302 = arith.constant 4 : i32
        %dma_start3A_303 = arith.constant 0 : i32
        %dma_start3A_304 = arith.constant 0 : i32
        %dma_start3A_305 = tpu.memref_slice %arg10[%dma_start3A_302, %dma_start3A_303, %dma_start3A_304] : memref<5x128x16xf32, #tpu.memory_space<vmem>> -> memref<1x128x16xf32, #tpu.memory_space<vmem>>
        %dma_start3A_306 = tpu.memref_squeeze %dma_start3A_305 : memref<1x128x16xf32, #tpu.memory_space<vmem>> -> memref<128x16xf32, #tpu.memory_space<vmem>>
        %dma_start3A_307 = arith.constant 0 : i32
        %dma_start3A_308 = tpu.memref_slice %arg8[%add3A_301, %dma_start3A_307] : memref<80x128xi32, #tpu.memory_space<vmem>> -> memref<1x128xi32, #tpu.memory_space<vmem>>
        %dma_start3A_309 = tpu.memref_squeeze %dma_start3A_308 : memref<1x128xi32, #tpu.memory_space<vmem>> -> memref<128xi32, #tpu.memory_space<vmem>>
        %dma_start3A_310 = arith.constant 0 : i32
        %dma_start3A_311 = arith.constant 0 : i32
        %dma_start3A_312 = tpu.memref_slice %arg11[%dma_start3A_310, %dma_start3A_311] : memref<10240x16xf32, #tpu.memory_space<vmem_shared>> -> memref<10240x16xf32, #tpu.memory_space<vmem_shared>>
        tpu.enqueue_indirect_dma source(%dma_start3A_306 : memref<128x16xf32, #tpu.memory_space<vmem>>) target(%dma_start3A_312 : memref<10240x16xf32, #tpu.memory_space<vmem_shared>>) offsets(%dma_start3A_309 : memref<128xi32, #tpu.memory_space<vmem>>) semaphore(%arg15 : memref<!tpu.dma_semaphore, #tpu.memory_space<semaphore_mem>>) {add = true}
        %dma_wait3A_313 = arith.constant 0 : i32
        %dma_wait3A_314 = arith.constant 0 : i32
        %dma_wait3A_315 = arith.constant 0 : i32
        %dma_wait3A_316 = arith.constant 0 : i32
        %dma_wait3A_317 = tpu.memref_slice %arg9[%dma_wait3A_313, %dma_wait3A_315, %dma_wait3A_316] : memref<5x128x16xf32, #tpu.memory_space<vmem>> -> memref<1x128x16xf32, #tpu.memory_space<vmem>>
        %dma_wait3A_318 = tpu.memref_squeeze %dma_wait3A_317 : memref<1x128x16xf32, #tpu.memory_space<vmem>> -> memref<128x16xf32, #tpu.memory_space<vmem>>
        %dma_wait3A_319 = arith.constant 0 : i32
        %dma_wait3A_320 = tpu.memref_slice %arg8[%dma_wait3A_314, %dma_wait3A_319] : memref<80x128xi32, #tpu.memory_space<vmem>> -> memref<1x128xi32, #tpu.memory_space<vmem>>
        %dma_wait3A_321 = tpu.memref_squeeze %dma_wait3A_320 : memref<1x128xi32, #tpu.memory_space<vmem>> -> memref<128xi32, #tpu.memory_space<vmem>>
        %dma_wait3A_322 = arith.constant 0 : i32
        %dma_wait3A_323 = arith.constant 0 : i32
        %dma_wait3A_324 = tpu.memref_slice %arg11[%dma_wait3A_322, %dma_wait3A_323] : memref<10240x16xf32, #tpu.memory_space<vmem_shared>> -> memref<10240x16xf32, #tpu.memory_space<vmem_shared>>
        tpu.wait_indirect_dma semaphore(%arg14 : memref<!tpu.dma_semaphore, #tpu.memory_space<semaphore_mem>>) src(%dma_wait3A_318 : memref<128x16xf32, #tpu.memory_space<vmem>>) dst(%dma_wait3A_324 : memref<10240x16xf32, #tpu.memory_space<vmem_shared>>)
        %dma_wait3A_325 = arith.constant 1 : i32
        %dma_wait3A_326 = arith.constant 0 : i32
        %dma_wait3A_327 = arith.constant 0 : i32
        %dma_wait3A_328 = arith.constant 0 : i32
        %dma_wait3A_329 = tpu.memref_slice %arg9[%dma_wait3A_325, %dma_wait3A_327, %dma_wait3A_328] : memref<5x128x16xf32, #tpu.memory_space<vmem>> -> memref<1x128x16xf32, #tpu.memory_space<vmem>>
        %dma_wait3A_330 = tpu.memref_squeeze %dma_wait3A_329 : memref<1x128x16xf32, #tpu.memory_space<vmem>> -> memref<128x16xf32, #tpu.memory_space<vmem>>
        %dma_wait3A_331 = arith.constant 0 : i32
        %dma_wait3A_332 = tpu.memref_slice %arg8[%dma_wait3A_326, %dma_wait3A_331] : memref<80x128xi32, #tpu.memory_space<vmem>> -> memref<1x128xi32, #tpu.memory_space<vmem>>
        %dma_wait3A_333 = tpu.memref_squeeze %dma_wait3A_332 : memref<1x128xi32, #tpu.memory_space<vmem>> -> memref<128xi32, #tpu.memory_space<vmem>>
        %dma_wait3A_334 = arith.constant 0 : i32
        %dma_wait3A_335 = arith.constant 0 : i32
        %dma_wait3A_336 = tpu.memref_slice %arg11[%dma_wait3A_334, %dma_wait3A_335] : memref<10240x16xf32, #tpu.memory_space<vmem_shared>> -> memref<10240x16xf32, #tpu.memory_space<vmem_shared>>
        tpu.wait_indirect_dma semaphore(%arg14 : memref<!tpu.dma_semaphore, #tpu.memory_space<semaphore_mem>>) src(%dma_wait3A_330 : memref<128x16xf32, #tpu.memory_space<vmem>>) dst(%dma_wait3A_336 : memref<10240x16xf32, #tpu.memory_space<vmem_shared>>)
        %dma_wait3A_337 = arith.constant 2 : i32
        %dma_wait3A_338 = arith.constant 0 : i32
        %dma_wait3A_339 = arith.constant 0 : i32
        %dma_wait3A_340 = arith.constant 0 : i32
        %dma_wait3A_341 = tpu.memref_slice %arg9[%dma_wait3A_337, %dma_wait3A_339, %dma_wait3A_340] : memref<5x128x16xf32, #tpu.memory_space<vmem>> -> memref<1x128x16xf32, #tpu.memory_space<vmem>>
        %dma_wait3A_342 = tpu.memref_squeeze %dma_wait3A_341 : memref<1x128x16xf32, #tpu.memory_space<vmem>> -> memref<128x16xf32, #tpu.memory_space<vmem>>
        %dma_wait3A_343 = arith.constant 0 : i32
        %dma_wait3A_344 = tpu.memref_slice %arg8[%dma_wait3A_338, %dma_wait3A_343] : memref<80x128xi32, #tpu.memory_space<vmem>> -> memref<1x128xi32, #tpu.memory_space<vmem>>
        %dma_wait3A_345 = tpu.memref_squeeze %dma_wait3A_344 : memref<1x128xi32, #tpu.memory_space<vmem>> -> memref<128xi32, #tpu.memory_space<vmem>>
        %dma_wait3A_346 = arith.constant 0 : i32
        %dma_wait3A_347 = arith.constant 0 : i32
        %dma_wait3A_348 = tpu.memref_slice %arg11[%dma_wait3A_346, %dma_wait3A_347] : memref<10240x16xf32, #tpu.memory_space<vmem_shared>> -> memref<10240x16xf32, #tpu.memory_space<vmem_shared>>
        tpu.wait_indirect_dma semaphore(%arg14 : memref<!tpu.dma_semaphore, #tpu.memory_space<semaphore_mem>>) src(%dma_wait3A_342 : memref<128x16xf32, #tpu.memory_space<vmem>>) dst(%dma_wait3A_348 : memref<10240x16xf32, #tpu.memory_space<vmem_shared>>)
        %dma_wait3A_349 = arith.constant 3 : i32
        %dma_wait3A_350 = arith.constant 0 : i32
        %dma_wait3A_351 = arith.constant 0 : i32
        %dma_wait3A_352 = arith.constant 0 : i32
        %dma_wait3A_353 = tpu.memref_slice %arg9[%dma_wait3A_349, %dma_wait3A_351, %dma_wait3A_352] : memref<5x128x16xf32, #tpu.memory_space<vmem>> -> memref<1x128x16xf32, #tpu.memory_space<vmem>>
        %dma_wait3A_354 = tpu.memref_squeeze %dma_wait3A_353 : memref<1x128x16xf32, #tpu.memory_space<vmem>> -> memref<128x16xf32, #tpu.memory_space<vmem>>
        %dma_wait3A_355 = arith.constant 0 : i32
        %dma_wait3A_356 = tpu.memref_slice %arg8[%dma_wait3A_350, %dma_wait3A_355] : memref<80x128xi32, #tpu.memory_space<vmem>> -> memref<1x128xi32, #tpu.memory_space<vmem>>
        %dma_wait3A_357 = tpu.memref_squeeze %dma_wait3A_356 : memref<1x128xi32, #tpu.memory_space<vmem>> -> memref<128xi32, #tpu.memory_space<vmem>>
        %dma_wait3A_358 = arith.constant 0 : i32
        %dma_wait3A_359 = arith.constant 0 : i32
        %dma_wait3A_360 = tpu.memref_slice %arg11[%dma_wait3A_358, %dma_wait3A_359] : memref<10240x16xf32, #tpu.memory_space<vmem_shared>> -> memref<10240x16xf32, #tpu.memory_space<vmem_shared>>
        tpu.wait_indirect_dma semaphore(%arg14 : memref<!tpu.dma_semaphore, #tpu.memory_space<semaphore_mem>>) src(%dma_wait3A_354 : memref<128x16xf32, #tpu.memory_space<vmem>>) dst(%dma_wait3A_360 : memref<10240x16xf32, #tpu.memory_space<vmem_shared>>)
        %dma_wait3A_361 = arith.constant 4 : i32
        %dma_wait3A_362 = arith.constant 0 : i32
        %dma_wait3A_363 = arith.constant 0 : i32
        %dma_wait3A_364 = arith.constant 0 : i32
        %dma_wait3A_365 = tpu.memref_slice %arg9[%dma_wait3A_361, %dma_wait3A_363, %dma_wait3A_364] : memref<5x128x16xf32, #tpu.memory_space<vmem>> -> memref<1x128x16xf32, #tpu.memory_space<vmem>>
        %dma_wait3A_366 = tpu.memref_squeeze %dma_wait3A_365 : memref<1x128x16xf32, #tpu.memory_space<vmem>> -> memref<128x16xf32, #tpu.memory_space<vmem>>
        %dma_wait3A_367 = arith.constant 0 : i32
        %dma_wait3A_368 = tpu.memref_slice %arg8[%dma_wait3A_362, %dma_wait3A_367] : memref<80x128xi32, #tpu.memory_space<vmem>> -> memref<1x128xi32, #tpu.memory_space<vmem>>
        %dma_wait3A_369 = tpu.memref_squeeze %dma_wait3A_368 : memref<1x128xi32, #tpu.memory_space<vmem>> -> memref<128xi32, #tpu.memory_space<vmem>>
        %dma_wait3A_370 = arith.constant 0 : i32
        %dma_wait3A_371 = arith.constant 0 : i32
        %dma_wait3A_372 = tpu.memref_slice %arg11[%dma_wait3A_370, %dma_wait3A_371] : memref<10240x16xf32, #tpu.memory_space<vmem_shared>> -> memref<10240x16xf32, #tpu.memory_space<vmem_shared>>
        tpu.wait_indirect_dma semaphore(%arg14 : memref<!tpu.dma_semaphore, #tpu.memory_space<semaphore_mem>>) src(%dma_wait3A_366 : memref<128x16xf32, #tpu.memory_space<vmem>>) dst(%dma_wait3A_372 : memref<10240x16xf32, #tpu.memory_space<vmem_shared>>)
        %not3A = arith.constant true
        %not3A_373 = arith.xori %ge3A_177, %not3A : i1
        %convert_element_type3A_374 = arith.extui %not3A_373 : i1 to i32
        %cond3A_375 = arith.constant 0 : i32
        %cond3A_376 = arith.cmpi ne, %convert_element_type3A_374, %cond3A_375 : i32
        scf.if %cond3A_376 {
          %add3A_377 = arith.constant 1 : i32
          %add3A_378 = arith.addi %scan3A_139, %add3A_377 : i32
          %mul3A_379 = arith.constant 5 : i32
          %mul3A_380 = arith.muli %add3A_378, %mul3A_379 : i32
          %add3A_381 = arith.constant 0 : i32
          %add3A_382 = arith.addi %mul3A_380, %add3A_381 : i32
          %dma_start3A_383 = arith.constant 0 : i32
          %dma_start3A_384 = arith.constant 0 : i32
          %dma_start3A_385 = arith.constant 0 : i32
          %dma_start3A_386 = tpu.memref_slice %arg9[%dma_start3A_383, %dma_start3A_384, %dma_start3A_385] : memref<5x128x16xf32, #tpu.memory_space<vmem>> -> memref<1x128x16xf32, #tpu.memory_space<vmem>>
          %dma_start3A_387 = tpu.memref_squeeze %dma_start3A_386 : memref<1x128x16xf32, #tpu.memory_space<vmem>> -> memref<128x16xf32, #tpu.memory_space<vmem>>
          %dma_start3A_388 = arith.constant 0 : i32
          %dma_start3A_389 = tpu.memref_slice %arg7[%add3A_382, %dma_start3A_388] : memref<80x128xi32, #tpu.memory_space<vmem>> -> memref<1x128xi32, #tpu.memory_space<vmem>>
          %dma_start3A_390 = tpu.memref_squeeze %dma_start3A_389 : memref<1x128xi32, #tpu.memory_space<vmem>> -> memref<128xi32, #tpu.memory_space<vmem>>
          %dma_start3A_391 = arith.constant 0 : i32
          %dma_start3A_392 = arith.constant 0 : i32
          %dma_start3A_393 = tpu.memref_slice %arg2[%dma_start3A_391, %dma_start3A_392] : memref<10240x16xf32, #tpu.memory_space<hbm>> -> memref<10240x16xf32, #tpu.memory_space<hbm>>
          tpu.enqueue_indirect_dma source(%dma_start3A_393 : memref<10240x16xf32, #tpu.memory_space<hbm>>) target(%dma_start3A_387 : memref<128x16xf32, #tpu.memory_space<vmem>>) offsets(%dma_start3A_390 : memref<128xi32, #tpu.memory_space<vmem>>) semaphore(%arg12 : memref<!tpu.dma_semaphore, #tpu.memory_space<semaphore_mem>>)
          %add3A_394 = arith.constant 1 : i32
          %add3A_395 = arith.addi %scan3A_139, %add3A_394 : i32
          %mul3A_396 = arith.constant 5 : i32
          %mul3A_397 = arith.muli %add3A_395, %mul3A_396 : i32
          %add3A_398 = arith.constant 1 : i32
          %add3A_399 = arith.addi %mul3A_397, %add3A_398 : i32
          %dma_start3A_400 = arith.constant 1 : i32
          %dma_start3A_401 = arith.constant 0 : i32
          %dma_start3A_402 = arith.constant 0 : i32
          %dma_start3A_403 = tpu.memref_slice %arg9[%dma_start3A_400, %dma_start3A_401, %dma_start3A_402] : memref<5x128x16xf32, #tpu.memory_space<vmem>> -> memref<1x128x16xf32, #tpu.memory_space<vmem>>
          %dma_start3A_404 = tpu.memref_squeeze %dma_start3A_403 : memref<1x128x16xf32, #tpu.memory_space<vmem>> -> memref<128x16xf32, #tpu.memory_space<vmem>>
          %dma_start3A_405 = arith.constant 0 : i32
          %dma_start3A_406 = tpu.memref_slice %arg7[%add3A_399, %dma_start3A_405] : memref<80x128xi32, #tpu.memory_space<vmem>> -> memref<1x128xi32, #tpu.memory_space<vmem>>
          %dma_start3A_407 = tpu.memref_squeeze %dma_start3A_406 : memref<1x128xi32, #tpu.memory_space<vmem>> -> memref<128xi32, #tpu.memory_space<vmem>>
          %dma_start3A_408 = arith.constant 0 : i32
          %dma_start3A_409 = arith.constant 0 : i32
          %dma_start3A_410 = tpu.memref_slice %arg2[%dma_start3A_408, %dma_start3A_409] : memref<10240x16xf32, #tpu.memory_space<hbm>> -> memref<10240x16xf32, #tpu.memory_space<hbm>>
          tpu.enqueue_indirect_dma source(%dma_start3A_410 : memref<10240x16xf32, #tpu.memory_space<hbm>>) target(%dma_start3A_404 : memref<128x16xf32, #tpu.memory_space<vmem>>) offsets(%dma_start3A_407 : memref<128xi32, #tpu.memory_space<vmem>>) semaphore(%arg12 : memref<!tpu.dma_semaphore, #tpu.memory_space<semaphore_mem>>)
          %add3A_411 = arith.constant 1 : i32
          %add3A_412 = arith.addi %scan3A_139, %add3A_411 : i32
          %mul3A_413 = arith.constant 5 : i32
          %mul3A_414 = arith.muli %add3A_412, %mul3A_413 : i32
          %add3A_415 = arith.constant 2 : i32
          %add3A_416 = arith.addi %mul3A_414, %add3A_415 : i32
          %dma_start3A_417 = arith.constant 2 : i32
          %dma_start3A_418 = arith.constant 0 : i32
          %dma_start3A_419 = arith.constant 0 : i32
          %dma_start3A_420 = tpu.memref_slice %arg9[%dma_start3A_417, %dma_start3A_418, %dma_start3A_419] : memref<5x128x16xf32, #tpu.memory_space<vmem>> -> memref<1x128x16xf32, #tpu.memory_space<vmem>>
          %dma_start3A_421 = tpu.memref_squeeze %dma_start3A_420 : memref<1x128x16xf32, #tpu.memory_space<vmem>> -> memref<128x16xf32, #tpu.memory_space<vmem>>
          %dma_start3A_422 = arith.constant 0 : i32
          %dma_start3A_423 = tpu.memref_slice %arg7[%add3A_416, %dma_start3A_422] : memref<80x128xi32, #tpu.memory_space<vmem>> -> memref<1x128xi32, #tpu.memory_space<vmem>>
          %dma_start3A_424 = tpu.memref_squeeze %dma_start3A_423 : memref<1x128xi32, #tpu.memory_space<vmem>> -> memref<128xi32, #tpu.memory_space<vmem>>
          %dma_start3A_425 = arith.constant 0 : i32
          %dma_start3A_426 = arith.constant 0 : i32
          %dma_start3A_427 = tpu.memref_slice %arg2[%dma_start3A_425, %dma_start3A_426] : memref<10240x16xf32, #tpu.memory_space<hbm>> -> memref<10240x16xf32, #tpu.memory_space<hbm>>
          tpu.enqueue_indirect_dma source(%dma_start3A_427 : memref<10240x16xf32, #tpu.memory_space<hbm>>) target(%dma_start3A_421 : memref<128x16xf32, #tpu.memory_space<vmem>>) offsets(%dma_start3A_424 : memref<128xi32, #tpu.memory_space<vmem>>) semaphore(%arg12 : memref<!tpu.dma_semaphore, #tpu.memory_space<semaphore_mem>>)
          %add3A_428 = arith.constant 1 : i32
          %add3A_429 = arith.addi %scan3A_139, %add3A_428 : i32
          %mul3A_430 = arith.constant 5 : i32
          %mul3A_431 = arith.muli %add3A_429, %mul3A_430 : i32
          %add3A_432 = arith.constant 3 : i32
          %add3A_433 = arith.addi %mul3A_431, %add3A_432 : i32
          %dma_start3A_434 = arith.constant 3 : i32
          %dma_start3A_435 = arith.constant 0 : i32
          %dma_start3A_436 = arith.constant 0 : i32
          %dma_start3A_437 = tpu.memref_slice %arg9[%dma_start3A_434, %dma_start3A_435, %dma_start3A_436] : memref<5x128x16xf32, #tpu.memory_space<vmem>> -> memref<1x128x16xf32, #tpu.memory_space<vmem>>
          %dma_start3A_438 = tpu.memref_squeeze %dma_start3A_437 : memref<1x128x16xf32, #tpu.memory_space<vmem>> -> memref<128x16xf32, #tpu.memory_space<vmem>>
          %dma_start3A_439 = arith.constant 0 : i32
          %dma_start3A_440 = tpu.memref_slice %arg7[%add3A_433, %dma_start3A_439] : memref<80x128xi32, #tpu.memory_space<vmem>> -> memref<1x128xi32, #tpu.memory_space<vmem>>
          %dma_start3A_441 = tpu.memref_squeeze %dma_start3A_440 : memref<1x128xi32, #tpu.memory_space<vmem>> -> memref<128xi32, #tpu.memory_space<vmem>>
          %dma_start3A_442 = arith.constant 0 : i32
          %dma_start3A_443 = arith.constant 0 : i32
          %dma_start3A_444 = tpu.memref_slice %arg2[%dma_start3A_442, %dma_start3A_443] : memref<10240x16xf32, #tpu.memory_space<hbm>> -> memref<10240x16xf32, #tpu.memory_space<hbm>>
          tpu.enqueue_indirect_dma source(%dma_start3A_444 : memref<10240x16xf32, #tpu.memory_space<hbm>>) target(%dma_start3A_438 : memref<128x16xf32, #tpu.memory_space<vmem>>) offsets(%dma_start3A_441 : memref<128xi32, #tpu.memory_space<vmem>>) semaphore(%arg12 : memref<!tpu.dma_semaphore, #tpu.memory_space<semaphore_mem>>)
          %add3A_445 = arith.constant 1 : i32
          %add3A_446 = arith.addi %scan3A_139, %add3A_445 : i32
          %mul3A_447 = arith.constant 5 : i32
          %mul3A_448 = arith.muli %add3A_446, %mul3A_447 : i32
          %add3A_449 = arith.constant 4 : i32
          %add3A_450 = arith.addi %mul3A_448, %add3A_449 : i32
          %dma_start3A_451 = arith.constant 4 : i32
          %dma_start3A_452 = arith.constant 0 : i32
          %dma_start3A_453 = arith.constant 0 : i32
          %dma_start3A_454 = tpu.memref_slice %arg9[%dma_start3A_451, %dma_start3A_452, %dma_start3A_453] : memref<5x128x16xf32, #tpu.memory_space<vmem>> -> memref<1x128x16xf32, #tpu.memory_space<vmem>>
          %dma_start3A_455 = tpu.memref_squeeze %dma_start3A_454 : memref<1x128x16xf32, #tpu.memory_space<vmem>> -> memref<128x16xf32, #tpu.memory_space<vmem>>
          %dma_start3A_456 = arith.constant 0 : i32
          %dma_start3A_457 = tpu.memref_slice %arg7[%add3A_450, %dma_start3A_456] : memref<80x128xi32, #tpu.memory_space<vmem>> -> memref<1x128xi32, #tpu.memory_space<vmem>>
          %dma_start3A_458 = tpu.memref_squeeze %dma_start3A_457 : memref<1x128xi32, #tpu.memory_space<vmem>> -> memref<128xi32, #tpu.memory_space<vmem>>
          %dma_start3A_459 = arith.constant 0 : i32
          %dma_start3A_460 = arith.constant 0 : i32
          %dma_start3A_461 = tpu.memref_slice %arg2[%dma_start3A_459, %dma_start3A_460] : memref<10240x16xf32, #tpu.memory_space<hbm>> -> memref<10240x16xf32, #tpu.memory_space<hbm>>
          tpu.enqueue_indirect_dma source(%dma_start3A_461 : memref<10240x16xf32, #tpu.memory_space<hbm>>) target(%dma_start3A_455 : memref<128x16xf32, #tpu.memory_space<vmem>>) offsets(%dma_start3A_458 : memref<128xi32, #tpu.memory_space<vmem>>) semaphore(%arg12 : memref<!tpu.dma_semaphore, #tpu.memory_space<semaphore_mem>>)
        } else {
        }
      } else {
      }
    }
    %scan3A_74 = arith.constant 16 : i32
    %dma_wait3A = arith.constant 0 : i32
    %dma_wait3A_75 = arith.constant 0 : i32
    %dma_wait3A_76 = arith.constant 0 : i32
    %dma_wait3A_77 = arith.constant 0 : i32
    %dma_wait3A_78 = tpu.memref_slice %arg10[%dma_wait3A, %dma_wait3A_76, %dma_wait3A_77] : memref<5x128x16xf32, #tpu.memory_space<vmem>> -> memref<1x128x16xf32, #tpu.memory_space<vmem>>
    %dma_wait3A_79 = tpu.memref_squeeze %dma_wait3A_78 : memref<1x128x16xf32, #tpu.memory_space<vmem>> -> memref<128x16xf32, #tpu.memory_space<vmem>>
    %dma_wait3A_80 = arith.constant 0 : i32
    %dma_wait3A_81 = tpu.memref_slice %arg8[%dma_wait3A_75, %dma_wait3A_80] : memref<80x128xi32, #tpu.memory_space<vmem>> -> memref<1x128xi32, #tpu.memory_space<vmem>>
    %dma_wait3A_82 = tpu.memref_squeeze %dma_wait3A_81 : memref<1x128xi32, #tpu.memory_space<vmem>> -> memref<128xi32, #tpu.memory_space<vmem>>
    %dma_wait3A_83 = arith.constant 0 : i32
    %dma_wait3A_84 = arith.constant 0 : i32
    %dma_wait3A_85 = tpu.memref_slice %arg11[%dma_wait3A_83, %dma_wait3A_84] : memref<10240x16xf32, #tpu.memory_space<vmem_shared>> -> memref<10240x16xf32, #tpu.memory_space<vmem_shared>>
    tpu.wait_indirect_dma semaphore(%arg15 : memref<!tpu.dma_semaphore, #tpu.memory_space<semaphore_mem>>) src(%dma_wait3A_79 : memref<128x16xf32, #tpu.memory_space<vmem>>) dst(%dma_wait3A_85 : memref<10240x16xf32, #tpu.memory_space<vmem_shared>>)
    %dma_wait3A_86 = arith.constant 1 : i32
    %dma_wait3A_87 = arith.constant 0 : i32
    %dma_wait3A_88 = arith.constant 0 : i32
    %dma_wait3A_89 = arith.constant 0 : i32
    %dma_wait3A_90 = tpu.memref_slice %arg10[%dma_wait3A_86, %dma_wait3A_88, %dma_wait3A_89] : memref<5x128x16xf32, #tpu.memory_space<vmem>> -> memref<1x128x16xf32, #tpu.memory_space<vmem>>
    %dma_wait3A_91 = tpu.memref_squeeze %dma_wait3A_90 : memref<1x128x16xf32, #tpu.memory_space<vmem>> -> memref<128x16xf32, #tpu.memory_space<vmem>>
    %dma_wait3A_92 = arith.constant 0 : i32
    %dma_wait3A_93 = tpu.memref_slice %arg8[%dma_wait3A_87, %dma_wait3A_92] : memref<80x128xi32, #tpu.memory_space<vmem>> -> memref<1x128xi32, #tpu.memory_space<vmem>>
    %dma_wait3A_94 = tpu.memref_squeeze %dma_wait3A_93 : memref<1x128xi32, #tpu.memory_space<vmem>> -> memref<128xi32, #tpu.memory_space<vmem>>
    %dma_wait3A_95 = arith.constant 0 : i32
    %dma_wait3A_96 = arith.constant 0 : i32
    %dma_wait3A_97 = tpu.memref_slice %arg11[%dma_wait3A_95, %dma_wait3A_96] : memref<10240x16xf32, #tpu.memory_space<vmem_shared>> -> memref<10240x16xf32, #tpu.memory_space<vmem_shared>>
    tpu.wait_indirect_dma semaphore(%arg15 : memref<!tpu.dma_semaphore, #tpu.memory_space<semaphore_mem>>) src(%dma_wait3A_91 : memref<128x16xf32, #tpu.memory_space<vmem>>) dst(%dma_wait3A_97 : memref<10240x16xf32, #tpu.memory_space<vmem_shared>>)
    %dma_wait3A_98 = arith.constant 2 : i32
    %dma_wait3A_99 = arith.constant 0 : i32
    %dma_wait3A_100 = arith.constant 0 : i32
    %dma_wait3A_101 = arith.constant 0 : i32
    %dma_wait3A_102 = tpu.memref_slice %arg10[%dma_wait3A_98, %dma_wait3A_100, %dma_wait3A_101] : memref<5x128x16xf32, #tpu.memory_space<vmem>> -> memref<1x128x16xf32, #tpu.memory_space<vmem>>
    %dma_wait3A_103 = tpu.memref_squeeze %dma_wait3A_102 : memref<1x128x16xf32, #tpu.memory_space<vmem>> -> memref<128x16xf32, #tpu.memory_space<vmem>>
    %dma_wait3A_104 = arith.constant 0 : i32
    %dma_wait3A_105 = tpu.memref_slice %arg8[%dma_wait3A_99, %dma_wait3A_104] : memref<80x128xi32, #tpu.memory_space<vmem>> -> memref<1x128xi32, #tpu.memory_space<vmem>>
    %dma_wait3A_106 = tpu.memref_squeeze %dma_wait3A_105 : memref<1x128xi32, #tpu.memory_space<vmem>> -> memref<128xi32, #tpu.memory_space<vmem>>
    %dma_wait3A_107 = arith.constant 0 : i32
    %dma_wait3A_108 = arith.constant 0 : i32
    %dma_wait3A_109 = tpu.memref_slice %arg11[%dma_wait3A_107, %dma_wait3A_108] : memref<10240x16xf32, #tpu.memory_space<vmem_shared>> -> memref<10240x16xf32, #tpu.memory_space<vmem_shared>>
    tpu.wait_indirect_dma semaphore(%arg15 : memref<!tpu.dma_semaphore, #tpu.memory_space<semaphore_mem>>) src(%dma_wait3A_103 : memref<128x16xf32, #tpu.memory_space<vmem>>) dst(%dma_wait3A_109 : memref<10240x16xf32, #tpu.memory_space<vmem_shared>>)
    %dma_wait3A_110 = arith.constant 3 : i32
    %dma_wait3A_111 = arith.constant 0 : i32
    %dma_wait3A_112 = arith.constant 0 : i32
    %dma_wait3A_113 = arith.constant 0 : i32
    %dma_wait3A_114 = tpu.memref_slice %arg10[%dma_wait3A_110, %dma_wait3A_112, %dma_wait3A_113] : memref<5x128x16xf32, #tpu.memory_space<vmem>> -> memref<1x128x16xf32, #tpu.memory_space<vmem>>
    %dma_wait3A_115 = tpu.memref_squeeze %dma_wait3A_114 : memref<1x128x16xf32, #tpu.memory_space<vmem>> -> memref<128x16xf32, #tpu.memory_space<vmem>>
    %dma_wait3A_116 = arith.constant 0 : i32
    %dma_wait3A_117 = tpu.memref_slice %arg8[%dma_wait3A_111, %dma_wait3A_116] : memref<80x128xi32, #tpu.memory_space<vmem>> -> memref<1x128xi32, #tpu.memory_space<vmem>>
    %dma_wait3A_118 = tpu.memref_squeeze %dma_wait3A_117 : memref<1x128xi32, #tpu.memory_space<vmem>> -> memref<128xi32, #tpu.memory_space<vmem>>
    %dma_wait3A_119 = arith.constant 0 : i32
    %dma_wait3A_120 = arith.constant 0 : i32
    %dma_wait3A_121 = tpu.memref_slice %arg11[%dma_wait3A_119, %dma_wait3A_120] : memref<10240x16xf32, #tpu.memory_space<vmem_shared>> -> memref<10240x16xf32, #tpu.memory_space<vmem_shared>>
    tpu.wait_indirect_dma semaphore(%arg15 : memref<!tpu.dma_semaphore, #tpu.memory_space<semaphore_mem>>) src(%dma_wait3A_115 : memref<128x16xf32, #tpu.memory_space<vmem>>) dst(%dma_wait3A_121 : memref<10240x16xf32, #tpu.memory_space<vmem_shared>>)
    %dma_wait3A_122 = arith.constant 4 : i32
    %dma_wait3A_123 = arith.constant 0 : i32
    %dma_wait3A_124 = arith.constant 0 : i32
    %dma_wait3A_125 = arith.constant 0 : i32
    %dma_wait3A_126 = tpu.memref_slice %arg10[%dma_wait3A_122, %dma_wait3A_124, %dma_wait3A_125] : memref<5x128x16xf32, #tpu.memory_space<vmem>> -> memref<1x128x16xf32, #tpu.memory_space<vmem>>
    %dma_wait3A_127 = tpu.memref_squeeze %dma_wait3A_126 : memref<1x128x16xf32, #tpu.memory_space<vmem>> -> memref<128x16xf32, #tpu.memory_space<vmem>>
    %dma_wait3A_128 = arith.constant 0 : i32
    %dma_wait3A_129 = tpu.memref_slice %arg8[%dma_wait3A_123, %dma_wait3A_128] : memref<80x128xi32, #tpu.memory_space<vmem>> -> memref<1x128xi32, #tpu.memory_space<vmem>>
    %dma_wait3A_130 = tpu.memref_squeeze %dma_wait3A_129 : memref<1x128xi32, #tpu.memory_space<vmem>> -> memref<128xi32, #tpu.memory_space<vmem>>
    %dma_wait3A_131 = arith.constant 0 : i32
    %dma_wait3A_132 = arith.constant 0 : i32
    %dma_wait3A_133 = tpu.memref_slice %arg11[%dma_wait3A_131, %dma_wait3A_132] : memref<10240x16xf32, #tpu.memory_space<vmem_shared>> -> memref<10240x16xf32, #tpu.memory_space<vmem_shared>>
    tpu.wait_indirect_dma semaphore(%arg15 : memref<!tpu.dma_semaphore, #tpu.memory_space<semaphore_mem>>) src(%dma_wait3A_127 : memref<128x16xf32, #tpu.memory_space<vmem>>) dst(%dma_wait3A_133 : memref<10240x16xf32, #tpu.memory_space<vmem_shared>>)
    %barrier3A_134 = arith.constant 0 : index
    tpu.barrier barrier_id(%barrier3A_134)
    %mul3A_135 = arith.constant 640 : i32
    %mul3A_136 = arith.muli %arg1, %mul3A_135 : i32
    %mul3A_137 = arith.constant 640 : i32
    %mul3A_138 = arith.muli %arg1, %mul3A_137 : i32
    "tpu.region"() ({
      %run_scoped3A = tpu.sem_alloc : memref<!tpu.dma_semaphore, #tpu.memory_space<semaphore_mem>>
      %dma_start3A_139 = arith.constant 0 : i32
      %dma_start3A_140 = tpu.memref_slice %arg6[%arg0, %mul3A_138, %dma_start3A_139] : memref<2x10240x16xf32, #tpu.memory_space<hbm>> -> memref<1x640x16xf32, #tpu.memory_space<hbm>>
      %dma_start3A_141 = tpu.memref_squeeze %dma_start3A_140 : memref<1x640x16xf32, #tpu.memory_space<hbm>> -> memref<640x16xf32, #tpu.memory_space<hbm>>
      %dma_start3A_142 = arith.constant 0 : i32
      %dma_start3A_143 = tpu.memref_slice %arg11[%mul3A_136, %dma_start3A_142] : memref<10240x16xf32, #tpu.memory_space<vmem_shared>> -> memref<640x16xf32, #tpu.memory_space<vmem_shared>>
      tpu.enqueue_dma source(%dma_start3A_143 : memref<640x16xf32, #tpu.memory_space<vmem_shared>>) target(%dma_start3A_141 : memref<640x16xf32, #tpu.memory_space<hbm>>) target_semaphore(%run_scoped3A : memref<!tpu.dma_semaphore, #tpu.memory_space<semaphore_mem>>)
      %dma_wait3A_144 = arith.constant 0 : i32
      %dma_wait3A_145 = tpu.memref_slice %arg6[%arg0, %mul3A_138, %dma_wait3A_144] : memref<2x10240x16xf32, #tpu.memory_space<hbm>> -> memref<1x640x16xf32, #tpu.memory_space<hbm>>
      %dma_wait3A_146 = tpu.memref_squeeze %dma_wait3A_145 : memref<1x640x16xf32, #tpu.memory_space<hbm>> -> memref<640x16xf32, #tpu.memory_space<hbm>>
      %dma_wait3A_147 = arith.constant 0 : i32
      %dma_wait3A_148 = tpu.memref_slice %arg11[%mul3A_136, %dma_wait3A_147] : memref<10240x16xf32, #tpu.memory_space<vmem_shared>> -> memref<640x16xf32, #tpu.memory_space<vmem_shared>>
      tpu.wait_dma2 semaphore(%run_scoped3A : memref<!tpu.dma_semaphore, #tpu.memory_space<semaphore_mem>>) src(%dma_wait3A_148 : memref<640x16xf32, #tpu.memory_space<vmem_shared>>) dst(%dma_wait3A_146 : memref<640x16xf32, #tpu.memory_space<hbm>>)
      tpu.yield
    }) : () -> ()
    return
  }
}

#map = affine_map<(d0, d1) -> (0, 0, 0)>
#map1 = affine_map<(d0, d1) -> (0, 0)>
module attributes {stable_mosaic.version = 14 : i64} {
  func.func @_deg(%arg0: i32, %arg1: i32, %arg2: memref<2x2500x128xi32, #tpu.memory_space<hbm>>, %arg3: memref<2x60x128xi32, #tpu.memory_space<hbm>>, %arg4: memref<128x16xf32, #tpu.memory_space<hbm>>, %arg5: memref<10240x16xf32, #tpu.memory_space<hbm>>, %arg6: memref<2x10240x16xf32, #tpu.memory_space<hbm>>, %arg7: memref<80x128xi32, #tpu.memory_space<vmem>>, %arg8: memref<128x16xf32, #tpu.memory_space<vmem>>, %arg9: memref<10240x16xf32, #tpu.memory_space<vmem_shared>>, %arg10: memref<!tpu.dma_semaphore, #tpu.memory_space<semaphore_mem>>) attributes {dimension_semantics = [#tpu.dimension_semantics<core_parallel>, #tpu.dimension_semantics<subcore_parallel>], iteration_bounds = array<i64: 2, 16>, scalar_prefetch = 0 : i64, scratch_operands = 4 : i64, tpu.core_type = #tpu.core_type<sc_vector_subcore>, window_params = [{transform_indices = #map}, {transform_indices = #map}, {transform_indices = #map1}, {transform_indices = #map1}, {transform_indices = #map}]} {
    %mul3A = arith.constant 16 : i32
    %mul3A_0 = arith.muli %arg0, %mul3A : i32
    %add3A = arith.addi %mul3A_0, %arg1 : i32
    %mul3A_1 = arith.constant 640 : i32
    %mul3A_2 = arith.muli %arg1, %mul3A_1 : i32
    %mul3A_3 = arith.constant 640 : i32
    %mul3A_4 = arith.muli %arg1, %mul3A_3 : i32
    "tpu.region"() ({
      %run_scoped3A = tpu.sem_alloc : memref<!tpu.dma_semaphore, #tpu.memory_space<semaphore_mem>>
      %dma_start3A_131 = arith.constant 0 : i32
      %dma_start3A_132 = tpu.memref_slice %arg9[%mul3A_4, %dma_start3A_131] : memref<10240x16xf32, #tpu.memory_space<vmem_shared>> -> memref<640x16xf32, #tpu.memory_space<vmem_shared>>
      %dma_start3A_133 = arith.constant 0 : i32
      %dma_start3A_134 = tpu.memref_slice %arg5[%mul3A_2, %dma_start3A_133] : memref<10240x16xf32, #tpu.memory_space<hbm>> -> memref<640x16xf32, #tpu.memory_space<hbm>>
      tpu.enqueue_dma source(%dma_start3A_134 : memref<640x16xf32, #tpu.memory_space<hbm>>) target(%dma_start3A_132 : memref<640x16xf32, #tpu.memory_space<vmem_shared>>) target_semaphore(%run_scoped3A : memref<!tpu.dma_semaphore, #tpu.memory_space<semaphore_mem>>)
      %dma_wait3A_135 = arith.constant 0 : i32
      %dma_wait3A_136 = tpu.memref_slice %arg9[%mul3A_4, %dma_wait3A_135] : memref<10240x16xf32, #tpu.memory_space<vmem_shared>> -> memref<640x16xf32, #tpu.memory_space<vmem_shared>>
      %dma_wait3A_137 = arith.constant 0 : i32
      %dma_wait3A_138 = tpu.memref_slice %arg5[%mul3A_2, %dma_wait3A_137] : memref<10240x16xf32, #tpu.memory_space<hbm>> -> memref<640x16xf32, #tpu.memory_space<hbm>>
      tpu.wait_dma2 semaphore(%run_scoped3A : memref<!tpu.dma_semaphore, #tpu.memory_space<semaphore_mem>>) src(%dma_wait3A_138 : memref<640x16xf32, #tpu.memory_space<hbm>>) dst(%dma_wait3A_136 : memref<640x16xf32, #tpu.memory_space<vmem_shared>>)
      tpu.yield
    }) : () -> ()
    "tpu.region"() ({
      %run_scoped3A = tpu.sem_alloc : memref<!tpu.dma_semaphore, #tpu.memory_space<semaphore_mem>>
      tpu.enqueue_dma source(%arg4 : memref<128x16xf32, #tpu.memory_space<hbm>>) target(%arg8 : memref<128x16xf32, #tpu.memory_space<vmem>>) target_semaphore(%run_scoped3A : memref<!tpu.dma_semaphore, #tpu.memory_space<semaphore_mem>>)
      tpu.wait_dma2 semaphore(%run_scoped3A : memref<!tpu.dma_semaphore, #tpu.memory_space<semaphore_mem>>) src(%arg4 : memref<128x16xf32, #tpu.memory_space<hbm>>) dst(%arg8 : memref<128x16xf32, #tpu.memory_space<vmem>>)
      tpu.yield
    }) : () -> ()
    %lt3A = arith.constant 31 : i32
    %lt3A_5 = arith.cmpi slt, %add3A, %lt3A : i32
    %convert_element_type3A = arith.extui %lt3A_5 : i1 to i32
    %cond3A = arith.constant 0 : i32
    %cond3A_6 = arith.cmpi ne, %convert_element_type3A, %cond3A : i32
    scf.if %cond3A_6 {
      %mul3A_131 = arith.constant 80 : i32
      %mul3A_132 = arith.muli %add3A, %mul3A_131 : i32
      %run_scoped3A = arith.constant 1 : i32
      "tpu.region"() ({
        %run_scoped3A_133 = tpu.sem_alloc : memref<!tpu.dma_semaphore, #tpu.memory_space<semaphore_mem>>
        %dma_start3A_134 = arith.constant 0 : i32
        %dma_start3A_135 = tpu.memref_slice %arg2[%run_scoped3A, %mul3A_132, %dma_start3A_134] : memref<2x2500x128xi32, #tpu.memory_space<hbm>> -> memref<1x80x128xi32, #tpu.memory_space<hbm>>
        %dma_start3A_136 = tpu.memref_squeeze %dma_start3A_135 : memref<1x80x128xi32, #tpu.memory_space<hbm>> -> memref<80x128xi32, #tpu.memory_space<hbm>>
        %dma_start3A_137 = arith.constant 0 : i32
        %dma_start3A_138 = tpu.memref_slice %arg2[%run_scoped3A, %mul3A_132, %dma_start3A_137] : memref<2x2500x128xi32, #tpu.memory_space<hbm>> -> memref<1x80x128xi32, #tpu.memory_space<hbm>>
        %dma_start3A_139 = tpu.memref_squeeze %dma_start3A_138 : memref<1x80x128xi32, #tpu.memory_space<hbm>> -> memref<80x128xi32, #tpu.memory_space<hbm>>
        tpu.enqueue_dma source(%dma_start3A_139 : memref<80x128xi32, #tpu.memory_space<hbm>>) target(%arg7 : memref<80x128xi32, #tpu.memory_space<vmem>>) target_semaphore(%run_scoped3A_133 : memref<!tpu.dma_semaphore, #tpu.memory_space<semaphore_mem>>)
        %dma_wait3A_140 = arith.constant 0 : i32
        %dma_wait3A_141 = tpu.memref_slice %arg2[%run_scoped3A, %mul3A_132, %dma_wait3A_140] : memref<2x2500x128xi32, #tpu.memory_space<hbm>> -> memref<1x80x128xi32, #tpu.memory_space<hbm>>
        %dma_wait3A_142 = tpu.memref_squeeze %dma_wait3A_141 : memref<1x80x128xi32, #tpu.memory_space<hbm>> -> memref<80x128xi32, #tpu.memory_space<hbm>>
        %dma_wait3A_143 = arith.constant 0 : i32
        %dma_wait3A_144 = tpu.memref_slice %arg2[%run_scoped3A, %mul3A_132, %dma_wait3A_143] : memref<2x2500x128xi32, #tpu.memory_space<hbm>> -> memref<1x80x128xi32, #tpu.memory_space<hbm>>
        %dma_wait3A_145 = tpu.memref_squeeze %dma_wait3A_144 : memref<1x80x128xi32, #tpu.memory_space<hbm>> -> memref<80x128xi32, #tpu.memory_space<hbm>>
        tpu.wait_dma2 semaphore(%run_scoped3A_133 : memref<!tpu.dma_semaphore, #tpu.memory_space<semaphore_mem>>) src(%dma_wait3A_145 : memref<80x128xi32, #tpu.memory_space<hbm>>) dst(%arg7 : memref<80x128xi32, #tpu.memory_space<vmem>>)
        tpu.yield
      }) : () -> ()
    } else {
    }
    %eq3A = arith.constant 31 : i32
    %eq3A_7 = arith.cmpi eq, %add3A, %eq3A : i32
    %convert_element_type3A_8 = arith.extui %eq3A_7 : i1 to i32
    %cond3A_9 = arith.constant 0 : i32
    %cond3A_10 = arith.cmpi ne, %convert_element_type3A_8, %cond3A_9 : i32
    scf.if %cond3A_10 {
      %mul3A_131 = arith.constant 80 : i32
      %mul3A_132 = arith.muli %add3A, %mul3A_131 : i32
      %run_scoped3A = arith.constant 1 : i32
      "tpu.region"() ({
        %run_scoped3A_134 = tpu.sem_alloc : memref<!tpu.dma_semaphore, #tpu.memory_space<semaphore_mem>>
        %dma_start3A_135 = arith.constant 0 : i32
        %dma_start3A_136 = arith.constant 0 : i32
        %dma_start3A_137 = tpu.memref_slice %arg7[%dma_start3A_135, %dma_start3A_136] : memref<80x128xi32, #tpu.memory_space<vmem>> -> memref<20x128xi32, #tpu.memory_space<vmem>>
        %dma_start3A_138 = arith.constant 0 : i32
        %dma_start3A_139 = tpu.memref_slice %arg2[%run_scoped3A, %mul3A_132, %dma_start3A_138] : memref<2x2500x128xi32, #tpu.memory_space<hbm>> -> memref<1x20x128xi32, #tpu.memory_space<hbm>>
        %dma_start3A_140 = tpu.memref_squeeze %dma_start3A_139 : memref<1x20x128xi32, #tpu.memory_space<hbm>> -> memref<20x128xi32, #tpu.memory_space<hbm>>
        %dma_start3A_141 = arith.constant 0 : i32
        %dma_start3A_142 = arith.constant 0 : i32
        %dma_start3A_143 = tpu.memref_slice %arg7[%dma_start3A_141, %dma_start3A_142] : memref<80x128xi32, #tpu.memory_space<vmem>> -> memref<20x128xi32, #tpu.memory_space<vmem>>
        %dma_start3A_144 = arith.constant 0 : i32
        %dma_start3A_145 = tpu.memref_slice %arg2[%run_scoped3A, %mul3A_132, %dma_start3A_144] : memref<2x2500x128xi32, #tpu.memory_space<hbm>> -> memref<1x20x128xi32, #tpu.memory_space<hbm>>
        %dma_start3A_146 = tpu.memref_squeeze %dma_start3A_145 : memref<1x20x128xi32, #tpu.memory_space<hbm>> -> memref<20x128xi32, #tpu.memory_space<hbm>>
        tpu.enqueue_dma source(%dma_start3A_146 : memref<20x128xi32, #tpu.memory_space<hbm>>) target(%dma_start3A_143 : memref<20x128xi32, #tpu.memory_space<vmem>>) target_semaphore(%run_scoped3A_134 : memref<!tpu.dma_semaphore, #tpu.memory_space<semaphore_mem>>)
        %dma_wait3A_147 = arith.constant 0 : i32
        %dma_wait3A_148 = arith.constant 0 : i32
        %dma_wait3A_149 = tpu.memref_slice %arg7[%dma_wait3A_147, %dma_wait3A_148] : memref<80x128xi32, #tpu.memory_space<vmem>> -> memref<20x128xi32, #tpu.memory_space<vmem>>
        %dma_wait3A_150 = arith.constant 0 : i32
        %dma_wait3A_151 = tpu.memref_slice %arg2[%run_scoped3A, %mul3A_132, %dma_wait3A_150] : memref<2x2500x128xi32, #tpu.memory_space<hbm>> -> memref<1x20x128xi32, #tpu.memory_space<hbm>>
        %dma_wait3A_152 = tpu.memref_squeeze %dma_wait3A_151 : memref<1x20x128xi32, #tpu.memory_space<hbm>> -> memref<20x128xi32, #tpu.memory_space<hbm>>
        %dma_wait3A_153 = arith.constant 0 : i32
        %dma_wait3A_154 = arith.constant 0 : i32
        %dma_wait3A_155 = tpu.memref_slice %arg7[%dma_wait3A_153, %dma_wait3A_154] : memref<80x128xi32, #tpu.memory_space<vmem>> -> memref<20x128xi32, #tpu.memory_space<vmem>>
        %dma_wait3A_156 = arith.constant 0 : i32
        %dma_wait3A_157 = tpu.memref_slice %arg2[%run_scoped3A, %mul3A_132, %dma_wait3A_156] : memref<2x2500x128xi32, #tpu.memory_space<hbm>> -> memref<1x20x128xi32, #tpu.memory_space<hbm>>
        %dma_wait3A_158 = tpu.memref_squeeze %dma_wait3A_157 : memref<1x20x128xi32, #tpu.memory_space<hbm>> -> memref<20x128xi32, #tpu.memory_space<hbm>>
        tpu.wait_dma2 semaphore(%run_scoped3A_134 : memref<!tpu.dma_semaphore, #tpu.memory_space<semaphore_mem>>) src(%dma_wait3A_158 : memref<20x128xi32, #tpu.memory_space<hbm>>) dst(%dma_wait3A_155 : memref<20x128xi32, #tpu.memory_space<vmem>>)
        tpu.yield
      }) : () -> ()
      %run_scoped3A_133 = arith.constant 1 : i32
      "tpu.region"() ({
        %run_scoped3A_134 = tpu.sem_alloc : memref<!tpu.dma_semaphore, #tpu.memory_space<semaphore_mem>>
        %dma_start3A_135 = arith.constant 20 : i32
        %dma_start3A_136 = arith.constant 0 : i32
        %dma_start3A_137 = tpu.memref_slice %arg7[%dma_start3A_135, %dma_start3A_136] : memref<80x128xi32, #tpu.memory_space<vmem>> -> memref<60x128xi32, #tpu.memory_space<vmem>>
        %dma_start3A_138 = arith.constant 0 : i32
        %dma_start3A_139 = arith.constant 0 : i32
        %dma_start3A_140 = tpu.memref_slice %arg3[%run_scoped3A_133, %dma_start3A_138, %dma_start3A_139] : memref<2x60x128xi32, #tpu.memory_space<hbm>> -> memref<1x60x128xi32, #tpu.memory_space<hbm>>
        %dma_start3A_141 = tpu.memref_squeeze %dma_start3A_140 : memref<1x60x128xi32, #tpu.memory_space<hbm>> -> memref<60x128xi32, #tpu.memory_space<hbm>>
        %dma_start3A_142 = arith.constant 20 : i32
        %dma_start3A_143 = arith.constant 0 : i32
        %dma_start3A_144 = tpu.memref_slice %arg7[%dma_start3A_142, %dma_start3A_143] : memref<80x128xi32, #tpu.memory_space<vmem>> -> memref<60x128xi32, #tpu.memory_space<vmem>>
        %dma_start3A_145 = arith.constant 0 : i32
        %dma_start3A_146 = arith.constant 0 : i32
        %dma_start3A_147 = tpu.memref_slice %arg3[%run_scoped3A_133, %dma_start3A_145, %dma_start3A_146] : memref<2x60x128xi32, #tpu.memory_space<hbm>> -> memref<1x60x128xi32, #tpu.memory_space<hbm>>
        %dma_start3A_148 = tpu.memref_squeeze %dma_start3A_147 : memref<1x60x128xi32, #tpu.memory_space<hbm>> -> memref<60x128xi32, #tpu.memory_space<hbm>>
        tpu.enqueue_dma source(%dma_start3A_148 : memref<60x128xi32, #tpu.memory_space<hbm>>) target(%dma_start3A_144 : memref<60x128xi32, #tpu.memory_space<vmem>>) target_semaphore(%run_scoped3A_134 : memref<!tpu.dma_semaphore, #tpu.memory_space<semaphore_mem>>)
        %dma_wait3A_149 = arith.constant 20 : i32
        %dma_wait3A_150 = arith.constant 0 : i32
        %dma_wait3A_151 = tpu.memref_slice %arg7[%dma_wait3A_149, %dma_wait3A_150] : memref<80x128xi32, #tpu.memory_space<vmem>> -> memref<60x128xi32, #tpu.memory_space<vmem>>
        %dma_wait3A_152 = arith.constant 0 : i32
        %dma_wait3A_153 = arith.constant 0 : i32
        %dma_wait3A_154 = tpu.memref_slice %arg3[%run_scoped3A_133, %dma_wait3A_152, %dma_wait3A_153] : memref<2x60x128xi32, #tpu.memory_space<hbm>> -> memref<1x60x128xi32, #tpu.memory_space<hbm>>
        %dma_wait3A_155 = tpu.memref_squeeze %dma_wait3A_154 : memref<1x60x128xi32, #tpu.memory_space<hbm>> -> memref<60x128xi32, #tpu.memory_space<hbm>>
        %dma_wait3A_156 = arith.constant 20 : i32
        %dma_wait3A_157 = arith.constant 0 : i32
        %dma_wait3A_158 = tpu.memref_slice %arg7[%dma_wait3A_156, %dma_wait3A_157] : memref<80x128xi32, #tpu.memory_space<vmem>> -> memref<60x128xi32, #tpu.memory_space<vmem>>
        %dma_wait3A_159 = arith.constant 0 : i32
        %dma_wait3A_160 = arith.constant 0 : i32
        %dma_wait3A_161 = tpu.memref_slice %arg3[%run_scoped3A_133, %dma_wait3A_159, %dma_wait3A_160] : memref<2x60x128xi32, #tpu.memory_space<hbm>> -> memref<1x60x128xi32, #tpu.memory_space<hbm>>
        %dma_wait3A_162 = tpu.memref_squeeze %dma_wait3A_161 : memref<1x60x128xi32, #tpu.memory_space<hbm>> -> memref<60x128xi32, #tpu.memory_space<hbm>>
        tpu.wait_dma2 semaphore(%run_scoped3A_134 : memref<!tpu.dma_semaphore, #tpu.memory_space<semaphore_mem>>) src(%dma_wait3A_162 : memref<60x128xi32, #tpu.memory_space<hbm>>) dst(%dma_wait3A_158 : memref<60x128xi32, #tpu.memory_space<vmem>>)
        tpu.yield
      }) : () -> ()
    } else {
    }
    %barrier3A = arith.constant 0 : index
    tpu.barrier barrier_id(%barrier3A)
    %dma_start3A = arith.constant 0 : i32
    %dma_start3A_11 = arith.constant 0 : i32
    %dma_start3A_12 = tpu.memref_slice %arg7[%dma_start3A, %dma_start3A_11] : memref<80x128xi32, #tpu.memory_space<vmem>> -> memref<1x128xi32, #tpu.memory_space<vmem>>
    %dma_start3A_13 = tpu.memref_squeeze %dma_start3A_12 : memref<1x128xi32, #tpu.memory_space<vmem>> -> memref<128xi32, #tpu.memory_space<vmem>>
    %dma_start3A_14 = arith.constant 0 : i32
    %dma_start3A_15 = arith.constant 0 : i32
    %dma_start3A_16 = tpu.memref_slice %arg9[%dma_start3A_14, %dma_start3A_15] : memref<10240x16xf32, #tpu.memory_space<vmem_shared>> -> memref<10240x16xf32, #tpu.memory_space<vmem_shared>>
    tpu.enqueue_indirect_dma source(%arg8 : memref<128x16xf32, #tpu.memory_space<vmem>>) target(%dma_start3A_16 : memref<10240x16xf32, #tpu.memory_space<vmem_shared>>) offsets(%dma_start3A_13 : memref<128xi32, #tpu.memory_space<vmem>>) semaphore(%arg10 : memref<!tpu.dma_semaphore, #tpu.memory_space<semaphore_mem>>) {add = true}
    %dma_start3A_17 = arith.constant 1 : i32
    %dma_start3A_18 = arith.constant 0 : i32
    %dma_start3A_19 = tpu.memref_slice %arg7[%dma_start3A_17, %dma_start3A_18] : memref<80x128xi32, #tpu.memory_space<vmem>> -> memref<1x128xi32, #tpu.memory_space<vmem>>
    %dma_start3A_20 = tpu.memref_squeeze %dma_start3A_19 : memref<1x128xi32, #tpu.memory_space<vmem>> -> memref<128xi32, #tpu.memory_space<vmem>>
    %dma_start3A_21 = arith.constant 0 : i32
    %dma_start3A_22 = arith.constant 0 : i32
    %dma_start3A_23 = tpu.memref_slice %arg9[%dma_start3A_21, %dma_start3A_22] : memref<10240x16xf32, #tpu.memory_space<vmem_shared>> -> memref<10240x16xf32, #tpu.memory_space<vmem_shared>>
    tpu.enqueue_indirect_dma source(%arg8 : memref<128x16xf32, #tpu.memory_space<vmem>>) target(%dma_start3A_23 : memref<10240x16xf32, #tpu.memory_space<vmem_shared>>) offsets(%dma_start3A_20 : memref<128xi32, #tpu.memory_space<vmem>>) semaphore(%arg10 : memref<!tpu.dma_semaphore, #tpu.memory_space<semaphore_mem>>) {add = true}
    %dma_start3A_24 = arith.constant 2 : i32
    %dma_start3A_25 = arith.constant 0 : i32
    %dma_start3A_26 = tpu.memref_slice %arg7[%dma_start3A_24, %dma_start3A_25] : memref<80x128xi32, #tpu.memory_space<vmem>> -> memref<1x128xi32, #tpu.memory_space<vmem>>
    %dma_start3A_27 = tpu.memref_squeeze %dma_start3A_26 : memref<1x128xi32, #tpu.memory_space<vmem>> -> memref<128xi32, #tpu.memory_space<vmem>>
    %dma_start3A_28 = arith.constant 0 : i32
    %dma_start3A_29 = arith.constant 0 : i32
    %dma_start3A_30 = tpu.memref_slice %arg9[%dma_start3A_28, %dma_start3A_29] : memref<10240x16xf32, #tpu.memory_space<vmem_shared>> -> memref<10240x16xf32, #tpu.memory_space<vmem_shared>>
    tpu.enqueue_indirect_dma source(%arg8 : memref<128x16xf32, #tpu.memory_space<vmem>>) target(%dma_start3A_30 : memref<10240x16xf32, #tpu.memory_space<vmem_shared>>) offsets(%dma_start3A_27 : memref<128xi32, #tpu.memory_space<vmem>>) semaphore(%arg10 : memref<!tpu.dma_semaphore, #tpu.memory_space<semaphore_mem>>) {add = true}
    %dma_start3A_31 = arith.constant 3 : i32
    %dma_start3A_32 = arith.constant 0 : i32
    %dma_start3A_33 = tpu.memref_slice %arg7[%dma_start3A_31, %dma_start3A_32] : memref<80x128xi32, #tpu.memory_space<vmem>> -> memref<1x128xi32, #tpu.memory_space<vmem>>
    %dma_start3A_34 = tpu.memref_squeeze %dma_start3A_33 : memref<1x128xi32, #tpu.memory_space<vmem>> -> memref<128xi32, #tpu.memory_space<vmem>>
    %dma_start3A_35 = arith.constant 0 : i32
    %dma_start3A_36 = arith.constant 0 : i32
    %dma_start3A_37 = tpu.memref_slice %arg9[%dma_start3A_35, %dma_start3A_36] : memref<10240x16xf32, #tpu.memory_space<vmem_shared>> -> memref<10240x16xf32, #tpu.memory_space<vmem_shared>>
    tpu.enqueue_indirect_dma source(%arg8 : memref<128x16xf32, #tpu.memory_space<vmem>>) target(%dma_start3A_37 : memref<10240x16xf32, #tpu.memory_space<vmem_shared>>) offsets(%dma_start3A_34 : memref<128xi32, #tpu.memory_space<vmem>>) semaphore(%arg10 : memref<!tpu.dma_semaphore, #tpu.memory_space<semaphore_mem>>) {add = true}
    %dma_start3A_38 = arith.constant 4 : i32
    %dma_start3A_39 = arith.constant 0 : i32
    %dma_start3A_40 = tpu.memref_slice %arg7[%dma_start3A_38, %dma_start3A_39] : memref<80x128xi32, #tpu.memory_space<vmem>> -> memref<1x128xi32, #tpu.memory_space<vmem>>
    %dma_start3A_41 = tpu.memref_squeeze %dma_start3A_40 : memref<1x128xi32, #tpu.memory_space<vmem>> -> memref<128xi32, #tpu.memory_space<vmem>>
    %dma_start3A_42 = arith.constant 0 : i32
    %dma_start3A_43 = arith.constant 0 : i32
    %dma_start3A_44 = tpu.memref_slice %arg9[%dma_start3A_42, %dma_start3A_43] : memref<10240x16xf32, #tpu.memory_space<vmem_shared>> -> memref<10240x16xf32, #tpu.memory_space<vmem_shared>>
    tpu.enqueue_indirect_dma source(%arg8 : memref<128x16xf32, #tpu.memory_space<vmem>>) target(%dma_start3A_44 : memref<10240x16xf32, #tpu.memory_space<vmem_shared>>) offsets(%dma_start3A_41 : memref<128xi32, #tpu.memory_space<vmem>>) semaphore(%arg10 : memref<!tpu.dma_semaphore, #tpu.memory_space<semaphore_mem>>) {add = true}
    %dma_start3A_45 = arith.constant 5 : i32
    %dma_start3A_46 = arith.constant 0 : i32
    %dma_start3A_47 = tpu.memref_slice %arg7[%dma_start3A_45, %dma_start3A_46] : memref<80x128xi32, #tpu.memory_space<vmem>> -> memref<1x128xi32, #tpu.memory_space<vmem>>
    %dma_start3A_48 = tpu.memref_squeeze %dma_start3A_47 : memref<1x128xi32, #tpu.memory_space<vmem>> -> memref<128xi32, #tpu.memory_space<vmem>>
    %dma_start3A_49 = arith.constant 0 : i32
    %dma_start3A_50 = arith.constant 0 : i32
    %dma_start3A_51 = tpu.memref_slice %arg9[%dma_start3A_49, %dma_start3A_50] : memref<10240x16xf32, #tpu.memory_space<vmem_shared>> -> memref<10240x16xf32, #tpu.memory_space<vmem_shared>>
    tpu.enqueue_indirect_dma source(%arg8 : memref<128x16xf32, #tpu.memory_space<vmem>>) target(%dma_start3A_51 : memref<10240x16xf32, #tpu.memory_space<vmem_shared>>) offsets(%dma_start3A_48 : memref<128xi32, #tpu.memory_space<vmem>>) semaphore(%arg10 : memref<!tpu.dma_semaphore, #tpu.memory_space<semaphore_mem>>) {add = true}
    %dma_start3A_52 = arith.constant 6 : i32
    %dma_start3A_53 = arith.constant 0 : i32
    %dma_start3A_54 = tpu.memref_slice %arg7[%dma_start3A_52, %dma_start3A_53] : memref<80x128xi32, #tpu.memory_space<vmem>> -> memref<1x128xi32, #tpu.memory_space<vmem>>
    %dma_start3A_55 = tpu.memref_squeeze %dma_start3A_54 : memref<1x128xi32, #tpu.memory_space<vmem>> -> memref<128xi32, #tpu.memory_space<vmem>>
    %dma_start3A_56 = arith.constant 0 : i32
    %dma_start3A_57 = arith.constant 0 : i32
    %dma_start3A_58 = tpu.memref_slice %arg9[%dma_start3A_56, %dma_start3A_57] : memref<10240x16xf32, #tpu.memory_space<vmem_shared>> -> memref<10240x16xf32, #tpu.memory_space<vmem_shared>>
    tpu.enqueue_indirect_dma source(%arg8 : memref<128x16xf32, #tpu.memory_space<vmem>>) target(%dma_start3A_58 : memref<10240x16xf32, #tpu.memory_space<vmem_shared>>) offsets(%dma_start3A_55 : memref<128xi32, #tpu.memory_space<vmem>>) semaphore(%arg10 : memref<!tpu.dma_semaphore, #tpu.memory_space<semaphore_mem>>) {add = true}
    %dma_start3A_59 = arith.constant 7 : i32
    %dma_start3A_60 = arith.constant 0 : i32
    %dma_start3A_61 = tpu.memref_slice %arg7[%dma_start3A_59, %dma_start3A_60] : memref<80x128xi32, #tpu.memory_space<vmem>> -> memref<1x128xi32, #tpu.memory_space<vmem>>
    %dma_start3A_62 = tpu.memref_squeeze %dma_start3A_61 : memref<1x128xi32, #tpu.memory_space<vmem>> -> memref<128xi32, #tpu.memory_space<vmem>>
    %dma_start3A_63 = arith.constant 0 : i32
    %dma_start3A_64 = arith.constant 0 : i32
    %dma_start3A_65 = tpu.memref_slice %arg9[%dma_start3A_63, %dma_start3A_64] : memref<10240x16xf32, #tpu.memory_space<vmem_shared>> -> memref<10240x16xf32, #tpu.memory_space<vmem_shared>>
    tpu.enqueue_indirect_dma source(%arg8 : memref<128x16xf32, #tpu.memory_space<vmem>>) target(%dma_start3A_65 : memref<10240x16xf32, #tpu.memory_space<vmem_shared>>) offsets(%dma_start3A_62 : memref<128xi32, #tpu.memory_space<vmem>>) semaphore(%arg10 : memref<!tpu.dma_semaphore, #tpu.memory_space<semaphore_mem>>) {add = true}
    %scan3A = arith.constant 0 : i32
    %scan3A_66 = arith.constant 1 : i32
    %scan3A_67 = arith.constant 9 : i32
    %scan3A_68 = arith.addi %scan3A_66, %scan3A_67 : i32
    %scan3A_69 = arith.constant 1 : i32
    scf.for %scan3A_131 = %scan3A_66 to %scan3A_68 step %scan3A_69  : i32 {
      %mul3A_132 = arith.constant 8 : i32
      %mul3A_133 = arith.muli %scan3A_131, %mul3A_132 : i32
      %add3A_134 = arith.constant 0 : i32
      %add3A_135 = arith.addi %mul3A_133, %add3A_134 : i32
      %dma_start3A_136 = arith.constant 0 : i32
      %dma_start3A_137 = tpu.memref_slice %arg7[%add3A_135, %dma_start3A_136] : memref<80x128xi32, #tpu.memory_space<vmem>> -> memref<1x128xi32, #tpu.memory_space<vmem>>
      %dma_start3A_138 = tpu.memref_squeeze %dma_start3A_137 : memref<1x128xi32, #tpu.memory_space<vmem>> -> memref<128xi32, #tpu.memory_space<vmem>>
      %dma_start3A_139 = arith.constant 0 : i32
      %dma_start3A_140 = arith.constant 0 : i32
      %dma_start3A_141 = tpu.memref_slice %arg9[%dma_start3A_139, %dma_start3A_140] : memref<10240x16xf32, #tpu.memory_space<vmem_shared>> -> memref<10240x16xf32, #tpu.memory_space<vmem_shared>>
      tpu.enqueue_indirect_dma source(%arg8 : memref<128x16xf32, #tpu.memory_space<vmem>>) target(%dma_start3A_141 : memref<10240x16xf32, #tpu.memory_space<vmem_shared>>) offsets(%dma_start3A_138 : memref<128xi32, #tpu.memory_space<vmem>>) semaphore(%arg10 : memref<!tpu.dma_semaphore, #tpu.memory_space<semaphore_mem>>) {add = true}
      %mul3A_142 = arith.constant 8 : i32
      %mul3A_143 = arith.muli %scan3A_131, %mul3A_142 : i32
      %add3A_144 = arith.constant 1 : i32
      %add3A_145 = arith.addi %mul3A_143, %add3A_144 : i32
      %dma_start3A_146 = arith.constant 0 : i32
      %dma_start3A_147 = tpu.memref_slice %arg7[%add3A_145, %dma_start3A_146] : memref<80x128xi32, #tpu.memory_space<vmem>> -> memref<1x128xi32, #tpu.memory_space<vmem>>
      %dma_start3A_148 = tpu.memref_squeeze %dma_start3A_147 : memref<1x128xi32, #tpu.memory_space<vmem>> -> memref<128xi32, #tpu.memory_space<vmem>>
      %dma_start3A_149 = arith.constant 0 : i32
      %dma_start3A_150 = arith.constant 0 : i32
      %dma_start3A_151 = tpu.memref_slice %arg9[%dma_start3A_149, %dma_start3A_150] : memref<10240x16xf32, #tpu.memory_space<vmem_shared>> -> memref<10240x16xf32, #tpu.memory_space<vmem_shared>>
      tpu.enqueue_indirect_dma source(%arg8 : memref<128x16xf32, #tpu.memory_space<vmem>>) target(%dma_start3A_151 : memref<10240x16xf32, #tpu.memory_space<vmem_shared>>) offsets(%dma_start3A_148 : memref<128xi32, #tpu.memory_space<vmem>>) semaphore(%arg10 : memref<!tpu.dma_semaphore, #tpu.memory_space<semaphore_mem>>) {add = true}
      %mul3A_152 = arith.constant 8 : i32
      %mul3A_153 = arith.muli %scan3A_131, %mul3A_152 : i32
      %add3A_154 = arith.constant 2 : i32
      %add3A_155 = arith.addi %mul3A_153, %add3A_154 : i32
      %dma_start3A_156 = arith.constant 0 : i32
      %dma_start3A_157 = tpu.memref_slice %arg7[%add3A_155, %dma_start3A_156] : memref<80x128xi32, #tpu.memory_space<vmem>> -> memref<1x128xi32, #tpu.memory_space<vmem>>
      %dma_start3A_158 = tpu.memref_squeeze %dma_start3A_157 : memref<1x128xi32, #tpu.memory_space<vmem>> -> memref<128xi32, #tpu.memory_space<vmem>>
      %dma_start3A_159 = arith.constant 0 : i32
      %dma_start3A_160 = arith.constant 0 : i32
      %dma_start3A_161 = tpu.memref_slice %arg9[%dma_start3A_159, %dma_start3A_160] : memref<10240x16xf32, #tpu.memory_space<vmem_shared>> -> memref<10240x16xf32, #tpu.memory_space<vmem_shared>>
      tpu.enqueue_indirect_dma source(%arg8 : memref<128x16xf32, #tpu.memory_space<vmem>>) target(%dma_start3A_161 : memref<10240x16xf32, #tpu.memory_space<vmem_shared>>) offsets(%dma_start3A_158 : memref<128xi32, #tpu.memory_space<vmem>>) semaphore(%arg10 : memref<!tpu.dma_semaphore, #tpu.memory_space<semaphore_mem>>) {add = true}
      %mul3A_162 = arith.constant 8 : i32
      %mul3A_163 = arith.muli %scan3A_131, %mul3A_162 : i32
      %add3A_164 = arith.constant 3 : i32
      %add3A_165 = arith.addi %mul3A_163, %add3A_164 : i32
      %dma_start3A_166 = arith.constant 0 : i32
      %dma_start3A_167 = tpu.memref_slice %arg7[%add3A_165, %dma_start3A_166] : memref<80x128xi32, #tpu.memory_space<vmem>> -> memref<1x128xi32, #tpu.memory_space<vmem>>
      %dma_start3A_168 = tpu.memref_squeeze %dma_start3A_167 : memref<1x128xi32, #tpu.memory_space<vmem>> -> memref<128xi32, #tpu.memory_space<vmem>>
      %dma_start3A_169 = arith.constant 0 : i32
      %dma_start3A_170 = arith.constant 0 : i32
      %dma_start3A_171 = tpu.memref_slice %arg9[%dma_start3A_169, %dma_start3A_170] : memref<10240x16xf32, #tpu.memory_space<vmem_shared>> -> memref<10240x16xf32, #tpu.memory_space<vmem_shared>>
      tpu.enqueue_indirect_dma source(%arg8 : memref<128x16xf32, #tpu.memory_space<vmem>>) target(%dma_start3A_171 : memref<10240x16xf32, #tpu.memory_space<vmem_shared>>) offsets(%dma_start3A_168 : memref<128xi32, #tpu.memory_space<vmem>>) semaphore(%arg10 : memref<!tpu.dma_semaphore, #tpu.memory_space<semaphore_mem>>) {add = true}
      %mul3A_172 = arith.constant 8 : i32
      %mul3A_173 = arith.muli %scan3A_131, %mul3A_172 : i32
      %add3A_174 = arith.constant 4 : i32
      %add3A_175 = arith.addi %mul3A_173, %add3A_174 : i32
      %dma_start3A_176 = arith.constant 0 : i32
      %dma_start3A_177 = tpu.memref_slice %arg7[%add3A_175, %dma_start3A_176] : memref<80x128xi32, #tpu.memory_space<vmem>> -> memref<1x128xi32, #tpu.memory_space<vmem>>
      %dma_start3A_178 = tpu.memref_squeeze %dma_start3A_177 : memref<1x128xi32, #tpu.memory_space<vmem>> -> memref<128xi32, #tpu.memory_space<vmem>>
      %dma_start3A_179 = arith.constant 0 : i32
      %dma_start3A_180 = arith.constant 0 : i32
      %dma_start3A_181 = tpu.memref_slice %arg9[%dma_start3A_179, %dma_start3A_180] : memref<10240x16xf32, #tpu.memory_space<vmem_shared>> -> memref<10240x16xf32, #tpu.memory_space<vmem_shared>>
      tpu.enqueue_indirect_dma source(%arg8 : memref<128x16xf32, #tpu.memory_space<vmem>>) target(%dma_start3A_181 : memref<10240x16xf32, #tpu.memory_space<vmem_shared>>) offsets(%dma_start3A_178 : memref<128xi32, #tpu.memory_space<vmem>>) semaphore(%arg10 : memref<!tpu.dma_semaphore, #tpu.memory_space<semaphore_mem>>) {add = true}
      %mul3A_182 = arith.constant 8 : i32
      %mul3A_183 = arith.muli %scan3A_131, %mul3A_182 : i32
      %add3A_184 = arith.constant 5 : i32
      %add3A_185 = arith.addi %mul3A_183, %add3A_184 : i32
      %dma_start3A_186 = arith.constant 0 : i32
      %dma_start3A_187 = tpu.memref_slice %arg7[%add3A_185, %dma_start3A_186] : memref<80x128xi32, #tpu.memory_space<vmem>> -> memref<1x128xi32, #tpu.memory_space<vmem>>
      %dma_start3A_188 = tpu.memref_squeeze %dma_start3A_187 : memref<1x128xi32, #tpu.memory_space<vmem>> -> memref<128xi32, #tpu.memory_space<vmem>>
      %dma_start3A_189 = arith.constant 0 : i32
      %dma_start3A_190 = arith.constant 0 : i32
      %dma_start3A_191 = tpu.memref_slice %arg9[%dma_start3A_189, %dma_start3A_190] : memref<10240x16xf32, #tpu.memory_space<vmem_shared>> -> memref<10240x16xf32, #tpu.memory_space<vmem_shared>>
      tpu.enqueue_indirect_dma source(%arg8 : memref<128x16xf32, #tpu.memory_space<vmem>>) target(%dma_start3A_191 : memref<10240x16xf32, #tpu.memory_space<vmem_shared>>) offsets(%dma_start3A_188 : memref<128xi32, #tpu.memory_space<vmem>>) semaphore(%arg10 : memref<!tpu.dma_semaphore, #tpu.memory_space<semaphore_mem>>) {add = true}
      %mul3A_192 = arith.constant 8 : i32
      %mul3A_193 = arith.muli %scan3A_131, %mul3A_192 : i32
      %add3A_194 = arith.constant 6 : i32
      %add3A_195 = arith.addi %mul3A_193, %add3A_194 : i32
      %dma_start3A_196 = arith.constant 0 : i32
      %dma_start3A_197 = tpu.memref_slice %arg7[%add3A_195, %dma_start3A_196] : memref<80x128xi32, #tpu.memory_space<vmem>> -> memref<1x128xi32, #tpu.memory_space<vmem>>
      %dma_start3A_198 = tpu.memref_squeeze %dma_start3A_197 : memref<1x128xi32, #tpu.memory_space<vmem>> -> memref<128xi32, #tpu.memory_space<vmem>>
      %dma_start3A_199 = arith.constant 0 : i32
      %dma_start3A_200 = arith.constant 0 : i32
      %dma_start3A_201 = tpu.memref_slice %arg9[%dma_start3A_199, %dma_start3A_200] : memref<10240x16xf32, #tpu.memory_space<vmem_shared>> -> memref<10240x16xf32, #tpu.memory_space<vmem_shared>>
      tpu.enqueue_indirect_dma source(%arg8 : memref<128x16xf32, #tpu.memory_space<vmem>>) target(%dma_start3A_201 : memref<10240x16xf32, #tpu.memory_space<vmem_shared>>) offsets(%dma_start3A_198 : memref<128xi32, #tpu.memory_space<vmem>>) semaphore(%arg10 : memref<!tpu.dma_semaphore, #tpu.memory_space<semaphore_mem>>) {add = true}
      %mul3A_202 = arith.constant 8 : i32
      %mul3A_203 = arith.muli %scan3A_131, %mul3A_202 : i32
      %add3A_204 = arith.constant 7 : i32
      %add3A_205 = arith.addi %mul3A_203, %add3A_204 : i32
      %dma_start3A_206 = arith.constant 0 : i32
      %dma_start3A_207 = tpu.memref_slice %arg7[%add3A_205, %dma_start3A_206] : memref<80x128xi32, #tpu.memory_space<vmem>> -> memref<1x128xi32, #tpu.memory_space<vmem>>
      %dma_start3A_208 = tpu.memref_squeeze %dma_start3A_207 : memref<1x128xi32, #tpu.memory_space<vmem>> -> memref<128xi32, #tpu.memory_space<vmem>>
      %dma_start3A_209 = arith.constant 0 : i32
      %dma_start3A_210 = arith.constant 0 : i32
      %dma_start3A_211 = tpu.memref_slice %arg9[%dma_start3A_209, %dma_start3A_210] : memref<10240x16xf32, #tpu.memory_space<vmem_shared>> -> memref<10240x16xf32, #tpu.memory_space<vmem_shared>>
      tpu.enqueue_indirect_dma source(%arg8 : memref<128x16xf32, #tpu.memory_space<vmem>>) target(%dma_start3A_211 : memref<10240x16xf32, #tpu.memory_space<vmem_shared>>) offsets(%dma_start3A_208 : memref<128xi32, #tpu.memory_space<vmem>>) semaphore(%arg10 : memref<!tpu.dma_semaphore, #tpu.memory_space<semaphore_mem>>) {add = true}
      %dma_wait3A_212 = arith.constant 0 : i32
      %dma_wait3A_213 = arith.constant 0 : i32
      %dma_wait3A_214 = tpu.memref_slice %arg7[%dma_wait3A_212, %dma_wait3A_213] : memref<80x128xi32, #tpu.memory_space<vmem>> -> memref<1x128xi32, #tpu.memory_space<vmem>>
      %dma_wait3A_215 = tpu.memref_squeeze %dma_wait3A_214 : memref<1x128xi32, #tpu.memory_space<vmem>> -> memref<128xi32, #tpu.memory_space<vmem>>
      %dma_wait3A_216 = arith.constant 0 : i32
      %dma_wait3A_217 = arith.constant 0 : i32
      %dma_wait3A_218 = tpu.memref_slice %arg9[%dma_wait3A_216, %dma_wait3A_217] : memref<10240x16xf32, #tpu.memory_space<vmem_shared>> -> memref<10240x16xf32, #tpu.memory_space<vmem_shared>>
      tpu.wait_indirect_dma semaphore(%arg10 : memref<!tpu.dma_semaphore, #tpu.memory_space<semaphore_mem>>) src(%arg8 : memref<128x16xf32, #tpu.memory_space<vmem>>) dst(%dma_wait3A_218 : memref<10240x16xf32, #tpu.memory_space<vmem_shared>>)
      %dma_wait3A_219 = arith.constant 0 : i32
      %dma_wait3A_220 = arith.constant 0 : i32
      %dma_wait3A_221 = tpu.memref_slice %arg7[%dma_wait3A_219, %dma_wait3A_220] : memref<80x128xi32, #tpu.memory_space<vmem>> -> memref<1x128xi32, #tpu.memory_space<vmem>>
      %dma_wait3A_222 = tpu.memref_squeeze %dma_wait3A_221 : memref<1x128xi32, #tpu.memory_space<vmem>> -> memref<128xi32, #tpu.memory_space<vmem>>
      %dma_wait3A_223 = arith.constant 0 : i32
      %dma_wait3A_224 = arith.constant 0 : i32
      %dma_wait3A_225 = tpu.memref_slice %arg9[%dma_wait3A_223, %dma_wait3A_224] : memref<10240x16xf32, #tpu.memory_space<vmem_shared>> -> memref<10240x16xf32, #tpu.memory_space<vmem_shared>>
      tpu.wait_indirect_dma semaphore(%arg10 : memref<!tpu.dma_semaphore, #tpu.memory_space<semaphore_mem>>) src(%arg8 : memref<128x16xf32, #tpu.memory_space<vmem>>) dst(%dma_wait3A_225 : memref<10240x16xf32, #tpu.memory_space<vmem_shared>>)
      %dma_wait3A_226 = arith.constant 0 : i32
      %dma_wait3A_227 = arith.constant 0 : i32
      %dma_wait3A_228 = tpu.memref_slice %arg7[%dma_wait3A_226, %dma_wait3A_227] : memref<80x128xi32, #tpu.memory_space<vmem>> -> memref<1x128xi32, #tpu.memory_space<vmem>>
      %dma_wait3A_229 = tpu.memref_squeeze %dma_wait3A_228 : memref<1x128xi32, #tpu.memory_space<vmem>> -> memref<128xi32, #tpu.memory_space<vmem>>
      %dma_wait3A_230 = arith.constant 0 : i32
      %dma_wait3A_231 = arith.constant 0 : i32
      %dma_wait3A_232 = tpu.memref_slice %arg9[%dma_wait3A_230, %dma_wait3A_231] : memref<10240x16xf32, #tpu.memory_space<vmem_shared>> -> memref<10240x16xf32, #tpu.memory_space<vmem_shared>>
      tpu.wait_indirect_dma semaphore(%arg10 : memref<!tpu.dma_semaphore, #tpu.memory_space<semaphore_mem>>) src(%arg8 : memref<128x16xf32, #tpu.memory_space<vmem>>) dst(%dma_wait3A_232 : memref<10240x16xf32, #tpu.memory_space<vmem_shared>>)
      %dma_wait3A_233 = arith.constant 0 : i32
      %dma_wait3A_234 = arith.constant 0 : i32
      %dma_wait3A_235 = tpu.memref_slice %arg7[%dma_wait3A_233, %dma_wait3A_234] : memref<80x128xi32, #tpu.memory_space<vmem>> -> memref<1x128xi32, #tpu.memory_space<vmem>>
      %dma_wait3A_236 = tpu.memref_squeeze %dma_wait3A_235 : memref<1x128xi32, #tpu.memory_space<vmem>> -> memref<128xi32, #tpu.memory_space<vmem>>
      %dma_wait3A_237 = arith.constant 0 : i32
      %dma_wait3A_238 = arith.constant 0 : i32
      %dma_wait3A_239 = tpu.memref_slice %arg9[%dma_wait3A_237, %dma_wait3A_238] : memref<10240x16xf32, #tpu.memory_space<vmem_shared>> -> memref<10240x16xf32, #tpu.memory_space<vmem_shared>>
      tpu.wait_indirect_dma semaphore(%arg10 : memref<!tpu.dma_semaphore, #tpu.memory_space<semaphore_mem>>) src(%arg8 : memref<128x16xf32, #tpu.memory_space<vmem>>) dst(%dma_wait3A_239 : memref<10240x16xf32, #tpu.memory_space<vmem_shared>>)
      %dma_wait3A_240 = arith.constant 0 : i32
      %dma_wait3A_241 = arith.constant 0 : i32
      %dma_wait3A_242 = tpu.memref_slice %arg7[%dma_wait3A_240, %dma_wait3A_241] : memref<80x128xi32, #tpu.memory_space<vmem>> -> memref<1x128xi32, #tpu.memory_space<vmem>>
      %dma_wait3A_243 = tpu.memref_squeeze %dma_wait3A_242 : memref<1x128xi32, #tpu.memory_space<vmem>> -> memref<128xi32, #tpu.memory_space<vmem>>
      %dma_wait3A_244 = arith.constant 0 : i32
      %dma_wait3A_245 = arith.constant 0 : i32
      %dma_wait3A_246 = tpu.memref_slice %arg9[%dma_wait3A_244, %dma_wait3A_245] : memref<10240x16xf32, #tpu.memory_space<vmem_shared>> -> memref<10240x16xf32, #tpu.memory_space<vmem_shared>>
      tpu.wait_indirect_dma semaphore(%arg10 : memref<!tpu.dma_semaphore, #tpu.memory_space<semaphore_mem>>) src(%arg8 : memref<128x16xf32, #tpu.memory_space<vmem>>) dst(%dma_wait3A_246 : memref<10240x16xf32, #tpu.memory_space<vmem_shared>>)
      %dma_wait3A_247 = arith.constant 0 : i32
      %dma_wait3A_248 = arith.constant 0 : i32
      %dma_wait3A_249 = tpu.memref_slice %arg7[%dma_wait3A_247, %dma_wait3A_248] : memref<80x128xi32, #tpu.memory_space<vmem>> -> memref<1x128xi32, #tpu.memory_space<vmem>>
      %dma_wait3A_250 = tpu.memref_squeeze %dma_wait3A_249 : memref<1x128xi32, #tpu.memory_space<vmem>> -> memref<128xi32, #tpu.memory_space<vmem>>
      %dma_wait3A_251 = arith.constant 0 : i32
      %dma_wait3A_252 = arith.constant 0 : i32
      %dma_wait3A_253 = tpu.memref_slice %arg9[%dma_wait3A_251, %dma_wait3A_252] : memref<10240x16xf32, #tpu.memory_space<vmem_shared>> -> memref<10240x16xf32, #tpu.memory_space<vmem_shared>>
      tpu.wait_indirect_dma semaphore(%arg10 : memref<!tpu.dma_semaphore, #tpu.memory_space<semaphore_mem>>) src(%arg8 : memref<128x16xf32, #tpu.memory_space<vmem>>) dst(%dma_wait3A_253 : memref<10240x16xf32, #tpu.memory_space<vmem_shared>>)
      %dma_wait3A_254 = arith.constant 0 : i32
      %dma_wait3A_255 = arith.constant 0 : i32
      %dma_wait3A_256 = tpu.memref_slice %arg7[%dma_wait3A_254, %dma_wait3A_255] : memref<80x128xi32, #tpu.memory_space<vmem>> -> memref<1x128xi32, #tpu.memory_space<vmem>>
      %dma_wait3A_257 = tpu.memref_squeeze %dma_wait3A_256 : memref<1x128xi32, #tpu.memory_space<vmem>> -> memref<128xi32, #tpu.memory_space<vmem>>
      %dma_wait3A_258 = arith.constant 0 : i32
      %dma_wait3A_259 = arith.constant 0 : i32
      %dma_wait3A_260 = tpu.memref_slice %arg9[%dma_wait3A_258, %dma_wait3A_259] : memref<10240x16xf32, #tpu.memory_space<vmem_shared>> -> memref<10240x16xf32, #tpu.memory_space<vmem_shared>>
      tpu.wait_indirect_dma semaphore(%arg10 : memref<!tpu.dma_semaphore, #tpu.memory_space<semaphore_mem>>) src(%arg8 : memref<128x16xf32, #tpu.memory_space<vmem>>) dst(%dma_wait3A_260 : memref<10240x16xf32, #tpu.memory_space<vmem_shared>>)
      %dma_wait3A_261 = arith.constant 0 : i32
      %dma_wait3A_262 = arith.constant 0 : i32
      %dma_wait3A_263 = tpu.memref_slice %arg7[%dma_wait3A_261, %dma_wait3A_262] : memref<80x128xi32, #tpu.memory_space<vmem>> -> memref<1x128xi32, #tpu.memory_space<vmem>>
      %dma_wait3A_264 = tpu.memref_squeeze %dma_wait3A_263 : memref<1x128xi32, #tpu.memory_space<vmem>> -> memref<128xi32, #tpu.memory_space<vmem>>
      %dma_wait3A_265 = arith.constant 0 : i32
      %dma_wait3A_266 = arith.constant 0 : i32
      %dma_wait3A_267 = tpu.memref_slice %arg9[%dma_wait3A_265, %dma_wait3A_266] : memref<10240x16xf32, #tpu.memory_space<vmem_shared>> -> memref<10240x16xf32, #tpu.memory_space<vmem_shared>>
      tpu.wait_indirect_dma semaphore(%arg10 : memref<!tpu.dma_semaphore, #tpu.memory_space<semaphore_mem>>) src(%arg8 : memref<128x16xf32, #tpu.memory_space<vmem>>) dst(%dma_wait3A_267 : memref<10240x16xf32, #tpu.memory_space<vmem_shared>>)
    }
    %scan3A_70 = arith.constant 9 : i32
    %dma_wait3A = arith.constant 0 : i32
    %dma_wait3A_71 = arith.constant 0 : i32
    %dma_wait3A_72 = tpu.memref_slice %arg7[%dma_wait3A, %dma_wait3A_71] : memref<80x128xi32, #tpu.memory_space<vmem>> -> memref<1x128xi32, #tpu.memory_space<vmem>>
    %dma_wait3A_73 = tpu.memref_squeeze %dma_wait3A_72 : memref<1x128xi32, #tpu.memory_space<vmem>> -> memref<128xi32, #tpu.memory_space<vmem>>
    %dma_wait3A_74 = arith.constant 0 : i32
    %dma_wait3A_75 = arith.constant 0 : i32
    %dma_wait3A_76 = tpu.memref_slice %arg9[%dma_wait3A_74, %dma_wait3A_75] : memref<10240x16xf32, #tpu.memory_space<vmem_shared>> -> memref<10240x16xf32, #tpu.memory_space<vmem_shared>>
    tpu.wait_indirect_dma semaphore(%arg10 : memref<!tpu.dma_semaphore, #tpu.memory_space<semaphore_mem>>) src(%arg8 : memref<128x16xf32, #tpu.memory_space<vmem>>) dst(%dma_wait3A_76 : memref<10240x16xf32, #tpu.memory_space<vmem_shared>>)
    %dma_wait3A_77 = arith.constant 0 : i32
    %dma_wait3A_78 = arith.constant 0 : i32
    %dma_wait3A_79 = tpu.memref_slice %arg7[%dma_wait3A_77, %dma_wait3A_78] : memref<80x128xi32, #tpu.memory_space<vmem>> -> memref<1x128xi32, #tpu.memory_space<vmem>>
    %dma_wait3A_80 = tpu.memref_squeeze %dma_wait3A_79 : memref<1x128xi32, #tpu.memory_space<vmem>> -> memref<128xi32, #tpu.memory_space<vmem>>
    %dma_wait3A_81 = arith.constant 0 : i32
    %dma_wait3A_82 = arith.constant 0 : i32
    %dma_wait3A_83 = tpu.memref_slice %arg9[%dma_wait3A_81, %dma_wait3A_82] : memref<10240x16xf32, #tpu.memory_space<vmem_shared>> -> memref<10240x16xf32, #tpu.memory_space<vmem_shared>>
    tpu.wait_indirect_dma semaphore(%arg10 : memref<!tpu.dma_semaphore, #tpu.memory_space<semaphore_mem>>) src(%arg8 : memref<128x16xf32, #tpu.memory_space<vmem>>) dst(%dma_wait3A_83 : memref<10240x16xf32, #tpu.memory_space<vmem_shared>>)
    %dma_wait3A_84 = arith.constant 0 : i32
    %dma_wait3A_85 = arith.constant 0 : i32
    %dma_wait3A_86 = tpu.memref_slice %arg7[%dma_wait3A_84, %dma_wait3A_85] : memref<80x128xi32, #tpu.memory_space<vmem>> -> memref<1x128xi32, #tpu.memory_space<vmem>>
    %dma_wait3A_87 = tpu.memref_squeeze %dma_wait3A_86 : memref<1x128xi32, #tpu.memory_space<vmem>> -> memref<128xi32, #tpu.memory_space<vmem>>
    %dma_wait3A_88 = arith.constant 0 : i32
    %dma_wait3A_89 = arith.constant 0 : i32
    %dma_wait3A_90 = tpu.memref_slice %arg9[%dma_wait3A_88, %dma_wait3A_89] : memref<10240x16xf32, #tpu.memory_space<vmem_shared>> -> memref<10240x16xf32, #tpu.memory_space<vmem_shared>>
    tpu.wait_indirect_dma semaphore(%arg10 : memref<!tpu.dma_semaphore, #tpu.memory_space<semaphore_mem>>) src(%arg8 : memref<128x16xf32, #tpu.memory_space<vmem>>) dst(%dma_wait3A_90 : memref<10240x16xf32, #tpu.memory_space<vmem_shared>>)
    %dma_wait3A_91 = arith.constant 0 : i32
    %dma_wait3A_92 = arith.constant 0 : i32
    %dma_wait3A_93 = tpu.memref_slice %arg7[%dma_wait3A_91, %dma_wait3A_92] : memref<80x128xi32, #tpu.memory_space<vmem>> -> memref<1x128xi32, #tpu.memory_space<vmem>>
    %dma_wait3A_94 = tpu.memref_squeeze %dma_wait3A_93 : memref<1x128xi32, #tpu.memory_space<vmem>> -> memref<128xi32, #tpu.memory_space<vmem>>
    %dma_wait3A_95 = arith.constant 0 : i32
    %dma_wait3A_96 = arith.constant 0 : i32
    %dma_wait3A_97 = tpu.memref_slice %arg9[%dma_wait3A_95, %dma_wait3A_96] : memref<10240x16xf32, #tpu.memory_space<vmem_shared>> -> memref<10240x16xf32, #tpu.memory_space<vmem_shared>>
    tpu.wait_indirect_dma semaphore(%arg10 : memref<!tpu.dma_semaphore, #tpu.memory_space<semaphore_mem>>) src(%arg8 : memref<128x16xf32, #tpu.memory_space<vmem>>) dst(%dma_wait3A_97 : memref<10240x16xf32, #tpu.memory_space<vmem_shared>>)
    %dma_wait3A_98 = arith.constant 0 : i32
    %dma_wait3A_99 = arith.constant 0 : i32
    %dma_wait3A_100 = tpu.memref_slice %arg7[%dma_wait3A_98, %dma_wait3A_99] : memref<80x128xi32, #tpu.memory_space<vmem>> -> memref<1x128xi32, #tpu.memory_space<vmem>>
    %dma_wait3A_101 = tpu.memref_squeeze %dma_wait3A_100 : memref<1x128xi32, #tpu.memory_space<vmem>> -> memref<128xi32, #tpu.memory_space<vmem>>
    %dma_wait3A_102 = arith.constant 0 : i32
    %dma_wait3A_103 = arith.constant 0 : i32
    %dma_wait3A_104 = tpu.memref_slice %arg9[%dma_wait3A_102, %dma_wait3A_103] : memref<10240x16xf32, #tpu.memory_space<vmem_shared>> -> memref<10240x16xf32, #tpu.memory_space<vmem_shared>>
    tpu.wait_indirect_dma semaphore(%arg10 : memref<!tpu.dma_semaphore, #tpu.memory_space<semaphore_mem>>) src(%arg8 : memref<128x16xf32, #tpu.memory_space<vmem>>) dst(%dma_wait3A_104 : memref<10240x16xf32, #tpu.memory_space<vmem_shared>>)
    %dma_wait3A_105 = arith.constant 0 : i32
    %dma_wait3A_106 = arith.constant 0 : i32
    %dma_wait3A_107 = tpu.memref_slice %arg7[%dma_wait3A_105, %dma_wait3A_106] : memref<80x128xi32, #tpu.memory_space<vmem>> -> memref<1x128xi32, #tpu.memory_space<vmem>>
    %dma_wait3A_108 = tpu.memref_squeeze %dma_wait3A_107 : memref<1x128xi32, #tpu.memory_space<vmem>> -> memref<128xi32, #tpu.memory_space<vmem>>
    %dma_wait3A_109 = arith.constant 0 : i32
    %dma_wait3A_110 = arith.constant 0 : i32
    %dma_wait3A_111 = tpu.memref_slice %arg9[%dma_wait3A_109, %dma_wait3A_110] : memref<10240x16xf32, #tpu.memory_space<vmem_shared>> -> memref<10240x16xf32, #tpu.memory_space<vmem_shared>>
    tpu.wait_indirect_dma semaphore(%arg10 : memref<!tpu.dma_semaphore, #tpu.memory_space<semaphore_mem>>) src(%arg8 : memref<128x16xf32, #tpu.memory_space<vmem>>) dst(%dma_wait3A_111 : memref<10240x16xf32, #tpu.memory_space<vmem_shared>>)
    %dma_wait3A_112 = arith.constant 0 : i32
    %dma_wait3A_113 = arith.constant 0 : i32
    %dma_wait3A_114 = tpu.memref_slice %arg7[%dma_wait3A_112, %dma_wait3A_113] : memref<80x128xi32, #tpu.memory_space<vmem>> -> memref<1x128xi32, #tpu.memory_space<vmem>>
    %dma_wait3A_115 = tpu.memref_squeeze %dma_wait3A_114 : memref<1x128xi32, #tpu.memory_space<vmem>> -> memref<128xi32, #tpu.memory_space<vmem>>
    %dma_wait3A_116 = arith.constant 0 : i32
    %dma_wait3A_117 = arith.constant 0 : i32
    %dma_wait3A_118 = tpu.memref_slice %arg9[%dma_wait3A_116, %dma_wait3A_117] : memref<10240x16xf32, #tpu.memory_space<vmem_shared>> -> memref<10240x16xf32, #tpu.memory_space<vmem_shared>>
    tpu.wait_indirect_dma semaphore(%arg10 : memref<!tpu.dma_semaphore, #tpu.memory_space<semaphore_mem>>) src(%arg8 : memref<128x16xf32, #tpu.memory_space<vmem>>) dst(%dma_wait3A_118 : memref<10240x16xf32, #tpu.memory_space<vmem_shared>>)
    %dma_wait3A_119 = arith.constant 0 : i32
    %dma_wait3A_120 = arith.constant 0 : i32
    %dma_wait3A_121 = tpu.memref_slice %arg7[%dma_wait3A_119, %dma_wait3A_120] : memref<80x128xi32, #tpu.memory_space<vmem>> -> memref<1x128xi32, #tpu.memory_space<vmem>>
    %dma_wait3A_122 = tpu.memref_squeeze %dma_wait3A_121 : memref<1x128xi32, #tpu.memory_space<vmem>> -> memref<128xi32, #tpu.memory_space<vmem>>
    %dma_wait3A_123 = arith.constant 0 : i32
    %dma_wait3A_124 = arith.constant 0 : i32
    %dma_wait3A_125 = tpu.memref_slice %arg9[%dma_wait3A_123, %dma_wait3A_124] : memref<10240x16xf32, #tpu.memory_space<vmem_shared>> -> memref<10240x16xf32, #tpu.memory_space<vmem_shared>>
    tpu.wait_indirect_dma semaphore(%arg10 : memref<!tpu.dma_semaphore, #tpu.memory_space<semaphore_mem>>) src(%arg8 : memref<128x16xf32, #tpu.memory_space<vmem>>) dst(%dma_wait3A_125 : memref<10240x16xf32, #tpu.memory_space<vmem_shared>>)
    %barrier3A_126 = arith.constant 0 : index
    tpu.barrier barrier_id(%barrier3A_126)
    %mul3A_127 = arith.constant 640 : i32
    %mul3A_128 = arith.muli %arg1, %mul3A_127 : i32
    %mul3A_129 = arith.constant 640 : i32
    %mul3A_130 = arith.muli %arg1, %mul3A_129 : i32
    "tpu.region"() ({
      %run_scoped3A = tpu.sem_alloc : memref<!tpu.dma_semaphore, #tpu.memory_space<semaphore_mem>>
      %dma_start3A_131 = arith.constant 0 : i32
      %dma_start3A_132 = tpu.memref_slice %arg6[%arg0, %mul3A_130, %dma_start3A_131] : memref<2x10240x16xf32, #tpu.memory_space<hbm>> -> memref<1x640x16xf32, #tpu.memory_space<hbm>>
      %dma_start3A_133 = tpu.memref_squeeze %dma_start3A_132 : memref<1x640x16xf32, #tpu.memory_space<hbm>> -> memref<640x16xf32, #tpu.memory_space<hbm>>
      %dma_start3A_134 = arith.constant 0 : i32
      %dma_start3A_135 = tpu.memref_slice %arg9[%mul3A_128, %dma_start3A_134] : memref<10240x16xf32, #tpu.memory_space<vmem_shared>> -> memref<640x16xf32, #tpu.memory_space<vmem_shared>>
      tpu.enqueue_dma source(%dma_start3A_135 : memref<640x16xf32, #tpu.memory_space<vmem_shared>>) target(%dma_start3A_133 : memref<640x16xf32, #tpu.memory_space<hbm>>) target_semaphore(%run_scoped3A : memref<!tpu.dma_semaphore, #tpu.memory_space<semaphore_mem>>)
      %dma_wait3A_136 = arith.constant 0 : i32
      %dma_wait3A_137 = tpu.memref_slice %arg6[%arg0, %mul3A_130, %dma_wait3A_136] : memref<2x10240x16xf32, #tpu.memory_space<hbm>> -> memref<1x640x16xf32, #tpu.memory_space<hbm>>
      %dma_wait3A_138 = tpu.memref_squeeze %dma_wait3A_137 : memref<1x640x16xf32, #tpu.memory_space<hbm>> -> memref<640x16xf32, #tpu.memory_space<hbm>>
      %dma_wait3A_139 = arith.constant 0 : i32
      %dma_wait3A_140 = tpu.memref_slice %arg9[%mul3A_128, %dma_wait3A_139] : memref<10240x16xf32, #tpu.memory_space<vmem_shared>> -> memref<640x16xf32, #tpu.memory_space<vmem_shared>>
      tpu.wait_dma2 semaphore(%run_scoped3A : memref<!tpu.dma_semaphore, #tpu.memory_space<semaphore_mem>>) src(%dma_wait3A_140 : memref<640x16xf32, #tpu.memory_space<vmem_shared>>) dst(%dma_wait3A_138 : memref<640x16xf32, #tpu.memory_space<hbm>>)
      tpu.yield
    }) : () -> ()
    return
  }
}

#map = affine_map<(d0, d1) -> (0, 0)>
#map1 = affine_map<(d0, d1) -> (0, 0, 0)>
module attributes {stable_mosaic.version = 14 : i64} {
  func.func @agg(%arg0: i32, %arg1: i32, %arg2: memref<10240x16xf32, #tpu.memory_space<hbm>>, %arg3: memref<2x2500x128xi32, #tpu.memory_space<hbm>>, %arg4: memref<2x60x128xi32, #tpu.memory_space<hbm>>, %arg5: memref<10240x16xf32, #tpu.memory_space<hbm>>, %arg6: memref<2x10240x16xf32, #tpu.memory_space<hbm>>, %arg7: memref<80x128xi32, #tpu.memory_space<vmem>>, %arg8: memref<80x128xi32, #tpu.memory_space<vmem>>, %arg9: memref<5x128x16xf32, #tpu.memory_space<vmem>>, %arg10: memref<5x128x16xf32, #tpu.memory_space<vmem>>, %arg11: memref<10240x16xf32, #tpu.memory_space<vmem_shared>>, %arg12: memref<!tpu.dma_semaphore, #tpu.memory_space<semaphore_mem>>, %arg13: memref<!tpu.dma_semaphore, #tpu.memory_space<semaphore_mem>>, %arg14: memref<!tpu.dma_semaphore, #tpu.memory_space<semaphore_mem>>, %arg15: memref<!tpu.dma_semaphore, #tpu.memory_space<semaphore_mem>>) attributes {dimension_semantics = [#tpu.dimension_semantics<core_parallel>, #tpu.dimension_semantics<subcore_parallel>], iteration_bounds = array<i64: 2, 16>, scalar_prefetch = 0 : i64, scratch_operands = 9 : i64, tpu.core_type = #tpu.core_type<sc_vector_subcore>, window_params = [{transform_indices = #map}, {transform_indices = #map1}, {transform_indices = #map1}, {transform_indices = #map}, {transform_indices = #map1}]} {
    %mul3A = arith.constant 16 : i32
    %mul3A_0 = arith.muli %arg0, %mul3A : i32
    %add3A = arith.addi %mul3A_0, %arg1 : i32
    %mul3A_1 = arith.constant 640 : i32
    %mul3A_2 = arith.muli %arg1, %mul3A_1 : i32
    %mul3A_3 = arith.constant 640 : i32
    %mul3A_4 = arith.muli %arg1, %mul3A_3 : i32
    "tpu.region"() ({
      %run_scoped3A = tpu.sem_alloc : memref<!tpu.dma_semaphore, #tpu.memory_space<semaphore_mem>>
      %dma_start3A_139 = arith.constant 0 : i32
      %dma_start3A_140 = tpu.memref_slice %arg11[%mul3A_4, %dma_start3A_139] : memref<10240x16xf32, #tpu.memory_space<vmem_shared>> -> memref<640x16xf32, #tpu.memory_space<vmem_shared>>
      %dma_start3A_141 = arith.constant 0 : i32
      %dma_start3A_142 = tpu.memref_slice %arg5[%mul3A_2, %dma_start3A_141] : memref<10240x16xf32, #tpu.memory_space<hbm>> -> memref<640x16xf32, #tpu.memory_space<hbm>>
      tpu.enqueue_dma source(%dma_start3A_142 : memref<640x16xf32, #tpu.memory_space<hbm>>) target(%dma_start3A_140 : memref<640x16xf32, #tpu.memory_space<vmem_shared>>) target_semaphore(%run_scoped3A : memref<!tpu.dma_semaphore, #tpu.memory_space<semaphore_mem>>)
      %dma_wait3A_143 = arith.constant 0 : i32
      %dma_wait3A_144 = tpu.memref_slice %arg11[%mul3A_4, %dma_wait3A_143] : memref<10240x16xf32, #tpu.memory_space<vmem_shared>> -> memref<640x16xf32, #tpu.memory_space<vmem_shared>>
      %dma_wait3A_145 = arith.constant 0 : i32
      %dma_wait3A_146 = tpu.memref_slice %arg5[%mul3A_2, %dma_wait3A_145] : memref<10240x16xf32, #tpu.memory_space<hbm>> -> memref<640x16xf32, #tpu.memory_space<hbm>>
      tpu.wait_dma2 semaphore(%run_scoped3A : memref<!tpu.dma_semaphore, #tpu.memory_space<semaphore_mem>>) src(%dma_wait3A_146 : memref<640x16xf32, #tpu.memory_space<hbm>>) dst(%dma_wait3A_144 : memref<640x16xf32, #tpu.memory_space<vmem_shared>>)
      tpu.yield
    }) : () -> ()
    %lt3A = arith.constant 31 : i32
    %lt3A_5 = arith.cmpi slt, %add3A, %lt3A : i32
    %convert_element_type3A = arith.extui %lt3A_5 : i1 to i32
    %cond3A = arith.constant 0 : i32
    %cond3A_6 = arith.cmpi ne, %convert_element_type3A, %cond3A : i32
    scf.if %cond3A_6 {
      %mul3A_139 = arith.constant 80 : i32
      %mul3A_140 = arith.muli %add3A, %mul3A_139 : i32
      %run_scoped3A = arith.constant 0 : i32
      "tpu.region"() ({
        %run_scoped3A_144 = tpu.sem_alloc : memref<!tpu.dma_semaphore, #tpu.memory_space<semaphore_mem>>
        %dma_start3A_145 = arith.constant 0 : i32
        %dma_start3A_146 = tpu.memref_slice %arg3[%run_scoped3A, %mul3A_140, %dma_start3A_145] : memref<2x2500x128xi32, #tpu.memory_space<hbm>> -> memref<1x80x128xi32, #tpu.memory_space<hbm>>
        %dma_start3A_147 = tpu.memref_squeeze %dma_start3A_146 : memref<1x80x128xi32, #tpu.memory_space<hbm>> -> memref<80x128xi32, #tpu.memory_space<hbm>>
        %dma_start3A_148 = arith.constant 0 : i32
        %dma_start3A_149 = tpu.memref_slice %arg3[%run_scoped3A, %mul3A_140, %dma_start3A_148] : memref<2x2500x128xi32, #tpu.memory_space<hbm>> -> memref<1x80x128xi32, #tpu.memory_space<hbm>>
        %dma_start3A_150 = tpu.memref_squeeze %dma_start3A_149 : memref<1x80x128xi32, #tpu.memory_space<hbm>> -> memref<80x128xi32, #tpu.memory_space<hbm>>
        tpu.enqueue_dma source(%dma_start3A_150 : memref<80x128xi32, #tpu.memory_space<hbm>>) target(%arg7 : memref<80x128xi32, #tpu.memory_space<vmem>>) target_semaphore(%run_scoped3A_144 : memref<!tpu.dma_semaphore, #tpu.memory_space<semaphore_mem>>)
        %dma_wait3A_151 = arith.constant 0 : i32
        %dma_wait3A_152 = tpu.memref_slice %arg3[%run_scoped3A, %mul3A_140, %dma_wait3A_151] : memref<2x2500x128xi32, #tpu.memory_space<hbm>> -> memref<1x80x128xi32, #tpu.memory_space<hbm>>
        %dma_wait3A_153 = tpu.memref_squeeze %dma_wait3A_152 : memref<1x80x128xi32, #tpu.memory_space<hbm>> -> memref<80x128xi32, #tpu.memory_space<hbm>>
        %dma_wait3A_154 = arith.constant 0 : i32
        %dma_wait3A_155 = tpu.memref_slice %arg3[%run_scoped3A, %mul3A_140, %dma_wait3A_154] : memref<2x2500x128xi32, #tpu.memory_space<hbm>> -> memref<1x80x128xi32, #tpu.memory_space<hbm>>
        %dma_wait3A_156 = tpu.memref_squeeze %dma_wait3A_155 : memref<1x80x128xi32, #tpu.memory_space<hbm>> -> memref<80x128xi32, #tpu.memory_space<hbm>>
        tpu.wait_dma2 semaphore(%run_scoped3A_144 : memref<!tpu.dma_semaphore, #tpu.memory_space<semaphore_mem>>) src(%dma_wait3A_156 : memref<80x128xi32, #tpu.memory_space<hbm>>) dst(%arg7 : memref<80x128xi32, #tpu.memory_space<vmem>>)
        tpu.yield
      }) : () -> ()
      %mul3A_141 = arith.constant 80 : i32
      %mul3A_142 = arith.muli %add3A, %mul3A_141 : i32
      %run_scoped3A_143 = arith.constant 1 : i32
      "tpu.region"() ({
        %run_scoped3A_144 = tpu.sem_alloc : memref<!tpu.dma_semaphore, #tpu.memory_space<semaphore_mem>>
        %dma_start3A_145 = arith.constant 0 : i32
        %dma_start3A_146 = tpu.memref_slice %arg3[%run_scoped3A_143, %mul3A_142, %dma_start3A_145] : memref<2x2500x128xi32, #tpu.memory_space<hbm>> -> memref<1x80x128xi32, #tpu.memory_space<hbm>>
        %dma_start3A_147 = tpu.memref_squeeze %dma_start3A_146 : memref<1x80x128xi32, #tpu.memory_space<hbm>> -> memref<80x128xi32, #tpu.memory_space<hbm>>
        %dma_start3A_148 = arith.constant 0 : i32
        %dma_start3A_149 = tpu.memref_slice %arg3[%run_scoped3A_143, %mul3A_142, %dma_start3A_148] : memref<2x2500x128xi32, #tpu.memory_space<hbm>> -> memref<1x80x128xi32, #tpu.memory_space<hbm>>
        %dma_start3A_150 = tpu.memref_squeeze %dma_start3A_149 : memref<1x80x128xi32, #tpu.memory_space<hbm>> -> memref<80x128xi32, #tpu.memory_space<hbm>>
        tpu.enqueue_dma source(%dma_start3A_150 : memref<80x128xi32, #tpu.memory_space<hbm>>) target(%arg8 : memref<80x128xi32, #tpu.memory_space<vmem>>) target_semaphore(%run_scoped3A_144 : memref<!tpu.dma_semaphore, #tpu.memory_space<semaphore_mem>>)
        %dma_wait3A_151 = arith.constant 0 : i32
        %dma_wait3A_152 = tpu.memref_slice %arg3[%run_scoped3A_143, %mul3A_142, %dma_wait3A_151] : memref<2x2500x128xi32, #tpu.memory_space<hbm>> -> memref<1x80x128xi32, #tpu.memory_space<hbm>>
        %dma_wait3A_153 = tpu.memref_squeeze %dma_wait3A_152 : memref<1x80x128xi32, #tpu.memory_space<hbm>> -> memref<80x128xi32, #tpu.memory_space<hbm>>
        %dma_wait3A_154 = arith.constant 0 : i32
        %dma_wait3A_155 = tpu.memref_slice %arg3[%run_scoped3A_143, %mul3A_142, %dma_wait3A_154] : memref<2x2500x128xi32, #tpu.memory_space<hbm>> -> memref<1x80x128xi32, #tpu.memory_space<hbm>>
        %dma_wait3A_156 = tpu.memref_squeeze %dma_wait3A_155 : memref<1x80x128xi32, #tpu.memory_space<hbm>> -> memref<80x128xi32, #tpu.memory_space<hbm>>
        tpu.wait_dma2 semaphore(%run_scoped3A_144 : memref<!tpu.dma_semaphore, #tpu.memory_space<semaphore_mem>>) src(%dma_wait3A_156 : memref<80x128xi32, #tpu.memory_space<hbm>>) dst(%arg8 : memref<80x128xi32, #tpu.memory_space<vmem>>)
        tpu.yield
      }) : () -> ()
    } else {
    }
    %eq3A = arith.constant 31 : i32
    %eq3A_7 = arith.cmpi eq, %add3A, %eq3A : i32
    %convert_element_type3A_8 = arith.extui %eq3A_7 : i1 to i32
    %cond3A_9 = arith.constant 0 : i32
    %cond3A_10 = arith.cmpi ne, %convert_element_type3A_8, %cond3A_9 : i32
    scf.if %cond3A_10 {
      %mul3A_139 = arith.constant 80 : i32
      %mul3A_140 = arith.muli %add3A, %mul3A_139 : i32
      %run_scoped3A = arith.constant 0 : i32
      "tpu.region"() ({
        %run_scoped3A_146 = tpu.sem_alloc : memref<!tpu.dma_semaphore, #tpu.memory_space<semaphore_mem>>
        %dma_start3A_147 = arith.constant 0 : i32
        %dma_start3A_148 = arith.constant 0 : i32
        %dma_start3A_149 = tpu.memref_slice %arg7[%dma_start3A_147, %dma_start3A_148] : memref<80x128xi32, #tpu.memory_space<vmem>> -> memref<20x128xi32, #tpu.memory_space<vmem>>
        %dma_start3A_150 = arith.constant 0 : i32
        %dma_start3A_151 = tpu.memref_slice %arg3[%run_scoped3A, %mul3A_140, %dma_start3A_150] : memref<2x2500x128xi32, #tpu.memory_space<hbm>> -> memref<1x20x128xi32, #tpu.memory_space<hbm>>
        %dma_start3A_152 = tpu.memref_squeeze %dma_start3A_151 : memref<1x20x128xi32, #tpu.memory_space<hbm>> -> memref<20x128xi32, #tpu.memory_space<hbm>>
        %dma_start3A_153 = arith.constant 0 : i32
        %dma_start3A_154 = arith.constant 0 : i32
        %dma_start3A_155 = tpu.memref_slice %arg7[%dma_start3A_153, %dma_start3A_154] : memref<80x128xi32, #tpu.memory_space<vmem>> -> memref<20x128xi32, #tpu.memory_space<vmem>>
        %dma_start3A_156 = arith.constant 0 : i32
        %dma_start3A_157 = tpu.memref_slice %arg3[%run_scoped3A, %mul3A_140, %dma_start3A_156] : memref<2x2500x128xi32, #tpu.memory_space<hbm>> -> memref<1x20x128xi32, #tpu.memory_space<hbm>>
        %dma_start3A_158 = tpu.memref_squeeze %dma_start3A_157 : memref<1x20x128xi32, #tpu.memory_space<hbm>> -> memref<20x128xi32, #tpu.memory_space<hbm>>
        tpu.enqueue_dma source(%dma_start3A_158 : memref<20x128xi32, #tpu.memory_space<hbm>>) target(%dma_start3A_155 : memref<20x128xi32, #tpu.memory_space<vmem>>) target_semaphore(%run_scoped3A_146 : memref<!tpu.dma_semaphore, #tpu.memory_space<semaphore_mem>>)
        %dma_wait3A_159 = arith.constant 0 : i32
        %dma_wait3A_160 = arith.constant 0 : i32
        %dma_wait3A_161 = tpu.memref_slice %arg7[%dma_wait3A_159, %dma_wait3A_160] : memref<80x128xi32, #tpu.memory_space<vmem>> -> memref<20x128xi32, #tpu.memory_space<vmem>>
        %dma_wait3A_162 = arith.constant 0 : i32
        %dma_wait3A_163 = tpu.memref_slice %arg3[%run_scoped3A, %mul3A_140, %dma_wait3A_162] : memref<2x2500x128xi32, #tpu.memory_space<hbm>> -> memref<1x20x128xi32, #tpu.memory_space<hbm>>
        %dma_wait3A_164 = tpu.memref_squeeze %dma_wait3A_163 : memref<1x20x128xi32, #tpu.memory_space<hbm>> -> memref<20x128xi32, #tpu.memory_space<hbm>>
        %dma_wait3A_165 = arith.constant 0 : i32
        %dma_wait3A_166 = arith.constant 0 : i32
        %dma_wait3A_167 = tpu.memref_slice %arg7[%dma_wait3A_165, %dma_wait3A_166] : memref<80x128xi32, #tpu.memory_space<vmem>> -> memref<20x128xi32, #tpu.memory_space<vmem>>
        %dma_wait3A_168 = arith.constant 0 : i32
        %dma_wait3A_169 = tpu.memref_slice %arg3[%run_scoped3A, %mul3A_140, %dma_wait3A_168] : memref<2x2500x128xi32, #tpu.memory_space<hbm>> -> memref<1x20x128xi32, #tpu.memory_space<hbm>>
        %dma_wait3A_170 = tpu.memref_squeeze %dma_wait3A_169 : memref<1x20x128xi32, #tpu.memory_space<hbm>> -> memref<20x128xi32, #tpu.memory_space<hbm>>
        tpu.wait_dma2 semaphore(%run_scoped3A_146 : memref<!tpu.dma_semaphore, #tpu.memory_space<semaphore_mem>>) src(%dma_wait3A_170 : memref<20x128xi32, #tpu.memory_space<hbm>>) dst(%dma_wait3A_167 : memref<20x128xi32, #tpu.memory_space<vmem>>)
        tpu.yield
      }) : () -> ()
      %mul3A_141 = arith.constant 80 : i32
      %mul3A_142 = arith.muli %add3A, %mul3A_141 : i32
      %run_scoped3A_143 = arith.constant 1 : i32
      "tpu.region"() ({
        %run_scoped3A_146 = tpu.sem_alloc : memref<!tpu.dma_semaphore, #tpu.memory_space<semaphore_mem>>
        %dma_start3A_147 = arith.constant 0 : i32
        %dma_start3A_148 = arith.constant 0 : i32
        %dma_start3A_149 = tpu.memref_slice %arg8[%dma_start3A_147, %dma_start3A_148] : memref<80x128xi32, #tpu.memory_space<vmem>> -> memref<20x128xi32, #tpu.memory_space<vmem>>
        %dma_start3A_150 = arith.constant 0 : i32
        %dma_start3A_151 = tpu.memref_slice %arg3[%run_scoped3A_143, %mul3A_142, %dma_start3A_150] : memref<2x2500x128xi32, #tpu.memory_space<hbm>> -> memref<1x20x128xi32, #tpu.memory_space<hbm>>
        %dma_start3A_152 = tpu.memref_squeeze %dma_start3A_151 : memref<1x20x128xi32, #tpu.memory_space<hbm>> -> memref<20x128xi32, #tpu.memory_space<hbm>>
        %dma_start3A_153 = arith.constant 0 : i32
        %dma_start3A_154 = arith.constant 0 : i32
        %dma_start3A_155 = tpu.memref_slice %arg8[%dma_start3A_153, %dma_start3A_154] : memref<80x128xi32, #tpu.memory_space<vmem>> -> memref<20x128xi32, #tpu.memory_space<vmem>>
        %dma_start3A_156 = arith.constant 0 : i32
        %dma_start3A_157 = tpu.memref_slice %arg3[%run_scoped3A_143, %mul3A_142, %dma_start3A_156] : memref<2x2500x128xi32, #tpu.memory_space<hbm>> -> memref<1x20x128xi32, #tpu.memory_space<hbm>>
        %dma_start3A_158 = tpu.memref_squeeze %dma_start3A_157 : memref<1x20x128xi32, #tpu.memory_space<hbm>> -> memref<20x128xi32, #tpu.memory_space<hbm>>
        tpu.enqueue_dma source(%dma_start3A_158 : memref<20x128xi32, #tpu.memory_space<hbm>>) target(%dma_start3A_155 : memref<20x128xi32, #tpu.memory_space<vmem>>) target_semaphore(%run_scoped3A_146 : memref<!tpu.dma_semaphore, #tpu.memory_space<semaphore_mem>>)
        %dma_wait3A_159 = arith.constant 0 : i32
        %dma_wait3A_160 = arith.constant 0 : i32
        %dma_wait3A_161 = tpu.memref_slice %arg8[%dma_wait3A_159, %dma_wait3A_160] : memref<80x128xi32, #tpu.memory_space<vmem>> -> memref<20x128xi32, #tpu.memory_space<vmem>>
        %dma_wait3A_162 = arith.constant 0 : i32
        %dma_wait3A_163 = tpu.memref_slice %arg3[%run_scoped3A_143, %mul3A_142, %dma_wait3A_162] : memref<2x2500x128xi32, #tpu.memory_space<hbm>> -> memref<1x20x128xi32, #tpu.memory_space<hbm>>
        %dma_wait3A_164 = tpu.memref_squeeze %dma_wait3A_163 : memref<1x20x128xi32, #tpu.memory_space<hbm>> -> memref<20x128xi32, #tpu.memory_space<hbm>>
        %dma_wait3A_165 = arith.constant 0 : i32
        %dma_wait3A_166 = arith.constant 0 : i32
        %dma_wait3A_167 = tpu.memref_slice %arg8[%dma_wait3A_165, %dma_wait3A_166] : memref<80x128xi32, #tpu.memory_space<vmem>> -> memref<20x128xi32, #tpu.memory_space<vmem>>
        %dma_wait3A_168 = arith.constant 0 : i32
        %dma_wait3A_169 = tpu.memref_slice %arg3[%run_scoped3A_143, %mul3A_142, %dma_wait3A_168] : memref<2x2500x128xi32, #tpu.memory_space<hbm>> -> memref<1x20x128xi32, #tpu.memory_space<hbm>>
        %dma_wait3A_170 = tpu.memref_squeeze %dma_wait3A_169 : memref<1x20x128xi32, #tpu.memory_space<hbm>> -> memref<20x128xi32, #tpu.memory_space<hbm>>
        tpu.wait_dma2 semaphore(%run_scoped3A_146 : memref<!tpu.dma_semaphore, #tpu.memory_space<semaphore_mem>>) src(%dma_wait3A_170 : memref<20x128xi32, #tpu.memory_space<hbm>>) dst(%dma_wait3A_167 : memref<20x128xi32, #tpu.memory_space<vmem>>)
        tpu.yield
      }) : () -> ()
      %run_scoped3A_144 = arith.constant 0 : i32
      "tpu.region"() ({
        %run_scoped3A_146 = tpu.sem_alloc : memref<!tpu.dma_semaphore, #tpu.memory_space<semaphore_mem>>
        %dma_start3A_147 = arith.constant 20 : i32
        %dma_start3A_148 = arith.constant 0 : i32
        %dma_start3A_149 = tpu.memref_slice %arg7[%dma_start3A_147, %dma_start3A_148] : memref<80x128xi32, #tpu.memory_space<vmem>> -> memref<60x128xi32, #tpu.memory_space<vmem>>
        %dma_start3A_150 = arith.constant 0 : i32
        %dma_start3A_151 = arith.constant 0 : i32
        %dma_start3A_152 = tpu.memref_slice %arg4[%run_scoped3A_144, %dma_start3A_150, %dma_start3A_151] : memref<2x60x128xi32, #tpu.memory_space<hbm>> -> memref<1x60x128xi32, #tpu.memory_space<hbm>>
        %dma_start3A_153 = tpu.memref_squeeze %dma_start3A_152 : memref<1x60x128xi32, #tpu.memory_space<hbm>> -> memref<60x128xi32, #tpu.memory_space<hbm>>
        %dma_start3A_154 = arith.constant 20 : i32
        %dma_start3A_155 = arith.constant 0 : i32
        %dma_start3A_156 = tpu.memref_slice %arg7[%dma_start3A_154, %dma_start3A_155] : memref<80x128xi32, #tpu.memory_space<vmem>> -> memref<60x128xi32, #tpu.memory_space<vmem>>
        %dma_start3A_157 = arith.constant 0 : i32
        %dma_start3A_158 = arith.constant 0 : i32
        %dma_start3A_159 = tpu.memref_slice %arg4[%run_scoped3A_144, %dma_start3A_157, %dma_start3A_158] : memref<2x60x128xi32, #tpu.memory_space<hbm>> -> memref<1x60x128xi32, #tpu.memory_space<hbm>>
        %dma_start3A_160 = tpu.memref_squeeze %dma_start3A_159 : memref<1x60x128xi32, #tpu.memory_space<hbm>> -> memref<60x128xi32, #tpu.memory_space<hbm>>
        tpu.enqueue_dma source(%dma_start3A_160 : memref<60x128xi32, #tpu.memory_space<hbm>>) target(%dma_start3A_156 : memref<60x128xi32, #tpu.memory_space<vmem>>) target_semaphore(%run_scoped3A_146 : memref<!tpu.dma_semaphore, #tpu.memory_space<semaphore_mem>>)
        %dma_wait3A_161 = arith.constant 20 : i32
        %dma_wait3A_162 = arith.constant 0 : i32
        %dma_wait3A_163 = tpu.memref_slice %arg7[%dma_wait3A_161, %dma_wait3A_162] : memref<80x128xi32, #tpu.memory_space<vmem>> -> memref<60x128xi32, #tpu.memory_space<vmem>>
        %dma_wait3A_164 = arith.constant 0 : i32
        %dma_wait3A_165 = arith.constant 0 : i32
        %dma_wait3A_166 = tpu.memref_slice %arg4[%run_scoped3A_144, %dma_wait3A_164, %dma_wait3A_165] : memref<2x60x128xi32, #tpu.memory_space<hbm>> -> memref<1x60x128xi32, #tpu.memory_space<hbm>>
        %dma_wait3A_167 = tpu.memref_squeeze %dma_wait3A_166 : memref<1x60x128xi32, #tpu.memory_space<hbm>> -> memref<60x128xi32, #tpu.memory_space<hbm>>
        %dma_wait3A_168 = arith.constant 20 : i32
        %dma_wait3A_169 = arith.constant 0 : i32
        %dma_wait3A_170 = tpu.memref_slice %arg7[%dma_wait3A_168, %dma_wait3A_169] : memref<80x128xi32, #tpu.memory_space<vmem>> -> memref<60x128xi32, #tpu.memory_space<vmem>>
        %dma_wait3A_171 = arith.constant 0 : i32
        %dma_wait3A_172 = arith.constant 0 : i32
        %dma_wait3A_173 = tpu.memref_slice %arg4[%run_scoped3A_144, %dma_wait3A_171, %dma_wait3A_172] : memref<2x60x128xi32, #tpu.memory_space<hbm>> -> memref<1x60x128xi32, #tpu.memory_space<hbm>>
        %dma_wait3A_174 = tpu.memref_squeeze %dma_wait3A_173 : memref<1x60x128xi32, #tpu.memory_space<hbm>> -> memref<60x128xi32, #tpu.memory_space<hbm>>
        tpu.wait_dma2 semaphore(%run_scoped3A_146 : memref<!tpu.dma_semaphore, #tpu.memory_space<semaphore_mem>>) src(%dma_wait3A_174 : memref<60x128xi32, #tpu.memory_space<hbm>>) dst(%dma_wait3A_170 : memref<60x128xi32, #tpu.memory_space<vmem>>)
        tpu.yield
      }) : () -> ()
      %run_scoped3A_145 = arith.constant 1 : i32
      "tpu.region"() ({
        %run_scoped3A_146 = tpu.sem_alloc : memref<!tpu.dma_semaphore, #tpu.memory_space<semaphore_mem>>
        %dma_start3A_147 = arith.constant 20 : i32
        %dma_start3A_148 = arith.constant 0 : i32
        %dma_start3A_149 = tpu.memref_slice %arg8[%dma_start3A_147, %dma_start3A_148] : memref<80x128xi32, #tpu.memory_space<vmem>> -> memref<60x128xi32, #tpu.memory_space<vmem>>
        %dma_start3A_150 = arith.constant 0 : i32
        %dma_start3A_151 = arith.constant 0 : i32
        %dma_start3A_152 = tpu.memref_slice %arg4[%run_scoped3A_145, %dma_start3A_150, %dma_start3A_151] : memref<2x60x128xi32, #tpu.memory_space<hbm>> -> memref<1x60x128xi32, #tpu.memory_space<hbm>>
        %dma_start3A_153 = tpu.memref_squeeze %dma_start3A_152 : memref<1x60x128xi32, #tpu.memory_space<hbm>> -> memref<60x128xi32, #tpu.memory_space<hbm>>
        %dma_start3A_154 = arith.constant 20 : i32
        %dma_start3A_155 = arith.constant 0 : i32
        %dma_start3A_156 = tpu.memref_slice %arg8[%dma_start3A_154, %dma_start3A_155] : memref<80x128xi32, #tpu.memory_space<vmem>> -> memref<60x128xi32, #tpu.memory_space<vmem>>
        %dma_start3A_157 = arith.constant 0 : i32
        %dma_start3A_158 = arith.constant 0 : i32
        %dma_start3A_159 = tpu.memref_slice %arg4[%run_scoped3A_145, %dma_start3A_157, %dma_start3A_158] : memref<2x60x128xi32, #tpu.memory_space<hbm>> -> memref<1x60x128xi32, #tpu.memory_space<hbm>>
        %dma_start3A_160 = tpu.memref_squeeze %dma_start3A_159 : memref<1x60x128xi32, #tpu.memory_space<hbm>> -> memref<60x128xi32, #tpu.memory_space<hbm>>
        tpu.enqueue_dma source(%dma_start3A_160 : memref<60x128xi32, #tpu.memory_space<hbm>>) target(%dma_start3A_156 : memref<60x128xi32, #tpu.memory_space<vmem>>) target_semaphore(%run_scoped3A_146 : memref<!tpu.dma_semaphore, #tpu.memory_space<semaphore_mem>>)
        %dma_wait3A_161 = arith.constant 20 : i32
        %dma_wait3A_162 = arith.constant 0 : i32
        %dma_wait3A_163 = tpu.memref_slice %arg8[%dma_wait3A_161, %dma_wait3A_162] : memref<80x128xi32, #tpu.memory_space<vmem>> -> memref<60x128xi32, #tpu.memory_space<vmem>>
        %dma_wait3A_164 = arith.constant 0 : i32
        %dma_wait3A_165 = arith.constant 0 : i32
        %dma_wait3A_166 = tpu.memref_slice %arg4[%run_scoped3A_145, %dma_wait3A_164, %dma_wait3A_165] : memref<2x60x128xi32, #tpu.memory_space<hbm>> -> memref<1x60x128xi32, #tpu.memory_space<hbm>>
        %dma_wait3A_167 = tpu.memref_squeeze %dma_wait3A_166 : memref<1x60x128xi32, #tpu.memory_space<hbm>> -> memref<60x128xi32, #tpu.memory_space<hbm>>
        %dma_wait3A_168 = arith.constant 20 : i32
        %dma_wait3A_169 = arith.constant 0 : i32
        %dma_wait3A_170 = tpu.memref_slice %arg8[%dma_wait3A_168, %dma_wait3A_169] : memref<80x128xi32, #tpu.memory_space<vmem>> -> memref<60x128xi32, #tpu.memory_space<vmem>>
        %dma_wait3A_171 = arith.constant 0 : i32
        %dma_wait3A_172 = arith.constant 0 : i32
        %dma_wait3A_173 = tpu.memref_slice %arg4[%run_scoped3A_145, %dma_wait3A_171, %dma_wait3A_172] : memref<2x60x128xi32, #tpu.memory_space<hbm>> -> memref<1x60x128xi32, #tpu.memory_space<hbm>>
        %dma_wait3A_174 = tpu.memref_squeeze %dma_wait3A_173 : memref<1x60x128xi32, #tpu.memory_space<hbm>> -> memref<60x128xi32, #tpu.memory_space<hbm>>
        tpu.wait_dma2 semaphore(%run_scoped3A_146 : memref<!tpu.dma_semaphore, #tpu.memory_space<semaphore_mem>>) src(%dma_wait3A_174 : memref<60x128xi32, #tpu.memory_space<hbm>>) dst(%dma_wait3A_170 : memref<60x128xi32, #tpu.memory_space<vmem>>)
        tpu.yield
      }) : () -> ()
    } else {
    }
    %barrier3A = arith.constant 0 : index
    tpu.barrier barrier_id(%barrier3A)
    %dma_start3A = arith.constant 0 : i32
    %dma_start3A_11 = arith.constant 0 : i32
    %dma_start3A_12 = arith.constant 0 : i32
    %dma_start3A_13 = arith.constant 0 : i32
    %dma_start3A_14 = tpu.memref_slice %arg9[%dma_start3A_11, %dma_start3A_12, %dma_start3A_13] : memref<5x128x16xf32, #tpu.memory_space<vmem>> -> memref<1x128x16xf32, #tpu.memory_space<vmem>>
    %dma_start3A_15 = tpu.memref_squeeze %dma_start3A_14 : memref<1x128x16xf32, #tpu.memory_space<vmem>> -> memref<128x16xf32, #tpu.memory_space<vmem>>
    %dma_start3A_16 = arith.constant 0 : i32
    %dma_start3A_17 = tpu.memref_slice %arg7[%dma_start3A, %dma_start3A_16] : memref<80x128xi32, #tpu.memory_space<vmem>> -> memref<1x128xi32, #tpu.memory_space<vmem>>
    %dma_start3A_18 = tpu.memref_squeeze %dma_start3A_17 : memref<1x128xi32, #tpu.memory_space<vmem>> -> memref<128xi32, #tpu.memory_space<vmem>>
    %dma_start3A_19 = arith.constant 0 : i32
    %dma_start3A_20 = arith.constant 0 : i32
    %dma_start3A_21 = tpu.memref_slice %arg2[%dma_start3A_19, %dma_start3A_20] : memref<10240x16xf32, #tpu.memory_space<hbm>> -> memref<10240x16xf32, #tpu.memory_space<hbm>>
    tpu.enqueue_indirect_dma source(%dma_start3A_21 : memref<10240x16xf32, #tpu.memory_space<hbm>>) target(%dma_start3A_15 : memref<128x16xf32, #tpu.memory_space<vmem>>) offsets(%dma_start3A_18 : memref<128xi32, #tpu.memory_space<vmem>>) semaphore(%arg12 : memref<!tpu.dma_semaphore, #tpu.memory_space<semaphore_mem>>)
    %dma_start3A_22 = arith.constant 1 : i32
    %dma_start3A_23 = arith.constant 1 : i32
    %dma_start3A_24 = arith.constant 0 : i32
    %dma_start3A_25 = arith.constant 0 : i32
    %dma_start3A_26 = tpu.memref_slice %arg9[%dma_start3A_23, %dma_start3A_24, %dma_start3A_25] : memref<5x128x16xf32, #tpu.memory_space<vmem>> -> memref<1x128x16xf32, #tpu.memory_space<vmem>>
    %dma_start3A_27 = tpu.memref_squeeze %dma_start3A_26 : memref<1x128x16xf32, #tpu.memory_space<vmem>> -> memref<128x16xf32, #tpu.memory_space<vmem>>
    %dma_start3A_28 = arith.constant 0 : i32
    %dma_start3A_29 = tpu.memref_slice %arg7[%dma_start3A_22, %dma_start3A_28] : memref<80x128xi32, #tpu.memory_space<vmem>> -> memref<1x128xi32, #tpu.memory_space<vmem>>
    %dma_start3A_30 = tpu.memref_squeeze %dma_start3A_29 : memref<1x128xi32, #tpu.memory_space<vmem>> -> memref<128xi32, #tpu.memory_space<vmem>>
    %dma_start3A_31 = arith.constant 0 : i32
    %dma_start3A_32 = arith.constant 0 : i32
    %dma_start3A_33 = tpu.memref_slice %arg2[%dma_start3A_31, %dma_start3A_32] : memref<10240x16xf32, #tpu.memory_space<hbm>> -> memref<10240x16xf32, #tpu.memory_space<hbm>>
    tpu.enqueue_indirect_dma source(%dma_start3A_33 : memref<10240x16xf32, #tpu.memory_space<hbm>>) target(%dma_start3A_27 : memref<128x16xf32, #tpu.memory_space<vmem>>) offsets(%dma_start3A_30 : memref<128xi32, #tpu.memory_space<vmem>>) semaphore(%arg12 : memref<!tpu.dma_semaphore, #tpu.memory_space<semaphore_mem>>)
    %dma_start3A_34 = arith.constant 2 : i32
    %dma_start3A_35 = arith.constant 2 : i32
    %dma_start3A_36 = arith.constant 0 : i32
    %dma_start3A_37 = arith.constant 0 : i32
    %dma_start3A_38 = tpu.memref_slice %arg9[%dma_start3A_35, %dma_start3A_36, %dma_start3A_37] : memref<5x128x16xf32, #tpu.memory_space<vmem>> -> memref<1x128x16xf32, #tpu.memory_space<vmem>>
    %dma_start3A_39 = tpu.memref_squeeze %dma_start3A_38 : memref<1x128x16xf32, #tpu.memory_space<vmem>> -> memref<128x16xf32, #tpu.memory_space<vmem>>
    %dma_start3A_40 = arith.constant 0 : i32
    %dma_start3A_41 = tpu.memref_slice %arg7[%dma_start3A_34, %dma_start3A_40] : memref<80x128xi32, #tpu.memory_space<vmem>> -> memref<1x128xi32, #tpu.memory_space<vmem>>
    %dma_start3A_42 = tpu.memref_squeeze %dma_start3A_41 : memref<1x128xi32, #tpu.memory_space<vmem>> -> memref<128xi32, #tpu.memory_space<vmem>>
    %dma_start3A_43 = arith.constant 0 : i32
    %dma_start3A_44 = arith.constant 0 : i32
    %dma_start3A_45 = tpu.memref_slice %arg2[%dma_start3A_43, %dma_start3A_44] : memref<10240x16xf32, #tpu.memory_space<hbm>> -> memref<10240x16xf32, #tpu.memory_space<hbm>>
    tpu.enqueue_indirect_dma source(%dma_start3A_45 : memref<10240x16xf32, #tpu.memory_space<hbm>>) target(%dma_start3A_39 : memref<128x16xf32, #tpu.memory_space<vmem>>) offsets(%dma_start3A_42 : memref<128xi32, #tpu.memory_space<vmem>>) semaphore(%arg12 : memref<!tpu.dma_semaphore, #tpu.memory_space<semaphore_mem>>)
    %dma_start3A_46 = arith.constant 3 : i32
    %dma_start3A_47 = arith.constant 3 : i32
    %dma_start3A_48 = arith.constant 0 : i32
    %dma_start3A_49 = arith.constant 0 : i32
    %dma_start3A_50 = tpu.memref_slice %arg9[%dma_start3A_47, %dma_start3A_48, %dma_start3A_49] : memref<5x128x16xf32, #tpu.memory_space<vmem>> -> memref<1x128x16xf32, #tpu.memory_space<vmem>>
    %dma_start3A_51 = tpu.memref_squeeze %dma_start3A_50 : memref<1x128x16xf32, #tpu.memory_space<vmem>> -> memref<128x16xf32, #tpu.memory_space<vmem>>
    %dma_start3A_52 = arith.constant 0 : i32
    %dma_start3A_53 = tpu.memref_slice %arg7[%dma_start3A_46, %dma_start3A_52] : memref<80x128xi32, #tpu.memory_space<vmem>> -> memref<1x128xi32, #tpu.memory_space<vmem>>
    %dma_start3A_54 = tpu.memref_squeeze %dma_start3A_53 : memref<1x128xi32, #tpu.memory_space<vmem>> -> memref<128xi32, #tpu.memory_space<vmem>>
    %dma_start3A_55 = arith.constant 0 : i32
    %dma_start3A_56 = arith.constant 0 : i32
    %dma_start3A_57 = tpu.memref_slice %arg2[%dma_start3A_55, %dma_start3A_56] : memref<10240x16xf32, #tpu.memory_space<hbm>> -> memref<10240x16xf32, #tpu.memory_space<hbm>>
    tpu.enqueue_indirect_dma source(%dma_start3A_57 : memref<10240x16xf32, #tpu.memory_space<hbm>>) target(%dma_start3A_51 : memref<128x16xf32, #tpu.memory_space<vmem>>) offsets(%dma_start3A_54 : memref<128xi32, #tpu.memory_space<vmem>>) semaphore(%arg12 : memref<!tpu.dma_semaphore, #tpu.memory_space<semaphore_mem>>)
    %dma_start3A_58 = arith.constant 4 : i32
    %dma_start3A_59 = arith.constant 4 : i32
    %dma_start3A_60 = arith.constant 0 : i32
    %dma_start3A_61 = arith.constant 0 : i32
    %dma_start3A_62 = tpu.memref_slice %arg9[%dma_start3A_59, %dma_start3A_60, %dma_start3A_61] : memref<5x128x16xf32, #tpu.memory_space<vmem>> -> memref<1x128x16xf32, #tpu.memory_space<vmem>>
    %dma_start3A_63 = tpu.memref_squeeze %dma_start3A_62 : memref<1x128x16xf32, #tpu.memory_space<vmem>> -> memref<128x16xf32, #tpu.memory_space<vmem>>
    %dma_start3A_64 = arith.constant 0 : i32
    %dma_start3A_65 = tpu.memref_slice %arg7[%dma_start3A_58, %dma_start3A_64] : memref<80x128xi32, #tpu.memory_space<vmem>> -> memref<1x128xi32, #tpu.memory_space<vmem>>
    %dma_start3A_66 = tpu.memref_squeeze %dma_start3A_65 : memref<1x128xi32, #tpu.memory_space<vmem>> -> memref<128xi32, #tpu.memory_space<vmem>>
    %dma_start3A_67 = arith.constant 0 : i32
    %dma_start3A_68 = arith.constant 0 : i32
    %dma_start3A_69 = tpu.memref_slice %arg2[%dma_start3A_67, %dma_start3A_68] : memref<10240x16xf32, #tpu.memory_space<hbm>> -> memref<10240x16xf32, #tpu.memory_space<hbm>>
    tpu.enqueue_indirect_dma source(%dma_start3A_69 : memref<10240x16xf32, #tpu.memory_space<hbm>>) target(%dma_start3A_63 : memref<128x16xf32, #tpu.memory_space<vmem>>) offsets(%dma_start3A_66 : memref<128xi32, #tpu.memory_space<vmem>>) semaphore(%arg12 : memref<!tpu.dma_semaphore, #tpu.memory_space<semaphore_mem>>)
    %scan3A = arith.constant 0 : i32
    %scan3A_70 = arith.constant 0 : i32
    %scan3A_71 = arith.constant 16 : i32
    %scan3A_72 = arith.addi %scan3A_70, %scan3A_71 : i32
    %scan3A_73 = arith.constant 1 : i32
    scf.for %scan3A_139 = %scan3A_70 to %scan3A_72 step %scan3A_73  : i32 {
      %jit3A = arith.constant 2 : i32
      %eq3A_140 = arith.constant 0 : i32
      %eq3A_141 = arith.cmpi eq, %jit3A, %eq3A_140 : i32
      %jit3A_142 = arith.constant 1 : i32
      %select_n3A = arith.select %eq3A_141, %jit3A_142, %jit3A : i32
      %rem3A = arith.remsi %scan3A_139, %select_n3A : i32
      %ne3A = arith.constant 0 : i32
      %ne3A_143 = arith.cmpi ne, %rem3A, %ne3A : i32
      %lt3A_144 = arith.constant 0 : i32
      %lt3A_145 = arith.cmpi slt, %rem3A, %lt3A_144 : i32
      %lt3A_146 = arith.constant 0 : i32
      %lt3A_147 = arith.cmpi slt, %select_n3A, %lt3A_146 : i32
      %ne3A_148 = arith.xori %lt3A_145, %lt3A_147 : i1
      %and3A = arith.andi %ne3A_148, %ne3A_143 : i1
      %add3A_149 = arith.addi %rem3A, %select_n3A : i32
      %select_n3A_150 = arith.select %and3A, %add3A_149, %rem3A : i32
      %eq3A_151 = arith.constant 0 : i32
      %eq3A_152 = arith.cmpi eq, %select_n3A_150, %eq3A_151 : i32
      %convert_element_type3A_153 = arith.extui %eq3A_152 : i1 to i32
      %cond3A_154 = arith.constant 0 : i32
      %cond3A_155 = arith.cmpi ne, %convert_element_type3A_153, %cond3A_154 : i32
      scf.if %cond3A_155 {
        %eq3A_177 = arith.constant 0 : i32
        %eq3A_178 = arith.cmpi eq, %scan3A_139, %eq3A_177 : i32
        %ge3A = arith.constant 15 : i32
        %ge3A_179 = arith.cmpi sge, %scan3A_139, %ge3A : i32
        %dma_wait3A_180 = arith.constant 0 : i32
        %dma_wait3A_181 = arith.constant 0 : i32
        %dma_wait3A_182 = arith.constant 0 : i32
        %dma_wait3A_183 = arith.constant 0 : i32
        %dma_wait3A_184 = tpu.memref_slice %arg9[%dma_wait3A_181, %dma_wait3A_182, %dma_wait3A_183] : memref<5x128x16xf32, #tpu.memory_space<vmem>> -> memref<1x128x16xf32, #tpu.memory_space<vmem>>
        %dma_wait3A_185 = tpu.memref_squeeze %dma_wait3A_184 : memref<1x128x16xf32, #tpu.memory_space<vmem>> -> memref<128x16xf32, #tpu.memory_space<vmem>>
        %dma_wait3A_186 = arith.constant 0 : i32
        %dma_wait3A_187 = tpu.memref_slice %arg7[%dma_wait3A_180, %dma_wait3A_186] : memref<80x128xi32, #tpu.memory_space<vmem>> -> memref<1x128xi32, #tpu.memory_space<vmem>>
        %dma_wait3A_188 = tpu.memref_squeeze %dma_wait3A_187 : memref<1x128xi32, #tpu.memory_space<vmem>> -> memref<128xi32, #tpu.memory_space<vmem>>
        %dma_wait3A_189 = arith.constant 0 : i32
        %dma_wait3A_190 = arith.constant 0 : i32
        %dma_wait3A_191 = tpu.memref_slice %arg2[%dma_wait3A_189, %dma_wait3A_190] : memref<10240x16xf32, #tpu.memory_space<hbm>> -> memref<10240x16xf32, #tpu.memory_space<hbm>>
        tpu.wait_indirect_dma semaphore(%arg12 : memref<!tpu.dma_semaphore, #tpu.memory_space<semaphore_mem>>) src(%dma_wait3A_191 : memref<10240x16xf32, #tpu.memory_space<hbm>>) dst(%dma_wait3A_185 : memref<128x16xf32, #tpu.memory_space<vmem>>)
        %dma_wait3A_192 = arith.constant 0 : i32
        %dma_wait3A_193 = arith.constant 1 : i32
        %dma_wait3A_194 = arith.constant 0 : i32
        %dma_wait3A_195 = arith.constant 0 : i32
        %dma_wait3A_196 = tpu.memref_slice %arg9[%dma_wait3A_193, %dma_wait3A_194, %dma_wait3A_195] : memref<5x128x16xf32, #tpu.memory_space<vmem>> -> memref<1x128x16xf32, #tpu.memory_space<vmem>>
        %dma_wait3A_197 = tpu.memref_squeeze %dma_wait3A_196 : memref<1x128x16xf32, #tpu.memory_space<vmem>> -> memref<128x16xf32, #tpu.memory_space<vmem>>
        %dma_wait3A_198 = arith.constant 0 : i32
        %dma_wait3A_199 = tpu.memref_slice %arg7[%dma_wait3A_192, %dma_wait3A_198] : memref<80x128xi32, #tpu.memory_space<vmem>> -> memref<1x128xi32, #tpu.memory_space<vmem>>
        %dma_wait3A_200 = tpu.memref_squeeze %dma_wait3A_199 : memref<1x128xi32, #tpu.memory_space<vmem>> -> memref<128xi32, #tpu.memory_space<vmem>>
        %dma_wait3A_201 = arith.constant 0 : i32
        %dma_wait3A_202 = arith.constant 0 : i32
        %dma_wait3A_203 = tpu.memref_slice %arg2[%dma_wait3A_201, %dma_wait3A_202] : memref<10240x16xf32, #tpu.memory_space<hbm>> -> memref<10240x16xf32, #tpu.memory_space<hbm>>
        tpu.wait_indirect_dma semaphore(%arg12 : memref<!tpu.dma_semaphore, #tpu.memory_space<semaphore_mem>>) src(%dma_wait3A_203 : memref<10240x16xf32, #tpu.memory_space<hbm>>) dst(%dma_wait3A_197 : memref<128x16xf32, #tpu.memory_space<vmem>>)
        %dma_wait3A_204 = arith.constant 0 : i32
        %dma_wait3A_205 = arith.constant 2 : i32
        %dma_wait3A_206 = arith.constant 0 : i32
        %dma_wait3A_207 = arith.constant 0 : i32
        %dma_wait3A_208 = tpu.memref_slice %arg9[%dma_wait3A_205, %dma_wait3A_206, %dma_wait3A_207] : memref<5x128x16xf32, #tpu.memory_space<vmem>> -> memref<1x128x16xf32, #tpu.memory_space<vmem>>
        %dma_wait3A_209 = tpu.memref_squeeze %dma_wait3A_208 : memref<1x128x16xf32, #tpu.memory_space<vmem>> -> memref<128x16xf32, #tpu.memory_space<vmem>>
        %dma_wait3A_210 = arith.constant 0 : i32
        %dma_wait3A_211 = tpu.memref_slice %arg7[%dma_wait3A_204, %dma_wait3A_210] : memref<80x128xi32, #tpu.memory_space<vmem>> -> memref<1x128xi32, #tpu.memory_space<vmem>>
        %dma_wait3A_212 = tpu.memref_squeeze %dma_wait3A_211 : memref<1x128xi32, #tpu.memory_space<vmem>> -> memref<128xi32, #tpu.memory_space<vmem>>
        %dma_wait3A_213 = arith.constant 0 : i32
        %dma_wait3A_214 = arith.constant 0 : i32
        %dma_wait3A_215 = tpu.memref_slice %arg2[%dma_wait3A_213, %dma_wait3A_214] : memref<10240x16xf32, #tpu.memory_space<hbm>> -> memref<10240x16xf32, #tpu.memory_space<hbm>>
        tpu.wait_indirect_dma semaphore(%arg12 : memref<!tpu.dma_semaphore, #tpu.memory_space<semaphore_mem>>) src(%dma_wait3A_215 : memref<10240x16xf32, #tpu.memory_space<hbm>>) dst(%dma_wait3A_209 : memref<128x16xf32, #tpu.memory_space<vmem>>)
        %dma_wait3A_216 = arith.constant 0 : i32
        %dma_wait3A_217 = arith.constant 3 : i32
        %dma_wait3A_218 = arith.constant 0 : i32
        %dma_wait3A_219 = arith.constant 0 : i32
        %dma_wait3A_220 = tpu.memref_slice %arg9[%dma_wait3A_217, %dma_wait3A_218, %dma_wait3A_219] : memref<5x128x16xf32, #tpu.memory_space<vmem>> -> memref<1x128x16xf32, #tpu.memory_space<vmem>>
        %dma_wait3A_221 = tpu.memref_squeeze %dma_wait3A_220 : memref<1x128x16xf32, #tpu.memory_space<vmem>> -> memref<128x16xf32, #tpu.memory_space<vmem>>
        %dma_wait3A_222 = arith.constant 0 : i32
        %dma_wait3A_223 = tpu.memref_slice %arg7[%dma_wait3A_216, %dma_wait3A_222] : memref<80x128xi32, #tpu.memory_space<vmem>> -> memref<1x128xi32, #tpu.memory_space<vmem>>
        %dma_wait3A_224 = tpu.memref_squeeze %dma_wait3A_223 : memref<1x128xi32, #tpu.memory_space<vmem>> -> memref<128xi32, #tpu.memory_space<vmem>>
        %dma_wait3A_225 = arith.constant 0 : i32
        %dma_wait3A_226 = arith.constant 0 : i32
        %dma_wait3A_227 = tpu.memref_slice %arg2[%dma_wait3A_225, %dma_wait3A_226] : memref<10240x16xf32, #tpu.memory_space<hbm>> -> memref<10240x16xf32, #tpu.memory_space<hbm>>
        tpu.wait_indirect_dma semaphore(%arg12 : memref<!tpu.dma_semaphore, #tpu.memory_space<semaphore_mem>>) src(%dma_wait3A_227 : memref<10240x16xf32, #tpu.memory_space<hbm>>) dst(%dma_wait3A_221 : memref<128x16xf32, #tpu.memory_space<vmem>>)
        %dma_wait3A_228 = arith.constant 0 : i32
        %dma_wait3A_229 = arith.constant 4 : i32
        %dma_wait3A_230 = arith.constant 0 : i32
        %dma_wait3A_231 = arith.constant 0 : i32
        %dma_wait3A_232 = tpu.memref_slice %arg9[%dma_wait3A_229, %dma_wait3A_230, %dma_wait3A_231] : memref<5x128x16xf32, #tpu.memory_space<vmem>> -> memref<1x128x16xf32, #tpu.memory_space<vmem>>
        %dma_wait3A_233 = tpu.memref_squeeze %dma_wait3A_232 : memref<1x128x16xf32, #tpu.memory_space<vmem>> -> memref<128x16xf32, #tpu.memory_space<vmem>>
        %dma_wait3A_234 = arith.constant 0 : i32
        %dma_wait3A_235 = tpu.memref_slice %arg7[%dma_wait3A_228, %dma_wait3A_234] : memref<80x128xi32, #tpu.memory_space<vmem>> -> memref<1x128xi32, #tpu.memory_space<vmem>>
        %dma_wait3A_236 = tpu.memref_squeeze %dma_wait3A_235 : memref<1x128xi32, #tpu.memory_space<vmem>> -> memref<128xi32, #tpu.memory_space<vmem>>
        %dma_wait3A_237 = arith.constant 0 : i32
        %dma_wait3A_238 = arith.constant 0 : i32
        %dma_wait3A_239 = tpu.memref_slice %arg2[%dma_wait3A_237, %dma_wait3A_238] : memref<10240x16xf32, #tpu.memory_space<hbm>> -> memref<10240x16xf32, #tpu.memory_space<hbm>>
        tpu.wait_indirect_dma semaphore(%arg12 : memref<!tpu.dma_semaphore, #tpu.memory_space<semaphore_mem>>) src(%dma_wait3A_239 : memref<10240x16xf32, #tpu.memory_space<hbm>>) dst(%dma_wait3A_233 : memref<128x16xf32, #tpu.memory_space<vmem>>)
        %mul3A_240 = arith.constant 5 : i32
        %mul3A_241 = arith.muli %scan3A_139, %mul3A_240 : i32
        %add3A_242 = arith.constant 0 : i32
        %add3A_243 = arith.addi %mul3A_241, %add3A_242 : i32
        %dma_start3A_244 = arith.constant 0 : i32
        %dma_start3A_245 = arith.constant 0 : i32
        %dma_start3A_246 = arith.constant 0 : i32
        %dma_start3A_247 = tpu.memref_slice %arg9[%dma_start3A_244, %dma_start3A_245, %dma_start3A_246] : memref<5x128x16xf32, #tpu.memory_space<vmem>> -> memref<1x128x16xf32, #tpu.memory_space<vmem>>
        %dma_start3A_248 = tpu.memref_squeeze %dma_start3A_247 : memref<1x128x16xf32, #tpu.memory_space<vmem>> -> memref<128x16xf32, #tpu.memory_space<vmem>>
        %dma_start3A_249 = arith.constant 0 : i32
        %dma_start3A_250 = tpu.memref_slice %arg8[%add3A_243, %dma_start3A_249] : memref<80x128xi32, #tpu.memory_space<vmem>> -> memref<1x128xi32, #tpu.memory_space<vmem>>
        %dma_start3A_251 = tpu.memref_squeeze %dma_start3A_250 : memref<1x128xi32, #tpu.memory_space<vmem>> -> memref<128xi32, #tpu.memory_space<vmem>>
        %dma_start3A_252 = arith.constant 0 : i32
        %dma_start3A_253 = arith.constant 0 : i32
        %dma_start3A_254 = tpu.memref_slice %arg11[%dma_start3A_252, %dma_start3A_253] : memref<10240x16xf32, #tpu.memory_space<vmem_shared>> -> memref<10240x16xf32, #tpu.memory_space<vmem_shared>>
        tpu.enqueue_indirect_dma source(%dma_start3A_248 : memref<128x16xf32, #tpu.memory_space<vmem>>) target(%dma_start3A_254 : memref<10240x16xf32, #tpu.memory_space<vmem_shared>>) offsets(%dma_start3A_251 : memref<128xi32, #tpu.memory_space<vmem>>) semaphore(%arg14 : memref<!tpu.dma_semaphore, #tpu.memory_space<semaphore_mem>>) {add = true}
        %mul3A_255 = arith.constant 5 : i32
        %mul3A_256 = arith.muli %scan3A_139, %mul3A_255 : i32
        %add3A_257 = arith.constant 1 : i32
        %add3A_258 = arith.addi %mul3A_256, %add3A_257 : i32
        %dma_start3A_259 = arith.constant 1 : i32
        %dma_start3A_260 = arith.constant 0 : i32
        %dma_start3A_261 = arith.constant 0 : i32
        %dma_start3A_262 = tpu.memref_slice %arg9[%dma_start3A_259, %dma_start3A_260, %dma_start3A_261] : memref<5x128x16xf32, #tpu.memory_space<vmem>> -> memref<1x128x16xf32, #tpu.memory_space<vmem>>
        %dma_start3A_263 = tpu.memref_squeeze %dma_start3A_262 : memref<1x128x16xf32, #tpu.memory_space<vmem>> -> memref<128x16xf32, #tpu.memory_space<vmem>>
        %dma_start3A_264 = arith.constant 0 : i32
        %dma_start3A_265 = tpu.memref_slice %arg8[%add3A_258, %dma_start3A_264] : memref<80x128xi32, #tpu.memory_space<vmem>> -> memref<1x128xi32, #tpu.memory_space<vmem>>
        %dma_start3A_266 = tpu.memref_squeeze %dma_start3A_265 : memref<1x128xi32, #tpu.memory_space<vmem>> -> memref<128xi32, #tpu.memory_space<vmem>>
        %dma_start3A_267 = arith.constant 0 : i32
        %dma_start3A_268 = arith.constant 0 : i32
        %dma_start3A_269 = tpu.memref_slice %arg11[%dma_start3A_267, %dma_start3A_268] : memref<10240x16xf32, #tpu.memory_space<vmem_shared>> -> memref<10240x16xf32, #tpu.memory_space<vmem_shared>>
        tpu.enqueue_indirect_dma source(%dma_start3A_263 : memref<128x16xf32, #tpu.memory_space<vmem>>) target(%dma_start3A_269 : memref<10240x16xf32, #tpu.memory_space<vmem_shared>>) offsets(%dma_start3A_266 : memref<128xi32, #tpu.memory_space<vmem>>) semaphore(%arg14 : memref<!tpu.dma_semaphore, #tpu.memory_space<semaphore_mem>>) {add = true}
        %mul3A_270 = arith.constant 5 : i32
        %mul3A_271 = arith.muli %scan3A_139, %mul3A_270 : i32
        %add3A_272 = arith.constant 2 : i32
        %add3A_273 = arith.addi %mul3A_271, %add3A_272 : i32
        %dma_start3A_274 = arith.constant 2 : i32
        %dma_start3A_275 = arith.constant 0 : i32
        %dma_start3A_276 = arith.constant 0 : i32
        %dma_start3A_277 = tpu.memref_slice %arg9[%dma_start3A_274, %dma_start3A_275, %dma_start3A_276] : memref<5x128x16xf32, #tpu.memory_space<vmem>> -> memref<1x128x16xf32, #tpu.memory_space<vmem>>
        %dma_start3A_278 = tpu.memref_squeeze %dma_start3A_277 : memref<1x128x16xf32, #tpu.memory_space<vmem>> -> memref<128x16xf32, #tpu.memory_space<vmem>>
        %dma_start3A_279 = arith.constant 0 : i32
        %dma_start3A_280 = tpu.memref_slice %arg8[%add3A_273, %dma_start3A_279] : memref<80x128xi32, #tpu.memory_space<vmem>> -> memref<1x128xi32, #tpu.memory_space<vmem>>
        %dma_start3A_281 = tpu.memref_squeeze %dma_start3A_280 : memref<1x128xi32, #tpu.memory_space<vmem>> -> memref<128xi32, #tpu.memory_space<vmem>>
        %dma_start3A_282 = arith.constant 0 : i32
        %dma_start3A_283 = arith.constant 0 : i32
        %dma_start3A_284 = tpu.memref_slice %arg11[%dma_start3A_282, %dma_start3A_283] : memref<10240x16xf32, #tpu.memory_space<vmem_shared>> -> memref<10240x16xf32, #tpu.memory_space<vmem_shared>>
        tpu.enqueue_indirect_dma source(%dma_start3A_278 : memref<128x16xf32, #tpu.memory_space<vmem>>) target(%dma_start3A_284 : memref<10240x16xf32, #tpu.memory_space<vmem_shared>>) offsets(%dma_start3A_281 : memref<128xi32, #tpu.memory_space<vmem>>) semaphore(%arg14 : memref<!tpu.dma_semaphore, #tpu.memory_space<semaphore_mem>>) {add = true}
        %mul3A_285 = arith.constant 5 : i32
        %mul3A_286 = arith.muli %scan3A_139, %mul3A_285 : i32
        %add3A_287 = arith.constant 3 : i32
        %add3A_288 = arith.addi %mul3A_286, %add3A_287 : i32
        %dma_start3A_289 = arith.constant 3 : i32
        %dma_start3A_290 = arith.constant 0 : i32
        %dma_start3A_291 = arith.constant 0 : i32
        %dma_start3A_292 = tpu.memref_slice %arg9[%dma_start3A_289, %dma_start3A_290, %dma_start3A_291] : memref<5x128x16xf32, #tpu.memory_space<vmem>> -> memref<1x128x16xf32, #tpu.memory_space<vmem>>
        %dma_start3A_293 = tpu.memref_squeeze %dma_start3A_292 : memref<1x128x16xf32, #tpu.memory_space<vmem>> -> memref<128x16xf32, #tpu.memory_space<vmem>>
        %dma_start3A_294 = arith.constant 0 : i32
        %dma_start3A_295 = tpu.memref_slice %arg8[%add3A_288, %dma_start3A_294] : memref<80x128xi32, #tpu.memory_space<vmem>> -> memref<1x128xi32, #tpu.memory_space<vmem>>
        %dma_start3A_296 = tpu.memref_squeeze %dma_start3A_295 : memref<1x128xi32, #tpu.memory_space<vmem>> -> memref<128xi32, #tpu.memory_space<vmem>>
        %dma_start3A_297 = arith.constant 0 : i32
        %dma_start3A_298 = arith.constant 0 : i32
        %dma_start3A_299 = tpu.memref_slice %arg11[%dma_start3A_297, %dma_start3A_298] : memref<10240x16xf32, #tpu.memory_space<vmem_shared>> -> memref<10240x16xf32, #tpu.memory_space<vmem_shared>>
        tpu.enqueue_indirect_dma source(%dma_start3A_293 : memref<128x16xf32, #tpu.memory_space<vmem>>) target(%dma_start3A_299 : memref<10240x16xf32, #tpu.memory_space<vmem_shared>>) offsets(%dma_start3A_296 : memref<128xi32, #tpu.memory_space<vmem>>) semaphore(%arg14 : memref<!tpu.dma_semaphore, #tpu.memory_space<semaphore_mem>>) {add = true}
        %mul3A_300 = arith.constant 5 : i32
        %mul3A_301 = arith.muli %scan3A_139, %mul3A_300 : i32
        %add3A_302 = arith.constant 4 : i32
        %add3A_303 = arith.addi %mul3A_301, %add3A_302 : i32
        %dma_start3A_304 = arith.constant 4 : i32
        %dma_start3A_305 = arith.constant 0 : i32
        %dma_start3A_306 = arith.constant 0 : i32
        %dma_start3A_307 = tpu.memref_slice %arg9[%dma_start3A_304, %dma_start3A_305, %dma_start3A_306] : memref<5x128x16xf32, #tpu.memory_space<vmem>> -> memref<1x128x16xf32, #tpu.memory_space<vmem>>
        %dma_start3A_308 = tpu.memref_squeeze %dma_start3A_307 : memref<1x128x16xf32, #tpu.memory_space<vmem>> -> memref<128x16xf32, #tpu.memory_space<vmem>>
        %dma_start3A_309 = arith.constant 0 : i32
        %dma_start3A_310 = tpu.memref_slice %arg8[%add3A_303, %dma_start3A_309] : memref<80x128xi32, #tpu.memory_space<vmem>> -> memref<1x128xi32, #tpu.memory_space<vmem>>
        %dma_start3A_311 = tpu.memref_squeeze %dma_start3A_310 : memref<1x128xi32, #tpu.memory_space<vmem>> -> memref<128xi32, #tpu.memory_space<vmem>>
        %dma_start3A_312 = arith.constant 0 : i32
        %dma_start3A_313 = arith.constant 0 : i32
        %dma_start3A_314 = tpu.memref_slice %arg11[%dma_start3A_312, %dma_start3A_313] : memref<10240x16xf32, #tpu.memory_space<vmem_shared>> -> memref<10240x16xf32, #tpu.memory_space<vmem_shared>>
        tpu.enqueue_indirect_dma source(%dma_start3A_308 : memref<128x16xf32, #tpu.memory_space<vmem>>) target(%dma_start3A_314 : memref<10240x16xf32, #tpu.memory_space<vmem_shared>>) offsets(%dma_start3A_311 : memref<128xi32, #tpu.memory_space<vmem>>) semaphore(%arg14 : memref<!tpu.dma_semaphore, #tpu.memory_space<semaphore_mem>>) {add = true}
        %not3A = arith.constant true
        %not3A_315 = arith.xori %eq3A_178, %not3A : i1
        %convert_element_type3A_316 = arith.extui %not3A_315 : i1 to i32
        %cond3A_317 = arith.constant 0 : i32
        %cond3A_318 = arith.cmpi ne, %convert_element_type3A_316, %cond3A_317 : i32
        scf.if %cond3A_318 {
          %dma_wait3A_324 = arith.constant 0 : i32
          %dma_wait3A_325 = arith.constant 0 : i32
          %dma_wait3A_326 = arith.constant 0 : i32
          %dma_wait3A_327 = arith.constant 0 : i32
          %dma_wait3A_328 = tpu.memref_slice %arg10[%dma_wait3A_324, %dma_wait3A_326, %dma_wait3A_327] : memref<5x128x16xf32, #tpu.memory_space<vmem>> -> memref<1x128x16xf32, #tpu.memory_space<vmem>>
          %dma_wait3A_329 = tpu.memref_squeeze %dma_wait3A_328 : memref<1x128x16xf32, #tpu.memory_space<vmem>> -> memref<128x16xf32, #tpu.memory_space<vmem>>
          %dma_wait3A_330 = arith.constant 0 : i32
          %dma_wait3A_331 = tpu.memref_slice %arg8[%dma_wait3A_325, %dma_wait3A_330] : memref<80x128xi32, #tpu.memory_space<vmem>> -> memref<1x128xi32, #tpu.memory_space<vmem>>
          %dma_wait3A_332 = tpu.memref_squeeze %dma_wait3A_331 : memref<1x128xi32, #tpu.memory_space<vmem>> -> memref<128xi32, #tpu.memory_space<vmem>>
          %dma_wait3A_333 = arith.constant 0 : i32
          %dma_wait3A_334 = arith.constant 0 : i32
          %dma_wait3A_335 = tpu.memref_slice %arg11[%dma_wait3A_333, %dma_wait3A_334] : memref<10240x16xf32, #tpu.memory_space<vmem_shared>> -> memref<10240x16xf32, #tpu.memory_space<vmem_shared>>
          tpu.wait_indirect_dma semaphore(%arg15 : memref<!tpu.dma_semaphore, #tpu.memory_space<semaphore_mem>>) src(%dma_wait3A_329 : memref<128x16xf32, #tpu.memory_space<vmem>>) dst(%dma_wait3A_335 : memref<10240x16xf32, #tpu.memory_space<vmem_shared>>)
          %dma_wait3A_336 = arith.constant 1 : i32
          %dma_wait3A_337 = arith.constant 0 : i32
          %dma_wait3A_338 = arith.constant 0 : i32
          %dma_wait3A_339 = arith.constant 0 : i32
          %dma_wait3A_340 = tpu.memref_slice %arg10[%dma_wait3A_336, %dma_wait3A_338, %dma_wait3A_339] : memref<5x128x16xf32, #tpu.memory_space<vmem>> -> memref<1x128x16xf32, #tpu.memory_space<vmem>>
          %dma_wait3A_341 = tpu.memref_squeeze %dma_wait3A_340 : memref<1x128x16xf32, #tpu.memory_space<vmem>> -> memref<128x16xf32, #tpu.memory_space<vmem>>
          %dma_wait3A_342 = arith.constant 0 : i32
          %dma_wait3A_343 = tpu.memref_slice %arg8[%dma_wait3A_337, %dma_wait3A_342] : memref<80x128xi32, #tpu.memory_space<vmem>> -> memref<1x128xi32, #tpu.memory_space<vmem>>
          %dma_wait3A_344 = tpu.memref_squeeze %dma_wait3A_343 : memref<1x128xi32, #tpu.memory_space<vmem>> -> memref<128xi32, #tpu.memory_space<vmem>>
          %dma_wait3A_345 = arith.constant 0 : i32
          %dma_wait3A_346 = arith.constant 0 : i32
          %dma_wait3A_347 = tpu.memref_slice %arg11[%dma_wait3A_345, %dma_wait3A_346] : memref<10240x16xf32, #tpu.memory_space<vmem_shared>> -> memref<10240x16xf32, #tpu.memory_space<vmem_shared>>
          tpu.wait_indirect_dma semaphore(%arg15 : memref<!tpu.dma_semaphore, #tpu.memory_space<semaphore_mem>>) src(%dma_wait3A_341 : memref<128x16xf32, #tpu.memory_space<vmem>>) dst(%dma_wait3A_347 : memref<10240x16xf32, #tpu.memory_space<vmem_shared>>)
          %dma_wait3A_348 = arith.constant 2 : i32
          %dma_wait3A_349 = arith.constant 0 : i32
          %dma_wait3A_350 = arith.constant 0 : i32
          %dma_wait3A_351 = arith.constant 0 : i32
          %dma_wait3A_352 = tpu.memref_slice %arg10[%dma_wait3A_348, %dma_wait3A_350, %dma_wait3A_351] : memref<5x128x16xf32, #tpu.memory_space<vmem>> -> memref<1x128x16xf32, #tpu.memory_space<vmem>>
          %dma_wait3A_353 = tpu.memref_squeeze %dma_wait3A_352 : memref<1x128x16xf32, #tpu.memory_space<vmem>> -> memref<128x16xf32, #tpu.memory_space<vmem>>
          %dma_wait3A_354 = arith.constant 0 : i32
          %dma_wait3A_355 = tpu.memref_slice %arg8[%dma_wait3A_349, %dma_wait3A_354] : memref<80x128xi32, #tpu.memory_space<vmem>> -> memref<1x128xi32, #tpu.memory_space<vmem>>
          %dma_wait3A_356 = tpu.memref_squeeze %dma_wait3A_355 : memref<1x128xi32, #tpu.memory_space<vmem>> -> memref<128xi32, #tpu.memory_space<vmem>>
          %dma_wait3A_357 = arith.constant 0 : i32
          %dma_wait3A_358 = arith.constant 0 : i32
          %dma_wait3A_359 = tpu.memref_slice %arg11[%dma_wait3A_357, %dma_wait3A_358] : memref<10240x16xf32, #tpu.memory_space<vmem_shared>> -> memref<10240x16xf32, #tpu.memory_space<vmem_shared>>
          tpu.wait_indirect_dma semaphore(%arg15 : memref<!tpu.dma_semaphore, #tpu.memory_space<semaphore_mem>>) src(%dma_wait3A_353 : memref<128x16xf32, #tpu.memory_space<vmem>>) dst(%dma_wait3A_359 : memref<10240x16xf32, #tpu.memory_space<vmem_shared>>)
          %dma_wait3A_360 = arith.constant 3 : i32
          %dma_wait3A_361 = arith.constant 0 : i32
          %dma_wait3A_362 = arith.constant 0 : i32
          %dma_wait3A_363 = arith.constant 0 : i32
          %dma_wait3A_364 = tpu.memref_slice %arg10[%dma_wait3A_360, %dma_wait3A_362, %dma_wait3A_363] : memref<5x128x16xf32, #tpu.memory_space<vmem>> -> memref<1x128x16xf32, #tpu.memory_space<vmem>>
          %dma_wait3A_365 = tpu.memref_squeeze %dma_wait3A_364 : memref<1x128x16xf32, #tpu.memory_space<vmem>> -> memref<128x16xf32, #tpu.memory_space<vmem>>
          %dma_wait3A_366 = arith.constant 0 : i32
          %dma_wait3A_367 = tpu.memref_slice %arg8[%dma_wait3A_361, %dma_wait3A_366] : memref<80x128xi32, #tpu.memory_space<vmem>> -> memref<1x128xi32, #tpu.memory_space<vmem>>
          %dma_wait3A_368 = tpu.memref_squeeze %dma_wait3A_367 : memref<1x128xi32, #tpu.memory_space<vmem>> -> memref<128xi32, #tpu.memory_space<vmem>>
          %dma_wait3A_369 = arith.constant 0 : i32
          %dma_wait3A_370 = arith.constant 0 : i32
          %dma_wait3A_371 = tpu.memref_slice %arg11[%dma_wait3A_369, %dma_wait3A_370] : memref<10240x16xf32, #tpu.memory_space<vmem_shared>> -> memref<10240x16xf32, #tpu.memory_space<vmem_shared>>
          tpu.wait_indirect_dma semaphore(%arg15 : memref<!tpu.dma_semaphore, #tpu.memory_space<semaphore_mem>>) src(%dma_wait3A_365 : memref<128x16xf32, #tpu.memory_space<vmem>>) dst(%dma_wait3A_371 : memref<10240x16xf32, #tpu.memory_space<vmem_shared>>)
          %dma_wait3A_372 = arith.constant 4 : i32
          %dma_wait3A_373 = arith.constant 0 : i32
          %dma_wait3A_374 = arith.constant 0 : i32
          %dma_wait3A_375 = arith.constant 0 : i32
          %dma_wait3A_376 = tpu.memref_slice %arg10[%dma_wait3A_372, %dma_wait3A_374, %dma_wait3A_375] : memref<5x128x16xf32, #tpu.memory_space<vmem>> -> memref<1x128x16xf32, #tpu.memory_space<vmem>>
          %dma_wait3A_377 = tpu.memref_squeeze %dma_wait3A_376 : memref<1x128x16xf32, #tpu.memory_space<vmem>> -> memref<128x16xf32, #tpu.memory_space<vmem>>
          %dma_wait3A_378 = arith.constant 0 : i32
          %dma_wait3A_379 = tpu.memref_slice %arg8[%dma_wait3A_373, %dma_wait3A_378] : memref<80x128xi32, #tpu.memory_space<vmem>> -> memref<1x128xi32, #tpu.memory_space<vmem>>
          %dma_wait3A_380 = tpu.memref_squeeze %dma_wait3A_379 : memref<1x128xi32, #tpu.memory_space<vmem>> -> memref<128xi32, #tpu.memory_space<vmem>>
          %dma_wait3A_381 = arith.constant 0 : i32
          %dma_wait3A_382 = arith.constant 0 : i32
          %dma_wait3A_383 = tpu.memref_slice %arg11[%dma_wait3A_381, %dma_wait3A_382] : memref<10240x16xf32, #tpu.memory_space<vmem_shared>> -> memref<10240x16xf32, #tpu.memory_space<vmem_shared>>
          tpu.wait_indirect_dma semaphore(%arg15 : memref<!tpu.dma_semaphore, #tpu.memory_space<semaphore_mem>>) src(%dma_wait3A_377 : memref<128x16xf32, #tpu.memory_space<vmem>>) dst(%dma_wait3A_383 : memref<10240x16xf32, #tpu.memory_space<vmem_shared>>)
        } else {
        }
        %not3A_319 = arith.constant true
        %not3A_320 = arith.xori %ge3A_179, %not3A_319 : i1
        %convert_element_type3A_321 = arith.extui %not3A_320 : i1 to i32
        %cond3A_322 = arith.constant 0 : i32
        %cond3A_323 = arith.cmpi ne, %convert_element_type3A_321, %cond3A_322 : i32
        scf.if %cond3A_323 {
          %add3A_324 = arith.constant 1 : i32
          %add3A_325 = arith.addi %scan3A_139, %add3A_324 : i32
          %mul3A_326 = arith.constant 5 : i32
          %mul3A_327 = arith.muli %add3A_325, %mul3A_326 : i32
          %add3A_328 = arith.constant 0 : i32
          %add3A_329 = arith.addi %mul3A_327, %add3A_328 : i32
          %dma_start3A_330 = arith.constant 0 : i32
          %dma_start3A_331 = arith.constant 0 : i32
          %dma_start3A_332 = arith.constant 0 : i32
          %dma_start3A_333 = tpu.memref_slice %arg10[%dma_start3A_330, %dma_start3A_331, %dma_start3A_332] : memref<5x128x16xf32, #tpu.memory_space<vmem>> -> memref<1x128x16xf32, #tpu.memory_space<vmem>>
          %dma_start3A_334 = tpu.memref_squeeze %dma_start3A_333 : memref<1x128x16xf32, #tpu.memory_space<vmem>> -> memref<128x16xf32, #tpu.memory_space<vmem>>
          %dma_start3A_335 = arith.constant 0 : i32
          %dma_start3A_336 = tpu.memref_slice %arg7[%add3A_329, %dma_start3A_335] : memref<80x128xi32, #tpu.memory_space<vmem>> -> memref<1x128xi32, #tpu.memory_space<vmem>>
          %dma_start3A_337 = tpu.memref_squeeze %dma_start3A_336 : memref<1x128xi32, #tpu.memory_space<vmem>> -> memref<128xi32, #tpu.memory_space<vmem>>
          %dma_start3A_338 = arith.constant 0 : i32
          %dma_start3A_339 = arith.constant 0 : i32
          %dma_start3A_340 = tpu.memref_slice %arg2[%dma_start3A_338, %dma_start3A_339] : memref<10240x16xf32, #tpu.memory_space<hbm>> -> memref<10240x16xf32, #tpu.memory_space<hbm>>
          tpu.enqueue_indirect_dma source(%dma_start3A_340 : memref<10240x16xf32, #tpu.memory_space<hbm>>) target(%dma_start3A_334 : memref<128x16xf32, #tpu.memory_space<vmem>>) offsets(%dma_start3A_337 : memref<128xi32, #tpu.memory_space<vmem>>) semaphore(%arg13 : memref<!tpu.dma_semaphore, #tpu.memory_space<semaphore_mem>>)
          %add3A_341 = arith.constant 1 : i32
          %add3A_342 = arith.addi %scan3A_139, %add3A_341 : i32
          %mul3A_343 = arith.constant 5 : i32
          %mul3A_344 = arith.muli %add3A_342, %mul3A_343 : i32
          %add3A_345 = arith.constant 1 : i32
          %add3A_346 = arith.addi %mul3A_344, %add3A_345 : i32
          %dma_start3A_347 = arith.constant 1 : i32
          %dma_start3A_348 = arith.constant 0 : i32
          %dma_start3A_349 = arith.constant 0 : i32
          %dma_start3A_350 = tpu.memref_slice %arg10[%dma_start3A_347, %dma_start3A_348, %dma_start3A_349] : memref<5x128x16xf32, #tpu.memory_space<vmem>> -> memref<1x128x16xf32, #tpu.memory_space<vmem>>
          %dma_start3A_351 = tpu.memref_squeeze %dma_start3A_350 : memref<1x128x16xf32, #tpu.memory_space<vmem>> -> memref<128x16xf32, #tpu.memory_space<vmem>>
          %dma_start3A_352 = arith.constant 0 : i32
          %dma_start3A_353 = tpu.memref_slice %arg7[%add3A_346, %dma_start3A_352] : memref<80x128xi32, #tpu.memory_space<vmem>> -> memref<1x128xi32, #tpu.memory_space<vmem>>
          %dma_start3A_354 = tpu.memref_squeeze %dma_start3A_353 : memref<1x128xi32, #tpu.memory_space<vmem>> -> memref<128xi32, #tpu.memory_space<vmem>>
          %dma_start3A_355 = arith.constant 0 : i32
          %dma_start3A_356 = arith.constant 0 : i32
          %dma_start3A_357 = tpu.memref_slice %arg2[%dma_start3A_355, %dma_start3A_356] : memref<10240x16xf32, #tpu.memory_space<hbm>> -> memref<10240x16xf32, #tpu.memory_space<hbm>>
          tpu.enqueue_indirect_dma source(%dma_start3A_357 : memref<10240x16xf32, #tpu.memory_space<hbm>>) target(%dma_start3A_351 : memref<128x16xf32, #tpu.memory_space<vmem>>) offsets(%dma_start3A_354 : memref<128xi32, #tpu.memory_space<vmem>>) semaphore(%arg13 : memref<!tpu.dma_semaphore, #tpu.memory_space<semaphore_mem>>)
          %add3A_358 = arith.constant 1 : i32
          %add3A_359 = arith.addi %scan3A_139, %add3A_358 : i32
          %mul3A_360 = arith.constant 5 : i32
          %mul3A_361 = arith.muli %add3A_359, %mul3A_360 : i32
          %add3A_362 = arith.constant 2 : i32
          %add3A_363 = arith.addi %mul3A_361, %add3A_362 : i32
          %dma_start3A_364 = arith.constant 2 : i32
          %dma_start3A_365 = arith.constant 0 : i32
          %dma_start3A_366 = arith.constant 0 : i32
          %dma_start3A_367 = tpu.memref_slice %arg10[%dma_start3A_364, %dma_start3A_365, %dma_start3A_366] : memref<5x128x16xf32, #tpu.memory_space<vmem>> -> memref<1x128x16xf32, #tpu.memory_space<vmem>>
          %dma_start3A_368 = tpu.memref_squeeze %dma_start3A_367 : memref<1x128x16xf32, #tpu.memory_space<vmem>> -> memref<128x16xf32, #tpu.memory_space<vmem>>
          %dma_start3A_369 = arith.constant 0 : i32
          %dma_start3A_370 = tpu.memref_slice %arg7[%add3A_363, %dma_start3A_369] : memref<80x128xi32, #tpu.memory_space<vmem>> -> memref<1x128xi32, #tpu.memory_space<vmem>>
          %dma_start3A_371 = tpu.memref_squeeze %dma_start3A_370 : memref<1x128xi32, #tpu.memory_space<vmem>> -> memref<128xi32, #tpu.memory_space<vmem>>
          %dma_start3A_372 = arith.constant 0 : i32
          %dma_start3A_373 = arith.constant 0 : i32
          %dma_start3A_374 = tpu.memref_slice %arg2[%dma_start3A_372, %dma_start3A_373] : memref<10240x16xf32, #tpu.memory_space<hbm>> -> memref<10240x16xf32, #tpu.memory_space<hbm>>
          tpu.enqueue_indirect_dma source(%dma_start3A_374 : memref<10240x16xf32, #tpu.memory_space<hbm>>) target(%dma_start3A_368 : memref<128x16xf32, #tpu.memory_space<vmem>>) offsets(%dma_start3A_371 : memref<128xi32, #tpu.memory_space<vmem>>) semaphore(%arg13 : memref<!tpu.dma_semaphore, #tpu.memory_space<semaphore_mem>>)
          %add3A_375 = arith.constant 1 : i32
          %add3A_376 = arith.addi %scan3A_139, %add3A_375 : i32
          %mul3A_377 = arith.constant 5 : i32
          %mul3A_378 = arith.muli %add3A_376, %mul3A_377 : i32
          %add3A_379 = arith.constant 3 : i32
          %add3A_380 = arith.addi %mul3A_378, %add3A_379 : i32
          %dma_start3A_381 = arith.constant 3 : i32
          %dma_start3A_382 = arith.constant 0 : i32
          %dma_start3A_383 = arith.constant 0 : i32
          %dma_start3A_384 = tpu.memref_slice %arg10[%dma_start3A_381, %dma_start3A_382, %dma_start3A_383] : memref<5x128x16xf32, #tpu.memory_space<vmem>> -> memref<1x128x16xf32, #tpu.memory_space<vmem>>
          %dma_start3A_385 = tpu.memref_squeeze %dma_start3A_384 : memref<1x128x16xf32, #tpu.memory_space<vmem>> -> memref<128x16xf32, #tpu.memory_space<vmem>>
          %dma_start3A_386 = arith.constant 0 : i32
          %dma_start3A_387 = tpu.memref_slice %arg7[%add3A_380, %dma_start3A_386] : memref<80x128xi32, #tpu.memory_space<vmem>> -> memref<1x128xi32, #tpu.memory_space<vmem>>
          %dma_start3A_388 = tpu.memref_squeeze %dma_start3A_387 : memref<1x128xi32, #tpu.memory_space<vmem>> -> memref<128xi32, #tpu.memory_space<vmem>>
          %dma_start3A_389 = arith.constant 0 : i32
          %dma_start3A_390 = arith.constant 0 : i32
          %dma_start3A_391 = tpu.memref_slice %arg2[%dma_start3A_389, %dma_start3A_390] : memref<10240x16xf32, #tpu.memory_space<hbm>> -> memref<10240x16xf32, #tpu.memory_space<hbm>>
          tpu.enqueue_indirect_dma source(%dma_start3A_391 : memref<10240x16xf32, #tpu.memory_space<hbm>>) target(%dma_start3A_385 : memref<128x16xf32, #tpu.memory_space<vmem>>) offsets(%dma_start3A_388 : memref<128xi32, #tpu.memory_space<vmem>>) semaphore(%arg13 : memref<!tpu.dma_semaphore, #tpu.memory_space<semaphore_mem>>)
          %add3A_392 = arith.constant 1 : i32
          %add3A_393 = arith.addi %scan3A_139, %add3A_392 : i32
          %mul3A_394 = arith.constant 5 : i32
          %mul3A_395 = arith.muli %add3A_393, %mul3A_394 : i32
          %add3A_396 = arith.constant 4 : i32
          %add3A_397 = arith.addi %mul3A_395, %add3A_396 : i32
          %dma_start3A_398 = arith.constant 4 : i32
          %dma_start3A_399 = arith.constant 0 : i32
          %dma_start3A_400 = arith.constant 0 : i32
          %dma_start3A_401 = tpu.memref_slice %arg10[%dma_start3A_398, %dma_start3A_399, %dma_start3A_400] : memref<5x128x16xf32, #tpu.memory_space<vmem>> -> memref<1x128x16xf32, #tpu.memory_space<vmem>>
          %dma_start3A_402 = tpu.memref_squeeze %dma_start3A_401 : memref<1x128x16xf32, #tpu.memory_space<vmem>> -> memref<128x16xf32, #tpu.memory_space<vmem>>
          %dma_start3A_403 = arith.constant 0 : i32
          %dma_start3A_404 = tpu.memref_slice %arg7[%add3A_397, %dma_start3A_403] : memref<80x128xi32, #tpu.memory_space<vmem>> -> memref<1x128xi32, #tpu.memory_space<vmem>>
          %dma_start3A_405 = tpu.memref_squeeze %dma_start3A_404 : memref<1x128xi32, #tpu.memory_space<vmem>> -> memref<128xi32, #tpu.memory_space<vmem>>
          %dma_start3A_406 = arith.constant 0 : i32
          %dma_start3A_407 = arith.constant 0 : i32
          %dma_start3A_408 = tpu.memref_slice %arg2[%dma_start3A_406, %dma_start3A_407] : memref<10240x16xf32, #tpu.memory_space<hbm>> -> memref<10240x16xf32, #tpu.memory_space<hbm>>
          tpu.enqueue_indirect_dma source(%dma_start3A_408 : memref<10240x16xf32, #tpu.memory_space<hbm>>) target(%dma_start3A_402 : memref<128x16xf32, #tpu.memory_space<vmem>>) offsets(%dma_start3A_405 : memref<128xi32, #tpu.memory_space<vmem>>) semaphore(%arg13 : memref<!tpu.dma_semaphore, #tpu.memory_space<semaphore_mem>>)
        } else {
        }
      } else {
      }
      %jit3A_156 = arith.constant 2 : i32
      %eq3A_157 = arith.constant 0 : i32
      %eq3A_158 = arith.cmpi eq, %jit3A_156, %eq3A_157 : i32
      %jit3A_159 = arith.constant 1 : i32
      %select_n3A_160 = arith.select %eq3A_158, %jit3A_159, %jit3A_156 : i32
      %rem3A_161 = arith.remsi %scan3A_139, %select_n3A_160 : i32
      %ne3A_162 = arith.constant 0 : i32
      %ne3A_163 = arith.cmpi ne, %rem3A_161, %ne3A_162 : i32
      %lt3A_164 = arith.constant 0 : i32
      %lt3A_165 = arith.cmpi slt, %rem3A_161, %lt3A_164 : i32
      %lt3A_166 = arith.constant 0 : i32
      %lt3A_167 = arith.cmpi slt, %select_n3A_160, %lt3A_166 : i32
      %ne3A_168 = arith.xori %lt3A_165, %lt3A_167 : i1
      %and3A_169 = arith.andi %ne3A_168, %ne3A_163 : i1
      %add3A_170 = arith.addi %rem3A_161, %select_n3A_160 : i32
      %select_n3A_171 = arith.select %and3A_169, %add3A_170, %rem3A_161 : i32
      %eq3A_172 = arith.constant 1 : i32
      %eq3A_173 = arith.cmpi eq, %select_n3A_171, %eq3A_172 : i32
      %convert_element_type3A_174 = arith.extui %eq3A_173 : i1 to i32
      %cond3A_175 = arith.constant 0 : i32
      %cond3A_176 = arith.cmpi ne, %convert_element_type3A_174, %cond3A_175 : i32
      scf.if %cond3A_176 {
        %ge3A = arith.constant 15 : i32
        %ge3A_177 = arith.cmpi sge, %scan3A_139, %ge3A : i32
        %dma_wait3A_178 = arith.constant 0 : i32
        %dma_wait3A_179 = arith.constant 0 : i32
        %dma_wait3A_180 = arith.constant 0 : i32
        %dma_wait3A_181 = arith.constant 0 : i32
        %dma_wait3A_182 = tpu.memref_slice %arg10[%dma_wait3A_179, %dma_wait3A_180, %dma_wait3A_181] : memref<5x128x16xf32, #tpu.memory_space<vmem>> -> memref<1x128x16xf32, #tpu.memory_space<vmem>>
        %dma_wait3A_183 = tpu.memref_squeeze %dma_wait3A_182 : memref<1x128x16xf32, #tpu.memory_space<vmem>> -> memref<128x16xf32, #tpu.memory_space<vmem>>
        %dma_wait3A_184 = arith.constant 0 : i32
        %dma_wait3A_185 = tpu.memref_slice %arg7[%dma_wait3A_178, %dma_wait3A_184] : memref<80x128xi32, #tpu.memory_space<vmem>> -> memref<1x128xi32, #tpu.memory_space<vmem>>
        %dma_wait3A_186 = tpu.memref_squeeze %dma_wait3A_185 : memref<1x128xi32, #tpu.memory_space<vmem>> -> memref<128xi32, #tpu.memory_space<vmem>>
        %dma_wait3A_187 = arith.constant 0 : i32
        %dma_wait3A_188 = arith.constant 0 : i32
        %dma_wait3A_189 = tpu.memref_slice %arg2[%dma_wait3A_187, %dma_wait3A_188] : memref<10240x16xf32, #tpu.memory_space<hbm>> -> memref<10240x16xf32, #tpu.memory_space<hbm>>
        tpu.wait_indirect_dma semaphore(%arg13 : memref<!tpu.dma_semaphore, #tpu.memory_space<semaphore_mem>>) src(%dma_wait3A_189 : memref<10240x16xf32, #tpu.memory_space<hbm>>) dst(%dma_wait3A_183 : memref<128x16xf32, #tpu.memory_space<vmem>>)
        %dma_wait3A_190 = arith.constant 0 : i32
        %dma_wait3A_191 = arith.constant 1 : i32
        %dma_wait3A_192 = arith.constant 0 : i32
        %dma_wait3A_193 = arith.constant 0 : i32
        %dma_wait3A_194 = tpu.memref_slice %arg10[%dma_wait3A_191, %dma_wait3A_192, %dma_wait3A_193] : memref<5x128x16xf32, #tpu.memory_space<vmem>> -> memref<1x128x16xf32, #tpu.memory_space<vmem>>
        %dma_wait3A_195 = tpu.memref_squeeze %dma_wait3A_194 : memref<1x128x16xf32, #tpu.memory_space<vmem>> -> memref<128x16xf32, #tpu.memory_space<vmem>>
        %dma_wait3A_196 = arith.constant 0 : i32
        %dma_wait3A_197 = tpu.memref_slice %arg7[%dma_wait3A_190, %dma_wait3A_196] : memref<80x128xi32, #tpu.memory_space<vmem>> -> memref<1x128xi32, #tpu.memory_space<vmem>>
        %dma_wait3A_198 = tpu.memref_squeeze %dma_wait3A_197 : memref<1x128xi32, #tpu.memory_space<vmem>> -> memref<128xi32, #tpu.memory_space<vmem>>
        %dma_wait3A_199 = arith.constant 0 : i32
        %dma_wait3A_200 = arith.constant 0 : i32
        %dma_wait3A_201 = tpu.memref_slice %arg2[%dma_wait3A_199, %dma_wait3A_200] : memref<10240x16xf32, #tpu.memory_space<hbm>> -> memref<10240x16xf32, #tpu.memory_space<hbm>>
        tpu.wait_indirect_dma semaphore(%arg13 : memref<!tpu.dma_semaphore, #tpu.memory_space<semaphore_mem>>) src(%dma_wait3A_201 : memref<10240x16xf32, #tpu.memory_space<hbm>>) dst(%dma_wait3A_195 : memref<128x16xf32, #tpu.memory_space<vmem>>)
        %dma_wait3A_202 = arith.constant 0 : i32
        %dma_wait3A_203 = arith.constant 2 : i32
        %dma_wait3A_204 = arith.constant 0 : i32
        %dma_wait3A_205 = arith.constant 0 : i32
        %dma_wait3A_206 = tpu.memref_slice %arg10[%dma_wait3A_203, %dma_wait3A_204, %dma_wait3A_205] : memref<5x128x16xf32, #tpu.memory_space<vmem>> -> memref<1x128x16xf32, #tpu.memory_space<vmem>>
        %dma_wait3A_207 = tpu.memref_squeeze %dma_wait3A_206 : memref<1x128x16xf32, #tpu.memory_space<vmem>> -> memref<128x16xf32, #tpu.memory_space<vmem>>
        %dma_wait3A_208 = arith.constant 0 : i32
        %dma_wait3A_209 = tpu.memref_slice %arg7[%dma_wait3A_202, %dma_wait3A_208] : memref<80x128xi32, #tpu.memory_space<vmem>> -> memref<1x128xi32, #tpu.memory_space<vmem>>
        %dma_wait3A_210 = tpu.memref_squeeze %dma_wait3A_209 : memref<1x128xi32, #tpu.memory_space<vmem>> -> memref<128xi32, #tpu.memory_space<vmem>>
        %dma_wait3A_211 = arith.constant 0 : i32
        %dma_wait3A_212 = arith.constant 0 : i32
        %dma_wait3A_213 = tpu.memref_slice %arg2[%dma_wait3A_211, %dma_wait3A_212] : memref<10240x16xf32, #tpu.memory_space<hbm>> -> memref<10240x16xf32, #tpu.memory_space<hbm>>
        tpu.wait_indirect_dma semaphore(%arg13 : memref<!tpu.dma_semaphore, #tpu.memory_space<semaphore_mem>>) src(%dma_wait3A_213 : memref<10240x16xf32, #tpu.memory_space<hbm>>) dst(%dma_wait3A_207 : memref<128x16xf32, #tpu.memory_space<vmem>>)
        %dma_wait3A_214 = arith.constant 0 : i32
        %dma_wait3A_215 = arith.constant 3 : i32
        %dma_wait3A_216 = arith.constant 0 : i32
        %dma_wait3A_217 = arith.constant 0 : i32
        %dma_wait3A_218 = tpu.memref_slice %arg10[%dma_wait3A_215, %dma_wait3A_216, %dma_wait3A_217] : memref<5x128x16xf32, #tpu.memory_space<vmem>> -> memref<1x128x16xf32, #tpu.memory_space<vmem>>
        %dma_wait3A_219 = tpu.memref_squeeze %dma_wait3A_218 : memref<1x128x16xf32, #tpu.memory_space<vmem>> -> memref<128x16xf32, #tpu.memory_space<vmem>>
        %dma_wait3A_220 = arith.constant 0 : i32
        %dma_wait3A_221 = tpu.memref_slice %arg7[%dma_wait3A_214, %dma_wait3A_220] : memref<80x128xi32, #tpu.memory_space<vmem>> -> memref<1x128xi32, #tpu.memory_space<vmem>>
        %dma_wait3A_222 = tpu.memref_squeeze %dma_wait3A_221 : memref<1x128xi32, #tpu.memory_space<vmem>> -> memref<128xi32, #tpu.memory_space<vmem>>
        %dma_wait3A_223 = arith.constant 0 : i32
        %dma_wait3A_224 = arith.constant 0 : i32
        %dma_wait3A_225 = tpu.memref_slice %arg2[%dma_wait3A_223, %dma_wait3A_224] : memref<10240x16xf32, #tpu.memory_space<hbm>> -> memref<10240x16xf32, #tpu.memory_space<hbm>>
        tpu.wait_indirect_dma semaphore(%arg13 : memref<!tpu.dma_semaphore, #tpu.memory_space<semaphore_mem>>) src(%dma_wait3A_225 : memref<10240x16xf32, #tpu.memory_space<hbm>>) dst(%dma_wait3A_219 : memref<128x16xf32, #tpu.memory_space<vmem>>)
        %dma_wait3A_226 = arith.constant 0 : i32
        %dma_wait3A_227 = arith.constant 4 : i32
        %dma_wait3A_228 = arith.constant 0 : i32
        %dma_wait3A_229 = arith.constant 0 : i32
        %dma_wait3A_230 = tpu.memref_slice %arg10[%dma_wait3A_227, %dma_wait3A_228, %dma_wait3A_229] : memref<5x128x16xf32, #tpu.memory_space<vmem>> -> memref<1x128x16xf32, #tpu.memory_space<vmem>>
        %dma_wait3A_231 = tpu.memref_squeeze %dma_wait3A_230 : memref<1x128x16xf32, #tpu.memory_space<vmem>> -> memref<128x16xf32, #tpu.memory_space<vmem>>
        %dma_wait3A_232 = arith.constant 0 : i32
        %dma_wait3A_233 = tpu.memref_slice %arg7[%dma_wait3A_226, %dma_wait3A_232] : memref<80x128xi32, #tpu.memory_space<vmem>> -> memref<1x128xi32, #tpu.memory_space<vmem>>
        %dma_wait3A_234 = tpu.memref_squeeze %dma_wait3A_233 : memref<1x128xi32, #tpu.memory_space<vmem>> -> memref<128xi32, #tpu.memory_space<vmem>>
        %dma_wait3A_235 = arith.constant 0 : i32
        %dma_wait3A_236 = arith.constant 0 : i32
        %dma_wait3A_237 = tpu.memref_slice %arg2[%dma_wait3A_235, %dma_wait3A_236] : memref<10240x16xf32, #tpu.memory_space<hbm>> -> memref<10240x16xf32, #tpu.memory_space<hbm>>
        tpu.wait_indirect_dma semaphore(%arg13 : memref<!tpu.dma_semaphore, #tpu.memory_space<semaphore_mem>>) src(%dma_wait3A_237 : memref<10240x16xf32, #tpu.memory_space<hbm>>) dst(%dma_wait3A_231 : memref<128x16xf32, #tpu.memory_space<vmem>>)
        %mul3A_238 = arith.constant 5 : i32
        %mul3A_239 = arith.muli %scan3A_139, %mul3A_238 : i32
        %add3A_240 = arith.constant 0 : i32
        %add3A_241 = arith.addi %mul3A_239, %add3A_240 : i32
        %dma_start3A_242 = arith.constant 0 : i32
        %dma_start3A_243 = arith.constant 0 : i32
        %dma_start3A_244 = arith.constant 0 : i32
        %dma_start3A_245 = tpu.memref_slice %arg10[%dma_start3A_242, %dma_start3A_243, %dma_start3A_244] : memref<5x128x16xf32, #tpu.memory_space<vmem>> -> memref<1x128x16xf32, #tpu.memory_space<vmem>>
        %dma_start3A_246 = tpu.memref_squeeze %dma_start3A_245 : memref<1x128x16xf32, #tpu.memory_space<vmem>> -> memref<128x16xf32, #tpu.memory_space<vmem>>
        %dma_start3A_247 = arith.constant 0 : i32
        %dma_start3A_248 = tpu.memref_slice %arg8[%add3A_241, %dma_start3A_247] : memref<80x128xi32, #tpu.memory_space<vmem>> -> memref<1x128xi32, #tpu.memory_space<vmem>>
        %dma_start3A_249 = tpu.memref_squeeze %dma_start3A_248 : memref<1x128xi32, #tpu.memory_space<vmem>> -> memref<128xi32, #tpu.memory_space<vmem>>
        %dma_start3A_250 = arith.constant 0 : i32
        %dma_start3A_251 = arith.constant 0 : i32
        %dma_start3A_252 = tpu.memref_slice %arg11[%dma_start3A_250, %dma_start3A_251] : memref<10240x16xf32, #tpu.memory_space<vmem_shared>> -> memref<10240x16xf32, #tpu.memory_space<vmem_shared>>
        tpu.enqueue_indirect_dma source(%dma_start3A_246 : memref<128x16xf32, #tpu.memory_space<vmem>>) target(%dma_start3A_252 : memref<10240x16xf32, #tpu.memory_space<vmem_shared>>) offsets(%dma_start3A_249 : memref<128xi32, #tpu.memory_space<vmem>>) semaphore(%arg15 : memref<!tpu.dma_semaphore, #tpu.memory_space<semaphore_mem>>) {add = true}
        %mul3A_253 = arith.constant 5 : i32
        %mul3A_254 = arith.muli %scan3A_139, %mul3A_253 : i32
        %add3A_255 = arith.constant 1 : i32
        %add3A_256 = arith.addi %mul3A_254, %add3A_255 : i32
        %dma_start3A_257 = arith.constant 1 : i32
        %dma_start3A_258 = arith.constant 0 : i32
        %dma_start3A_259 = arith.constant 0 : i32
        %dma_start3A_260 = tpu.memref_slice %arg10[%dma_start3A_257, %dma_start3A_258, %dma_start3A_259] : memref<5x128x16xf32, #tpu.memory_space<vmem>> -> memref<1x128x16xf32, #tpu.memory_space<vmem>>
        %dma_start3A_261 = tpu.memref_squeeze %dma_start3A_260 : memref<1x128x16xf32, #tpu.memory_space<vmem>> -> memref<128x16xf32, #tpu.memory_space<vmem>>
        %dma_start3A_262 = arith.constant 0 : i32
        %dma_start3A_263 = tpu.memref_slice %arg8[%add3A_256, %dma_start3A_262] : memref<80x128xi32, #tpu.memory_space<vmem>> -> memref<1x128xi32, #tpu.memory_space<vmem>>
        %dma_start3A_264 = tpu.memref_squeeze %dma_start3A_263 : memref<1x128xi32, #tpu.memory_space<vmem>> -> memref<128xi32, #tpu.memory_space<vmem>>
        %dma_start3A_265 = arith.constant 0 : i32
        %dma_start3A_266 = arith.constant 0 : i32
        %dma_start3A_267 = tpu.memref_slice %arg11[%dma_start3A_265, %dma_start3A_266] : memref<10240x16xf32, #tpu.memory_space<vmem_shared>> -> memref<10240x16xf32, #tpu.memory_space<vmem_shared>>
        tpu.enqueue_indirect_dma source(%dma_start3A_261 : memref<128x16xf32, #tpu.memory_space<vmem>>) target(%dma_start3A_267 : memref<10240x16xf32, #tpu.memory_space<vmem_shared>>) offsets(%dma_start3A_264 : memref<128xi32, #tpu.memory_space<vmem>>) semaphore(%arg15 : memref<!tpu.dma_semaphore, #tpu.memory_space<semaphore_mem>>) {add = true}
        %mul3A_268 = arith.constant 5 : i32
        %mul3A_269 = arith.muli %scan3A_139, %mul3A_268 : i32
        %add3A_270 = arith.constant 2 : i32
        %add3A_271 = arith.addi %mul3A_269, %add3A_270 : i32
        %dma_start3A_272 = arith.constant 2 : i32
        %dma_start3A_273 = arith.constant 0 : i32
        %dma_start3A_274 = arith.constant 0 : i32
        %dma_start3A_275 = tpu.memref_slice %arg10[%dma_start3A_272, %dma_start3A_273, %dma_start3A_274] : memref<5x128x16xf32, #tpu.memory_space<vmem>> -> memref<1x128x16xf32, #tpu.memory_space<vmem>>
        %dma_start3A_276 = tpu.memref_squeeze %dma_start3A_275 : memref<1x128x16xf32, #tpu.memory_space<vmem>> -> memref<128x16xf32, #tpu.memory_space<vmem>>
        %dma_start3A_277 = arith.constant 0 : i32
        %dma_start3A_278 = tpu.memref_slice %arg8[%add3A_271, %dma_start3A_277] : memref<80x128xi32, #tpu.memory_space<vmem>> -> memref<1x128xi32, #tpu.memory_space<vmem>>
        %dma_start3A_279 = tpu.memref_squeeze %dma_start3A_278 : memref<1x128xi32, #tpu.memory_space<vmem>> -> memref<128xi32, #tpu.memory_space<vmem>>
        %dma_start3A_280 = arith.constant 0 : i32
        %dma_start3A_281 = arith.constant 0 : i32
        %dma_start3A_282 = tpu.memref_slice %arg11[%dma_start3A_280, %dma_start3A_281] : memref<10240x16xf32, #tpu.memory_space<vmem_shared>> -> memref<10240x16xf32, #tpu.memory_space<vmem_shared>>
        tpu.enqueue_indirect_dma source(%dma_start3A_276 : memref<128x16xf32, #tpu.memory_space<vmem>>) target(%dma_start3A_282 : memref<10240x16xf32, #tpu.memory_space<vmem_shared>>) offsets(%dma_start3A_279 : memref<128xi32, #tpu.memory_space<vmem>>) semaphore(%arg15 : memref<!tpu.dma_semaphore, #tpu.memory_space<semaphore_mem>>) {add = true}
        %mul3A_283 = arith.constant 5 : i32
        %mul3A_284 = arith.muli %scan3A_139, %mul3A_283 : i32
        %add3A_285 = arith.constant 3 : i32
        %add3A_286 = arith.addi %mul3A_284, %add3A_285 : i32
        %dma_start3A_287 = arith.constant 3 : i32
        %dma_start3A_288 = arith.constant 0 : i32
        %dma_start3A_289 = arith.constant 0 : i32
        %dma_start3A_290 = tpu.memref_slice %arg10[%dma_start3A_287, %dma_start3A_288, %dma_start3A_289] : memref<5x128x16xf32, #tpu.memory_space<vmem>> -> memref<1x128x16xf32, #tpu.memory_space<vmem>>
        %dma_start3A_291 = tpu.memref_squeeze %dma_start3A_290 : memref<1x128x16xf32, #tpu.memory_space<vmem>> -> memref<128x16xf32, #tpu.memory_space<vmem>>
        %dma_start3A_292 = arith.constant 0 : i32
        %dma_start3A_293 = tpu.memref_slice %arg8[%add3A_286, %dma_start3A_292] : memref<80x128xi32, #tpu.memory_space<vmem>> -> memref<1x128xi32, #tpu.memory_space<vmem>>
        %dma_start3A_294 = tpu.memref_squeeze %dma_start3A_293 : memref<1x128xi32, #tpu.memory_space<vmem>> -> memref<128xi32, #tpu.memory_space<vmem>>
        %dma_start3A_295 = arith.constant 0 : i32
        %dma_start3A_296 = arith.constant 0 : i32
        %dma_start3A_297 = tpu.memref_slice %arg11[%dma_start3A_295, %dma_start3A_296] : memref<10240x16xf32, #tpu.memory_space<vmem_shared>> -> memref<10240x16xf32, #tpu.memory_space<vmem_shared>>
        tpu.enqueue_indirect_dma source(%dma_start3A_291 : memref<128x16xf32, #tpu.memory_space<vmem>>) target(%dma_start3A_297 : memref<10240x16xf32, #tpu.memory_space<vmem_shared>>) offsets(%dma_start3A_294 : memref<128xi32, #tpu.memory_space<vmem>>) semaphore(%arg15 : memref<!tpu.dma_semaphore, #tpu.memory_space<semaphore_mem>>) {add = true}
        %mul3A_298 = arith.constant 5 : i32
        %mul3A_299 = arith.muli %scan3A_139, %mul3A_298 : i32
        %add3A_300 = arith.constant 4 : i32
        %add3A_301 = arith.addi %mul3A_299, %add3A_300 : i32
        %dma_start3A_302 = arith.constant 4 : i32
        %dma_start3A_303 = arith.constant 0 : i32
        %dma_start3A_304 = arith.constant 0 : i32
        %dma_start3A_305 = tpu.memref_slice %arg10[%dma_start3A_302, %dma_start3A_303, %dma_start3A_304] : memref<5x128x16xf32, #tpu.memory_space<vmem>> -> memref<1x128x16xf32, #tpu.memory_space<vmem>>
        %dma_start3A_306 = tpu.memref_squeeze %dma_start3A_305 : memref<1x128x16xf32, #tpu.memory_space<vmem>> -> memref<128x16xf32, #tpu.memory_space<vmem>>
        %dma_start3A_307 = arith.constant 0 : i32
        %dma_start3A_308 = tpu.memref_slice %arg8[%add3A_301, %dma_start3A_307] : memref<80x128xi32, #tpu.memory_space<vmem>> -> memref<1x128xi32, #tpu.memory_space<vmem>>
        %dma_start3A_309 = tpu.memref_squeeze %dma_start3A_308 : memref<1x128xi32, #tpu.memory_space<vmem>> -> memref<128xi32, #tpu.memory_space<vmem>>
        %dma_start3A_310 = arith.constant 0 : i32
        %dma_start3A_311 = arith.constant 0 : i32
        %dma_start3A_312 = tpu.memref_slice %arg11[%dma_start3A_310, %dma_start3A_311] : memref<10240x16xf32, #tpu.memory_space<vmem_shared>> -> memref<10240x16xf32, #tpu.memory_space<vmem_shared>>
        tpu.enqueue_indirect_dma source(%dma_start3A_306 : memref<128x16xf32, #tpu.memory_space<vmem>>) target(%dma_start3A_312 : memref<10240x16xf32, #tpu.memory_space<vmem_shared>>) offsets(%dma_start3A_309 : memref<128xi32, #tpu.memory_space<vmem>>) semaphore(%arg15 : memref<!tpu.dma_semaphore, #tpu.memory_space<semaphore_mem>>) {add = true}
        %dma_wait3A_313 = arith.constant 0 : i32
        %dma_wait3A_314 = arith.constant 0 : i32
        %dma_wait3A_315 = arith.constant 0 : i32
        %dma_wait3A_316 = arith.constant 0 : i32
        %dma_wait3A_317 = tpu.memref_slice %arg9[%dma_wait3A_313, %dma_wait3A_315, %dma_wait3A_316] : memref<5x128x16xf32, #tpu.memory_space<vmem>> -> memref<1x128x16xf32, #tpu.memory_space<vmem>>
        %dma_wait3A_318 = tpu.memref_squeeze %dma_wait3A_317 : memref<1x128x16xf32, #tpu.memory_space<vmem>> -> memref<128x16xf32, #tpu.memory_space<vmem>>
        %dma_wait3A_319 = arith.constant 0 : i32
        %dma_wait3A_320 = tpu.memref_slice %arg8[%dma_wait3A_314, %dma_wait3A_319] : memref<80x128xi32, #tpu.memory_space<vmem>> -> memref<1x128xi32, #tpu.memory_space<vmem>>
        %dma_wait3A_321 = tpu.memref_squeeze %dma_wait3A_320 : memref<1x128xi32, #tpu.memory_space<vmem>> -> memref<128xi32, #tpu.memory_space<vmem>>
        %dma_wait3A_322 = arith.constant 0 : i32
        %dma_wait3A_323 = arith.constant 0 : i32
        %dma_wait3A_324 = tpu.memref_slice %arg11[%dma_wait3A_322, %dma_wait3A_323] : memref<10240x16xf32, #tpu.memory_space<vmem_shared>> -> memref<10240x16xf32, #tpu.memory_space<vmem_shared>>
        tpu.wait_indirect_dma semaphore(%arg14 : memref<!tpu.dma_semaphore, #tpu.memory_space<semaphore_mem>>) src(%dma_wait3A_318 : memref<128x16xf32, #tpu.memory_space<vmem>>) dst(%dma_wait3A_324 : memref<10240x16xf32, #tpu.memory_space<vmem_shared>>)
        %dma_wait3A_325 = arith.constant 1 : i32
        %dma_wait3A_326 = arith.constant 0 : i32
        %dma_wait3A_327 = arith.constant 0 : i32
        %dma_wait3A_328 = arith.constant 0 : i32
        %dma_wait3A_329 = tpu.memref_slice %arg9[%dma_wait3A_325, %dma_wait3A_327, %dma_wait3A_328] : memref<5x128x16xf32, #tpu.memory_space<vmem>> -> memref<1x128x16xf32, #tpu.memory_space<vmem>>
        %dma_wait3A_330 = tpu.memref_squeeze %dma_wait3A_329 : memref<1x128x16xf32, #tpu.memory_space<vmem>> -> memref<128x16xf32, #tpu.memory_space<vmem>>
        %dma_wait3A_331 = arith.constant 0 : i32
        %dma_wait3A_332 = tpu.memref_slice %arg8[%dma_wait3A_326, %dma_wait3A_331] : memref<80x128xi32, #tpu.memory_space<vmem>> -> memref<1x128xi32, #tpu.memory_space<vmem>>
        %dma_wait3A_333 = tpu.memref_squeeze %dma_wait3A_332 : memref<1x128xi32, #tpu.memory_space<vmem>> -> memref<128xi32, #tpu.memory_space<vmem>>
        %dma_wait3A_334 = arith.constant 0 : i32
        %dma_wait3A_335 = arith.constant 0 : i32
        %dma_wait3A_336 = tpu.memref_slice %arg11[%dma_wait3A_334, %dma_wait3A_335] : memref<10240x16xf32, #tpu.memory_space<vmem_shared>> -> memref<10240x16xf32, #tpu.memory_space<vmem_shared>>
        tpu.wait_indirect_dma semaphore(%arg14 : memref<!tpu.dma_semaphore, #tpu.memory_space<semaphore_mem>>) src(%dma_wait3A_330 : memref<128x16xf32, #tpu.memory_space<vmem>>) dst(%dma_wait3A_336 : memref<10240x16xf32, #tpu.memory_space<vmem_shared>>)
        %dma_wait3A_337 = arith.constant 2 : i32
        %dma_wait3A_338 = arith.constant 0 : i32
        %dma_wait3A_339 = arith.constant 0 : i32
        %dma_wait3A_340 = arith.constant 0 : i32
        %dma_wait3A_341 = tpu.memref_slice %arg9[%dma_wait3A_337, %dma_wait3A_339, %dma_wait3A_340] : memref<5x128x16xf32, #tpu.memory_space<vmem>> -> memref<1x128x16xf32, #tpu.memory_space<vmem>>
        %dma_wait3A_342 = tpu.memref_squeeze %dma_wait3A_341 : memref<1x128x16xf32, #tpu.memory_space<vmem>> -> memref<128x16xf32, #tpu.memory_space<vmem>>
        %dma_wait3A_343 = arith.constant 0 : i32
        %dma_wait3A_344 = tpu.memref_slice %arg8[%dma_wait3A_338, %dma_wait3A_343] : memref<80x128xi32, #tpu.memory_space<vmem>> -> memref<1x128xi32, #tpu.memory_space<vmem>>
        %dma_wait3A_345 = tpu.memref_squeeze %dma_wait3A_344 : memref<1x128xi32, #tpu.memory_space<vmem>> -> memref<128xi32, #tpu.memory_space<vmem>>
        %dma_wait3A_346 = arith.constant 0 : i32
        %dma_wait3A_347 = arith.constant 0 : i32
        %dma_wait3A_348 = tpu.memref_slice %arg11[%dma_wait3A_346, %dma_wait3A_347] : memref<10240x16xf32, #tpu.memory_space<vmem_shared>> -> memref<10240x16xf32, #tpu.memory_space<vmem_shared>>
        tpu.wait_indirect_dma semaphore(%arg14 : memref<!tpu.dma_semaphore, #tpu.memory_space<semaphore_mem>>) src(%dma_wait3A_342 : memref<128x16xf32, #tpu.memory_space<vmem>>) dst(%dma_wait3A_348 : memref<10240x16xf32, #tpu.memory_space<vmem_shared>>)
        %dma_wait3A_349 = arith.constant 3 : i32
        %dma_wait3A_350 = arith.constant 0 : i32
        %dma_wait3A_351 = arith.constant 0 : i32
        %dma_wait3A_352 = arith.constant 0 : i32
        %dma_wait3A_353 = tpu.memref_slice %arg9[%dma_wait3A_349, %dma_wait3A_351, %dma_wait3A_352] : memref<5x128x16xf32, #tpu.memory_space<vmem>> -> memref<1x128x16xf32, #tpu.memory_space<vmem>>
        %dma_wait3A_354 = tpu.memref_squeeze %dma_wait3A_353 : memref<1x128x16xf32, #tpu.memory_space<vmem>> -> memref<128x16xf32, #tpu.memory_space<vmem>>
        %dma_wait3A_355 = arith.constant 0 : i32
        %dma_wait3A_356 = tpu.memref_slice %arg8[%dma_wait3A_350, %dma_wait3A_355] : memref<80x128xi32, #tpu.memory_space<vmem>> -> memref<1x128xi32, #tpu.memory_space<vmem>>
        %dma_wait3A_357 = tpu.memref_squeeze %dma_wait3A_356 : memref<1x128xi32, #tpu.memory_space<vmem>> -> memref<128xi32, #tpu.memory_space<vmem>>
        %dma_wait3A_358 = arith.constant 0 : i32
        %dma_wait3A_359 = arith.constant 0 : i32
        %dma_wait3A_360 = tpu.memref_slice %arg11[%dma_wait3A_358, %dma_wait3A_359] : memref<10240x16xf32, #tpu.memory_space<vmem_shared>> -> memref<10240x16xf32, #tpu.memory_space<vmem_shared>>
        tpu.wait_indirect_dma semaphore(%arg14 : memref<!tpu.dma_semaphore, #tpu.memory_space<semaphore_mem>>) src(%dma_wait3A_354 : memref<128x16xf32, #tpu.memory_space<vmem>>) dst(%dma_wait3A_360 : memref<10240x16xf32, #tpu.memory_space<vmem_shared>>)
        %dma_wait3A_361 = arith.constant 4 : i32
        %dma_wait3A_362 = arith.constant 0 : i32
        %dma_wait3A_363 = arith.constant 0 : i32
        %dma_wait3A_364 = arith.constant 0 : i32
        %dma_wait3A_365 = tpu.memref_slice %arg9[%dma_wait3A_361, %dma_wait3A_363, %dma_wait3A_364] : memref<5x128x16xf32, #tpu.memory_space<vmem>> -> memref<1x128x16xf32, #tpu.memory_space<vmem>>
        %dma_wait3A_366 = tpu.memref_squeeze %dma_wait3A_365 : memref<1x128x16xf32, #tpu.memory_space<vmem>> -> memref<128x16xf32, #tpu.memory_space<vmem>>
        %dma_wait3A_367 = arith.constant 0 : i32
        %dma_wait3A_368 = tpu.memref_slice %arg8[%dma_wait3A_362, %dma_wait3A_367] : memref<80x128xi32, #tpu.memory_space<vmem>> -> memref<1x128xi32, #tpu.memory_space<vmem>>
        %dma_wait3A_369 = tpu.memref_squeeze %dma_wait3A_368 : memref<1x128xi32, #tpu.memory_space<vmem>> -> memref<128xi32, #tpu.memory_space<vmem>>
        %dma_wait3A_370 = arith.constant 0 : i32
        %dma_wait3A_371 = arith.constant 0 : i32
        %dma_wait3A_372 = tpu.memref_slice %arg11[%dma_wait3A_370, %dma_wait3A_371] : memref<10240x16xf32, #tpu.memory_space<vmem_shared>> -> memref<10240x16xf32, #tpu.memory_space<vmem_shared>>
        tpu.wait_indirect_dma semaphore(%arg14 : memref<!tpu.dma_semaphore, #tpu.memory_space<semaphore_mem>>) src(%dma_wait3A_366 : memref<128x16xf32, #tpu.memory_space<vmem>>) dst(%dma_wait3A_372 : memref<10240x16xf32, #tpu.memory_space<vmem_shared>>)
        %not3A = arith.constant true
        %not3A_373 = arith.xori %ge3A_177, %not3A : i1
        %convert_element_type3A_374 = arith.extui %not3A_373 : i1 to i32
        %cond3A_375 = arith.constant 0 : i32
        %cond3A_376 = arith.cmpi ne, %convert_element_type3A_374, %cond3A_375 : i32
        scf.if %cond3A_376 {
          %add3A_377 = arith.constant 1 : i32
          %add3A_378 = arith.addi %scan3A_139, %add3A_377 : i32
          %mul3A_379 = arith.constant 5 : i32
          %mul3A_380 = arith.muli %add3A_378, %mul3A_379 : i32
          %add3A_381 = arith.constant 0 : i32
          %add3A_382 = arith.addi %mul3A_380, %add3A_381 : i32
          %dma_start3A_383 = arith.constant 0 : i32
          %dma_start3A_384 = arith.constant 0 : i32
          %dma_start3A_385 = arith.constant 0 : i32
          %dma_start3A_386 = tpu.memref_slice %arg9[%dma_start3A_383, %dma_start3A_384, %dma_start3A_385] : memref<5x128x16xf32, #tpu.memory_space<vmem>> -> memref<1x128x16xf32, #tpu.memory_space<vmem>>
          %dma_start3A_387 = tpu.memref_squeeze %dma_start3A_386 : memref<1x128x16xf32, #tpu.memory_space<vmem>> -> memref<128x16xf32, #tpu.memory_space<vmem>>
          %dma_start3A_388 = arith.constant 0 : i32
          %dma_start3A_389 = tpu.memref_slice %arg7[%add3A_382, %dma_start3A_388] : memref<80x128xi32, #tpu.memory_space<vmem>> -> memref<1x128xi32, #tpu.memory_space<vmem>>
          %dma_start3A_390 = tpu.memref_squeeze %dma_start3A_389 : memref<1x128xi32, #tpu.memory_space<vmem>> -> memref<128xi32, #tpu.memory_space<vmem>>
          %dma_start3A_391 = arith.constant 0 : i32
          %dma_start3A_392 = arith.constant 0 : i32
          %dma_start3A_393 = tpu.memref_slice %arg2[%dma_start3A_391, %dma_start3A_392] : memref<10240x16xf32, #tpu.memory_space<hbm>> -> memref<10240x16xf32, #tpu.memory_space<hbm>>
          tpu.enqueue_indirect_dma source(%dma_start3A_393 : memref<10240x16xf32, #tpu.memory_space<hbm>>) target(%dma_start3A_387 : memref<128x16xf32, #tpu.memory_space<vmem>>) offsets(%dma_start3A_390 : memref<128xi32, #tpu.memory_space<vmem>>) semaphore(%arg12 : memref<!tpu.dma_semaphore, #tpu.memory_space<semaphore_mem>>)
          %add3A_394 = arith.constant 1 : i32
          %add3A_395 = arith.addi %scan3A_139, %add3A_394 : i32
          %mul3A_396 = arith.constant 5 : i32
          %mul3A_397 = arith.muli %add3A_395, %mul3A_396 : i32
          %add3A_398 = arith.constant 1 : i32
          %add3A_399 = arith.addi %mul3A_397, %add3A_398 : i32
          %dma_start3A_400 = arith.constant 1 : i32
          %dma_start3A_401 = arith.constant 0 : i32
          %dma_start3A_402 = arith.constant 0 : i32
          %dma_start3A_403 = tpu.memref_slice %arg9[%dma_start3A_400, %dma_start3A_401, %dma_start3A_402] : memref<5x128x16xf32, #tpu.memory_space<vmem>> -> memref<1x128x16xf32, #tpu.memory_space<vmem>>
          %dma_start3A_404 = tpu.memref_squeeze %dma_start3A_403 : memref<1x128x16xf32, #tpu.memory_space<vmem>> -> memref<128x16xf32, #tpu.memory_space<vmem>>
          %dma_start3A_405 = arith.constant 0 : i32
          %dma_start3A_406 = tpu.memref_slice %arg7[%add3A_399, %dma_start3A_405] : memref<80x128xi32, #tpu.memory_space<vmem>> -> memref<1x128xi32, #tpu.memory_space<vmem>>
          %dma_start3A_407 = tpu.memref_squeeze %dma_start3A_406 : memref<1x128xi32, #tpu.memory_space<vmem>> -> memref<128xi32, #tpu.memory_space<vmem>>
          %dma_start3A_408 = arith.constant 0 : i32
          %dma_start3A_409 = arith.constant 0 : i32
          %dma_start3A_410 = tpu.memref_slice %arg2[%dma_start3A_408, %dma_start3A_409] : memref<10240x16xf32, #tpu.memory_space<hbm>> -> memref<10240x16xf32, #tpu.memory_space<hbm>>
          tpu.enqueue_indirect_dma source(%dma_start3A_410 : memref<10240x16xf32, #tpu.memory_space<hbm>>) target(%dma_start3A_404 : memref<128x16xf32, #tpu.memory_space<vmem>>) offsets(%dma_start3A_407 : memref<128xi32, #tpu.memory_space<vmem>>) semaphore(%arg12 : memref<!tpu.dma_semaphore, #tpu.memory_space<semaphore_mem>>)
          %add3A_411 = arith.constant 1 : i32
          %add3A_412 = arith.addi %scan3A_139, %add3A_411 : i32
          %mul3A_413 = arith.constant 5 : i32
          %mul3A_414 = arith.muli %add3A_412, %mul3A_413 : i32
          %add3A_415 = arith.constant 2 : i32
          %add3A_416 = arith.addi %mul3A_414, %add3A_415 : i32
          %dma_start3A_417 = arith.constant 2 : i32
          %dma_start3A_418 = arith.constant 0 : i32
          %dma_start3A_419 = arith.constant 0 : i32
          %dma_start3A_420 = tpu.memref_slice %arg9[%dma_start3A_417, %dma_start3A_418, %dma_start3A_419] : memref<5x128x16xf32, #tpu.memory_space<vmem>> -> memref<1x128x16xf32, #tpu.memory_space<vmem>>
          %dma_start3A_421 = tpu.memref_squeeze %dma_start3A_420 : memref<1x128x16xf32, #tpu.memory_space<vmem>> -> memref<128x16xf32, #tpu.memory_space<vmem>>
          %dma_start3A_422 = arith.constant 0 : i32
          %dma_start3A_423 = tpu.memref_slice %arg7[%add3A_416, %dma_start3A_422] : memref<80x128xi32, #tpu.memory_space<vmem>> -> memref<1x128xi32, #tpu.memory_space<vmem>>
          %dma_start3A_424 = tpu.memref_squeeze %dma_start3A_423 : memref<1x128xi32, #tpu.memory_space<vmem>> -> memref<128xi32, #tpu.memory_space<vmem>>
          %dma_start3A_425 = arith.constant 0 : i32
          %dma_start3A_426 = arith.constant 0 : i32
          %dma_start3A_427 = tpu.memref_slice %arg2[%dma_start3A_425, %dma_start3A_426] : memref<10240x16xf32, #tpu.memory_space<hbm>> -> memref<10240x16xf32, #tpu.memory_space<hbm>>
          tpu.enqueue_indirect_dma source(%dma_start3A_427 : memref<10240x16xf32, #tpu.memory_space<hbm>>) target(%dma_start3A_421 : memref<128x16xf32, #tpu.memory_space<vmem>>) offsets(%dma_start3A_424 : memref<128xi32, #tpu.memory_space<vmem>>) semaphore(%arg12 : memref<!tpu.dma_semaphore, #tpu.memory_space<semaphore_mem>>)
          %add3A_428 = arith.constant 1 : i32
          %add3A_429 = arith.addi %scan3A_139, %add3A_428 : i32
          %mul3A_430 = arith.constant 5 : i32
          %mul3A_431 = arith.muli %add3A_429, %mul3A_430 : i32
          %add3A_432 = arith.constant 3 : i32
          %add3A_433 = arith.addi %mul3A_431, %add3A_432 : i32
          %dma_start3A_434 = arith.constant 3 : i32
          %dma_start3A_435 = arith.constant 0 : i32
          %dma_start3A_436 = arith.constant 0 : i32
          %dma_start3A_437 = tpu.memref_slice %arg9[%dma_start3A_434, %dma_start3A_435, %dma_start3A_436] : memref<5x128x16xf32, #tpu.memory_space<vmem>> -> memref<1x128x16xf32, #tpu.memory_space<vmem>>
          %dma_start3A_438 = tpu.memref_squeeze %dma_start3A_437 : memref<1x128x16xf32, #tpu.memory_space<vmem>> -> memref<128x16xf32, #tpu.memory_space<vmem>>
          %dma_start3A_439 = arith.constant 0 : i32
          %dma_start3A_440 = tpu.memref_slice %arg7[%add3A_433, %dma_start3A_439] : memref<80x128xi32, #tpu.memory_space<vmem>> -> memref<1x128xi32, #tpu.memory_space<vmem>>
          %dma_start3A_441 = tpu.memref_squeeze %dma_start3A_440 : memref<1x128xi32, #tpu.memory_space<vmem>> -> memref<128xi32, #tpu.memory_space<vmem>>
          %dma_start3A_442 = arith.constant 0 : i32
          %dma_start3A_443 = arith.constant 0 : i32
          %dma_start3A_444 = tpu.memref_slice %arg2[%dma_start3A_442, %dma_start3A_443] : memref<10240x16xf32, #tpu.memory_space<hbm>> -> memref<10240x16xf32, #tpu.memory_space<hbm>>
          tpu.enqueue_indirect_dma source(%dma_start3A_444 : memref<10240x16xf32, #tpu.memory_space<hbm>>) target(%dma_start3A_438 : memref<128x16xf32, #tpu.memory_space<vmem>>) offsets(%dma_start3A_441 : memref<128xi32, #tpu.memory_space<vmem>>) semaphore(%arg12 : memref<!tpu.dma_semaphore, #tpu.memory_space<semaphore_mem>>)
          %add3A_445 = arith.constant 1 : i32
          %add3A_446 = arith.addi %scan3A_139, %add3A_445 : i32
          %mul3A_447 = arith.constant 5 : i32
          %mul3A_448 = arith.muli %add3A_446, %mul3A_447 : i32
          %add3A_449 = arith.constant 4 : i32
          %add3A_450 = arith.addi %mul3A_448, %add3A_449 : i32
          %dma_start3A_451 = arith.constant 4 : i32
          %dma_start3A_452 = arith.constant 0 : i32
          %dma_start3A_453 = arith.constant 0 : i32
          %dma_start3A_454 = tpu.memref_slice %arg9[%dma_start3A_451, %dma_start3A_452, %dma_start3A_453] : memref<5x128x16xf32, #tpu.memory_space<vmem>> -> memref<1x128x16xf32, #tpu.memory_space<vmem>>
          %dma_start3A_455 = tpu.memref_squeeze %dma_start3A_454 : memref<1x128x16xf32, #tpu.memory_space<vmem>> -> memref<128x16xf32, #tpu.memory_space<vmem>>
          %dma_start3A_456 = arith.constant 0 : i32
          %dma_start3A_457 = tpu.memref_slice %arg7[%add3A_450, %dma_start3A_456] : memref<80x128xi32, #tpu.memory_space<vmem>> -> memref<1x128xi32, #tpu.memory_space<vmem>>
          %dma_start3A_458 = tpu.memref_squeeze %dma_start3A_457 : memref<1x128xi32, #tpu.memory_space<vmem>> -> memref<128xi32, #tpu.memory_space<vmem>>
          %dma_start3A_459 = arith.constant 0 : i32
          %dma_start3A_460 = arith.constant 0 : i32
          %dma_start3A_461 = tpu.memref_slice %arg2[%dma_start3A_459, %dma_start3A_460] : memref<10240x16xf32, #tpu.memory_space<hbm>> -> memref<10240x16xf32, #tpu.memory_space<hbm>>
          tpu.enqueue_indirect_dma source(%dma_start3A_461 : memref<10240x16xf32, #tpu.memory_space<hbm>>) target(%dma_start3A_455 : memref<128x16xf32, #tpu.memory_space<vmem>>) offsets(%dma_start3A_458 : memref<128xi32, #tpu.memory_space<vmem>>) semaphore(%arg12 : memref<!tpu.dma_semaphore, #tpu.memory_space<semaphore_mem>>)
        } else {
        }
      } else {
      }
    }
    %scan3A_74 = arith.constant 16 : i32
    %dma_wait3A = arith.constant 0 : i32
    %dma_wait3A_75 = arith.constant 0 : i32
    %dma_wait3A_76 = arith.constant 0 : i32
    %dma_wait3A_77 = arith.constant 0 : i32
    %dma_wait3A_78 = tpu.memref_slice %arg10[%dma_wait3A, %dma_wait3A_76, %dma_wait3A_77] : memref<5x128x16xf32, #tpu.memory_space<vmem>> -> memref<1x128x16xf32, #tpu.memory_space<vmem>>
    %dma_wait3A_79 = tpu.memref_squeeze %dma_wait3A_78 : memref<1x128x16xf32, #tpu.memory_space<vmem>> -> memref<128x16xf32, #tpu.memory_space<vmem>>
    %dma_wait3A_80 = arith.constant 0 : i32
    %dma_wait3A_81 = tpu.memref_slice %arg8[%dma_wait3A_75, %dma_wait3A_80] : memref<80x128xi32, #tpu.memory_space<vmem>> -> memref<1x128xi32, #tpu.memory_space<vmem>>
    %dma_wait3A_82 = tpu.memref_squeeze %dma_wait3A_81 : memref<1x128xi32, #tpu.memory_space<vmem>> -> memref<128xi32, #tpu.memory_space<vmem>>
    %dma_wait3A_83 = arith.constant 0 : i32
    %dma_wait3A_84 = arith.constant 0 : i32
    %dma_wait3A_85 = tpu.memref_slice %arg11[%dma_wait3A_83, %dma_wait3A_84] : memref<10240x16xf32, #tpu.memory_space<vmem_shared>> -> memref<10240x16xf32, #tpu.memory_space<vmem_shared>>
    tpu.wait_indirect_dma semaphore(%arg15 : memref<!tpu.dma_semaphore, #tpu.memory_space<semaphore_mem>>) src(%dma_wait3A_79 : memref<128x16xf32, #tpu.memory_space<vmem>>) dst(%dma_wait3A_85 : memref<10240x16xf32, #tpu.memory_space<vmem_shared>>)
    %dma_wait3A_86 = arith.constant 1 : i32
    %dma_wait3A_87 = arith.constant 0 : i32
    %dma_wait3A_88 = arith.constant 0 : i32
    %dma_wait3A_89 = arith.constant 0 : i32
    %dma_wait3A_90 = tpu.memref_slice %arg10[%dma_wait3A_86, %dma_wait3A_88, %dma_wait3A_89] : memref<5x128x16xf32, #tpu.memory_space<vmem>> -> memref<1x128x16xf32, #tpu.memory_space<vmem>>
    %dma_wait3A_91 = tpu.memref_squeeze %dma_wait3A_90 : memref<1x128x16xf32, #tpu.memory_space<vmem>> -> memref<128x16xf32, #tpu.memory_space<vmem>>
    %dma_wait3A_92 = arith.constant 0 : i32
    %dma_wait3A_93 = tpu.memref_slice %arg8[%dma_wait3A_87, %dma_wait3A_92] : memref<80x128xi32, #tpu.memory_space<vmem>> -> memref<1x128xi32, #tpu.memory_space<vmem>>
    %dma_wait3A_94 = tpu.memref_squeeze %dma_wait3A_93 : memref<1x128xi32, #tpu.memory_space<vmem>> -> memref<128xi32, #tpu.memory_space<vmem>>
    %dma_wait3A_95 = arith.constant 0 : i32
    %dma_wait3A_96 = arith.constant 0 : i32
    %dma_wait3A_97 = tpu.memref_slice %arg11[%dma_wait3A_95, %dma_wait3A_96] : memref<10240x16xf32, #tpu.memory_space<vmem_shared>> -> memref<10240x16xf32, #tpu.memory_space<vmem_shared>>
    tpu.wait_indirect_dma semaphore(%arg15 : memref<!tpu.dma_semaphore, #tpu.memory_space<semaphore_mem>>) src(%dma_wait3A_91 : memref<128x16xf32, #tpu.memory_space<vmem>>) dst(%dma_wait3A_97 : memref<10240x16xf32, #tpu.memory_space<vmem_shared>>)
    %dma_wait3A_98 = arith.constant 2 : i32
    %dma_wait3A_99 = arith.constant 0 : i32
    %dma_wait3A_100 = arith.constant 0 : i32
    %dma_wait3A_101 = arith.constant 0 : i32
    %dma_wait3A_102 = tpu.memref_slice %arg10[%dma_wait3A_98, %dma_wait3A_100, %dma_wait3A_101] : memref<5x128x16xf32, #tpu.memory_space<vmem>> -> memref<1x128x16xf32, #tpu.memory_space<vmem>>
    %dma_wait3A_103 = tpu.memref_squeeze %dma_wait3A_102 : memref<1x128x16xf32, #tpu.memory_space<vmem>> -> memref<128x16xf32, #tpu.memory_space<vmem>>
    %dma_wait3A_104 = arith.constant 0 : i32
    %dma_wait3A_105 = tpu.memref_slice %arg8[%dma_wait3A_99, %dma_wait3A_104] : memref<80x128xi32, #tpu.memory_space<vmem>> -> memref<1x128xi32, #tpu.memory_space<vmem>>
    %dma_wait3A_106 = tpu.memref_squeeze %dma_wait3A_105 : memref<1x128xi32, #tpu.memory_space<vmem>> -> memref<128xi32, #tpu.memory_space<vmem>>
    %dma_wait3A_107 = arith.constant 0 : i32
    %dma_wait3A_108 = arith.constant 0 : i32
    %dma_wait3A_109 = tpu.memref_slice %arg11[%dma_wait3A_107, %dma_wait3A_108] : memref<10240x16xf32, #tpu.memory_space<vmem_shared>> -> memref<10240x16xf32, #tpu.memory_space<vmem_shared>>
    tpu.wait_indirect_dma semaphore(%arg15 : memref<!tpu.dma_semaphore, #tpu.memory_space<semaphore_mem>>) src(%dma_wait3A_103 : memref<128x16xf32, #tpu.memory_space<vmem>>) dst(%dma_wait3A_109 : memref<10240x16xf32, #tpu.memory_space<vmem_shared>>)
    %dma_wait3A_110 = arith.constant 3 : i32
    %dma_wait3A_111 = arith.constant 0 : i32
    %dma_wait3A_112 = arith.constant 0 : i32
    %dma_wait3A_113 = arith.constant 0 : i32
    %dma_wait3A_114 = tpu.memref_slice %arg10[%dma_wait3A_110, %dma_wait3A_112, %dma_wait3A_113] : memref<5x128x16xf32, #tpu.memory_space<vmem>> -> memref<1x128x16xf32, #tpu.memory_space<vmem>>
    %dma_wait3A_115 = tpu.memref_squeeze %dma_wait3A_114 : memref<1x128x16xf32, #tpu.memory_space<vmem>> -> memref<128x16xf32, #tpu.memory_space<vmem>>
    %dma_wait3A_116 = arith.constant 0 : i32
    %dma_wait3A_117 = tpu.memref_slice %arg8[%dma_wait3A_111, %dma_wait3A_116] : memref<80x128xi32, #tpu.memory_space<vmem>> -> memref<1x128xi32, #tpu.memory_space<vmem>>
    %dma_wait3A_118 = tpu.memref_squeeze %dma_wait3A_117 : memref<1x128xi32, #tpu.memory_space<vmem>> -> memref<128xi32, #tpu.memory_space<vmem>>
    %dma_wait3A_119 = arith.constant 0 : i32
    %dma_wait3A_120 = arith.constant 0 : i32
    %dma_wait3A_121 = tpu.memref_slice %arg11[%dma_wait3A_119, %dma_wait3A_120] : memref<10240x16xf32, #tpu.memory_space<vmem_shared>> -> memref<10240x16xf32, #tpu.memory_space<vmem_shared>>
    tpu.wait_indirect_dma semaphore(%arg15 : memref<!tpu.dma_semaphore, #tpu.memory_space<semaphore_mem>>) src(%dma_wait3A_115 : memref<128x16xf32, #tpu.memory_space<vmem>>) dst(%dma_wait3A_121 : memref<10240x16xf32, #tpu.memory_space<vmem_shared>>)
    %dma_wait3A_122 = arith.constant 4 : i32
    %dma_wait3A_123 = arith.constant 0 : i32
    %dma_wait3A_124 = arith.constant 0 : i32
    %dma_wait3A_125 = arith.constant 0 : i32
    %dma_wait3A_126 = tpu.memref_slice %arg10[%dma_wait3A_122, %dma_wait3A_124, %dma_wait3A_125] : memref<5x128x16xf32, #tpu.memory_space<vmem>> -> memref<1x128x16xf32, #tpu.memory_space<vmem>>
    %dma_wait3A_127 = tpu.memref_squeeze %dma_wait3A_126 : memref<1x128x16xf32, #tpu.memory_space<vmem>> -> memref<128x16xf32, #tpu.memory_space<vmem>>
    %dma_wait3A_128 = arith.constant 0 : i32
    %dma_wait3A_129 = tpu.memref_slice %arg8[%dma_wait3A_123, %dma_wait3A_128] : memref<80x128xi32, #tpu.memory_space<vmem>> -> memref<1x128xi32, #tpu.memory_space<vmem>>
    %dma_wait3A_130 = tpu.memref_squeeze %dma_wait3A_129 : memref<1x128xi32, #tpu.memory_space<vmem>> -> memref<128xi32, #tpu.memory_space<vmem>>
    %dma_wait3A_131 = arith.constant 0 : i32
    %dma_wait3A_132 = arith.constant 0 : i32
    %dma_wait3A_133 = tpu.memref_slice %arg11[%dma_wait3A_131, %dma_wait3A_132] : memref<10240x16xf32, #tpu.memory_space<vmem_shared>> -> memref<10240x16xf32, #tpu.memory_space<vmem_shared>>
    tpu.wait_indirect_dma semaphore(%arg15 : memref<!tpu.dma_semaphore, #tpu.memory_space<semaphore_mem>>) src(%dma_wait3A_127 : memref<128x16xf32, #tpu.memory_space<vmem>>) dst(%dma_wait3A_133 : memref<10240x16xf32, #tpu.memory_space<vmem_shared>>)
    %barrier3A_134 = arith.constant 0 : index
    tpu.barrier barrier_id(%barrier3A_134)
    %mul3A_135 = arith.constant 640 : i32
    %mul3A_136 = arith.muli %arg1, %mul3A_135 : i32
    %mul3A_137 = arith.constant 640 : i32
    %mul3A_138 = arith.muli %arg1, %mul3A_137 : i32
    "tpu.region"() ({
      %run_scoped3A = tpu.sem_alloc : memref<!tpu.dma_semaphore, #tpu.memory_space<semaphore_mem>>
      %dma_start3A_139 = arith.constant 0 : i32
      %dma_start3A_140 = tpu.memref_slice %arg6[%arg0, %mul3A_138, %dma_start3A_139] : memref<2x10240x16xf32, #tpu.memory_space<hbm>> -> memref<1x640x16xf32, #tpu.memory_space<hbm>>
      %dma_start3A_141 = tpu.memref_squeeze %dma_start3A_140 : memref<1x640x16xf32, #tpu.memory_space<hbm>> -> memref<640x16xf32, #tpu.memory_space<hbm>>
      %dma_start3A_142 = arith.constant 0 : i32
      %dma_start3A_143 = tpu.memref_slice %arg11[%mul3A_136, %dma_start3A_142] : memref<10240x16xf32, #tpu.memory_space<vmem_shared>> -> memref<640x16xf32, #tpu.memory_space<vmem_shared>>
      tpu.enqueue_dma source(%dma_start3A_143 : memref<640x16xf32, #tpu.memory_space<vmem_shared>>) target(%dma_start3A_141 : memref<640x16xf32, #tpu.memory_space<hbm>>) target_semaphore(%run_scoped3A : memref<!tpu.dma_semaphore, #tpu.memory_space<semaphore_mem>>)
      %dma_wait3A_144 = arith.constant 0 : i32
      %dma_wait3A_145 = tpu.memref_slice %arg6[%arg0, %mul3A_138, %dma_wait3A_144] : memref<2x10240x16xf32, #tpu.memory_space<hbm>> -> memref<1x640x16xf32, #tpu.memory_space<hbm>>
      %dma_wait3A_146 = tpu.memref_squeeze %dma_wait3A_145 : memref<1x640x16xf32, #tpu.memory_space<hbm>> -> memref<640x16xf32, #tpu.memory_space<hbm>>
      %dma_wait3A_147 = arith.constant 0 : i32
      %dma_wait3A_148 = tpu.memref_slice %arg11[%mul3A_136, %dma_wait3A_147] : memref<10240x16xf32, #tpu.memory_space<vmem_shared>> -> memref<640x16xf32, #tpu.memory_space<vmem_shared>>
      tpu.wait_dma2 semaphore(%run_scoped3A : memref<!tpu.dma_semaphore, #tpu.memory_space<semaphore_mem>>) src(%dma_wait3A_148 : memref<640x16xf32, #tpu.memory_space<vmem_shared>>) dst(%dma_wait3A_146 : memref<640x16xf32, #tpu.memory_space<hbm>>)
      tpu.yield
    }) : () -> ()
    return
  }
}

#map = affine_map<(d0, d1) -> (0, 0)>
#map1 = affine_map<(d0, d1) -> (0, 0, 0)>
module attributes {stable_mosaic.version = 14 : i64} {
  func.func @agg(%arg0: i32, %arg1: i32, %arg2: memref<10240x16xf32, #tpu.memory_space<hbm>>, %arg3: memref<2x2500x128xi32, #tpu.memory_space<hbm>>, %arg4: memref<2x60x128xi32, #tpu.memory_space<hbm>>, %arg5: memref<10240x16xf32, #tpu.memory_space<hbm>>, %arg6: memref<2x10240x16xf32, #tpu.memory_space<hbm>>, %arg7: memref<80x128xi32, #tpu.memory_space<vmem>>, %arg8: memref<80x128xi32, #tpu.memory_space<vmem>>, %arg9: memref<5x128x16xf32, #tpu.memory_space<vmem>>, %arg10: memref<5x128x16xf32, #tpu.memory_space<vmem>>, %arg11: memref<10240x16xf32, #tpu.memory_space<vmem_shared>>, %arg12: memref<!tpu.dma_semaphore, #tpu.memory_space<semaphore_mem>>, %arg13: memref<!tpu.dma_semaphore, #tpu.memory_space<semaphore_mem>>, %arg14: memref<!tpu.dma_semaphore, #tpu.memory_space<semaphore_mem>>, %arg15: memref<!tpu.dma_semaphore, #tpu.memory_space<semaphore_mem>>) attributes {dimension_semantics = [#tpu.dimension_semantics<core_parallel>, #tpu.dimension_semantics<subcore_parallel>], iteration_bounds = array<i64: 2, 16>, scalar_prefetch = 0 : i64, scratch_operands = 9 : i64, tpu.core_type = #tpu.core_type<sc_vector_subcore>, window_params = [{transform_indices = #map}, {transform_indices = #map1}, {transform_indices = #map1}, {transform_indices = #map}, {transform_indices = #map1}]} {
    %mul3A = arith.constant 16 : i32
    %mul3A_0 = arith.muli %arg0, %mul3A : i32
    %add3A = arith.addi %mul3A_0, %arg1 : i32
    %mul3A_1 = arith.constant 640 : i32
    %mul3A_2 = arith.muli %arg1, %mul3A_1 : i32
    %mul3A_3 = arith.constant 640 : i32
    %mul3A_4 = arith.muli %arg1, %mul3A_3 : i32
    "tpu.region"() ({
      %run_scoped3A = tpu.sem_alloc : memref<!tpu.dma_semaphore, #tpu.memory_space<semaphore_mem>>
      %dma_start3A_139 = arith.constant 0 : i32
      %dma_start3A_140 = tpu.memref_slice %arg11[%mul3A_4, %dma_start3A_139] : memref<10240x16xf32, #tpu.memory_space<vmem_shared>> -> memref<640x16xf32, #tpu.memory_space<vmem_shared>>
      %dma_start3A_141 = arith.constant 0 : i32
      %dma_start3A_142 = tpu.memref_slice %arg5[%mul3A_2, %dma_start3A_141] : memref<10240x16xf32, #tpu.memory_space<hbm>> -> memref<640x16xf32, #tpu.memory_space<hbm>>
      tpu.enqueue_dma source(%dma_start3A_142 : memref<640x16xf32, #tpu.memory_space<hbm>>) target(%dma_start3A_140 : memref<640x16xf32, #tpu.memory_space<vmem_shared>>) target_semaphore(%run_scoped3A : memref<!tpu.dma_semaphore, #tpu.memory_space<semaphore_mem>>)
      %dma_wait3A_143 = arith.constant 0 : i32
      %dma_wait3A_144 = tpu.memref_slice %arg11[%mul3A_4, %dma_wait3A_143] : memref<10240x16xf32, #tpu.memory_space<vmem_shared>> -> memref<640x16xf32, #tpu.memory_space<vmem_shared>>
      %dma_wait3A_145 = arith.constant 0 : i32
      %dma_wait3A_146 = tpu.memref_slice %arg5[%mul3A_2, %dma_wait3A_145] : memref<10240x16xf32, #tpu.memory_space<hbm>> -> memref<640x16xf32, #tpu.memory_space<hbm>>
      tpu.wait_dma2 semaphore(%run_scoped3A : memref<!tpu.dma_semaphore, #tpu.memory_space<semaphore_mem>>) src(%dma_wait3A_146 : memref<640x16xf32, #tpu.memory_space<hbm>>) dst(%dma_wait3A_144 : memref<640x16xf32, #tpu.memory_space<vmem_shared>>)
      tpu.yield
    }) : () -> ()
    %lt3A = arith.constant 31 : i32
    %lt3A_5 = arith.cmpi slt, %add3A, %lt3A : i32
    %convert_element_type3A = arith.extui %lt3A_5 : i1 to i32
    %cond3A = arith.constant 0 : i32
    %cond3A_6 = arith.cmpi ne, %convert_element_type3A, %cond3A : i32
    scf.if %cond3A_6 {
      %mul3A_139 = arith.constant 80 : i32
      %mul3A_140 = arith.muli %add3A, %mul3A_139 : i32
      %run_scoped3A = arith.constant 0 : i32
      "tpu.region"() ({
        %run_scoped3A_144 = tpu.sem_alloc : memref<!tpu.dma_semaphore, #tpu.memory_space<semaphore_mem>>
        %dma_start3A_145 = arith.constant 0 : i32
        %dma_start3A_146 = tpu.memref_slice %arg3[%run_scoped3A, %mul3A_140, %dma_start3A_145] : memref<2x2500x128xi32, #tpu.memory_space<hbm>> -> memref<1x80x128xi32, #tpu.memory_space<hbm>>
        %dma_start3A_147 = tpu.memref_squeeze %dma_start3A_146 : memref<1x80x128xi32, #tpu.memory_space<hbm>> -> memref<80x128xi32, #tpu.memory_space<hbm>>
        %dma_start3A_148 = arith.constant 0 : i32
        %dma_start3A_149 = tpu.memref_slice %arg3[%run_scoped3A, %mul3A_140, %dma_start3A_148] : memref<2x2500x128xi32, #tpu.memory_space<hbm>> -> memref<1x80x128xi32, #tpu.memory_space<hbm>>
        %dma_start3A_150 = tpu.memref_squeeze %dma_start3A_149 : memref<1x80x128xi32, #tpu.memory_space<hbm>> -> memref<80x128xi32, #tpu.memory_space<hbm>>
        tpu.enqueue_dma source(%dma_start3A_150 : memref<80x128xi32, #tpu.memory_space<hbm>>) target(%arg7 : memref<80x128xi32, #tpu.memory_space<vmem>>) target_semaphore(%run_scoped3A_144 : memref<!tpu.dma_semaphore, #tpu.memory_space<semaphore_mem>>)
        %dma_wait3A_151 = arith.constant 0 : i32
        %dma_wait3A_152 = tpu.memref_slice %arg3[%run_scoped3A, %mul3A_140, %dma_wait3A_151] : memref<2x2500x128xi32, #tpu.memory_space<hbm>> -> memref<1x80x128xi32, #tpu.memory_space<hbm>>
        %dma_wait3A_153 = tpu.memref_squeeze %dma_wait3A_152 : memref<1x80x128xi32, #tpu.memory_space<hbm>> -> memref<80x128xi32, #tpu.memory_space<hbm>>
        %dma_wait3A_154 = arith.constant 0 : i32
        %dma_wait3A_155 = tpu.memref_slice %arg3[%run_scoped3A, %mul3A_140, %dma_wait3A_154] : memref<2x2500x128xi32, #tpu.memory_space<hbm>> -> memref<1x80x128xi32, #tpu.memory_space<hbm>>
        %dma_wait3A_156 = tpu.memref_squeeze %dma_wait3A_155 : memref<1x80x128xi32, #tpu.memory_space<hbm>> -> memref<80x128xi32, #tpu.memory_space<hbm>>
        tpu.wait_dma2 semaphore(%run_scoped3A_144 : memref<!tpu.dma_semaphore, #tpu.memory_space<semaphore_mem>>) src(%dma_wait3A_156 : memref<80x128xi32, #tpu.memory_space<hbm>>) dst(%arg7 : memref<80x128xi32, #tpu.memory_space<vmem>>)
        tpu.yield
      }) : () -> ()
      %mul3A_141 = arith.constant 80 : i32
      %mul3A_142 = arith.muli %add3A, %mul3A_141 : i32
      %run_scoped3A_143 = arith.constant 1 : i32
      "tpu.region"() ({
        %run_scoped3A_144 = tpu.sem_alloc : memref<!tpu.dma_semaphore, #tpu.memory_space<semaphore_mem>>
        %dma_start3A_145 = arith.constant 0 : i32
        %dma_start3A_146 = tpu.memref_slice %arg3[%run_scoped3A_143, %mul3A_142, %dma_start3A_145] : memref<2x2500x128xi32, #tpu.memory_space<hbm>> -> memref<1x80x128xi32, #tpu.memory_space<hbm>>
        %dma_start3A_147 = tpu.memref_squeeze %dma_start3A_146 : memref<1x80x128xi32, #tpu.memory_space<hbm>> -> memref<80x128xi32, #tpu.memory_space<hbm>>
        %dma_start3A_148 = arith.constant 0 : i32
        %dma_start3A_149 = tpu.memref_slice %arg3[%run_scoped3A_143, %mul3A_142, %dma_start3A_148] : memref<2x2500x128xi32, #tpu.memory_space<hbm>> -> memref<1x80x128xi32, #tpu.memory_space<hbm>>
        %dma_start3A_150 = tpu.memref_squeeze %dma_start3A_149 : memref<1x80x128xi32, #tpu.memory_space<hbm>> -> memref<80x128xi32, #tpu.memory_space<hbm>>
        tpu.enqueue_dma source(%dma_start3A_150 : memref<80x128xi32, #tpu.memory_space<hbm>>) target(%arg8 : memref<80x128xi32, #tpu.memory_space<vmem>>) target_semaphore(%run_scoped3A_144 : memref<!tpu.dma_semaphore, #tpu.memory_space<semaphore_mem>>)
        %dma_wait3A_151 = arith.constant 0 : i32
        %dma_wait3A_152 = tpu.memref_slice %arg3[%run_scoped3A_143, %mul3A_142, %dma_wait3A_151] : memref<2x2500x128xi32, #tpu.memory_space<hbm>> -> memref<1x80x128xi32, #tpu.memory_space<hbm>>
        %dma_wait3A_153 = tpu.memref_squeeze %dma_wait3A_152 : memref<1x80x128xi32, #tpu.memory_space<hbm>> -> memref<80x128xi32, #tpu.memory_space<hbm>>
        %dma_wait3A_154 = arith.constant 0 : i32
        %dma_wait3A_155 = tpu.memref_slice %arg3[%run_scoped3A_143, %mul3A_142, %dma_wait3A_154] : memref<2x2500x128xi32, #tpu.memory_space<hbm>> -> memref<1x80x128xi32, #tpu.memory_space<hbm>>
        %dma_wait3A_156 = tpu.memref_squeeze %dma_wait3A_155 : memref<1x80x128xi32, #tpu.memory_space<hbm>> -> memref<80x128xi32, #tpu.memory_space<hbm>>
        tpu.wait_dma2 semaphore(%run_scoped3A_144 : memref<!tpu.dma_semaphore, #tpu.memory_space<semaphore_mem>>) src(%dma_wait3A_156 : memref<80x128xi32, #tpu.memory_space<hbm>>) dst(%arg8 : memref<80x128xi32, #tpu.memory_space<vmem>>)
        tpu.yield
      }) : () -> ()
    } else {
    }
    %eq3A = arith.constant 31 : i32
    %eq3A_7 = arith.cmpi eq, %add3A, %eq3A : i32
    %convert_element_type3A_8 = arith.extui %eq3A_7 : i1 to i32
    %cond3A_9 = arith.constant 0 : i32
    %cond3A_10 = arith.cmpi ne, %convert_element_type3A_8, %cond3A_9 : i32
    scf.if %cond3A_10 {
      %mul3A_139 = arith.constant 80 : i32
      %mul3A_140 = arith.muli %add3A, %mul3A_139 : i32
      %run_scoped3A = arith.constant 0 : i32
      "tpu.region"() ({
        %run_scoped3A_146 = tpu.sem_alloc : memref<!tpu.dma_semaphore, #tpu.memory_space<semaphore_mem>>
        %dma_start3A_147 = arith.constant 0 : i32
        %dma_start3A_148 = arith.constant 0 : i32
        %dma_start3A_149 = tpu.memref_slice %arg7[%dma_start3A_147, %dma_start3A_148] : memref<80x128xi32, #tpu.memory_space<vmem>> -> memref<20x128xi32, #tpu.memory_space<vmem>>
        %dma_start3A_150 = arith.constant 0 : i32
        %dma_start3A_151 = tpu.memref_slice %arg3[%run_scoped3A, %mul3A_140, %dma_start3A_150] : memref<2x2500x128xi32, #tpu.memory_space<hbm>> -> memref<1x20x128xi32, #tpu.memory_space<hbm>>
        %dma_start3A_152 = tpu.memref_squeeze %dma_start3A_151 : memref<1x20x128xi32, #tpu.memory_space<hbm>> -> memref<20x128xi32, #tpu.memory_space<hbm>>
        %dma_start3A_153 = arith.constant 0 : i32
        %dma_start3A_154 = arith.constant 0 : i32
        %dma_start3A_155 = tpu.memref_slice %arg7[%dma_start3A_153, %dma_start3A_154] : memref<80x128xi32, #tpu.memory_space<vmem>> -> memref<20x128xi32, #tpu.memory_space<vmem>>
        %dma_start3A_156 = arith.constant 0 : i32
        %dma_start3A_157 = tpu.memref_slice %arg3[%run_scoped3A, %mul3A_140, %dma_start3A_156] : memref<2x2500x128xi32, #tpu.memory_space<hbm>> -> memref<1x20x128xi32, #tpu.memory_space<hbm>>
        %dma_start3A_158 = tpu.memref_squeeze %dma_start3A_157 : memref<1x20x128xi32, #tpu.memory_space<hbm>> -> memref<20x128xi32, #tpu.memory_space<hbm>>
        tpu.enqueue_dma source(%dma_start3A_158 : memref<20x128xi32, #tpu.memory_space<hbm>>) target(%dma_start3A_155 : memref<20x128xi32, #tpu.memory_space<vmem>>) target_semaphore(%run_scoped3A_146 : memref<!tpu.dma_semaphore, #tpu.memory_space<semaphore_mem>>)
        %dma_wait3A_159 = arith.constant 0 : i32
        %dma_wait3A_160 = arith.constant 0 : i32
        %dma_wait3A_161 = tpu.memref_slice %arg7[%dma_wait3A_159, %dma_wait3A_160] : memref<80x128xi32, #tpu.memory_space<vmem>> -> memref<20x128xi32, #tpu.memory_space<vmem>>
        %dma_wait3A_162 = arith.constant 0 : i32
        %dma_wait3A_163 = tpu.memref_slice %arg3[%run_scoped3A, %mul3A_140, %dma_wait3A_162] : memref<2x2500x128xi32, #tpu.memory_space<hbm>> -> memref<1x20x128xi32, #tpu.memory_space<hbm>>
        %dma_wait3A_164 = tpu.memref_squeeze %dma_wait3A_163 : memref<1x20x128xi32, #tpu.memory_space<hbm>> -> memref<20x128xi32, #tpu.memory_space<hbm>>
        %dma_wait3A_165 = arith.constant 0 : i32
        %dma_wait3A_166 = arith.constant 0 : i32
        %dma_wait3A_167 = tpu.memref_slice %arg7[%dma_wait3A_165, %dma_wait3A_166] : memref<80x128xi32, #tpu.memory_space<vmem>> -> memref<20x128xi32, #tpu.memory_space<vmem>>
        %dma_wait3A_168 = arith.constant 0 : i32
        %dma_wait3A_169 = tpu.memref_slice %arg3[%run_scoped3A, %mul3A_140, %dma_wait3A_168] : memref<2x2500x128xi32, #tpu.memory_space<hbm>> -> memref<1x20x128xi32, #tpu.memory_space<hbm>>
        %dma_wait3A_170 = tpu.memref_squeeze %dma_wait3A_169 : memref<1x20x128xi32, #tpu.memory_space<hbm>> -> memref<20x128xi32, #tpu.memory_space<hbm>>
        tpu.wait_dma2 semaphore(%run_scoped3A_146 : memref<!tpu.dma_semaphore, #tpu.memory_space<semaphore_mem>>) src(%dma_wait3A_170 : memref<20x128xi32, #tpu.memory_space<hbm>>) dst(%dma_wait3A_167 : memref<20x128xi32, #tpu.memory_space<vmem>>)
        tpu.yield
      }) : () -> ()
      %mul3A_141 = arith.constant 80 : i32
      %mul3A_142 = arith.muli %add3A, %mul3A_141 : i32
      %run_scoped3A_143 = arith.constant 1 : i32
      "tpu.region"() ({
        %run_scoped3A_146 = tpu.sem_alloc : memref<!tpu.dma_semaphore, #tpu.memory_space<semaphore_mem>>
        %dma_start3A_147 = arith.constant 0 : i32
        %dma_start3A_148 = arith.constant 0 : i32
        %dma_start3A_149 = tpu.memref_slice %arg8[%dma_start3A_147, %dma_start3A_148] : memref<80x128xi32, #tpu.memory_space<vmem>> -> memref<20x128xi32, #tpu.memory_space<vmem>>
        %dma_start3A_150 = arith.constant 0 : i32
        %dma_start3A_151 = tpu.memref_slice %arg3[%run_scoped3A_143, %mul3A_142, %dma_start3A_150] : memref<2x2500x128xi32, #tpu.memory_space<hbm>> -> memref<1x20x128xi32, #tpu.memory_space<hbm>>
        %dma_start3A_152 = tpu.memref_squeeze %dma_start3A_151 : memref<1x20x128xi32, #tpu.memory_space<hbm>> -> memref<20x128xi32, #tpu.memory_space<hbm>>
        %dma_start3A_153 = arith.constant 0 : i32
        %dma_start3A_154 = arith.constant 0 : i32
        %dma_start3A_155 = tpu.memref_slice %arg8[%dma_start3A_153, %dma_start3A_154] : memref<80x128xi32, #tpu.memory_space<vmem>> -> memref<20x128xi32, #tpu.memory_space<vmem>>
        %dma_start3A_156 = arith.constant 0 : i32
        %dma_start3A_157 = tpu.memref_slice %arg3[%run_scoped3A_143, %mul3A_142, %dma_start3A_156] : memref<2x2500x128xi32, #tpu.memory_space<hbm>> -> memref<1x20x128xi32, #tpu.memory_space<hbm>>
        %dma_start3A_158 = tpu.memref_squeeze %dma_start3A_157 : memref<1x20x128xi32, #tpu.memory_space<hbm>> -> memref<20x128xi32, #tpu.memory_space<hbm>>
        tpu.enqueue_dma source(%dma_start3A_158 : memref<20x128xi32, #tpu.memory_space<hbm>>) target(%dma_start3A_155 : memref<20x128xi32, #tpu.memory_space<vmem>>) target_semaphore(%run_scoped3A_146 : memref<!tpu.dma_semaphore, #tpu.memory_space<semaphore_mem>>)
        %dma_wait3A_159 = arith.constant 0 : i32
        %dma_wait3A_160 = arith.constant 0 : i32
        %dma_wait3A_161 = tpu.memref_slice %arg8[%dma_wait3A_159, %dma_wait3A_160] : memref<80x128xi32, #tpu.memory_space<vmem>> -> memref<20x128xi32, #tpu.memory_space<vmem>>
        %dma_wait3A_162 = arith.constant 0 : i32
        %dma_wait3A_163 = tpu.memref_slice %arg3[%run_scoped3A_143, %mul3A_142, %dma_wait3A_162] : memref<2x2500x128xi32, #tpu.memory_space<hbm>> -> memref<1x20x128xi32, #tpu.memory_space<hbm>>
        %dma_wait3A_164 = tpu.memref_squeeze %dma_wait3A_163 : memref<1x20x128xi32, #tpu.memory_space<hbm>> -> memref<20x128xi32, #tpu.memory_space<hbm>>
        %dma_wait3A_165 = arith.constant 0 : i32
        %dma_wait3A_166 = arith.constant 0 : i32
        %dma_wait3A_167 = tpu.memref_slice %arg8[%dma_wait3A_165, %dma_wait3A_166] : memref<80x128xi32, #tpu.memory_space<vmem>> -> memref<20x128xi32, #tpu.memory_space<vmem>>
        %dma_wait3A_168 = arith.constant 0 : i32
        %dma_wait3A_169 = tpu.memref_slice %arg3[%run_scoped3A_143, %mul3A_142, %dma_wait3A_168] : memref<2x2500x128xi32, #tpu.memory_space<hbm>> -> memref<1x20x128xi32, #tpu.memory_space<hbm>>
        %dma_wait3A_170 = tpu.memref_squeeze %dma_wait3A_169 : memref<1x20x128xi32, #tpu.memory_space<hbm>> -> memref<20x128xi32, #tpu.memory_space<hbm>>
        tpu.wait_dma2 semaphore(%run_scoped3A_146 : memref<!tpu.dma_semaphore, #tpu.memory_space<semaphore_mem>>) src(%dma_wait3A_170 : memref<20x128xi32, #tpu.memory_space<hbm>>) dst(%dma_wait3A_167 : memref<20x128xi32, #tpu.memory_space<vmem>>)
        tpu.yield
      }) : () -> ()
      %run_scoped3A_144 = arith.constant 0 : i32
      "tpu.region"() ({
        %run_scoped3A_146 = tpu.sem_alloc : memref<!tpu.dma_semaphore, #tpu.memory_space<semaphore_mem>>
        %dma_start3A_147 = arith.constant 20 : i32
        %dma_start3A_148 = arith.constant 0 : i32
        %dma_start3A_149 = tpu.memref_slice %arg7[%dma_start3A_147, %dma_start3A_148] : memref<80x128xi32, #tpu.memory_space<vmem>> -> memref<60x128xi32, #tpu.memory_space<vmem>>
        %dma_start3A_150 = arith.constant 0 : i32
        %dma_start3A_151 = arith.constant 0 : i32
        %dma_start3A_152 = tpu.memref_slice %arg4[%run_scoped3A_144, %dma_start3A_150, %dma_start3A_151] : memref<2x60x128xi32, #tpu.memory_space<hbm>> -> memref<1x60x128xi32, #tpu.memory_space<hbm>>
        %dma_start3A_153 = tpu.memref_squeeze %dma_start3A_152 : memref<1x60x128xi32, #tpu.memory_space<hbm>> -> memref<60x128xi32, #tpu.memory_space<hbm>>
        %dma_start3A_154 = arith.constant 20 : i32
        %dma_start3A_155 = arith.constant 0 : i32
        %dma_start3A_156 = tpu.memref_slice %arg7[%dma_start3A_154, %dma_start3A_155] : memref<80x128xi32, #tpu.memory_space<vmem>> -> memref<60x128xi32, #tpu.memory_space<vmem>>
        %dma_start3A_157 = arith.constant 0 : i32
        %dma_start3A_158 = arith.constant 0 : i32
        %dma_start3A_159 = tpu.memref_slice %arg4[%run_scoped3A_144, %dma_start3A_157, %dma_start3A_158] : memref<2x60x128xi32, #tpu.memory_space<hbm>> -> memref<1x60x128xi32, #tpu.memory_space<hbm>>
        %dma_start3A_160 = tpu.memref_squeeze %dma_start3A_159 : memref<1x60x128xi32, #tpu.memory_space<hbm>> -> memref<60x128xi32, #tpu.memory_space<hbm>>
        tpu.enqueue_dma source(%dma_start3A_160 : memref<60x128xi32, #tpu.memory_space<hbm>>) target(%dma_start3A_156 : memref<60x128xi32, #tpu.memory_space<vmem>>) target_semaphore(%run_scoped3A_146 : memref<!tpu.dma_semaphore, #tpu.memory_space<semaphore_mem>>)
        %dma_wait3A_161 = arith.constant 20 : i32
        %dma_wait3A_162 = arith.constant 0 : i32
        %dma_wait3A_163 = tpu.memref_slice %arg7[%dma_wait3A_161, %dma_wait3A_162] : memref<80x128xi32, #tpu.memory_space<vmem>> -> memref<60x128xi32, #tpu.memory_space<vmem>>
        %dma_wait3A_164 = arith.constant 0 : i32
        %dma_wait3A_165 = arith.constant 0 : i32
        %dma_wait3A_166 = tpu.memref_slice %arg4[%run_scoped3A_144, %dma_wait3A_164, %dma_wait3A_165] : memref<2x60x128xi32, #tpu.memory_space<hbm>> -> memref<1x60x128xi32, #tpu.memory_space<hbm>>
        %dma_wait3A_167 = tpu.memref_squeeze %dma_wait3A_166 : memref<1x60x128xi32, #tpu.memory_space<hbm>> -> memref<60x128xi32, #tpu.memory_space<hbm>>
        %dma_wait3A_168 = arith.constant 20 : i32
        %dma_wait3A_169 = arith.constant 0 : i32
        %dma_wait3A_170 = tpu.memref_slice %arg7[%dma_wait3A_168, %dma_wait3A_169] : memref<80x128xi32, #tpu.memory_space<vmem>> -> memref<60x128xi32, #tpu.memory_space<vmem>>
        %dma_wait3A_171 = arith.constant 0 : i32
        %dma_wait3A_172 = arith.constant 0 : i32
        %dma_wait3A_173 = tpu.memref_slice %arg4[%run_scoped3A_144, %dma_wait3A_171, %dma_wait3A_172] : memref<2x60x128xi32, #tpu.memory_space<hbm>> -> memref<1x60x128xi32, #tpu.memory_space<hbm>>
        %dma_wait3A_174 = tpu.memref_squeeze %dma_wait3A_173 : memref<1x60x128xi32, #tpu.memory_space<hbm>> -> memref<60x128xi32, #tpu.memory_space<hbm>>
        tpu.wait_dma2 semaphore(%run_scoped3A_146 : memref<!tpu.dma_semaphore, #tpu.memory_space<semaphore_mem>>) src(%dma_wait3A_174 : memref<60x128xi32, #tpu.memory_space<hbm>>) dst(%dma_wait3A_170 : memref<60x128xi32, #tpu.memory_space<vmem>>)
        tpu.yield
      }) : () -> ()
      %run_scoped3A_145 = arith.constant 1 : i32
      "tpu.region"() ({
        %run_scoped3A_146 = tpu.sem_alloc : memref<!tpu.dma_semaphore, #tpu.memory_space<semaphore_mem>>
        %dma_start3A_147 = arith.constant 20 : i32
        %dma_start3A_148 = arith.constant 0 : i32
        %dma_start3A_149 = tpu.memref_slice %arg8[%dma_start3A_147, %dma_start3A_148] : memref<80x128xi32, #tpu.memory_space<vmem>> -> memref<60x128xi32, #tpu.memory_space<vmem>>
        %dma_start3A_150 = arith.constant 0 : i32
        %dma_start3A_151 = arith.constant 0 : i32
        %dma_start3A_152 = tpu.memref_slice %arg4[%run_scoped3A_145, %dma_start3A_150, %dma_start3A_151] : memref<2x60x128xi32, #tpu.memory_space<hbm>> -> memref<1x60x128xi32, #tpu.memory_space<hbm>>
        %dma_start3A_153 = tpu.memref_squeeze %dma_start3A_152 : memref<1x60x128xi32, #tpu.memory_space<hbm>> -> memref<60x128xi32, #tpu.memory_space<hbm>>
        %dma_start3A_154 = arith.constant 20 : i32
        %dma_start3A_155 = arith.constant 0 : i32
        %dma_start3A_156 = tpu.memref_slice %arg8[%dma_start3A_154, %dma_start3A_155] : memref<80x128xi32, #tpu.memory_space<vmem>> -> memref<60x128xi32, #tpu.memory_space<vmem>>
        %dma_start3A_157 = arith.constant 0 : i32
        %dma_start3A_158 = arith.constant 0 : i32
        %dma_start3A_159 = tpu.memref_slice %arg4[%run_scoped3A_145, %dma_start3A_157, %dma_start3A_158] : memref<2x60x128xi32, #tpu.memory_space<hbm>> -> memref<1x60x128xi32, #tpu.memory_space<hbm>>
        %dma_start3A_160 = tpu.memref_squeeze %dma_start3A_159 : memref<1x60x128xi32, #tpu.memory_space<hbm>> -> memref<60x128xi32, #tpu.memory_space<hbm>>
        tpu.enqueue_dma source(%dma_start3A_160 : memref<60x128xi32, #tpu.memory_space<hbm>>) target(%dma_start3A_156 : memref<60x128xi32, #tpu.memory_space<vmem>>) target_semaphore(%run_scoped3A_146 : memref<!tpu.dma_semaphore, #tpu.memory_space<semaphore_mem>>)
        %dma_wait3A_161 = arith.constant 20 : i32
        %dma_wait3A_162 = arith.constant 0 : i32
        %dma_wait3A_163 = tpu.memref_slice %arg8[%dma_wait3A_161, %dma_wait3A_162] : memref<80x128xi32, #tpu.memory_space<vmem>> -> memref<60x128xi32, #tpu.memory_space<vmem>>
        %dma_wait3A_164 = arith.constant 0 : i32
        %dma_wait3A_165 = arith.constant 0 : i32
        %dma_wait3A_166 = tpu.memref_slice %arg4[%run_scoped3A_145, %dma_wait3A_164, %dma_wait3A_165] : memref<2x60x128xi32, #tpu.memory_space<hbm>> -> memref<1x60x128xi32, #tpu.memory_space<hbm>>
        %dma_wait3A_167 = tpu.memref_squeeze %dma_wait3A_166 : memref<1x60x128xi32, #tpu.memory_space<hbm>> -> memref<60x128xi32, #tpu.memory_space<hbm>>
        %dma_wait3A_168 = arith.constant 20 : i32
        %dma_wait3A_169 = arith.constant 0 : i32
        %dma_wait3A_170 = tpu.memref_slice %arg8[%dma_wait3A_168, %dma_wait3A_169] : memref<80x128xi32, #tpu.memory_space<vmem>> -> memref<60x128xi32, #tpu.memory_space<vmem>>
        %dma_wait3A_171 = arith.constant 0 : i32
        %dma_wait3A_172 = arith.constant 0 : i32
        %dma_wait3A_173 = tpu.memref_slice %arg4[%run_scoped3A_145, %dma_wait3A_171, %dma_wait3A_172] : memref<2x60x128xi32, #tpu.memory_space<hbm>> -> memref<1x60x128xi32, #tpu.memory_space<hbm>>
        %dma_wait3A_174 = tpu.memref_squeeze %dma_wait3A_173 : memref<1x60x128xi32, #tpu.memory_space<hbm>> -> memref<60x128xi32, #tpu.memory_space<hbm>>
        tpu.wait_dma2 semaphore(%run_scoped3A_146 : memref<!tpu.dma_semaphore, #tpu.memory_space<semaphore_mem>>) src(%dma_wait3A_174 : memref<60x128xi32, #tpu.memory_space<hbm>>) dst(%dma_wait3A_170 : memref<60x128xi32, #tpu.memory_space<vmem>>)
        tpu.yield
      }) : () -> ()
    } else {
    }
    %barrier3A = arith.constant 0 : index
    tpu.barrier barrier_id(%barrier3A)
    %dma_start3A = arith.constant 0 : i32
    %dma_start3A_11 = arith.constant 0 : i32
    %dma_start3A_12 = arith.constant 0 : i32
    %dma_start3A_13 = arith.constant 0 : i32
    %dma_start3A_14 = tpu.memref_slice %arg9[%dma_start3A_11, %dma_start3A_12, %dma_start3A_13] : memref<5x128x16xf32, #tpu.memory_space<vmem>> -> memref<1x128x16xf32, #tpu.memory_space<vmem>>
    %dma_start3A_15 = tpu.memref_squeeze %dma_start3A_14 : memref<1x128x16xf32, #tpu.memory_space<vmem>> -> memref<128x16xf32, #tpu.memory_space<vmem>>
    %dma_start3A_16 = arith.constant 0 : i32
    %dma_start3A_17 = tpu.memref_slice %arg7[%dma_start3A, %dma_start3A_16] : memref<80x128xi32, #tpu.memory_space<vmem>> -> memref<1x128xi32, #tpu.memory_space<vmem>>
    %dma_start3A_18 = tpu.memref_squeeze %dma_start3A_17 : memref<1x128xi32, #tpu.memory_space<vmem>> -> memref<128xi32, #tpu.memory_space<vmem>>
    %dma_start3A_19 = arith.constant 0 : i32
    %dma_start3A_20 = arith.constant 0 : i32
    %dma_start3A_21 = tpu.memref_slice %arg2[%dma_start3A_19, %dma_start3A_20] : memref<10240x16xf32, #tpu.memory_space<hbm>> -> memref<10240x16xf32, #tpu.memory_space<hbm>>
    tpu.enqueue_indirect_dma source(%dma_start3A_21 : memref<10240x16xf32, #tpu.memory_space<hbm>>) target(%dma_start3A_15 : memref<128x16xf32, #tpu.memory_space<vmem>>) offsets(%dma_start3A_18 : memref<128xi32, #tpu.memory_space<vmem>>) semaphore(%arg12 : memref<!tpu.dma_semaphore, #tpu.memory_space<semaphore_mem>>)
    %dma_start3A_22 = arith.constant 1 : i32
    %dma_start3A_23 = arith.constant 1 : i32
    %dma_start3A_24 = arith.constant 0 : i32
    %dma_start3A_25 = arith.constant 0 : i32
    %dma_start3A_26 = tpu.memref_slice %arg9[%dma_start3A_23, %dma_start3A_24, %dma_start3A_25] : memref<5x128x16xf32, #tpu.memory_space<vmem>> -> memref<1x128x16xf32, #tpu.memory_space<vmem>>
    %dma_start3A_27 = tpu.memref_squeeze %dma_start3A_26 : memref<1x128x16xf32, #tpu.memory_space<vmem>> -> memref<128x16xf32, #tpu.memory_space<vmem>>
    %dma_start3A_28 = arith.constant 0 : i32
    %dma_start3A_29 = tpu.memref_slice %arg7[%dma_start3A_22, %dma_start3A_28] : memref<80x128xi32, #tpu.memory_space<vmem>> -> memref<1x128xi32, #tpu.memory_space<vmem>>
    %dma_start3A_30 = tpu.memref_squeeze %dma_start3A_29 : memref<1x128xi32, #tpu.memory_space<vmem>> -> memref<128xi32, #tpu.memory_space<vmem>>
    %dma_start3A_31 = arith.constant 0 : i32
    %dma_start3A_32 = arith.constant 0 : i32
    %dma_start3A_33 = tpu.memref_slice %arg2[%dma_start3A_31, %dma_start3A_32] : memref<10240x16xf32, #tpu.memory_space<hbm>> -> memref<10240x16xf32, #tpu.memory_space<hbm>>
    tpu.enqueue_indirect_dma source(%dma_start3A_33 : memref<10240x16xf32, #tpu.memory_space<hbm>>) target(%dma_start3A_27 : memref<128x16xf32, #tpu.memory_space<vmem>>) offsets(%dma_start3A_30 : memref<128xi32, #tpu.memory_space<vmem>>) semaphore(%arg12 : memref<!tpu.dma_semaphore, #tpu.memory_space<semaphore_mem>>)
    %dma_start3A_34 = arith.constant 2 : i32
    %dma_start3A_35 = arith.constant 2 : i32
    %dma_start3A_36 = arith.constant 0 : i32
    %dma_start3A_37 = arith.constant 0 : i32
    %dma_start3A_38 = tpu.memref_slice %arg9[%dma_start3A_35, %dma_start3A_36, %dma_start3A_37] : memref<5x128x16xf32, #tpu.memory_space<vmem>> -> memref<1x128x16xf32, #tpu.memory_space<vmem>>
    %dma_start3A_39 = tpu.memref_squeeze %dma_start3A_38 : memref<1x128x16xf32, #tpu.memory_space<vmem>> -> memref<128x16xf32, #tpu.memory_space<vmem>>
    %dma_start3A_40 = arith.constant 0 : i32
    %dma_start3A_41 = tpu.memref_slice %arg7[%dma_start3A_34, %dma_start3A_40] : memref<80x128xi32, #tpu.memory_space<vmem>> -> memref<1x128xi32, #tpu.memory_space<vmem>>
    %dma_start3A_42 = tpu.memref_squeeze %dma_start3A_41 : memref<1x128xi32, #tpu.memory_space<vmem>> -> memref<128xi32, #tpu.memory_space<vmem>>
    %dma_start3A_43 = arith.constant 0 : i32
    %dma_start3A_44 = arith.constant 0 : i32
    %dma_start3A_45 = tpu.memref_slice %arg2[%dma_start3A_43, %dma_start3A_44] : memref<10240x16xf32, #tpu.memory_space<hbm>> -> memref<10240x16xf32, #tpu.memory_space<hbm>>
    tpu.enqueue_indirect_dma source(%dma_start3A_45 : memref<10240x16xf32, #tpu.memory_space<hbm>>) target(%dma_start3A_39 : memref<128x16xf32, #tpu.memory_space<vmem>>) offsets(%dma_start3A_42 : memref<128xi32, #tpu.memory_space<vmem>>) semaphore(%arg12 : memref<!tpu.dma_semaphore, #tpu.memory_space<semaphore_mem>>)
    %dma_start3A_46 = arith.constant 3 : i32
    %dma_start3A_47 = arith.constant 3 : i32
    %dma_start3A_48 = arith.constant 0 : i32
    %dma_start3A_49 = arith.constant 0 : i32
    %dma_start3A_50 = tpu.memref_slice %arg9[%dma_start3A_47, %dma_start3A_48, %dma_start3A_49] : memref<5x128x16xf32, #tpu.memory_space<vmem>> -> memref<1x128x16xf32, #tpu.memory_space<vmem>>
    %dma_start3A_51 = tpu.memref_squeeze %dma_start3A_50 : memref<1x128x16xf32, #tpu.memory_space<vmem>> -> memref<128x16xf32, #tpu.memory_space<vmem>>
    %dma_start3A_52 = arith.constant 0 : i32
    %dma_start3A_53 = tpu.memref_slice %arg7[%dma_start3A_46, %dma_start3A_52] : memref<80x128xi32, #tpu.memory_space<vmem>> -> memref<1x128xi32, #tpu.memory_space<vmem>>
    %dma_start3A_54 = tpu.memref_squeeze %dma_start3A_53 : memref<1x128xi32, #tpu.memory_space<vmem>> -> memref<128xi32, #tpu.memory_space<vmem>>
    %dma_start3A_55 = arith.constant 0 : i32
    %dma_start3A_56 = arith.constant 0 : i32
    %dma_start3A_57 = tpu.memref_slice %arg2[%dma_start3A_55, %dma_start3A_56] : memref<10240x16xf32, #tpu.memory_space<hbm>> -> memref<10240x16xf32, #tpu.memory_space<hbm>>
    tpu.enqueue_indirect_dma source(%dma_start3A_57 : memref<10240x16xf32, #tpu.memory_space<hbm>>) target(%dma_start3A_51 : memref<128x16xf32, #tpu.memory_space<vmem>>) offsets(%dma_start3A_54 : memref<128xi32, #tpu.memory_space<vmem>>) semaphore(%arg12 : memref<!tpu.dma_semaphore, #tpu.memory_space<semaphore_mem>>)
    %dma_start3A_58 = arith.constant 4 : i32
    %dma_start3A_59 = arith.constant 4 : i32
    %dma_start3A_60 = arith.constant 0 : i32
    %dma_start3A_61 = arith.constant 0 : i32
    %dma_start3A_62 = tpu.memref_slice %arg9[%dma_start3A_59, %dma_start3A_60, %dma_start3A_61] : memref<5x128x16xf32, #tpu.memory_space<vmem>> -> memref<1x128x16xf32, #tpu.memory_space<vmem>>
    %dma_start3A_63 = tpu.memref_squeeze %dma_start3A_62 : memref<1x128x16xf32, #tpu.memory_space<vmem>> -> memref<128x16xf32, #tpu.memory_space<vmem>>
    %dma_start3A_64 = arith.constant 0 : i32
    %dma_start3A_65 = tpu.memref_slice %arg7[%dma_start3A_58, %dma_start3A_64] : memref<80x128xi32, #tpu.memory_space<vmem>> -> memref<1x128xi32, #tpu.memory_space<vmem>>
    %dma_start3A_66 = tpu.memref_squeeze %dma_start3A_65 : memref<1x128xi32, #tpu.memory_space<vmem>> -> memref<128xi32, #tpu.memory_space<vmem>>
    %dma_start3A_67 = arith.constant 0 : i32
    %dma_start3A_68 = arith.constant 0 : i32
    %dma_start3A_69 = tpu.memref_slice %arg2[%dma_start3A_67, %dma_start3A_68] : memref<10240x16xf32, #tpu.memory_space<hbm>> -> memref<10240x16xf32, #tpu.memory_space<hbm>>
    tpu.enqueue_indirect_dma source(%dma_start3A_69 : memref<10240x16xf32, #tpu.memory_space<hbm>>) target(%dma_start3A_63 : memref<128x16xf32, #tpu.memory_space<vmem>>) offsets(%dma_start3A_66 : memref<128xi32, #tpu.memory_space<vmem>>) semaphore(%arg12 : memref<!tpu.dma_semaphore, #tpu.memory_space<semaphore_mem>>)
    %scan3A = arith.constant 0 : i32
    %scan3A_70 = arith.constant 0 : i32
    %scan3A_71 = arith.constant 16 : i32
    %scan3A_72 = arith.addi %scan3A_70, %scan3A_71 : i32
    %scan3A_73 = arith.constant 1 : i32
    scf.for %scan3A_139 = %scan3A_70 to %scan3A_72 step %scan3A_73  : i32 {
      %jit3A = arith.constant 2 : i32
      %eq3A_140 = arith.constant 0 : i32
      %eq3A_141 = arith.cmpi eq, %jit3A, %eq3A_140 : i32
      %jit3A_142 = arith.constant 1 : i32
      %select_n3A = arith.select %eq3A_141, %jit3A_142, %jit3A : i32
      %rem3A = arith.remsi %scan3A_139, %select_n3A : i32
      %ne3A = arith.constant 0 : i32
      %ne3A_143 = arith.cmpi ne, %rem3A, %ne3A : i32
      %lt3A_144 = arith.constant 0 : i32
      %lt3A_145 = arith.cmpi slt, %rem3A, %lt3A_144 : i32
      %lt3A_146 = arith.constant 0 : i32
      %lt3A_147 = arith.cmpi slt, %select_n3A, %lt3A_146 : i32
      %ne3A_148 = arith.xori %lt3A_145, %lt3A_147 : i1
      %and3A = arith.andi %ne3A_148, %ne3A_143 : i1
      %add3A_149 = arith.addi %rem3A, %select_n3A : i32
      %select_n3A_150 = arith.select %and3A, %add3A_149, %rem3A : i32
      %eq3A_151 = arith.constant 0 : i32
      %eq3A_152 = arith.cmpi eq, %select_n3A_150, %eq3A_151 : i32
      %convert_element_type3A_153 = arith.extui %eq3A_152 : i1 to i32
      %cond3A_154 = arith.constant 0 : i32
      %cond3A_155 = arith.cmpi ne, %convert_element_type3A_153, %cond3A_154 : i32
      scf.if %cond3A_155 {
        %eq3A_177 = arith.constant 0 : i32
        %eq3A_178 = arith.cmpi eq, %scan3A_139, %eq3A_177 : i32
        %ge3A = arith.constant 15 : i32
        %ge3A_179 = arith.cmpi sge, %scan3A_139, %ge3A : i32
        %dma_wait3A_180 = arith.constant 0 : i32
        %dma_wait3A_181 = arith.constant 0 : i32
        %dma_wait3A_182 = arith.constant 0 : i32
        %dma_wait3A_183 = arith.constant 0 : i32
        %dma_wait3A_184 = tpu.memref_slice %arg9[%dma_wait3A_181, %dma_wait3A_182, %dma_wait3A_183] : memref<5x128x16xf32, #tpu.memory_space<vmem>> -> memref<1x128x16xf32, #tpu.memory_space<vmem>>
        %dma_wait3A_185 = tpu.memref_squeeze %dma_wait3A_184 : memref<1x128x16xf32, #tpu.memory_space<vmem>> -> memref<128x16xf32, #tpu.memory_space<vmem>>
        %dma_wait3A_186 = arith.constant 0 : i32
        %dma_wait3A_187 = tpu.memref_slice %arg7[%dma_wait3A_180, %dma_wait3A_186] : memref<80x128xi32, #tpu.memory_space<vmem>> -> memref<1x128xi32, #tpu.memory_space<vmem>>
        %dma_wait3A_188 = tpu.memref_squeeze %dma_wait3A_187 : memref<1x128xi32, #tpu.memory_space<vmem>> -> memref<128xi32, #tpu.memory_space<vmem>>
        %dma_wait3A_189 = arith.constant 0 : i32
        %dma_wait3A_190 = arith.constant 0 : i32
        %dma_wait3A_191 = tpu.memref_slice %arg2[%dma_wait3A_189, %dma_wait3A_190] : memref<10240x16xf32, #tpu.memory_space<hbm>> -> memref<10240x16xf32, #tpu.memory_space<hbm>>
        tpu.wait_indirect_dma semaphore(%arg12 : memref<!tpu.dma_semaphore, #tpu.memory_space<semaphore_mem>>) src(%dma_wait3A_191 : memref<10240x16xf32, #tpu.memory_space<hbm>>) dst(%dma_wait3A_185 : memref<128x16xf32, #tpu.memory_space<vmem>>)
        %dma_wait3A_192 = arith.constant 0 : i32
        %dma_wait3A_193 = arith.constant 1 : i32
        %dma_wait3A_194 = arith.constant 0 : i32
        %dma_wait3A_195 = arith.constant 0 : i32
        %dma_wait3A_196 = tpu.memref_slice %arg9[%dma_wait3A_193, %dma_wait3A_194, %dma_wait3A_195] : memref<5x128x16xf32, #tpu.memory_space<vmem>> -> memref<1x128x16xf32, #tpu.memory_space<vmem>>
        %dma_wait3A_197 = tpu.memref_squeeze %dma_wait3A_196 : memref<1x128x16xf32, #tpu.memory_space<vmem>> -> memref<128x16xf32, #tpu.memory_space<vmem>>
        %dma_wait3A_198 = arith.constant 0 : i32
        %dma_wait3A_199 = tpu.memref_slice %arg7[%dma_wait3A_192, %dma_wait3A_198] : memref<80x128xi32, #tpu.memory_space<vmem>> -> memref<1x128xi32, #tpu.memory_space<vmem>>
        %dma_wait3A_200 = tpu.memref_squeeze %dma_wait3A_199 : memref<1x128xi32, #tpu.memory_space<vmem>> -> memref<128xi32, #tpu.memory_space<vmem>>
        %dma_wait3A_201 = arith.constant 0 : i32
        %dma_wait3A_202 = arith.constant 0 : i32
        %dma_wait3A_203 = tpu.memref_slice %arg2[%dma_wait3A_201, %dma_wait3A_202] : memref<10240x16xf32, #tpu.memory_space<hbm>> -> memref<10240x16xf32, #tpu.memory_space<hbm>>
        tpu.wait_indirect_dma semaphore(%arg12 : memref<!tpu.dma_semaphore, #tpu.memory_space<semaphore_mem>>) src(%dma_wait3A_203 : memref<10240x16xf32, #tpu.memory_space<hbm>>) dst(%dma_wait3A_197 : memref<128x16xf32, #tpu.memory_space<vmem>>)
        %dma_wait3A_204 = arith.constant 0 : i32
        %dma_wait3A_205 = arith.constant 2 : i32
        %dma_wait3A_206 = arith.constant 0 : i32
        %dma_wait3A_207 = arith.constant 0 : i32
        %dma_wait3A_208 = tpu.memref_slice %arg9[%dma_wait3A_205, %dma_wait3A_206, %dma_wait3A_207] : memref<5x128x16xf32, #tpu.memory_space<vmem>> -> memref<1x128x16xf32, #tpu.memory_space<vmem>>
        %dma_wait3A_209 = tpu.memref_squeeze %dma_wait3A_208 : memref<1x128x16xf32, #tpu.memory_space<vmem>> -> memref<128x16xf32, #tpu.memory_space<vmem>>
        %dma_wait3A_210 = arith.constant 0 : i32
        %dma_wait3A_211 = tpu.memref_slice %arg7[%dma_wait3A_204, %dma_wait3A_210] : memref<80x128xi32, #tpu.memory_space<vmem>> -> memref<1x128xi32, #tpu.memory_space<vmem>>
        %dma_wait3A_212 = tpu.memref_squeeze %dma_wait3A_211 : memref<1x128xi32, #tpu.memory_space<vmem>> -> memref<128xi32, #tpu.memory_space<vmem>>
        %dma_wait3A_213 = arith.constant 0 : i32
        %dma_wait3A_214 = arith.constant 0 : i32
        %dma_wait3A_215 = tpu.memref_slice %arg2[%dma_wait3A_213, %dma_wait3A_214] : memref<10240x16xf32, #tpu.memory_space<hbm>> -> memref<10240x16xf32, #tpu.memory_space<hbm>>
        tpu.wait_indirect_dma semaphore(%arg12 : memref<!tpu.dma_semaphore, #tpu.memory_space<semaphore_mem>>) src(%dma_wait3A_215 : memref<10240x16xf32, #tpu.memory_space<hbm>>) dst(%dma_wait3A_209 : memref<128x16xf32, #tpu.memory_space<vmem>>)
        %dma_wait3A_216 = arith.constant 0 : i32
        %dma_wait3A_217 = arith.constant 3 : i32
        %dma_wait3A_218 = arith.constant 0 : i32
        %dma_wait3A_219 = arith.constant 0 : i32
        %dma_wait3A_220 = tpu.memref_slice %arg9[%dma_wait3A_217, %dma_wait3A_218, %dma_wait3A_219] : memref<5x128x16xf32, #tpu.memory_space<vmem>> -> memref<1x128x16xf32, #tpu.memory_space<vmem>>
        %dma_wait3A_221 = tpu.memref_squeeze %dma_wait3A_220 : memref<1x128x16xf32, #tpu.memory_space<vmem>> -> memref<128x16xf32, #tpu.memory_space<vmem>>
        %dma_wait3A_222 = arith.constant 0 : i32
        %dma_wait3A_223 = tpu.memref_slice %arg7[%dma_wait3A_216, %dma_wait3A_222] : memref<80x128xi32, #tpu.memory_space<vmem>> -> memref<1x128xi32, #tpu.memory_space<vmem>>
        %dma_wait3A_224 = tpu.memref_squeeze %dma_wait3A_223 : memref<1x128xi32, #tpu.memory_space<vmem>> -> memref<128xi32, #tpu.memory_space<vmem>>
        %dma_wait3A_225 = arith.constant 0 : i32
        %dma_wait3A_226 = arith.constant 0 : i32
        %dma_wait3A_227 = tpu.memref_slice %arg2[%dma_wait3A_225, %dma_wait3A_226] : memref<10240x16xf32, #tpu.memory_space<hbm>> -> memref<10240x16xf32, #tpu.memory_space<hbm>>
        tpu.wait_indirect_dma semaphore(%arg12 : memref<!tpu.dma_semaphore, #tpu.memory_space<semaphore_mem>>) src(%dma_wait3A_227 : memref<10240x16xf32, #tpu.memory_space<hbm>>) dst(%dma_wait3A_221 : memref<128x16xf32, #tpu.memory_space<vmem>>)
        %dma_wait3A_228 = arith.constant 0 : i32
        %dma_wait3A_229 = arith.constant 4 : i32
        %dma_wait3A_230 = arith.constant 0 : i32
        %dma_wait3A_231 = arith.constant 0 : i32
        %dma_wait3A_232 = tpu.memref_slice %arg9[%dma_wait3A_229, %dma_wait3A_230, %dma_wait3A_231] : memref<5x128x16xf32, #tpu.memory_space<vmem>> -> memref<1x128x16xf32, #tpu.memory_space<vmem>>
        %dma_wait3A_233 = tpu.memref_squeeze %dma_wait3A_232 : memref<1x128x16xf32, #tpu.memory_space<vmem>> -> memref<128x16xf32, #tpu.memory_space<vmem>>
        %dma_wait3A_234 = arith.constant 0 : i32
        %dma_wait3A_235 = tpu.memref_slice %arg7[%dma_wait3A_228, %dma_wait3A_234] : memref<80x128xi32, #tpu.memory_space<vmem>> -> memref<1x128xi32, #tpu.memory_space<vmem>>
        %dma_wait3A_236 = tpu.memref_squeeze %dma_wait3A_235 : memref<1x128xi32, #tpu.memory_space<vmem>> -> memref<128xi32, #tpu.memory_space<vmem>>
        %dma_wait3A_237 = arith.constant 0 : i32
        %dma_wait3A_238 = arith.constant 0 : i32
        %dma_wait3A_239 = tpu.memref_slice %arg2[%dma_wait3A_237, %dma_wait3A_238] : memref<10240x16xf32, #tpu.memory_space<hbm>> -> memref<10240x16xf32, #tpu.memory_space<hbm>>
        tpu.wait_indirect_dma semaphore(%arg12 : memref<!tpu.dma_semaphore, #tpu.memory_space<semaphore_mem>>) src(%dma_wait3A_239 : memref<10240x16xf32, #tpu.memory_space<hbm>>) dst(%dma_wait3A_233 : memref<128x16xf32, #tpu.memory_space<vmem>>)
        %mul3A_240 = arith.constant 5 : i32
        %mul3A_241 = arith.muli %scan3A_139, %mul3A_240 : i32
        %add3A_242 = arith.constant 0 : i32
        %add3A_243 = arith.addi %mul3A_241, %add3A_242 : i32
        %dma_start3A_244 = arith.constant 0 : i32
        %dma_start3A_245 = arith.constant 0 : i32
        %dma_start3A_246 = arith.constant 0 : i32
        %dma_start3A_247 = tpu.memref_slice %arg9[%dma_start3A_244, %dma_start3A_245, %dma_start3A_246] : memref<5x128x16xf32, #tpu.memory_space<vmem>> -> memref<1x128x16xf32, #tpu.memory_space<vmem>>
        %dma_start3A_248 = tpu.memref_squeeze %dma_start3A_247 : memref<1x128x16xf32, #tpu.memory_space<vmem>> -> memref<128x16xf32, #tpu.memory_space<vmem>>
        %dma_start3A_249 = arith.constant 0 : i32
        %dma_start3A_250 = tpu.memref_slice %arg8[%add3A_243, %dma_start3A_249] : memref<80x128xi32, #tpu.memory_space<vmem>> -> memref<1x128xi32, #tpu.memory_space<vmem>>
        %dma_start3A_251 = tpu.memref_squeeze %dma_start3A_250 : memref<1x128xi32, #tpu.memory_space<vmem>> -> memref<128xi32, #tpu.memory_space<vmem>>
        %dma_start3A_252 = arith.constant 0 : i32
        %dma_start3A_253 = arith.constant 0 : i32
        %dma_start3A_254 = tpu.memref_slice %arg11[%dma_start3A_252, %dma_start3A_253] : memref<10240x16xf32, #tpu.memory_space<vmem_shared>> -> memref<10240x16xf32, #tpu.memory_space<vmem_shared>>
        tpu.enqueue_indirect_dma source(%dma_start3A_248 : memref<128x16xf32, #tpu.memory_space<vmem>>) target(%dma_start3A_254 : memref<10240x16xf32, #tpu.memory_space<vmem_shared>>) offsets(%dma_start3A_251 : memref<128xi32, #tpu.memory_space<vmem>>) semaphore(%arg14 : memref<!tpu.dma_semaphore, #tpu.memory_space<semaphore_mem>>) {add = true}
        %mul3A_255 = arith.constant 5 : i32
        %mul3A_256 = arith.muli %scan3A_139, %mul3A_255 : i32
        %add3A_257 = arith.constant 1 : i32
        %add3A_258 = arith.addi %mul3A_256, %add3A_257 : i32
        %dma_start3A_259 = arith.constant 1 : i32
        %dma_start3A_260 = arith.constant 0 : i32
        %dma_start3A_261 = arith.constant 0 : i32
        %dma_start3A_262 = tpu.memref_slice %arg9[%dma_start3A_259, %dma_start3A_260, %dma_start3A_261] : memref<5x128x16xf32, #tpu.memory_space<vmem>> -> memref<1x128x16xf32, #tpu.memory_space<vmem>>
        %dma_start3A_263 = tpu.memref_squeeze %dma_start3A_262 : memref<1x128x16xf32, #tpu.memory_space<vmem>> -> memref<128x16xf32, #tpu.memory_space<vmem>>
        %dma_start3A_264 = arith.constant 0 : i32
        %dma_start3A_265 = tpu.memref_slice %arg8[%add3A_258, %dma_start3A_264] : memref<80x128xi32, #tpu.memory_space<vmem>> -> memref<1x128xi32, #tpu.memory_space<vmem>>
        %dma_start3A_266 = tpu.memref_squeeze %dma_start3A_265 : memref<1x128xi32, #tpu.memory_space<vmem>> -> memref<128xi32, #tpu.memory_space<vmem>>
        %dma_start3A_267 = arith.constant 0 : i32
        %dma_start3A_268 = arith.constant 0 : i32
        %dma_start3A_269 = tpu.memref_slice %arg11[%dma_start3A_267, %dma_start3A_268] : memref<10240x16xf32, #tpu.memory_space<vmem_shared>> -> memref<10240x16xf32, #tpu.memory_space<vmem_shared>>
        tpu.enqueue_indirect_dma source(%dma_start3A_263 : memref<128x16xf32, #tpu.memory_space<vmem>>) target(%dma_start3A_269 : memref<10240x16xf32, #tpu.memory_space<vmem_shared>>) offsets(%dma_start3A_266 : memref<128xi32, #tpu.memory_space<vmem>>) semaphore(%arg14 : memref<!tpu.dma_semaphore, #tpu.memory_space<semaphore_mem>>) {add = true}
        %mul3A_270 = arith.constant 5 : i32
        %mul3A_271 = arith.muli %scan3A_139, %mul3A_270 : i32
        %add3A_272 = arith.constant 2 : i32
        %add3A_273 = arith.addi %mul3A_271, %add3A_272 : i32
        %dma_start3A_274 = arith.constant 2 : i32
        %dma_start3A_275 = arith.constant 0 : i32
        %dma_start3A_276 = arith.constant 0 : i32
        %dma_start3A_277 = tpu.memref_slice %arg9[%dma_start3A_274, %dma_start3A_275, %dma_start3A_276] : memref<5x128x16xf32, #tpu.memory_space<vmem>> -> memref<1x128x16xf32, #tpu.memory_space<vmem>>
        %dma_start3A_278 = tpu.memref_squeeze %dma_start3A_277 : memref<1x128x16xf32, #tpu.memory_space<vmem>> -> memref<128x16xf32, #tpu.memory_space<vmem>>
        %dma_start3A_279 = arith.constant 0 : i32
        %dma_start3A_280 = tpu.memref_slice %arg8[%add3A_273, %dma_start3A_279] : memref<80x128xi32, #tpu.memory_space<vmem>> -> memref<1x128xi32, #tpu.memory_space<vmem>>
        %dma_start3A_281 = tpu.memref_squeeze %dma_start3A_280 : memref<1x128xi32, #tpu.memory_space<vmem>> -> memref<128xi32, #tpu.memory_space<vmem>>
        %dma_start3A_282 = arith.constant 0 : i32
        %dma_start3A_283 = arith.constant 0 : i32
        %dma_start3A_284 = tpu.memref_slice %arg11[%dma_start3A_282, %dma_start3A_283] : memref<10240x16xf32, #tpu.memory_space<vmem_shared>> -> memref<10240x16xf32, #tpu.memory_space<vmem_shared>>
        tpu.enqueue_indirect_dma source(%dma_start3A_278 : memref<128x16xf32, #tpu.memory_space<vmem>>) target(%dma_start3A_284 : memref<10240x16xf32, #tpu.memory_space<vmem_shared>>) offsets(%dma_start3A_281 : memref<128xi32, #tpu.memory_space<vmem>>) semaphore(%arg14 : memref<!tpu.dma_semaphore, #tpu.memory_space<semaphore_mem>>) {add = true}
        %mul3A_285 = arith.constant 5 : i32
        %mul3A_286 = arith.muli %scan3A_139, %mul3A_285 : i32
        %add3A_287 = arith.constant 3 : i32
        %add3A_288 = arith.addi %mul3A_286, %add3A_287 : i32
        %dma_start3A_289 = arith.constant 3 : i32
        %dma_start3A_290 = arith.constant 0 : i32
        %dma_start3A_291 = arith.constant 0 : i32
        %dma_start3A_292 = tpu.memref_slice %arg9[%dma_start3A_289, %dma_start3A_290, %dma_start3A_291] : memref<5x128x16xf32, #tpu.memory_space<vmem>> -> memref<1x128x16xf32, #tpu.memory_space<vmem>>
        %dma_start3A_293 = tpu.memref_squeeze %dma_start3A_292 : memref<1x128x16xf32, #tpu.memory_space<vmem>> -> memref<128x16xf32, #tpu.memory_space<vmem>>
        %dma_start3A_294 = arith.constant 0 : i32
        %dma_start3A_295 = tpu.memref_slice %arg8[%add3A_288, %dma_start3A_294] : memref<80x128xi32, #tpu.memory_space<vmem>> -> memref<1x128xi32, #tpu.memory_space<vmem>>
        %dma_start3A_296 = tpu.memref_squeeze %dma_start3A_295 : memref<1x128xi32, #tpu.memory_space<vmem>> -> memref<128xi32, #tpu.memory_space<vmem>>
        %dma_start3A_297 = arith.constant 0 : i32
        %dma_start3A_298 = arith.constant 0 : i32
        %dma_start3A_299 = tpu.memref_slice %arg11[%dma_start3A_297, %dma_start3A_298] : memref<10240x16xf32, #tpu.memory_space<vmem_shared>> -> memref<10240x16xf32, #tpu.memory_space<vmem_shared>>
        tpu.enqueue_indirect_dma source(%dma_start3A_293 : memref<128x16xf32, #tpu.memory_space<vmem>>) target(%dma_start3A_299 : memref<10240x16xf32, #tpu.memory_space<vmem_shared>>) offsets(%dma_start3A_296 : memref<128xi32, #tpu.memory_space<vmem>>) semaphore(%arg14 : memref<!tpu.dma_semaphore, #tpu.memory_space<semaphore_mem>>) {add = true}
        %mul3A_300 = arith.constant 5 : i32
        %mul3A_301 = arith.muli %scan3A_139, %mul3A_300 : i32
        %add3A_302 = arith.constant 4 : i32
        %add3A_303 = arith.addi %mul3A_301, %add3A_302 : i32
        %dma_start3A_304 = arith.constant 4 : i32
        %dma_start3A_305 = arith.constant 0 : i32
        %dma_start3A_306 = arith.constant 0 : i32
        %dma_start3A_307 = tpu.memref_slice %arg9[%dma_start3A_304, %dma_start3A_305, %dma_start3A_306] : memref<5x128x16xf32, #tpu.memory_space<vmem>> -> memref<1x128x16xf32, #tpu.memory_space<vmem>>
        %dma_start3A_308 = tpu.memref_squeeze %dma_start3A_307 : memref<1x128x16xf32, #tpu.memory_space<vmem>> -> memref<128x16xf32, #tpu.memory_space<vmem>>
        %dma_start3A_309 = arith.constant 0 : i32
        %dma_start3A_310 = tpu.memref_slice %arg8[%add3A_303, %dma_start3A_309] : memref<80x128xi32, #tpu.memory_space<vmem>> -> memref<1x128xi32, #tpu.memory_space<vmem>>
        %dma_start3A_311 = tpu.memref_squeeze %dma_start3A_310 : memref<1x128xi32, #tpu.memory_space<vmem>> -> memref<128xi32, #tpu.memory_space<vmem>>
        %dma_start3A_312 = arith.constant 0 : i32
        %dma_start3A_313 = arith.constant 0 : i32
        %dma_start3A_314 = tpu.memref_slice %arg11[%dma_start3A_312, %dma_start3A_313] : memref<10240x16xf32, #tpu.memory_space<vmem_shared>> -> memref<10240x16xf32, #tpu.memory_space<vmem_shared>>
        tpu.enqueue_indirect_dma source(%dma_start3A_308 : memref<128x16xf32, #tpu.memory_space<vmem>>) target(%dma_start3A_314 : memref<10240x16xf32, #tpu.memory_space<vmem_shared>>) offsets(%dma_start3A_311 : memref<128xi32, #tpu.memory_space<vmem>>) semaphore(%arg14 : memref<!tpu.dma_semaphore, #tpu.memory_space<semaphore_mem>>) {add = true}
        %not3A = arith.constant true
        %not3A_315 = arith.xori %eq3A_178, %not3A : i1
        %convert_element_type3A_316 = arith.extui %not3A_315 : i1 to i32
        %cond3A_317 = arith.constant 0 : i32
        %cond3A_318 = arith.cmpi ne, %convert_element_type3A_316, %cond3A_317 : i32
        scf.if %cond3A_318 {
          %dma_wait3A_324 = arith.constant 0 : i32
          %dma_wait3A_325 = arith.constant 0 : i32
          %dma_wait3A_326 = arith.constant 0 : i32
          %dma_wait3A_327 = arith.constant 0 : i32
          %dma_wait3A_328 = tpu.memref_slice %arg10[%dma_wait3A_324, %dma_wait3A_326, %dma_wait3A_327] : memref<5x128x16xf32, #tpu.memory_space<vmem>> -> memref<1x128x16xf32, #tpu.memory_space<vmem>>
          %dma_wait3A_329 = tpu.memref_squeeze %dma_wait3A_328 : memref<1x128x16xf32, #tpu.memory_space<vmem>> -> memref<128x16xf32, #tpu.memory_space<vmem>>
          %dma_wait3A_330 = arith.constant 0 : i32
          %dma_wait3A_331 = tpu.memref_slice %arg8[%dma_wait3A_325, %dma_wait3A_330] : memref<80x128xi32, #tpu.memory_space<vmem>> -> memref<1x128xi32, #tpu.memory_space<vmem>>
          %dma_wait3A_332 = tpu.memref_squeeze %dma_wait3A_331 : memref<1x128xi32, #tpu.memory_space<vmem>> -> memref<128xi32, #tpu.memory_space<vmem>>
          %dma_wait3A_333 = arith.constant 0 : i32
          %dma_wait3A_334 = arith.constant 0 : i32
          %dma_wait3A_335 = tpu.memref_slice %arg11[%dma_wait3A_333, %dma_wait3A_334] : memref<10240x16xf32, #tpu.memory_space<vmem_shared>> -> memref<10240x16xf32, #tpu.memory_space<vmem_shared>>
          tpu.wait_indirect_dma semaphore(%arg15 : memref<!tpu.dma_semaphore, #tpu.memory_space<semaphore_mem>>) src(%dma_wait3A_329 : memref<128x16xf32, #tpu.memory_space<vmem>>) dst(%dma_wait3A_335 : memref<10240x16xf32, #tpu.memory_space<vmem_shared>>)
          %dma_wait3A_336 = arith.constant 1 : i32
          %dma_wait3A_337 = arith.constant 0 : i32
          %dma_wait3A_338 = arith.constant 0 : i32
          %dma_wait3A_339 = arith.constant 0 : i32
          %dma_wait3A_340 = tpu.memref_slice %arg10[%dma_wait3A_336, %dma_wait3A_338, %dma_wait3A_339] : memref<5x128x16xf32, #tpu.memory_space<vmem>> -> memref<1x128x16xf32, #tpu.memory_space<vmem>>
          %dma_wait3A_341 = tpu.memref_squeeze %dma_wait3A_340 : memref<1x128x16xf32, #tpu.memory_space<vmem>> -> memref<128x16xf32, #tpu.memory_space<vmem>>
          %dma_wait3A_342 = arith.constant 0 : i32
          %dma_wait3A_343 = tpu.memref_slice %arg8[%dma_wait3A_337, %dma_wait3A_342] : memref<80x128xi32, #tpu.memory_space<vmem>> -> memref<1x128xi32, #tpu.memory_space<vmem>>
          %dma_wait3A_344 = tpu.memref_squeeze %dma_wait3A_343 : memref<1x128xi32, #tpu.memory_space<vmem>> -> memref<128xi32, #tpu.memory_space<vmem>>
          %dma_wait3A_345 = arith.constant 0 : i32
          %dma_wait3A_346 = arith.constant 0 : i32
          %dma_wait3A_347 = tpu.memref_slice %arg11[%dma_wait3A_345, %dma_wait3A_346] : memref<10240x16xf32, #tpu.memory_space<vmem_shared>> -> memref<10240x16xf32, #tpu.memory_space<vmem_shared>>
          tpu.wait_indirect_dma semaphore(%arg15 : memref<!tpu.dma_semaphore, #tpu.memory_space<semaphore_mem>>) src(%dma_wait3A_341 : memref<128x16xf32, #tpu.memory_space<vmem>>) dst(%dma_wait3A_347 : memref<10240x16xf32, #tpu.memory_space<vmem_shared>>)
          %dma_wait3A_348 = arith.constant 2 : i32
          %dma_wait3A_349 = arith.constant 0 : i32
          %dma_wait3A_350 = arith.constant 0 : i32
          %dma_wait3A_351 = arith.constant 0 : i32
          %dma_wait3A_352 = tpu.memref_slice %arg10[%dma_wait3A_348, %dma_wait3A_350, %dma_wait3A_351] : memref<5x128x16xf32, #tpu.memory_space<vmem>> -> memref<1x128x16xf32, #tpu.memory_space<vmem>>
          %dma_wait3A_353 = tpu.memref_squeeze %dma_wait3A_352 : memref<1x128x16xf32, #tpu.memory_space<vmem>> -> memref<128x16xf32, #tpu.memory_space<vmem>>
          %dma_wait3A_354 = arith.constant 0 : i32
          %dma_wait3A_355 = tpu.memref_slice %arg8[%dma_wait3A_349, %dma_wait3A_354] : memref<80x128xi32, #tpu.memory_space<vmem>> -> memref<1x128xi32, #tpu.memory_space<vmem>>
          %dma_wait3A_356 = tpu.memref_squeeze %dma_wait3A_355 : memref<1x128xi32, #tpu.memory_space<vmem>> -> memref<128xi32, #tpu.memory_space<vmem>>
          %dma_wait3A_357 = arith.constant 0 : i32
          %dma_wait3A_358 = arith.constant 0 : i32
          %dma_wait3A_359 = tpu.memref_slice %arg11[%dma_wait3A_357, %dma_wait3A_358] : memref<10240x16xf32, #tpu.memory_space<vmem_shared>> -> memref<10240x16xf32, #tpu.memory_space<vmem_shared>>
          tpu.wait_indirect_dma semaphore(%arg15 : memref<!tpu.dma_semaphore, #tpu.memory_space<semaphore_mem>>) src(%dma_wait3A_353 : memref<128x16xf32, #tpu.memory_space<vmem>>) dst(%dma_wait3A_359 : memref<10240x16xf32, #tpu.memory_space<vmem_shared>>)
          %dma_wait3A_360 = arith.constant 3 : i32
          %dma_wait3A_361 = arith.constant 0 : i32
          %dma_wait3A_362 = arith.constant 0 : i32
          %dma_wait3A_363 = arith.constant 0 : i32
          %dma_wait3A_364 = tpu.memref_slice %arg10[%dma_wait3A_360, %dma_wait3A_362, %dma_wait3A_363] : memref<5x128x16xf32, #tpu.memory_space<vmem>> -> memref<1x128x16xf32, #tpu.memory_space<vmem>>
          %dma_wait3A_365 = tpu.memref_squeeze %dma_wait3A_364 : memref<1x128x16xf32, #tpu.memory_space<vmem>> -> memref<128x16xf32, #tpu.memory_space<vmem>>
          %dma_wait3A_366 = arith.constant 0 : i32
          %dma_wait3A_367 = tpu.memref_slice %arg8[%dma_wait3A_361, %dma_wait3A_366] : memref<80x128xi32, #tpu.memory_space<vmem>> -> memref<1x128xi32, #tpu.memory_space<vmem>>
          %dma_wait3A_368 = tpu.memref_squeeze %dma_wait3A_367 : memref<1x128xi32, #tpu.memory_space<vmem>> -> memref<128xi32, #tpu.memory_space<vmem>>
          %dma_wait3A_369 = arith.constant 0 : i32
          %dma_wait3A_370 = arith.constant 0 : i32
          %dma_wait3A_371 = tpu.memref_slice %arg11[%dma_wait3A_369, %dma_wait3A_370] : memref<10240x16xf32, #tpu.memory_space<vmem_shared>> -> memref<10240x16xf32, #tpu.memory_space<vmem_shared>>
          tpu.wait_indirect_dma semaphore(%arg15 : memref<!tpu.dma_semaphore, #tpu.memory_space<semaphore_mem>>) src(%dma_wait3A_365 : memref<128x16xf32, #tpu.memory_space<vmem>>) dst(%dma_wait3A_371 : memref<10240x16xf32, #tpu.memory_space<vmem_shared>>)
          %dma_wait3A_372 = arith.constant 4 : i32
          %dma_wait3A_373 = arith.constant 0 : i32
          %dma_wait3A_374 = arith.constant 0 : i32
          %dma_wait3A_375 = arith.constant 0 : i32
          %dma_wait3A_376 = tpu.memref_slice %arg10[%dma_wait3A_372, %dma_wait3A_374, %dma_wait3A_375] : memref<5x128x16xf32, #tpu.memory_space<vmem>> -> memref<1x128x16xf32, #tpu.memory_space<vmem>>
          %dma_wait3A_377 = tpu.memref_squeeze %dma_wait3A_376 : memref<1x128x16xf32, #tpu.memory_space<vmem>> -> memref<128x16xf32, #tpu.memory_space<vmem>>
          %dma_wait3A_378 = arith.constant 0 : i32
          %dma_wait3A_379 = tpu.memref_slice %arg8[%dma_wait3A_373, %dma_wait3A_378] : memref<80x128xi32, #tpu.memory_space<vmem>> -> memref<1x128xi32, #tpu.memory_space<vmem>>
          %dma_wait3A_380 = tpu.memref_squeeze %dma_wait3A_379 : memref<1x128xi32, #tpu.memory_space<vmem>> -> memref<128xi32, #tpu.memory_space<vmem>>
          %dma_wait3A_381 = arith.constant 0 : i32
          %dma_wait3A_382 = arith.constant 0 : i32
          %dma_wait3A_383 = tpu.memref_slice %arg11[%dma_wait3A_381, %dma_wait3A_382] : memref<10240x16xf32, #tpu.memory_space<vmem_shared>> -> memref<10240x16xf32, #tpu.memory_space<vmem_shared>>
          tpu.wait_indirect_dma semaphore(%arg15 : memref<!tpu.dma_semaphore, #tpu.memory_space<semaphore_mem>>) src(%dma_wait3A_377 : memref<128x16xf32, #tpu.memory_space<vmem>>) dst(%dma_wait3A_383 : memref<10240x16xf32, #tpu.memory_space<vmem_shared>>)
        } else {
        }
        %not3A_319 = arith.constant true
        %not3A_320 = arith.xori %ge3A_179, %not3A_319 : i1
        %convert_element_type3A_321 = arith.extui %not3A_320 : i1 to i32
        %cond3A_322 = arith.constant 0 : i32
        %cond3A_323 = arith.cmpi ne, %convert_element_type3A_321, %cond3A_322 : i32
        scf.if %cond3A_323 {
          %add3A_324 = arith.constant 1 : i32
          %add3A_325 = arith.addi %scan3A_139, %add3A_324 : i32
          %mul3A_326 = arith.constant 5 : i32
          %mul3A_327 = arith.muli %add3A_325, %mul3A_326 : i32
          %add3A_328 = arith.constant 0 : i32
          %add3A_329 = arith.addi %mul3A_327, %add3A_328 : i32
          %dma_start3A_330 = arith.constant 0 : i32
          %dma_start3A_331 = arith.constant 0 : i32
          %dma_start3A_332 = arith.constant 0 : i32
          %dma_start3A_333 = tpu.memref_slice %arg10[%dma_start3A_330, %dma_start3A_331, %dma_start3A_332] : memref<5x128x16xf32, #tpu.memory_space<vmem>> -> memref<1x128x16xf32, #tpu.memory_space<vmem>>
          %dma_start3A_334 = tpu.memref_squeeze %dma_start3A_333 : memref<1x128x16xf32, #tpu.memory_space<vmem>> -> memref<128x16xf32, #tpu.memory_space<vmem>>
          %dma_start3A_335 = arith.constant 0 : i32
          %dma_start3A_336 = tpu.memref_slice %arg7[%add3A_329, %dma_start3A_335] : memref<80x128xi32, #tpu.memory_space<vmem>> -> memref<1x128xi32, #tpu.memory_space<vmem>>
          %dma_start3A_337 = tpu.memref_squeeze %dma_start3A_336 : memref<1x128xi32, #tpu.memory_space<vmem>> -> memref<128xi32, #tpu.memory_space<vmem>>
          %dma_start3A_338 = arith.constant 0 : i32
          %dma_start3A_339 = arith.constant 0 : i32
          %dma_start3A_340 = tpu.memref_slice %arg2[%dma_start3A_338, %dma_start3A_339] : memref<10240x16xf32, #tpu.memory_space<hbm>> -> memref<10240x16xf32, #tpu.memory_space<hbm>>
          tpu.enqueue_indirect_dma source(%dma_start3A_340 : memref<10240x16xf32, #tpu.memory_space<hbm>>) target(%dma_start3A_334 : memref<128x16xf32, #tpu.memory_space<vmem>>) offsets(%dma_start3A_337 : memref<128xi32, #tpu.memory_space<vmem>>) semaphore(%arg13 : memref<!tpu.dma_semaphore, #tpu.memory_space<semaphore_mem>>)
          %add3A_341 = arith.constant 1 : i32
          %add3A_342 = arith.addi %scan3A_139, %add3A_341 : i32
          %mul3A_343 = arith.constant 5 : i32
          %mul3A_344 = arith.muli %add3A_342, %mul3A_343 : i32
          %add3A_345 = arith.constant 1 : i32
          %add3A_346 = arith.addi %mul3A_344, %add3A_345 : i32
          %dma_start3A_347 = arith.constant 1 : i32
          %dma_start3A_348 = arith.constant 0 : i32
          %dma_start3A_349 = arith.constant 0 : i32
          %dma_start3A_350 = tpu.memref_slice %arg10[%dma_start3A_347, %dma_start3A_348, %dma_start3A_349] : memref<5x128x16xf32, #tpu.memory_space<vmem>> -> memref<1x128x16xf32, #tpu.memory_space<vmem>>
          %dma_start3A_351 = tpu.memref_squeeze %dma_start3A_350 : memref<1x128x16xf32, #tpu.memory_space<vmem>> -> memref<128x16xf32, #tpu.memory_space<vmem>>
          %dma_start3A_352 = arith.constant 0 : i32
          %dma_start3A_353 = tpu.memref_slice %arg7[%add3A_346, %dma_start3A_352] : memref<80x128xi32, #tpu.memory_space<vmem>> -> memref<1x128xi32, #tpu.memory_space<vmem>>
          %dma_start3A_354 = tpu.memref_squeeze %dma_start3A_353 : memref<1x128xi32, #tpu.memory_space<vmem>> -> memref<128xi32, #tpu.memory_space<vmem>>
          %dma_start3A_355 = arith.constant 0 : i32
          %dma_start3A_356 = arith.constant 0 : i32
          %dma_start3A_357 = tpu.memref_slice %arg2[%dma_start3A_355, %dma_start3A_356] : memref<10240x16xf32, #tpu.memory_space<hbm>> -> memref<10240x16xf32, #tpu.memory_space<hbm>>
          tpu.enqueue_indirect_dma source(%dma_start3A_357 : memref<10240x16xf32, #tpu.memory_space<hbm>>) target(%dma_start3A_351 : memref<128x16xf32, #tpu.memory_space<vmem>>) offsets(%dma_start3A_354 : memref<128xi32, #tpu.memory_space<vmem>>) semaphore(%arg13 : memref<!tpu.dma_semaphore, #tpu.memory_space<semaphore_mem>>)
          %add3A_358 = arith.constant 1 : i32
          %add3A_359 = arith.addi %scan3A_139, %add3A_358 : i32
          %mul3A_360 = arith.constant 5 : i32
          %mul3A_361 = arith.muli %add3A_359, %mul3A_360 : i32
          %add3A_362 = arith.constant 2 : i32
          %add3A_363 = arith.addi %mul3A_361, %add3A_362 : i32
          %dma_start3A_364 = arith.constant 2 : i32
          %dma_start3A_365 = arith.constant 0 : i32
          %dma_start3A_366 = arith.constant 0 : i32
          %dma_start3A_367 = tpu.memref_slice %arg10[%dma_start3A_364, %dma_start3A_365, %dma_start3A_366] : memref<5x128x16xf32, #tpu.memory_space<vmem>> -> memref<1x128x16xf32, #tpu.memory_space<vmem>>
          %dma_start3A_368 = tpu.memref_squeeze %dma_start3A_367 : memref<1x128x16xf32, #tpu.memory_space<vmem>> -> memref<128x16xf32, #tpu.memory_space<vmem>>
          %dma_start3A_369 = arith.constant 0 : i32
          %dma_start3A_370 = tpu.memref_slice %arg7[%add3A_363, %dma_start3A_369] : memref<80x128xi32, #tpu.memory_space<vmem>> -> memref<1x128xi32, #tpu.memory_space<vmem>>
          %dma_start3A_371 = tpu.memref_squeeze %dma_start3A_370 : memref<1x128xi32, #tpu.memory_space<vmem>> -> memref<128xi32, #tpu.memory_space<vmem>>
          %dma_start3A_372 = arith.constant 0 : i32
          %dma_start3A_373 = arith.constant 0 : i32
          %dma_start3A_374 = tpu.memref_slice %arg2[%dma_start3A_372, %dma_start3A_373] : memref<10240x16xf32, #tpu.memory_space<hbm>> -> memref<10240x16xf32, #tpu.memory_space<hbm>>
          tpu.enqueue_indirect_dma source(%dma_start3A_374 : memref<10240x16xf32, #tpu.memory_space<hbm>>) target(%dma_start3A_368 : memref<128x16xf32, #tpu.memory_space<vmem>>) offsets(%dma_start3A_371 : memref<128xi32, #tpu.memory_space<vmem>>) semaphore(%arg13 : memref<!tpu.dma_semaphore, #tpu.memory_space<semaphore_mem>>)
          %add3A_375 = arith.constant 1 : i32
          %add3A_376 = arith.addi %scan3A_139, %add3A_375 : i32
          %mul3A_377 = arith.constant 5 : i32
          %mul3A_378 = arith.muli %add3A_376, %mul3A_377 : i32
          %add3A_379 = arith.constant 3 : i32
          %add3A_380 = arith.addi %mul3A_378, %add3A_379 : i32
          %dma_start3A_381 = arith.constant 3 : i32
          %dma_start3A_382 = arith.constant 0 : i32
          %dma_start3A_383 = arith.constant 0 : i32
          %dma_start3A_384 = tpu.memref_slice %arg10[%dma_start3A_381, %dma_start3A_382, %dma_start3A_383] : memref<5x128x16xf32, #tpu.memory_space<vmem>> -> memref<1x128x16xf32, #tpu.memory_space<vmem>>
          %dma_start3A_385 = tpu.memref_squeeze %dma_start3A_384 : memref<1x128x16xf32, #tpu.memory_space<vmem>> -> memref<128x16xf32, #tpu.memory_space<vmem>>
          %dma_start3A_386 = arith.constant 0 : i32
          %dma_start3A_387 = tpu.memref_slice %arg7[%add3A_380, %dma_start3A_386] : memref<80x128xi32, #tpu.memory_space<vmem>> -> memref<1x128xi32, #tpu.memory_space<vmem>>
          %dma_start3A_388 = tpu.memref_squeeze %dma_start3A_387 : memref<1x128xi32, #tpu.memory_space<vmem>> -> memref<128xi32, #tpu.memory_space<vmem>>
          %dma_start3A_389 = arith.constant 0 : i32
          %dma_start3A_390 = arith.constant 0 : i32
          %dma_start3A_391 = tpu.memref_slice %arg2[%dma_start3A_389, %dma_start3A_390] : memref<10240x16xf32, #tpu.memory_space<hbm>> -> memref<10240x16xf32, #tpu.memory_space<hbm>>
          tpu.enqueue_indirect_dma source(%dma_start3A_391 : memref<10240x16xf32, #tpu.memory_space<hbm>>) target(%dma_start3A_385 : memref<128x16xf32, #tpu.memory_space<vmem>>) offsets(%dma_start3A_388 : memref<128xi32, #tpu.memory_space<vmem>>) semaphore(%arg13 : memref<!tpu.dma_semaphore, #tpu.memory_space<semaphore_mem>>)
          %add3A_392 = arith.constant 1 : i32
          %add3A_393 = arith.addi %scan3A_139, %add3A_392 : i32
          %mul3A_394 = arith.constant 5 : i32
          %mul3A_395 = arith.muli %add3A_393, %mul3A_394 : i32
          %add3A_396 = arith.constant 4 : i32
          %add3A_397 = arith.addi %mul3A_395, %add3A_396 : i32
          %dma_start3A_398 = arith.constant 4 : i32
          %dma_start3A_399 = arith.constant 0 : i32
          %dma_start3A_400 = arith.constant 0 : i32
          %dma_start3A_401 = tpu.memref_slice %arg10[%dma_start3A_398, %dma_start3A_399, %dma_start3A_400] : memref<5x128x16xf32, #tpu.memory_space<vmem>> -> memref<1x128x16xf32, #tpu.memory_space<vmem>>
          %dma_start3A_402 = tpu.memref_squeeze %dma_start3A_401 : memref<1x128x16xf32, #tpu.memory_space<vmem>> -> memref<128x16xf32, #tpu.memory_space<vmem>>
          %dma_start3A_403 = arith.constant 0 : i32
          %dma_start3A_404 = tpu.memref_slice %arg7[%add3A_397, %dma_start3A_403] : memref<80x128xi32, #tpu.memory_space<vmem>> -> memref<1x128xi32, #tpu.memory_space<vmem>>
          %dma_start3A_405 = tpu.memref_squeeze %dma_start3A_404 : memref<1x128xi32, #tpu.memory_space<vmem>> -> memref<128xi32, #tpu.memory_space<vmem>>
          %dma_start3A_406 = arith.constant 0 : i32
          %dma_start3A_407 = arith.constant 0 : i32
          %dma_start3A_408 = tpu.memref_slice %arg2[%dma_start3A_406, %dma_start3A_407] : memref<10240x16xf32, #tpu.memory_space<hbm>> -> memref<10240x16xf32, #tpu.memory_space<hbm>>
          tpu.enqueue_indirect_dma source(%dma_start3A_408 : memref<10240x16xf32, #tpu.memory_space<hbm>>) target(%dma_start3A_402 : memref<128x16xf32, #tpu.memory_space<vmem>>) offsets(%dma_start3A_405 : memref<128xi32, #tpu.memory_space<vmem>>) semaphore(%arg13 : memref<!tpu.dma_semaphore, #tpu.memory_space<semaphore_mem>>)
        } else {
        }
      } else {
      }
      %jit3A_156 = arith.constant 2 : i32
      %eq3A_157 = arith.constant 0 : i32
      %eq3A_158 = arith.cmpi eq, %jit3A_156, %eq3A_157 : i32
      %jit3A_159 = arith.constant 1 : i32
      %select_n3A_160 = arith.select %eq3A_158, %jit3A_159, %jit3A_156 : i32
      %rem3A_161 = arith.remsi %scan3A_139, %select_n3A_160 : i32
      %ne3A_162 = arith.constant 0 : i32
      %ne3A_163 = arith.cmpi ne, %rem3A_161, %ne3A_162 : i32
      %lt3A_164 = arith.constant 0 : i32
      %lt3A_165 = arith.cmpi slt, %rem3A_161, %lt3A_164 : i32
      %lt3A_166 = arith.constant 0 : i32
      %lt3A_167 = arith.cmpi slt, %select_n3A_160, %lt3A_166 : i32
      %ne3A_168 = arith.xori %lt3A_165, %lt3A_167 : i1
      %and3A_169 = arith.andi %ne3A_168, %ne3A_163 : i1
      %add3A_170 = arith.addi %rem3A_161, %select_n3A_160 : i32
      %select_n3A_171 = arith.select %and3A_169, %add3A_170, %rem3A_161 : i32
      %eq3A_172 = arith.constant 1 : i32
      %eq3A_173 = arith.cmpi eq, %select_n3A_171, %eq3A_172 : i32
      %convert_element_type3A_174 = arith.extui %eq3A_173 : i1 to i32
      %cond3A_175 = arith.constant 0 : i32
      %cond3A_176 = arith.cmpi ne, %convert_element_type3A_174, %cond3A_175 : i32
      scf.if %cond3A_176 {
        %ge3A = arith.constant 15 : i32
        %ge3A_177 = arith.cmpi sge, %scan3A_139, %ge3A : i32
        %dma_wait3A_178 = arith.constant 0 : i32
        %dma_wait3A_179 = arith.constant 0 : i32
        %dma_wait3A_180 = arith.constant 0 : i32
        %dma_wait3A_181 = arith.constant 0 : i32
        %dma_wait3A_182 = tpu.memref_slice %arg10[%dma_wait3A_179, %dma_wait3A_180, %dma_wait3A_181] : memref<5x128x16xf32, #tpu.memory_space<vmem>> -> memref<1x128x16xf32, #tpu.memory_space<vmem>>
        %dma_wait3A_183 = tpu.memref_squeeze %dma_wait3A_182 : memref<1x128x16xf32, #tpu.memory_space<vmem>> -> memref<128x16xf32, #tpu.memory_space<vmem>>
        %dma_wait3A_184 = arith.constant 0 : i32
        %dma_wait3A_185 = tpu.memref_slice %arg7[%dma_wait3A_178, %dma_wait3A_184] : memref<80x128xi32, #tpu.memory_space<vmem>> -> memref<1x128xi32, #tpu.memory_space<vmem>>
        %dma_wait3A_186 = tpu.memref_squeeze %dma_wait3A_185 : memref<1x128xi32, #tpu.memory_space<vmem>> -> memref<128xi32, #tpu.memory_space<vmem>>
        %dma_wait3A_187 = arith.constant 0 : i32
        %dma_wait3A_188 = arith.constant 0 : i32
        %dma_wait3A_189 = tpu.memref_slice %arg2[%dma_wait3A_187, %dma_wait3A_188] : memref<10240x16xf32, #tpu.memory_space<hbm>> -> memref<10240x16xf32, #tpu.memory_space<hbm>>
        tpu.wait_indirect_dma semaphore(%arg13 : memref<!tpu.dma_semaphore, #tpu.memory_space<semaphore_mem>>) src(%dma_wait3A_189 : memref<10240x16xf32, #tpu.memory_space<hbm>>) dst(%dma_wait3A_183 : memref<128x16xf32, #tpu.memory_space<vmem>>)
        %dma_wait3A_190 = arith.constant 0 : i32
        %dma_wait3A_191 = arith.constant 1 : i32
        %dma_wait3A_192 = arith.constant 0 : i32
        %dma_wait3A_193 = arith.constant 0 : i32
        %dma_wait3A_194 = tpu.memref_slice %arg10[%dma_wait3A_191, %dma_wait3A_192, %dma_wait3A_193] : memref<5x128x16xf32, #tpu.memory_space<vmem>> -> memref<1x128x16xf32, #tpu.memory_space<vmem>>
        %dma_wait3A_195 = tpu.memref_squeeze %dma_wait3A_194 : memref<1x128x16xf32, #tpu.memory_space<vmem>> -> memref<128x16xf32, #tpu.memory_space<vmem>>
        %dma_wait3A_196 = arith.constant 0 : i32
        %dma_wait3A_197 = tpu.memref_slice %arg7[%dma_wait3A_190, %dma_wait3A_196] : memref<80x128xi32, #tpu.memory_space<vmem>> -> memref<1x128xi32, #tpu.memory_space<vmem>>
        %dma_wait3A_198 = tpu.memref_squeeze %dma_wait3A_197 : memref<1x128xi32, #tpu.memory_space<vmem>> -> memref<128xi32, #tpu.memory_space<vmem>>
        %dma_wait3A_199 = arith.constant 0 : i32
        %dma_wait3A_200 = arith.constant 0 : i32
        %dma_wait3A_201 = tpu.memref_slice %arg2[%dma_wait3A_199, %dma_wait3A_200] : memref<10240x16xf32, #tpu.memory_space<hbm>> -> memref<10240x16xf32, #tpu.memory_space<hbm>>
        tpu.wait_indirect_dma semaphore(%arg13 : memref<!tpu.dma_semaphore, #tpu.memory_space<semaphore_mem>>) src(%dma_wait3A_201 : memref<10240x16xf32, #tpu.memory_space<hbm>>) dst(%dma_wait3A_195 : memref<128x16xf32, #tpu.memory_space<vmem>>)
        %dma_wait3A_202 = arith.constant 0 : i32
        %dma_wait3A_203 = arith.constant 2 : i32
        %dma_wait3A_204 = arith.constant 0 : i32
        %dma_wait3A_205 = arith.constant 0 : i32
        %dma_wait3A_206 = tpu.memref_slice %arg10[%dma_wait3A_203, %dma_wait3A_204, %dma_wait3A_205] : memref<5x128x16xf32, #tpu.memory_space<vmem>> -> memref<1x128x16xf32, #tpu.memory_space<vmem>>
        %dma_wait3A_207 = tpu.memref_squeeze %dma_wait3A_206 : memref<1x128x16xf32, #tpu.memory_space<vmem>> -> memref<128x16xf32, #tpu.memory_space<vmem>>
        %dma_wait3A_208 = arith.constant 0 : i32
        %dma_wait3A_209 = tpu.memref_slice %arg7[%dma_wait3A_202, %dma_wait3A_208] : memref<80x128xi32, #tpu.memory_space<vmem>> -> memref<1x128xi32, #tpu.memory_space<vmem>>
        %dma_wait3A_210 = tpu.memref_squeeze %dma_wait3A_209 : memref<1x128xi32, #tpu.memory_space<vmem>> -> memref<128xi32, #tpu.memory_space<vmem>>
        %dma_wait3A_211 = arith.constant 0 : i32
        %dma_wait3A_212 = arith.constant 0 : i32
        %dma_wait3A_213 = tpu.memref_slice %arg2[%dma_wait3A_211, %dma_wait3A_212] : memref<10240x16xf32, #tpu.memory_space<hbm>> -> memref<10240x16xf32, #tpu.memory_space<hbm>>
        tpu.wait_indirect_dma semaphore(%arg13 : memref<!tpu.dma_semaphore, #tpu.memory_space<semaphore_mem>>) src(%dma_wait3A_213 : memref<10240x16xf32, #tpu.memory_space<hbm>>) dst(%dma_wait3A_207 : memref<128x16xf32, #tpu.memory_space<vmem>>)
        %dma_wait3A_214 = arith.constant 0 : i32
        %dma_wait3A_215 = arith.constant 3 : i32
        %dma_wait3A_216 = arith.constant 0 : i32
        %dma_wait3A_217 = arith.constant 0 : i32
        %dma_wait3A_218 = tpu.memref_slice %arg10[%dma_wait3A_215, %dma_wait3A_216, %dma_wait3A_217] : memref<5x128x16xf32, #tpu.memory_space<vmem>> -> memref<1x128x16xf32, #tpu.memory_space<vmem>>
        %dma_wait3A_219 = tpu.memref_squeeze %dma_wait3A_218 : memref<1x128x16xf32, #tpu.memory_space<vmem>> -> memref<128x16xf32, #tpu.memory_space<vmem>>
        %dma_wait3A_220 = arith.constant 0 : i32
        %dma_wait3A_221 = tpu.memref_slice %arg7[%dma_wait3A_214, %dma_wait3A_220] : memref<80x128xi32, #tpu.memory_space<vmem>> -> memref<1x128xi32, #tpu.memory_space<vmem>>
        %dma_wait3A_222 = tpu.memref_squeeze %dma_wait3A_221 : memref<1x128xi32, #tpu.memory_space<vmem>> -> memref<128xi32, #tpu.memory_space<vmem>>
        %dma_wait3A_223 = arith.constant 0 : i32
        %dma_wait3A_224 = arith.constant 0 : i32
        %dma_wait3A_225 = tpu.memref_slice %arg2[%dma_wait3A_223, %dma_wait3A_224] : memref<10240x16xf32, #tpu.memory_space<hbm>> -> memref<10240x16xf32, #tpu.memory_space<hbm>>
        tpu.wait_indirect_dma semaphore(%arg13 : memref<!tpu.dma_semaphore, #tpu.memory_space<semaphore_mem>>) src(%dma_wait3A_225 : memref<10240x16xf32, #tpu.memory_space<hbm>>) dst(%dma_wait3A_219 : memref<128x16xf32, #tpu.memory_space<vmem>>)
        %dma_wait3A_226 = arith.constant 0 : i32
        %dma_wait3A_227 = arith.constant 4 : i32
        %dma_wait3A_228 = arith.constant 0 : i32
        %dma_wait3A_229 = arith.constant 0 : i32
        %dma_wait3A_230 = tpu.memref_slice %arg10[%dma_wait3A_227, %dma_wait3A_228, %dma_wait3A_229] : memref<5x128x16xf32, #tpu.memory_space<vmem>> -> memref<1x128x16xf32, #tpu.memory_space<vmem>>
        %dma_wait3A_231 = tpu.memref_squeeze %dma_wait3A_230 : memref<1x128x16xf32, #tpu.memory_space<vmem>> -> memref<128x16xf32, #tpu.memory_space<vmem>>
        %dma_wait3A_232 = arith.constant 0 : i32
        %dma_wait3A_233 = tpu.memref_slice %arg7[%dma_wait3A_226, %dma_wait3A_232] : memref<80x128xi32, #tpu.memory_space<vmem>> -> memref<1x128xi32, #tpu.memory_space<vmem>>
        %dma_wait3A_234 = tpu.memref_squeeze %dma_wait3A_233 : memref<1x128xi32, #tpu.memory_space<vmem>> -> memref<128xi32, #tpu.memory_space<vmem>>
        %dma_wait3A_235 = arith.constant 0 : i32
        %dma_wait3A_236 = arith.constant 0 : i32
        %dma_wait3A_237 = tpu.memref_slice %arg2[%dma_wait3A_235, %dma_wait3A_236] : memref<10240x16xf32, #tpu.memory_space<hbm>> -> memref<10240x16xf32, #tpu.memory_space<hbm>>
        tpu.wait_indirect_dma semaphore(%arg13 : memref<!tpu.dma_semaphore, #tpu.memory_space<semaphore_mem>>) src(%dma_wait3A_237 : memref<10240x16xf32, #tpu.memory_space<hbm>>) dst(%dma_wait3A_231 : memref<128x16xf32, #tpu.memory_space<vmem>>)
        %mul3A_238 = arith.constant 5 : i32
        %mul3A_239 = arith.muli %scan3A_139, %mul3A_238 : i32
        %add3A_240 = arith.constant 0 : i32
        %add3A_241 = arith.addi %mul3A_239, %add3A_240 : i32
        %dma_start3A_242 = arith.constant 0 : i32
        %dma_start3A_243 = arith.constant 0 : i32
        %dma_start3A_244 = arith.constant 0 : i32
        %dma_start3A_245 = tpu.memref_slice %arg10[%dma_start3A_242, %dma_start3A_243, %dma_start3A_244] : memref<5x128x16xf32, #tpu.memory_space<vmem>> -> memref<1x128x16xf32, #tpu.memory_space<vmem>>
        %dma_start3A_246 = tpu.memref_squeeze %dma_start3A_245 : memref<1x128x16xf32, #tpu.memory_space<vmem>> -> memref<128x16xf32, #tpu.memory_space<vmem>>
        %dma_start3A_247 = arith.constant 0 : i32
        %dma_start3A_248 = tpu.memref_slice %arg8[%add3A_241, %dma_start3A_247] : memref<80x128xi32, #tpu.memory_space<vmem>> -> memref<1x128xi32, #tpu.memory_space<vmem>>
        %dma_start3A_249 = tpu.memref_squeeze %dma_start3A_248 : memref<1x128xi32, #tpu.memory_space<vmem>> -> memref<128xi32, #tpu.memory_space<vmem>>
        %dma_start3A_250 = arith.constant 0 : i32
        %dma_start3A_251 = arith.constant 0 : i32
        %dma_start3A_252 = tpu.memref_slice %arg11[%dma_start3A_250, %dma_start3A_251] : memref<10240x16xf32, #tpu.memory_space<vmem_shared>> -> memref<10240x16xf32, #tpu.memory_space<vmem_shared>>
        tpu.enqueue_indirect_dma source(%dma_start3A_246 : memref<128x16xf32, #tpu.memory_space<vmem>>) target(%dma_start3A_252 : memref<10240x16xf32, #tpu.memory_space<vmem_shared>>) offsets(%dma_start3A_249 : memref<128xi32, #tpu.memory_space<vmem>>) semaphore(%arg15 : memref<!tpu.dma_semaphore, #tpu.memory_space<semaphore_mem>>) {add = true}
        %mul3A_253 = arith.constant 5 : i32
        %mul3A_254 = arith.muli %scan3A_139, %mul3A_253 : i32
        %add3A_255 = arith.constant 1 : i32
        %add3A_256 = arith.addi %mul3A_254, %add3A_255 : i32
        %dma_start3A_257 = arith.constant 1 : i32
        %dma_start3A_258 = arith.constant 0 : i32
        %dma_start3A_259 = arith.constant 0 : i32
        %dma_start3A_260 = tpu.memref_slice %arg10[%dma_start3A_257, %dma_start3A_258, %dma_start3A_259] : memref<5x128x16xf32, #tpu.memory_space<vmem>> -> memref<1x128x16xf32, #tpu.memory_space<vmem>>
        %dma_start3A_261 = tpu.memref_squeeze %dma_start3A_260 : memref<1x128x16xf32, #tpu.memory_space<vmem>> -> memref<128x16xf32, #tpu.memory_space<vmem>>
        %dma_start3A_262 = arith.constant 0 : i32
        %dma_start3A_263 = tpu.memref_slice %arg8[%add3A_256, %dma_start3A_262] : memref<80x128xi32, #tpu.memory_space<vmem>> -> memref<1x128xi32, #tpu.memory_space<vmem>>
        %dma_start3A_264 = tpu.memref_squeeze %dma_start3A_263 : memref<1x128xi32, #tpu.memory_space<vmem>> -> memref<128xi32, #tpu.memory_space<vmem>>
        %dma_start3A_265 = arith.constant 0 : i32
        %dma_start3A_266 = arith.constant 0 : i32
        %dma_start3A_267 = tpu.memref_slice %arg11[%dma_start3A_265, %dma_start3A_266] : memref<10240x16xf32, #tpu.memory_space<vmem_shared>> -> memref<10240x16xf32, #tpu.memory_space<vmem_shared>>
        tpu.enqueue_indirect_dma source(%dma_start3A_261 : memref<128x16xf32, #tpu.memory_space<vmem>>) target(%dma_start3A_267 : memref<10240x16xf32, #tpu.memory_space<vmem_shared>>) offsets(%dma_start3A_264 : memref<128xi32, #tpu.memory_space<vmem>>) semaphore(%arg15 : memref<!tpu.dma_semaphore, #tpu.memory_space<semaphore_mem>>) {add = true}
        %mul3A_268 = arith.constant 5 : i32
        %mul3A_269 = arith.muli %scan3A_139, %mul3A_268 : i32
        %add3A_270 = arith.constant 2 : i32
        %add3A_271 = arith.addi %mul3A_269, %add3A_270 : i32
        %dma_start3A_272 = arith.constant 2 : i32
        %dma_start3A_273 = arith.constant 0 : i32
        %dma_start3A_274 = arith.constant 0 : i32
        %dma_start3A_275 = tpu.memref_slice %arg10[%dma_start3A_272, %dma_start3A_273, %dma_start3A_274] : memref<5x128x16xf32, #tpu.memory_space<vmem>> -> memref<1x128x16xf32, #tpu.memory_space<vmem>>
        %dma_start3A_276 = tpu.memref_squeeze %dma_start3A_275 : memref<1x128x16xf32, #tpu.memory_space<vmem>> -> memref<128x16xf32, #tpu.memory_space<vmem>>
        %dma_start3A_277 = arith.constant 0 : i32
        %dma_start3A_278 = tpu.memref_slice %arg8[%add3A_271, %dma_start3A_277] : memref<80x128xi32, #tpu.memory_space<vmem>> -> memref<1x128xi32, #tpu.memory_space<vmem>>
        %dma_start3A_279 = tpu.memref_squeeze %dma_start3A_278 : memref<1x128xi32, #tpu.memory_space<vmem>> -> memref<128xi32, #tpu.memory_space<vmem>>
        %dma_start3A_280 = arith.constant 0 : i32
        %dma_start3A_281 = arith.constant 0 : i32
        %dma_start3A_282 = tpu.memref_slice %arg11[%dma_start3A_280, %dma_start3A_281] : memref<10240x16xf32, #tpu.memory_space<vmem_shared>> -> memref<10240x16xf32, #tpu.memory_space<vmem_shared>>
        tpu.enqueue_indirect_dma source(%dma_start3A_276 : memref<128x16xf32, #tpu.memory_space<vmem>>) target(%dma_start3A_282 : memref<10240x16xf32, #tpu.memory_space<vmem_shared>>) offsets(%dma_start3A_279 : memref<128xi32, #tpu.memory_space<vmem>>) semaphore(%arg15 : memref<!tpu.dma_semaphore, #tpu.memory_space<semaphore_mem>>) {add = true}
        %mul3A_283 = arith.constant 5 : i32
        %mul3A_284 = arith.muli %scan3A_139, %mul3A_283 : i32
        %add3A_285 = arith.constant 3 : i32
        %add3A_286 = arith.addi %mul3A_284, %add3A_285 : i32
        %dma_start3A_287 = arith.constant 3 : i32
        %dma_start3A_288 = arith.constant 0 : i32
        %dma_start3A_289 = arith.constant 0 : i32
        %dma_start3A_290 = tpu.memref_slice %arg10[%dma_start3A_287, %dma_start3A_288, %dma_start3A_289] : memref<5x128x16xf32, #tpu.memory_space<vmem>> -> memref<1x128x16xf32, #tpu.memory_space<vmem>>
        %dma_start3A_291 = tpu.memref_squeeze %dma_start3A_290 : memref<1x128x16xf32, #tpu.memory_space<vmem>> -> memref<128x16xf32, #tpu.memory_space<vmem>>
        %dma_start3A_292 = arith.constant 0 : i32
        %dma_start3A_293 = tpu.memref_slice %arg8[%add3A_286, %dma_start3A_292] : memref<80x128xi32, #tpu.memory_space<vmem>> -> memref<1x128xi32, #tpu.memory_space<vmem>>
        %dma_start3A_294 = tpu.memref_squeeze %dma_start3A_293 : memref<1x128xi32, #tpu.memory_space<vmem>> -> memref<128xi32, #tpu.memory_space<vmem>>
        %dma_start3A_295 = arith.constant 0 : i32
        %dma_start3A_296 = arith.constant 0 : i32
        %dma_start3A_297 = tpu.memref_slice %arg11[%dma_start3A_295, %dma_start3A_296] : memref<10240x16xf32, #tpu.memory_space<vmem_shared>> -> memref<10240x16xf32, #tpu.memory_space<vmem_shared>>
        tpu.enqueue_indirect_dma source(%dma_start3A_291 : memref<128x16xf32, #tpu.memory_space<vmem>>) target(%dma_start3A_297 : memref<10240x16xf32, #tpu.memory_space<vmem_shared>>) offsets(%dma_start3A_294 : memref<128xi32, #tpu.memory_space<vmem>>) semaphore(%arg15 : memref<!tpu.dma_semaphore, #tpu.memory_space<semaphore_mem>>) {add = true}
        %mul3A_298 = arith.constant 5 : i32
        %mul3A_299 = arith.muli %scan3A_139, %mul3A_298 : i32
        %add3A_300 = arith.constant 4 : i32
        %add3A_301 = arith.addi %mul3A_299, %add3A_300 : i32
        %dma_start3A_302 = arith.constant 4 : i32
        %dma_start3A_303 = arith.constant 0 : i32
        %dma_start3A_304 = arith.constant 0 : i32
        %dma_start3A_305 = tpu.memref_slice %arg10[%dma_start3A_302, %dma_start3A_303, %dma_start3A_304] : memref<5x128x16xf32, #tpu.memory_space<vmem>> -> memref<1x128x16xf32, #tpu.memory_space<vmem>>
        %dma_start3A_306 = tpu.memref_squeeze %dma_start3A_305 : memref<1x128x16xf32, #tpu.memory_space<vmem>> -> memref<128x16xf32, #tpu.memory_space<vmem>>
        %dma_start3A_307 = arith.constant 0 : i32
        %dma_start3A_308 = tpu.memref_slice %arg8[%add3A_301, %dma_start3A_307] : memref<80x128xi32, #tpu.memory_space<vmem>> -> memref<1x128xi32, #tpu.memory_space<vmem>>
        %dma_start3A_309 = tpu.memref_squeeze %dma_start3A_308 : memref<1x128xi32, #tpu.memory_space<vmem>> -> memref<128xi32, #tpu.memory_space<vmem>>
        %dma_start3A_310 = arith.constant 0 : i32
        %dma_start3A_311 = arith.constant 0 : i32
        %dma_start3A_312 = tpu.memref_slice %arg11[%dma_start3A_310, %dma_start3A_311] : memref<10240x16xf32, #tpu.memory_space<vmem_shared>> -> memref<10240x16xf32, #tpu.memory_space<vmem_shared>>
        tpu.enqueue_indirect_dma source(%dma_start3A_306 : memref<128x16xf32, #tpu.memory_space<vmem>>) target(%dma_start3A_312 : memref<10240x16xf32, #tpu.memory_space<vmem_shared>>) offsets(%dma_start3A_309 : memref<128xi32, #tpu.memory_space<vmem>>) semaphore(%arg15 : memref<!tpu.dma_semaphore, #tpu.memory_space<semaphore_mem>>) {add = true}
        %dma_wait3A_313 = arith.constant 0 : i32
        %dma_wait3A_314 = arith.constant 0 : i32
        %dma_wait3A_315 = arith.constant 0 : i32
        %dma_wait3A_316 = arith.constant 0 : i32
        %dma_wait3A_317 = tpu.memref_slice %arg9[%dma_wait3A_313, %dma_wait3A_315, %dma_wait3A_316] : memref<5x128x16xf32, #tpu.memory_space<vmem>> -> memref<1x128x16xf32, #tpu.memory_space<vmem>>
        %dma_wait3A_318 = tpu.memref_squeeze %dma_wait3A_317 : memref<1x128x16xf32, #tpu.memory_space<vmem>> -> memref<128x16xf32, #tpu.memory_space<vmem>>
        %dma_wait3A_319 = arith.constant 0 : i32
        %dma_wait3A_320 = tpu.memref_slice %arg8[%dma_wait3A_314, %dma_wait3A_319] : memref<80x128xi32, #tpu.memory_space<vmem>> -> memref<1x128xi32, #tpu.memory_space<vmem>>
        %dma_wait3A_321 = tpu.memref_squeeze %dma_wait3A_320 : memref<1x128xi32, #tpu.memory_space<vmem>> -> memref<128xi32, #tpu.memory_space<vmem>>
        %dma_wait3A_322 = arith.constant 0 : i32
        %dma_wait3A_323 = arith.constant 0 : i32
        %dma_wait3A_324 = tpu.memref_slice %arg11[%dma_wait3A_322, %dma_wait3A_323] : memref<10240x16xf32, #tpu.memory_space<vmem_shared>> -> memref<10240x16xf32, #tpu.memory_space<vmem_shared>>
        tpu.wait_indirect_dma semaphore(%arg14 : memref<!tpu.dma_semaphore, #tpu.memory_space<semaphore_mem>>) src(%dma_wait3A_318 : memref<128x16xf32, #tpu.memory_space<vmem>>) dst(%dma_wait3A_324 : memref<10240x16xf32, #tpu.memory_space<vmem_shared>>)
        %dma_wait3A_325 = arith.constant 1 : i32
        %dma_wait3A_326 = arith.constant 0 : i32
        %dma_wait3A_327 = arith.constant 0 : i32
        %dma_wait3A_328 = arith.constant 0 : i32
        %dma_wait3A_329 = tpu.memref_slice %arg9[%dma_wait3A_325, %dma_wait3A_327, %dma_wait3A_328] : memref<5x128x16xf32, #tpu.memory_space<vmem>> -> memref<1x128x16xf32, #tpu.memory_space<vmem>>
        %dma_wait3A_330 = tpu.memref_squeeze %dma_wait3A_329 : memref<1x128x16xf32, #tpu.memory_space<vmem>> -> memref<128x16xf32, #tpu.memory_space<vmem>>
        %dma_wait3A_331 = arith.constant 0 : i32
        %dma_wait3A_332 = tpu.memref_slice %arg8[%dma_wait3A_326, %dma_wait3A_331] : memref<80x128xi32, #tpu.memory_space<vmem>> -> memref<1x128xi32, #tpu.memory_space<vmem>>
        %dma_wait3A_333 = tpu.memref_squeeze %dma_wait3A_332 : memref<1x128xi32, #tpu.memory_space<vmem>> -> memref<128xi32, #tpu.memory_space<vmem>>
        %dma_wait3A_334 = arith.constant 0 : i32
        %dma_wait3A_335 = arith.constant 0 : i32
        %dma_wait3A_336 = tpu.memref_slice %arg11[%dma_wait3A_334, %dma_wait3A_335] : memref<10240x16xf32, #tpu.memory_space<vmem_shared>> -> memref<10240x16xf32, #tpu.memory_space<vmem_shared>>
        tpu.wait_indirect_dma semaphore(%arg14 : memref<!tpu.dma_semaphore, #tpu.memory_space<semaphore_mem>>) src(%dma_wait3A_330 : memref<128x16xf32, #tpu.memory_space<vmem>>) dst(%dma_wait3A_336 : memref<10240x16xf32, #tpu.memory_space<vmem_shared>>)
        %dma_wait3A_337 = arith.constant 2 : i32
        %dma_wait3A_338 = arith.constant 0 : i32
        %dma_wait3A_339 = arith.constant 0 : i32
        %dma_wait3A_340 = arith.constant 0 : i32
        %dma_wait3A_341 = tpu.memref_slice %arg9[%dma_wait3A_337, %dma_wait3A_339, %dma_wait3A_340] : memref<5x128x16xf32, #tpu.memory_space<vmem>> -> memref<1x128x16xf32, #tpu.memory_space<vmem>>
        %dma_wait3A_342 = tpu.memref_squeeze %dma_wait3A_341 : memref<1x128x16xf32, #tpu.memory_space<vmem>> -> memref<128x16xf32, #tpu.memory_space<vmem>>
        %dma_wait3A_343 = arith.constant 0 : i32
        %dma_wait3A_344 = tpu.memref_slice %arg8[%dma_wait3A_338, %dma_wait3A_343] : memref<80x128xi32, #tpu.memory_space<vmem>> -> memref<1x128xi32, #tpu.memory_space<vmem>>
        %dma_wait3A_345 = tpu.memref_squeeze %dma_wait3A_344 : memref<1x128xi32, #tpu.memory_space<vmem>> -> memref<128xi32, #tpu.memory_space<vmem>>
        %dma_wait3A_346 = arith.constant 0 : i32
        %dma_wait3A_347 = arith.constant 0 : i32
        %dma_wait3A_348 = tpu.memref_slice %arg11[%dma_wait3A_346, %dma_wait3A_347] : memref<10240x16xf32, #tpu.memory_space<vmem_shared>> -> memref<10240x16xf32, #tpu.memory_space<vmem_shared>>
        tpu.wait_indirect_dma semaphore(%arg14 : memref<!tpu.dma_semaphore, #tpu.memory_space<semaphore_mem>>) src(%dma_wait3A_342 : memref<128x16xf32, #tpu.memory_space<vmem>>) dst(%dma_wait3A_348 : memref<10240x16xf32, #tpu.memory_space<vmem_shared>>)
        %dma_wait3A_349 = arith.constant 3 : i32
        %dma_wait3A_350 = arith.constant 0 : i32
        %dma_wait3A_351 = arith.constant 0 : i32
        %dma_wait3A_352 = arith.constant 0 : i32
        %dma_wait3A_353 = tpu.memref_slice %arg9[%dma_wait3A_349, %dma_wait3A_351, %dma_wait3A_352] : memref<5x128x16xf32, #tpu.memory_space<vmem>> -> memref<1x128x16xf32, #tpu.memory_space<vmem>>
        %dma_wait3A_354 = tpu.memref_squeeze %dma_wait3A_353 : memref<1x128x16xf32, #tpu.memory_space<vmem>> -> memref<128x16xf32, #tpu.memory_space<vmem>>
        %dma_wait3A_355 = arith.constant 0 : i32
        %dma_wait3A_356 = tpu.memref_slice %arg8[%dma_wait3A_350, %dma_wait3A_355] : memref<80x128xi32, #tpu.memory_space<vmem>> -> memref<1x128xi32, #tpu.memory_space<vmem>>
        %dma_wait3A_357 = tpu.memref_squeeze %dma_wait3A_356 : memref<1x128xi32, #tpu.memory_space<vmem>> -> memref<128xi32, #tpu.memory_space<vmem>>
        %dma_wait3A_358 = arith.constant 0 : i32
        %dma_wait3A_359 = arith.constant 0 : i32
        %dma_wait3A_360 = tpu.memref_slice %arg11[%dma_wait3A_358, %dma_wait3A_359] : memref<10240x16xf32, #tpu.memory_space<vmem_shared>> -> memref<10240x16xf32, #tpu.memory_space<vmem_shared>>
        tpu.wait_indirect_dma semaphore(%arg14 : memref<!tpu.dma_semaphore, #tpu.memory_space<semaphore_mem>>) src(%dma_wait3A_354 : memref<128x16xf32, #tpu.memory_space<vmem>>) dst(%dma_wait3A_360 : memref<10240x16xf32, #tpu.memory_space<vmem_shared>>)
        %dma_wait3A_361 = arith.constant 4 : i32
        %dma_wait3A_362 = arith.constant 0 : i32
        %dma_wait3A_363 = arith.constant 0 : i32
        %dma_wait3A_364 = arith.constant 0 : i32
        %dma_wait3A_365 = tpu.memref_slice %arg9[%dma_wait3A_361, %dma_wait3A_363, %dma_wait3A_364] : memref<5x128x16xf32, #tpu.memory_space<vmem>> -> memref<1x128x16xf32, #tpu.memory_space<vmem>>
        %dma_wait3A_366 = tpu.memref_squeeze %dma_wait3A_365 : memref<1x128x16xf32, #tpu.memory_space<vmem>> -> memref<128x16xf32, #tpu.memory_space<vmem>>
        %dma_wait3A_367 = arith.constant 0 : i32
        %dma_wait3A_368 = tpu.memref_slice %arg8[%dma_wait3A_362, %dma_wait3A_367] : memref<80x128xi32, #tpu.memory_space<vmem>> -> memref<1x128xi32, #tpu.memory_space<vmem>>
        %dma_wait3A_369 = tpu.memref_squeeze %dma_wait3A_368 : memref<1x128xi32, #tpu.memory_space<vmem>> -> memref<128xi32, #tpu.memory_space<vmem>>
        %dma_wait3A_370 = arith.constant 0 : i32
        %dma_wait3A_371 = arith.constant 0 : i32
        %dma_wait3A_372 = tpu.memref_slice %arg11[%dma_wait3A_370, %dma_wait3A_371] : memref<10240x16xf32, #tpu.memory_space<vmem_shared>> -> memref<10240x16xf32, #tpu.memory_space<vmem_shared>>
        tpu.wait_indirect_dma semaphore(%arg14 : memref<!tpu.dma_semaphore, #tpu.memory_space<semaphore_mem>>) src(%dma_wait3A_366 : memref<128x16xf32, #tpu.memory_space<vmem>>) dst(%dma_wait3A_372 : memref<10240x16xf32, #tpu.memory_space<vmem_shared>>)
        %not3A = arith.constant true
        %not3A_373 = arith.xori %ge3A_177, %not3A : i1
        %convert_element_type3A_374 = arith.extui %not3A_373 : i1 to i32
        %cond3A_375 = arith.constant 0 : i32
        %cond3A_376 = arith.cmpi ne, %convert_element_type3A_374, %cond3A_375 : i32
        scf.if %cond3A_376 {
          %add3A_377 = arith.constant 1 : i32
          %add3A_378 = arith.addi %scan3A_139, %add3A_377 : i32
          %mul3A_379 = arith.constant 5 : i32
          %mul3A_380 = arith.muli %add3A_378, %mul3A_379 : i32
          %add3A_381 = arith.constant 0 : i32
          %add3A_382 = arith.addi %mul3A_380, %add3A_381 : i32
          %dma_start3A_383 = arith.constant 0 : i32
          %dma_start3A_384 = arith.constant 0 : i32
          %dma_start3A_385 = arith.constant 0 : i32
          %dma_start3A_386 = tpu.memref_slice %arg9[%dma_start3A_383, %dma_start3A_384, %dma_start3A_385] : memref<5x128x16xf32, #tpu.memory_space<vmem>> -> memref<1x128x16xf32, #tpu.memory_space<vmem>>
          %dma_start3A_387 = tpu.memref_squeeze %dma_start3A_386 : memref<1x128x16xf32, #tpu.memory_space<vmem>> -> memref<128x16xf32, #tpu.memory_space<vmem>>
          %dma_start3A_388 = arith.constant 0 : i32
          %dma_start3A_389 = tpu.memref_slice %arg7[%add3A_382, %dma_start3A_388] : memref<80x128xi32, #tpu.memory_space<vmem>> -> memref<1x128xi32, #tpu.memory_space<vmem>>
          %dma_start3A_390 = tpu.memref_squeeze %dma_start3A_389 : memref<1x128xi32, #tpu.memory_space<vmem>> -> memref<128xi32, #tpu.memory_space<vmem>>
          %dma_start3A_391 = arith.constant 0 : i32
          %dma_start3A_392 = arith.constant 0 : i32
          %dma_start3A_393 = tpu.memref_slice %arg2[%dma_start3A_391, %dma_start3A_392] : memref<10240x16xf32, #tpu.memory_space<hbm>> -> memref<10240x16xf32, #tpu.memory_space<hbm>>
          tpu.enqueue_indirect_dma source(%dma_start3A_393 : memref<10240x16xf32, #tpu.memory_space<hbm>>) target(%dma_start3A_387 : memref<128x16xf32, #tpu.memory_space<vmem>>) offsets(%dma_start3A_390 : memref<128xi32, #tpu.memory_space<vmem>>) semaphore(%arg12 : memref<!tpu.dma_semaphore, #tpu.memory_space<semaphore_mem>>)
          %add3A_394 = arith.constant 1 : i32
          %add3A_395 = arith.addi %scan3A_139, %add3A_394 : i32
          %mul3A_396 = arith.constant 5 : i32
          %mul3A_397 = arith.muli %add3A_395, %mul3A_396 : i32
          %add3A_398 = arith.constant 1 : i32
          %add3A_399 = arith.addi %mul3A_397, %add3A_398 : i32
          %dma_start3A_400 = arith.constant 1 : i32
          %dma_start3A_401 = arith.constant 0 : i32
          %dma_start3A_402 = arith.constant 0 : i32
          %dma_start3A_403 = tpu.memref_slice %arg9[%dma_start3A_400, %dma_start3A_401, %dma_start3A_402] : memref<5x128x16xf32, #tpu.memory_space<vmem>> -> memref<1x128x16xf32, #tpu.memory_space<vmem>>
          %dma_start3A_404 = tpu.memref_squeeze %dma_start3A_403 : memref<1x128x16xf32, #tpu.memory_space<vmem>> -> memref<128x16xf32, #tpu.memory_space<vmem>>
          %dma_start3A_405 = arith.constant 0 : i32
          %dma_start3A_406 = tpu.memref_slice %arg7[%add3A_399, %dma_start3A_405] : memref<80x128xi32, #tpu.memory_space<vmem>> -> memref<1x128xi32, #tpu.memory_space<vmem>>
          %dma_start3A_407 = tpu.memref_squeeze %dma_start3A_406 : memref<1x128xi32, #tpu.memory_space<vmem>> -> memref<128xi32, #tpu.memory_space<vmem>>
          %dma_start3A_408 = arith.constant 0 : i32
          %dma_start3A_409 = arith.constant 0 : i32
          %dma_start3A_410 = tpu.memref_slice %arg2[%dma_start3A_408, %dma_start3A_409] : memref<10240x16xf32, #tpu.memory_space<hbm>> -> memref<10240x16xf32, #tpu.memory_space<hbm>>
          tpu.enqueue_indirect_dma source(%dma_start3A_410 : memref<10240x16xf32, #tpu.memory_space<hbm>>) target(%dma_start3A_404 : memref<128x16xf32, #tpu.memory_space<vmem>>) offsets(%dma_start3A_407 : memref<128xi32, #tpu.memory_space<vmem>>) semaphore(%arg12 : memref<!tpu.dma_semaphore, #tpu.memory_space<semaphore_mem>>)
          %add3A_411 = arith.constant 1 : i32
          %add3A_412 = arith.addi %scan3A_139, %add3A_411 : i32
          %mul3A_413 = arith.constant 5 : i32
          %mul3A_414 = arith.muli %add3A_412, %mul3A_413 : i32
          %add3A_415 = arith.constant 2 : i32
          %add3A_416 = arith.addi %mul3A_414, %add3A_415 : i32
          %dma_start3A_417 = arith.constant 2 : i32
          %dma_start3A_418 = arith.constant 0 : i32
          %dma_start3A_419 = arith.constant 0 : i32
          %dma_start3A_420 = tpu.memref_slice %arg9[%dma_start3A_417, %dma_start3A_418, %dma_start3A_419] : memref<5x128x16xf32, #tpu.memory_space<vmem>> -> memref<1x128x16xf32, #tpu.memory_space<vmem>>
          %dma_start3A_421 = tpu.memref_squeeze %dma_start3A_420 : memref<1x128x16xf32, #tpu.memory_space<vmem>> -> memref<128x16xf32, #tpu.memory_space<vmem>>
          %dma_start3A_422 = arith.constant 0 : i32
          %dma_start3A_423 = tpu.memref_slice %arg7[%add3A_416, %dma_start3A_422] : memref<80x128xi32, #tpu.memory_space<vmem>> -> memref<1x128xi32, #tpu.memory_space<vmem>>
          %dma_start3A_424 = tpu.memref_squeeze %dma_start3A_423 : memref<1x128xi32, #tpu.memory_space<vmem>> -> memref<128xi32, #tpu.memory_space<vmem>>
          %dma_start3A_425 = arith.constant 0 : i32
          %dma_start3A_426 = arith.constant 0 : i32
          %dma_start3A_427 = tpu.memref_slice %arg2[%dma_start3A_425, %dma_start3A_426] : memref<10240x16xf32, #tpu.memory_space<hbm>> -> memref<10240x16xf32, #tpu.memory_space<hbm>>
          tpu.enqueue_indirect_dma source(%dma_start3A_427 : memref<10240x16xf32, #tpu.memory_space<hbm>>) target(%dma_start3A_421 : memref<128x16xf32, #tpu.memory_space<vmem>>) offsets(%dma_start3A_424 : memref<128xi32, #tpu.memory_space<vmem>>) semaphore(%arg12 : memref<!tpu.dma_semaphore, #tpu.memory_space<semaphore_mem>>)
          %add3A_428 = arith.constant 1 : i32
          %add3A_429 = arith.addi %scan3A_139, %add3A_428 : i32
          %mul3A_430 = arith.constant 5 : i32
          %mul3A_431 = arith.muli %add3A_429, %mul3A_430 : i32
          %add3A_432 = arith.constant 3 : i32
          %add3A_433 = arith.addi %mul3A_431, %add3A_432 : i32
          %dma_start3A_434 = arith.constant 3 : i32
          %dma_start3A_435 = arith.constant 0 : i32
          %dma_start3A_436 = arith.constant 0 : i32
          %dma_start3A_437 = tpu.memref_slice %arg9[%dma_start3A_434, %dma_start3A_435, %dma_start3A_436] : memref<5x128x16xf32, #tpu.memory_space<vmem>> -> memref<1x128x16xf32, #tpu.memory_space<vmem>>
          %dma_start3A_438 = tpu.memref_squeeze %dma_start3A_437 : memref<1x128x16xf32, #tpu.memory_space<vmem>> -> memref<128x16xf32, #tpu.memory_space<vmem>>
          %dma_start3A_439 = arith.constant 0 : i32
          %dma_start3A_440 = tpu.memref_slice %arg7[%add3A_433, %dma_start3A_439] : memref<80x128xi32, #tpu.memory_space<vmem>> -> memref<1x128xi32, #tpu.memory_space<vmem>>
          %dma_start3A_441 = tpu.memref_squeeze %dma_start3A_440 : memref<1x128xi32, #tpu.memory_space<vmem>> -> memref<128xi32, #tpu.memory_space<vmem>>
          %dma_start3A_442 = arith.constant 0 : i32
          %dma_start3A_443 = arith.constant 0 : i32
          %dma_start3A_444 = tpu.memref_slice %arg2[%dma_start3A_442, %dma_start3A_443] : memref<10240x16xf32, #tpu.memory_space<hbm>> -> memref<10240x16xf32, #tpu.memory_space<hbm>>
          tpu.enqueue_indirect_dma source(%dma_start3A_444 : memref<10240x16xf32, #tpu.memory_space<hbm>>) target(%dma_start3A_438 : memref<128x16xf32, #tpu.memory_space<vmem>>) offsets(%dma_start3A_441 : memref<128xi32, #tpu.memory_space<vmem>>) semaphore(%arg12 : memref<!tpu.dma_semaphore, #tpu.memory_space<semaphore_mem>>)
          %add3A_445 = arith.constant 1 : i32
          %add3A_446 = arith.addi %scan3A_139, %add3A_445 : i32
          %mul3A_447 = arith.constant 5 : i32
          %mul3A_448 = arith.muli %add3A_446, %mul3A_447 : i32
          %add3A_449 = arith.constant 4 : i32
          %add3A_450 = arith.addi %mul3A_448, %add3A_449 : i32
          %dma_start3A_451 = arith.constant 4 : i32
          %dma_start3A_452 = arith.constant 0 : i32
          %dma_start3A_453 = arith.constant 0 : i32
          %dma_start3A_454 = tpu.memref_slice %arg9[%dma_start3A_451, %dma_start3A_452, %dma_start3A_453] : memref<5x128x16xf32, #tpu.memory_space<vmem>> -> memref<1x128x16xf32, #tpu.memory_space<vmem>>
          %dma_start3A_455 = tpu.memref_squeeze %dma_start3A_454 : memref<1x128x16xf32, #tpu.memory_space<vmem>> -> memref<128x16xf32, #tpu.memory_space<vmem>>
          %dma_start3A_456 = arith.constant 0 : i32
          %dma_start3A_457 = tpu.memref_slice %arg7[%add3A_450, %dma_start3A_456] : memref<80x128xi32, #tpu.memory_space<vmem>> -> memref<1x128xi32, #tpu.memory_space<vmem>>
          %dma_start3A_458 = tpu.memref_squeeze %dma_start3A_457 : memref<1x128xi32, #tpu.memory_space<vmem>> -> memref<128xi32, #tpu.memory_space<vmem>>
          %dma_start3A_459 = arith.constant 0 : i32
          %dma_start3A_460 = arith.constant 0 : i32
          %dma_start3A_461 = tpu.memref_slice %arg2[%dma_start3A_459, %dma_start3A_460] : memref<10240x16xf32, #tpu.memory_space<hbm>> -> memref<10240x16xf32, #tpu.memory_space<hbm>>
          tpu.enqueue_indirect_dma source(%dma_start3A_461 : memref<10240x16xf32, #tpu.memory_space<hbm>>) target(%dma_start3A_455 : memref<128x16xf32, #tpu.memory_space<vmem>>) offsets(%dma_start3A_458 : memref<128xi32, #tpu.memory_space<vmem>>) semaphore(%arg12 : memref<!tpu.dma_semaphore, #tpu.memory_space<semaphore_mem>>)
        } else {
        }
      } else {
      }
    }
    %scan3A_74 = arith.constant 16 : i32
    %dma_wait3A = arith.constant 0 : i32
    %dma_wait3A_75 = arith.constant 0 : i32
    %dma_wait3A_76 = arith.constant 0 : i32
    %dma_wait3A_77 = arith.constant 0 : i32
    %dma_wait3A_78 = tpu.memref_slice %arg10[%dma_wait3A, %dma_wait3A_76, %dma_wait3A_77] : memref<5x128x16xf32, #tpu.memory_space<vmem>> -> memref<1x128x16xf32, #tpu.memory_space<vmem>>
    %dma_wait3A_79 = tpu.memref_squeeze %dma_wait3A_78 : memref<1x128x16xf32, #tpu.memory_space<vmem>> -> memref<128x16xf32, #tpu.memory_space<vmem>>
    %dma_wait3A_80 = arith.constant 0 : i32
    %dma_wait3A_81 = tpu.memref_slice %arg8[%dma_wait3A_75, %dma_wait3A_80] : memref<80x128xi32, #tpu.memory_space<vmem>> -> memref<1x128xi32, #tpu.memory_space<vmem>>
    %dma_wait3A_82 = tpu.memref_squeeze %dma_wait3A_81 : memref<1x128xi32, #tpu.memory_space<vmem>> -> memref<128xi32, #tpu.memory_space<vmem>>
    %dma_wait3A_83 = arith.constant 0 : i32
    %dma_wait3A_84 = arith.constant 0 : i32
    %dma_wait3A_85 = tpu.memref_slice %arg11[%dma_wait3A_83, %dma_wait3A_84] : memref<10240x16xf32, #tpu.memory_space<vmem_shared>> -> memref<10240x16xf32, #tpu.memory_space<vmem_shared>>
    tpu.wait_indirect_dma semaphore(%arg15 : memref<!tpu.dma_semaphore, #tpu.memory_space<semaphore_mem>>) src(%dma_wait3A_79 : memref<128x16xf32, #tpu.memory_space<vmem>>) dst(%dma_wait3A_85 : memref<10240x16xf32, #tpu.memory_space<vmem_shared>>)
    %dma_wait3A_86 = arith.constant 1 : i32
    %dma_wait3A_87 = arith.constant 0 : i32
    %dma_wait3A_88 = arith.constant 0 : i32
    %dma_wait3A_89 = arith.constant 0 : i32
    %dma_wait3A_90 = tpu.memref_slice %arg10[%dma_wait3A_86, %dma_wait3A_88, %dma_wait3A_89] : memref<5x128x16xf32, #tpu.memory_space<vmem>> -> memref<1x128x16xf32, #tpu.memory_space<vmem>>
    %dma_wait3A_91 = tpu.memref_squeeze %dma_wait3A_90 : memref<1x128x16xf32, #tpu.memory_space<vmem>> -> memref<128x16xf32, #tpu.memory_space<vmem>>
    %dma_wait3A_92 = arith.constant 0 : i32
    %dma_wait3A_93 = tpu.memref_slice %arg8[%dma_wait3A_87, %dma_wait3A_92] : memref<80x128xi32, #tpu.memory_space<vmem>> -> memref<1x128xi32, #tpu.memory_space<vmem>>
    %dma_wait3A_94 = tpu.memref_squeeze %dma_wait3A_93 : memref<1x128xi32, #tpu.memory_space<vmem>> -> memref<128xi32, #tpu.memory_space<vmem>>
    %dma_wait3A_95 = arith.constant 0 : i32
    %dma_wait3A_96 = arith.constant 0 : i32
    %dma_wait3A_97 = tpu.memref_slice %arg11[%dma_wait3A_95, %dma_wait3A_96] : memref<10240x16xf32, #tpu.memory_space<vmem_shared>> -> memref<10240x16xf32, #tpu.memory_space<vmem_shared>>
    tpu.wait_indirect_dma semaphore(%arg15 : memref<!tpu.dma_semaphore, #tpu.memory_space<semaphore_mem>>) src(%dma_wait3A_91 : memref<128x16xf32, #tpu.memory_space<vmem>>) dst(%dma_wait3A_97 : memref<10240x16xf32, #tpu.memory_space<vmem_shared>>)
    %dma_wait3A_98 = arith.constant 2 : i32
    %dma_wait3A_99 = arith.constant 0 : i32
    %dma_wait3A_100 = arith.constant 0 : i32
    %dma_wait3A_101 = arith.constant 0 : i32
    %dma_wait3A_102 = tpu.memref_slice %arg10[%dma_wait3A_98, %dma_wait3A_100, %dma_wait3A_101] : memref<5x128x16xf32, #tpu.memory_space<vmem>> -> memref<1x128x16xf32, #tpu.memory_space<vmem>>
    %dma_wait3A_103 = tpu.memref_squeeze %dma_wait3A_102 : memref<1x128x16xf32, #tpu.memory_space<vmem>> -> memref<128x16xf32, #tpu.memory_space<vmem>>
    %dma_wait3A_104 = arith.constant 0 : i32
    %dma_wait3A_105 = tpu.memref_slice %arg8[%dma_wait3A_99, %dma_wait3A_104] : memref<80x128xi32, #tpu.memory_space<vmem>> -> memref<1x128xi32, #tpu.memory_space<vmem>>
    %dma_wait3A_106 = tpu.memref_squeeze %dma_wait3A_105 : memref<1x128xi32, #tpu.memory_space<vmem>> -> memref<128xi32, #tpu.memory_space<vmem>>
    %dma_wait3A_107 = arith.constant 0 : i32
    %dma_wait3A_108 = arith.constant 0 : i32
    %dma_wait3A_109 = tpu.memref_slice %arg11[%dma_wait3A_107, %dma_wait3A_108] : memref<10240x16xf32, #tpu.memory_space<vmem_shared>> -> memref<10240x16xf32, #tpu.memory_space<vmem_shared>>
    tpu.wait_indirect_dma semaphore(%arg15 : memref<!tpu.dma_semaphore, #tpu.memory_space<semaphore_mem>>) src(%dma_wait3A_103 : memref<128x16xf32, #tpu.memory_space<vmem>>) dst(%dma_wait3A_109 : memref<10240x16xf32, #tpu.memory_space<vmem_shared>>)
    %dma_wait3A_110 = arith.constant 3 : i32
    %dma_wait3A_111 = arith.constant 0 : i32
    %dma_wait3A_112 = arith.constant 0 : i32
    %dma_wait3A_113 = arith.constant 0 : i32
    %dma_wait3A_114 = tpu.memref_slice %arg10[%dma_wait3A_110, %dma_wait3A_112, %dma_wait3A_113] : memref<5x128x16xf32, #tpu.memory_space<vmem>> -> memref<1x128x16xf32, #tpu.memory_space<vmem>>
    %dma_wait3A_115 = tpu.memref_squeeze %dma_wait3A_114 : memref<1x128x16xf32, #tpu.memory_space<vmem>> -> memref<128x16xf32, #tpu.memory_space<vmem>>
    %dma_wait3A_116 = arith.constant 0 : i32
    %dma_wait3A_117 = tpu.memref_slice %arg8[%dma_wait3A_111, %dma_wait3A_116] : memref<80x128xi32, #tpu.memory_space<vmem>> -> memref<1x128xi32, #tpu.memory_space<vmem>>
    %dma_wait3A_118 = tpu.memref_squeeze %dma_wait3A_117 : memref<1x128xi32, #tpu.memory_space<vmem>> -> memref<128xi32, #tpu.memory_space<vmem>>
    %dma_wait3A_119 = arith.constant 0 : i32
    %dma_wait3A_120 = arith.constant 0 : i32
    %dma_wait3A_121 = tpu.memref_slice %arg11[%dma_wait3A_119, %dma_wait3A_120] : memref<10240x16xf32, #tpu.memory_space<vmem_shared>> -> memref<10240x16xf32, #tpu.memory_space<vmem_shared>>
    tpu.wait_indirect_dma semaphore(%arg15 : memref<!tpu.dma_semaphore, #tpu.memory_space<semaphore_mem>>) src(%dma_wait3A_115 : memref<128x16xf32, #tpu.memory_space<vmem>>) dst(%dma_wait3A_121 : memref<10240x16xf32, #tpu.memory_space<vmem_shared>>)
    %dma_wait3A_122 = arith.constant 4 : i32
    %dma_wait3A_123 = arith.constant 0 : i32
    %dma_wait3A_124 = arith.constant 0 : i32
    %dma_wait3A_125 = arith.constant 0 : i32
    %dma_wait3A_126 = tpu.memref_slice %arg10[%dma_wait3A_122, %dma_wait3A_124, %dma_wait3A_125] : memref<5x128x16xf32, #tpu.memory_space<vmem>> -> memref<1x128x16xf32, #tpu.memory_space<vmem>>
    %dma_wait3A_127 = tpu.memref_squeeze %dma_wait3A_126 : memref<1x128x16xf32, #tpu.memory_space<vmem>> -> memref<128x16xf32, #tpu.memory_space<vmem>>
    %dma_wait3A_128 = arith.constant 0 : i32
    %dma_wait3A_129 = tpu.memref_slice %arg8[%dma_wait3A_123, %dma_wait3A_128] : memref<80x128xi32, #tpu.memory_space<vmem>> -> memref<1x128xi32, #tpu.memory_space<vmem>>
    %dma_wait3A_130 = tpu.memref_squeeze %dma_wait3A_129 : memref<1x128xi32, #tpu.memory_space<vmem>> -> memref<128xi32, #tpu.memory_space<vmem>>
    %dma_wait3A_131 = arith.constant 0 : i32
    %dma_wait3A_132 = arith.constant 0 : i32
    %dma_wait3A_133 = tpu.memref_slice %arg11[%dma_wait3A_131, %dma_wait3A_132] : memref<10240x16xf32, #tpu.memory_space<vmem_shared>> -> memref<10240x16xf32, #tpu.memory_space<vmem_shared>>
    tpu.wait_indirect_dma semaphore(%arg15 : memref<!tpu.dma_semaphore, #tpu.memory_space<semaphore_mem>>) src(%dma_wait3A_127 : memref<128x16xf32, #tpu.memory_space<vmem>>) dst(%dma_wait3A_133 : memref<10240x16xf32, #tpu.memory_space<vmem_shared>>)
    %barrier3A_134 = arith.constant 0 : index
    tpu.barrier barrier_id(%barrier3A_134)
    %mul3A_135 = arith.constant 640 : i32
    %mul3A_136 = arith.muli %arg1, %mul3A_135 : i32
    %mul3A_137 = arith.constant 640 : i32
    %mul3A_138 = arith.muli %arg1, %mul3A_137 : i32
    "tpu.region"() ({
      %run_scoped3A = tpu.sem_alloc : memref<!tpu.dma_semaphore, #tpu.memory_space<semaphore_mem>>
      %dma_start3A_139 = arith.constant 0 : i32
      %dma_start3A_140 = tpu.memref_slice %arg6[%arg0, %mul3A_138, %dma_start3A_139] : memref<2x10240x16xf32, #tpu.memory_space<hbm>> -> memref<1x640x16xf32, #tpu.memory_space<hbm>>
      %dma_start3A_141 = tpu.memref_squeeze %dma_start3A_140 : memref<1x640x16xf32, #tpu.memory_space<hbm>> -> memref<640x16xf32, #tpu.memory_space<hbm>>
      %dma_start3A_142 = arith.constant 0 : i32
      %dma_start3A_143 = tpu.memref_slice %arg11[%mul3A_136, %dma_start3A_142] : memref<10240x16xf32, #tpu.memory_space<vmem_shared>> -> memref<640x16xf32, #tpu.memory_space<vmem_shared>>
      tpu.enqueue_dma source(%dma_start3A_143 : memref<640x16xf32, #tpu.memory_space<vmem_shared>>) target(%dma_start3A_141 : memref<640x16xf32, #tpu.memory_space<hbm>>) target_semaphore(%run_scoped3A : memref<!tpu.dma_semaphore, #tpu.memory_space<semaphore_mem>>)
      %dma_wait3A_144 = arith.constant 0 : i32
      %dma_wait3A_145 = tpu.memref_slice %arg6[%arg0, %mul3A_138, %dma_wait3A_144] : memref<2x10240x16xf32, #tpu.memory_space<hbm>> -> memref<1x640x16xf32, #tpu.memory_space<hbm>>
      %dma_wait3A_146 = tpu.memref_squeeze %dma_wait3A_145 : memref<1x640x16xf32, #tpu.memory_space<hbm>> -> memref<640x16xf32, #tpu.memory_space<hbm>>
      %dma_wait3A_147 = arith.constant 0 : i32
      %dma_wait3A_148 = tpu.memref_slice %arg11[%mul3A_136, %dma_wait3A_147] : memref<10240x16xf32, #tpu.memory_space<vmem_shared>> -> memref<640x16xf32, #tpu.memory_space<vmem_shared>>
      tpu.wait_dma2 semaphore(%run_scoped3A : memref<!tpu.dma_semaphore, #tpu.memory_space<semaphore_mem>>) src(%dma_wait3A_148 : memref<640x16xf32, #tpu.memory_space<vmem_shared>>) dst(%dma_wait3A_146 : memref<640x16xf32, #tpu.memory_space<hbm>>)
      tpu.yield
    }) : () -> ()
    return
  }
}

module attributes {stable_mosaic.version = 14 : i64} {
  func.func @_k1a_body(%arg0: memref<1250x8x128xf32, #tpu.memory_space<vmem>>, %arg1: memref<8x128x128xf32, #tpu.memory_space<vmem>>, %arg2: memref<1250x128xf32, #tpu.memory_space<vmem>>) attributes {dimension_semantics = [], scalar_prefetch = 0 : i64, scratch_operands = 0 : i64, tpu.core_type = #tpu.core_type<tc>} {
    %get3A = arith.constant 0 : index
    %get3A_0 = arith.constant 0 : index
    %get3A_1 = arith.constant 0 : index
    %get3A_2 = vector.load %arg0[%get3A, %get3A_0, %get3A_1] : memref<1250x8x128xf32, #tpu.memory_space<vmem>>, vector<1250x1x128xf32>
    %get3A_3 = vector.shape_cast %get3A_2 : vector<1250x1x128xf32> to vector<1250x128xf32>
    %get3A_4 = arith.constant 0 : index
    %get3A_5 = arith.constant 0 : index
    %get3A_6 = arith.constant 0 : index
    %get3A_7 = vector.load %arg1[%get3A_4, %get3A_5, %get3A_6] : memref<8x128x128xf32, #tpu.memory_space<vmem>>, vector<1x128x128xf32>
    %get3A_8 = vector.shape_cast %get3A_7 : vector<1x128x128xf32> to vector<128x128xf32>
    %dot_general3A = arith.constant dense<0.000000e+00> : vector<1250x128xf32>
    %dot_general3A_9 = tpu.matmul %get3A_3, %get3A_8, %dot_general3A {dimension_numbers = #tpu.dot_dimension_numbers<[1], [0], [0], [1], [0, 0, 1, 1], [], []>, transpose_lhs_hint = false} : vector<1250x128xf32>, vector<128x128xf32>, vector<1250x128xf32> -> vector<1250x128xf32>
    %get3A_10 = arith.constant 0 : index
    %get3A_11 = arith.constant 1 : index
    %get3A_12 = arith.constant 0 : index
    %get3A_13 = vector.load %arg0[%get3A_10, %get3A_11, %get3A_12] : memref<1250x8x128xf32, #tpu.memory_space<vmem>>, vector<1250x1x128xf32>
    %get3A_14 = vector.shape_cast %get3A_13 : vector<1250x1x128xf32> to vector<1250x128xf32>
    %get3A_15 = arith.constant 1 : index
    %get3A_16 = arith.constant 0 : index
    %get3A_17 = arith.constant 0 : index
    %get3A_18 = vector.load %arg1[%get3A_15, %get3A_16, %get3A_17] : memref<8x128x128xf32, #tpu.memory_space<vmem>>, vector<1x128x128xf32>
    %get3A_19 = vector.shape_cast %get3A_18 : vector<1x128x128xf32> to vector<128x128xf32>
    %dot_general3A_20 = arith.constant dense<0.000000e+00> : vector<1250x128xf32>
    %dot_general3A_21 = tpu.matmul %get3A_14, %get3A_19, %dot_general3A_20 {dimension_numbers = #tpu.dot_dimension_numbers<[1], [0], [0], [1], [0, 0, 1, 1], [], []>, transpose_lhs_hint = false} : vector<1250x128xf32>, vector<128x128xf32>, vector<1250x128xf32> -> vector<1250x128xf32>
    %add3A = arith.addf %dot_general3A_9, %dot_general3A_21 : vector<1250x128xf32>
    %get3A_22 = arith.constant 0 : index
    %get3A_23 = arith.constant 2 : index
    %get3A_24 = arith.constant 0 : index
    %get3A_25 = vector.load %arg0[%get3A_22, %get3A_23, %get3A_24] : memref<1250x8x128xf32, #tpu.memory_space<vmem>>, vector<1250x1x128xf32>
    %get3A_26 = vector.shape_cast %get3A_25 : vector<1250x1x128xf32> to vector<1250x128xf32>
    %get3A_27 = arith.constant 2 : index
    %get3A_28 = arith.constant 0 : index
    %get3A_29 = arith.constant 0 : index
    %get3A_30 = vector.load %arg1[%get3A_27, %get3A_28, %get3A_29] : memref<8x128x128xf32, #tpu.memory_space<vmem>>, vector<1x128x128xf32>
    %get3A_31 = vector.shape_cast %get3A_30 : vector<1x128x128xf32> to vector<128x128xf32>
    %dot_general3A_32 = arith.constant dense<0.000000e+00> : vector<1250x128xf32>
    %dot_general3A_33 = tpu.matmul %get3A_26, %get3A_31, %dot_general3A_32 {dimension_numbers = #tpu.dot_dimension_numbers<[1], [0], [0], [1], [0, 0, 1, 1], [], []>, transpose_lhs_hint = false} : vector<1250x128xf32>, vector<128x128xf32>, vector<1250x128xf32> -> vector<1250x128xf32>
    %add3A_34 = arith.addf %add3A, %dot_general3A_33 : vector<1250x128xf32>
    %get3A_35 = arith.constant 0 : index
    %get3A_36 = arith.constant 3 : index
    %get3A_37 = arith.constant 0 : index
    %get3A_38 = vector.load %arg0[%get3A_35, %get3A_36, %get3A_37] : memref<1250x8x128xf32, #tpu.memory_space<vmem>>, vector<1250x1x128xf32>
    %get3A_39 = vector.shape_cast %get3A_38 : vector<1250x1x128xf32> to vector<1250x128xf32>
    %get3A_40 = arith.constant 3 : index
    %get3A_41 = arith.constant 0 : index
    %get3A_42 = arith.constant 0 : index
    %get3A_43 = vector.load %arg1[%get3A_40, %get3A_41, %get3A_42] : memref<8x128x128xf32, #tpu.memory_space<vmem>>, vector<1x128x128xf32>
    %get3A_44 = vector.shape_cast %get3A_43 : vector<1x128x128xf32> to vector<128x128xf32>
    %dot_general3A_45 = arith.constant dense<0.000000e+00> : vector<1250x128xf32>
    %dot_general3A_46 = tpu.matmul %get3A_39, %get3A_44, %dot_general3A_45 {dimension_numbers = #tpu.dot_dimension_numbers<[1], [0], [0], [1], [0, 0, 1, 1], [], []>, transpose_lhs_hint = false} : vector<1250x128xf32>, vector<128x128xf32>, vector<1250x128xf32> -> vector<1250x128xf32>
    %add3A_47 = arith.addf %add3A_34, %dot_general3A_46 : vector<1250x128xf32>
    %get3A_48 = arith.constant 0 : index
    %get3A_49 = arith.constant 4 : index
    %get3A_50 = arith.constant 0 : index
    %get3A_51 = vector.load %arg0[%get3A_48, %get3A_49, %get3A_50] : memref<1250x8x128xf32, #tpu.memory_space<vmem>>, vector<1250x1x128xf32>
    %get3A_52 = vector.shape_cast %get3A_51 : vector<1250x1x128xf32> to vector<1250x128xf32>
    %get3A_53 = arith.constant 4 : index
    %get3A_54 = arith.constant 0 : index
    %get3A_55 = arith.constant 0 : index
    %get3A_56 = vector.load %arg1[%get3A_53, %get3A_54, %get3A_55] : memref<8x128x128xf32, #tpu.memory_space<vmem>>, vector<1x128x128xf32>
    %get3A_57 = vector.shape_cast %get3A_56 : vector<1x128x128xf32> to vector<128x128xf32>
    %dot_general3A_58 = arith.constant dense<0.000000e+00> : vector<1250x128xf32>
    %dot_general3A_59 = tpu.matmul %get3A_52, %get3A_57, %dot_general3A_58 {dimension_numbers = #tpu.dot_dimension_numbers<[1], [0], [0], [1], [0, 0, 1, 1], [], []>, transpose_lhs_hint = false} : vector<1250x128xf32>, vector<128x128xf32>, vector<1250x128xf32> -> vector<1250x128xf32>
    %add3A_60 = arith.addf %add3A_47, %dot_general3A_59 : vector<1250x128xf32>
    %get3A_61 = arith.constant 0 : index
    %get3A_62 = arith.constant 5 : index
    %get3A_63 = arith.constant 0 : index
    %get3A_64 = vector.load %arg0[%get3A_61, %get3A_62, %get3A_63] : memref<1250x8x128xf32, #tpu.memory_space<vmem>>, vector<1250x1x128xf32>
    %get3A_65 = vector.shape_cast %get3A_64 : vector<1250x1x128xf32> to vector<1250x128xf32>
    %get3A_66 = arith.constant 5 : index
    %get3A_67 = arith.constant 0 : index
    %get3A_68 = arith.constant 0 : index
    %get3A_69 = vector.load %arg1[%get3A_66, %get3A_67, %get3A_68] : memref<8x128x128xf32, #tpu.memory_space<vmem>>, vector<1x128x128xf32>
    %get3A_70 = vector.shape_cast %get3A_69 : vector<1x128x128xf32> to vector<128x128xf32>
    %dot_general3A_71 = arith.constant dense<0.000000e+00> : vector<1250x128xf32>
    %dot_general3A_72 = tpu.matmul %get3A_65, %get3A_70, %dot_general3A_71 {dimension_numbers = #tpu.dot_dimension_numbers<[1], [0], [0], [1], [0, 0, 1, 1], [], []>, transpose_lhs_hint = false} : vector<1250x128xf32>, vector<128x128xf32>, vector<1250x128xf32> -> vector<1250x128xf32>
    %add3A_73 = arith.addf %add3A_60, %dot_general3A_72 : vector<1250x128xf32>
    %get3A_74 = arith.constant 0 : index
    %get3A_75 = arith.constant 6 : index
    %get3A_76 = arith.constant 0 : index
    %get3A_77 = vector.load %arg0[%get3A_74, %get3A_75, %get3A_76] : memref<1250x8x128xf32, #tpu.memory_space<vmem>>, vector<1250x1x128xf32>
    %get3A_78 = vector.shape_cast %get3A_77 : vector<1250x1x128xf32> to vector<1250x128xf32>
    %get3A_79 = arith.constant 6 : index
    %get3A_80 = arith.constant 0 : index
    %get3A_81 = arith.constant 0 : index
    %get3A_82 = vector.load %arg1[%get3A_79, %get3A_80, %get3A_81] : memref<8x128x128xf32, #tpu.memory_space<vmem>>, vector<1x128x128xf32>
    %get3A_83 = vector.shape_cast %get3A_82 : vector<1x128x128xf32> to vector<128x128xf32>
    %dot_general3A_84 = arith.constant dense<0.000000e+00> : vector<1250x128xf32>
    %dot_general3A_85 = tpu.matmul %get3A_78, %get3A_83, %dot_general3A_84 {dimension_numbers = #tpu.dot_dimension_numbers<[1], [0], [0], [1], [0, 0, 1, 1], [], []>, transpose_lhs_hint = false} : vector<1250x128xf32>, vector<128x128xf32>, vector<1250x128xf32> -> vector<1250x128xf32>
    %add3A_86 = arith.addf %add3A_73, %dot_general3A_85 : vector<1250x128xf32>
    %get3A_87 = arith.constant 0 : index
    %get3A_88 = arith.constant 7 : index
    %get3A_89 = arith.constant 0 : index
    %get3A_90 = vector.load %arg0[%get3A_87, %get3A_88, %get3A_89] : memref<1250x8x128xf32, #tpu.memory_space<vmem>>, vector<1250x1x128xf32>
    %get3A_91 = vector.shape_cast %get3A_90 : vector<1250x1x128xf32> to vector<1250x128xf32>
    %get3A_92 = arith.constant 7 : index
    %get3A_93 = arith.constant 0 : index
    %get3A_94 = arith.constant 0 : index
    %get3A_95 = vector.load %arg1[%get3A_92, %get3A_93, %get3A_94] : memref<8x128x128xf32, #tpu.memory_space<vmem>>, vector<1x128x128xf32>
    %get3A_96 = vector.shape_cast %get3A_95 : vector<1x128x128xf32> to vector<128x128xf32>
    %dot_general3A_97 = arith.constant dense<0.000000e+00> : vector<1250x128xf32>
    %dot_general3A_98 = tpu.matmul %get3A_91, %get3A_96, %dot_general3A_97 {dimension_numbers = #tpu.dot_dimension_numbers<[1], [0], [0], [1], [0, 0, 1, 1], [], []>, transpose_lhs_hint = false} : vector<1250x128xf32>, vector<128x128xf32>, vector<1250x128xf32> -> vector<1250x128xf32>
    %add3A_99 = arith.addf %add3A_86, %dot_general3A_98 : vector<1250x128xf32>
    %swap3A = arith.constant 0 : index
    %swap3A_100 = arith.constant 0 : index
    %swap3A_101 = vector.load %arg2[%swap3A, %swap3A_100] : memref<1250x128xf32, #tpu.memory_space<vmem>>, vector<1250x128xf32>
    tpu.vector_store %arg2[%swap3A, %swap3A_100], %add3A_99 {strides = array<i32>} : memref<1250x128xf32, #tpu.memory_space<vmem>>, vector<1250x128xf32>,
    return
  }
}

module attributes {stable_mosaic.version = 14 : i64} {
  func.func @_k1b_body(%arg0: memref<1250x128xf32, #tpu.memory_space<vmem>>, %arg1: memref<2x1280x128xf32, #tpu.memory_space<vmem>>, %arg2: memref<1280x128xf32, #tpu.memory_space<vmem>>, %arg3: memref<1280x128xf32, #tpu.memory_space<vmem>>) attributes {dimension_semantics = [], scalar_prefetch = 0 : i64, scratch_operands = 0 : i64, tpu.core_type = #tpu.core_type<tc>} {
    %get3A = arith.constant 0 : index
    %get3A_0 = arith.constant 0 : index
    %get3A_1 = arith.constant 0 : index
    %get3A_2 = vector.load %arg1[%get3A, %get3A_0, %get3A_1] : memref<2x1280x128xf32, #tpu.memory_space<vmem>>, vector<1x1280x128xf32>
    %get3A_3 = vector.shape_cast %get3A_2 : vector<1x1280x128xf32> to vector<1280x128xf32>
    %get3A_4 = arith.constant 1 : index
    %get3A_5 = arith.constant 0 : index
    %get3A_6 = arith.constant 0 : index
    %get3A_7 = vector.load %arg1[%get3A_4, %get3A_5, %get3A_6] : memref<2x1280x128xf32, #tpu.memory_space<vmem>>, vector<1x1280x128xf32>
    %get3A_8 = vector.shape_cast %get3A_7 : vector<1x1280x128xf32> to vector<1280x128xf32>
    %add3A = arith.addf %get3A_3, %get3A_8 : vector<1280x128xf32>
    %add3A_9 = arith.constant 1.000000e+00 : f32
    %add3A_10 = vector.broadcast %add3A_9 : f32 to vector<1280x128xf32>
    %add3A_11 = arith.addf %add3A, %add3A_10 : vector<1280x128xf32>
    %rsqrt3A = math.rsqrt %add3A_11 : vector<1280x128xf32>
    %swap3A = arith.constant 0 : index
    %swap3A_12 = arith.constant 0 : index
    %swap3A_13 = vector.load %arg3[%swap3A, %swap3A_12] : memref<1280x128xf32, #tpu.memory_space<vmem>>, vector<1280x128xf32>
    tpu.vector_store %arg3[%swap3A, %swap3A_12], %rsqrt3A {strides = array<i32>} : memref<1280x128xf32, #tpu.memory_space<vmem>>, vector<1280x128xf32>,
    %get3A_14 = arith.constant 0 : index
    %get3A_15 = arith.constant 0 : index
    %get3A_16 = vector.load %arg0[%get3A_14, %get3A_15] : memref<1250x128xf32, #tpu.memory_space<vmem>>, vector<1250x128xf32>
    %slice3A = vector.extract_strided_slice %rsqrt3A {offsets = [0, 0], sizes = [1250, 128], strides = [1, 1]} : vector<1280x128xf32> to vector<1250x128xf32>
    %mul3A = arith.mulf %get3A_16, %slice3A : vector<1250x128xf32>
    %broadcast_in_dim3A = arith.constant 0.000000e+00 : f32
    %broadcast_in_dim3A_17 = vector.broadcast %broadcast_in_dim3A : f32 to vector<30x128xf32>
    %concatenate3A = tpu.concatenate %mul3A, %broadcast_in_dim3A_17 in 0 : vector<1250x128xf32>, vector<30x128xf32> -> vector<1280x128xf32>
    %swap3A_18 = arith.constant 0 : index
    %swap3A_19 = arith.constant 0 : index
    %swap3A_20 = vector.load %arg2[%swap3A_18, %swap3A_19] : memref<1280x128xf32, #tpu.memory_space<vmem>>, vector<1280x128xf32>
    tpu.vector_store %arg2[%swap3A_18, %swap3A_19], %concatenate3A {strides = array<i32>} : memref<1280x128xf32, #tpu.memory_space<vmem>>, vector<1280x128xf32>,
    return
  }
}

module attributes {stable_mosaic.version = 14 : i64} {
  func.func @_k2_body(%arg0: memref<2x1280x128xf32, #tpu.memory_space<vmem>>, %arg1: memref<1280x128xf32, #tpu.memory_space<vmem>>, %arg2: memref<1280x128xf32, #tpu.memory_space<vmem>>, %arg3: memref<1x128xf32, #tpu.memory_space<vmem>>, %arg4: memref<128x128xf32, #tpu.memory_space<vmem>>, %arg5: memref<1280x128xf32, #tpu.memory_space<vmem>>) attributes {dimension_semantics = [], scalar_prefetch = 0 : i64, scratch_operands = 0 : i64, tpu.core_type = #tpu.core_type<tc>} {
    %get3A = arith.constant 0 : index
    %get3A_0 = arith.constant 0 : index
    %get3A_1 = vector.load %arg2[%get3A, %get3A_0] : memref<1280x128xf32, #tpu.memory_space<vmem>>, vector<1280x128xf32>
    %get3A_2 = arith.constant 0 : index
    %get3A_3 = arith.constant 0 : index
    %get3A_4 = arith.constant 0 : index
    %get3A_5 = vector.load %arg0[%get3A_2, %get3A_3, %get3A_4] : memref<2x1280x128xf32, #tpu.memory_space<vmem>>, vector<1x1280x128xf32>
    %get3A_6 = vector.shape_cast %get3A_5 : vector<1x1280x128xf32> to vector<1280x128xf32>
    %get3A_7 = arith.constant 1 : index
    %get3A_8 = arith.constant 0 : index
    %get3A_9 = arith.constant 0 : index
    %get3A_10 = vector.load %arg0[%get3A_7, %get3A_8, %get3A_9] : memref<2x1280x128xf32, #tpu.memory_space<vmem>>, vector<1x1280x128xf32>
    %get3A_11 = vector.shape_cast %get3A_10 : vector<1x1280x128xf32> to vector<1280x128xf32>
    %add3A = arith.addf %get3A_6, %get3A_11 : vector<1280x128xf32>
    %get3A_12 = arith.constant 0 : index
    %get3A_13 = arith.constant 0 : index
    %get3A_14 = vector.load %arg1[%get3A_12, %get3A_13] : memref<1280x128xf32, #tpu.memory_space<vmem>>, vector<1280x128xf32>
    %add3A_15 = arith.addf %add3A, %get3A_14 : vector<1280x128xf32>
    %mul3A = arith.mulf %get3A_1, %add3A_15 : vector<1280x128xf32>
    %get3A_16 = arith.constant 0 : index
    %get3A_17 = arith.constant 0 : index
    %get3A_18 = vector.load %arg3[%get3A_16, %get3A_17] : memref<1x128xf32, #tpu.memory_space<vmem>>, vector<1x128xf32>
    %add3A_19 = vector.broadcast %get3A_18 : vector<1x128xf32> to vector<1280x128xf32>
    %add3A_20 = arith.addf %mul3A, %add3A_19 : vector<1280x128xf32>
    %max3A = arith.constant 0.000000e+00 : f32
    %max3A_21 = vector.broadcast %max3A : f32 to vector<1280x128xf32>
    %max3A_22 = arith.maximumf %add3A_20, %max3A_21 : vector<1280x128xf32>
    %get3A_23 = arith.constant 0 : index
    %get3A_24 = arith.constant 0 : index
    %get3A_25 = vector.load %arg4[%get3A_23, %get3A_24] : memref<128x128xf32, #tpu.memory_space<vmem>>, vector<128x128xf32>
    %dot_general3A = arith.constant dense<0.000000e+00> : vector<1280x128xf32>
    %dot_general3A_26 = tpu.matmul %max3A_22, %get3A_25, %dot_general3A {dimension_numbers = #tpu.dot_dimension_numbers<[1], [0], [0], [1], [0, 0, 1, 1], [], []>, transpose_lhs_hint = false} : vector<1280x128xf32>, vector<128x128xf32>, vector<1280x128xf32> -> vector<1280x128xf32>
    %mul3A_27 = arith.mulf %dot_general3A_26, %get3A_1 : vector<1280x128xf32>
    %swap3A = arith.constant 0 : index
    %swap3A_28 = arith.constant 0 : index
    %swap3A_29 = vector.load %arg5[%swap3A, %swap3A_28] : memref<1280x128xf32, #tpu.memory_space<vmem>>, vector<1280x128xf32>
    tpu.vector_store %arg5[%swap3A, %swap3A_28], %mul3A_27 {strides = array<i32>} : memref<1280x128xf32, #tpu.memory_space<vmem>>, vector<1280x128xf32>,
    return
  }
}

module attributes {stable_mosaic.version = 14 : i64} {
  func.func @_k3_body(%arg0: memref<2x1280x128xf32, #tpu.memory_space<vmem>>, %arg1: memref<1280x128xf32, #tpu.memory_space<vmem>>, %arg2: memref<1280x128xf32, #tpu.memory_space<vmem>>, %arg3: memref<1x128xf32, #tpu.memory_space<vmem>>, %arg4: memref<1280x128xf32, #tpu.memory_space<vmem>>) attributes {dimension_semantics = [], scalar_prefetch = 0 : i64, scratch_operands = 0 : i64, tpu.core_type = #tpu.core_type<tc>} {
    %get3A = arith.constant 0 : index
    %get3A_0 = arith.constant 0 : index
    %get3A_1 = vector.load %arg2[%get3A, %get3A_0] : memref<1280x128xf32, #tpu.memory_space<vmem>>, vector<1280x128xf32>
    %get3A_2 = arith.constant 0 : index
    %get3A_3 = arith.constant 0 : index
    %get3A_4 = arith.constant 0 : index
    %get3A_5 = vector.load %arg0[%get3A_2, %get3A_3, %get3A_4] : memref<2x1280x128xf32, #tpu.memory_space<vmem>>, vector<1x1280x128xf32>
    %get3A_6 = vector.shape_cast %get3A_5 : vector<1x1280x128xf32> to vector<1280x128xf32>
    %get3A_7 = arith.constant 1 : index
    %get3A_8 = arith.constant 0 : index
    %get3A_9 = arith.constant 0 : index
    %get3A_10 = vector.load %arg0[%get3A_7, %get3A_8, %get3A_9] : memref<2x1280x128xf32, #tpu.memory_space<vmem>>, vector<1x1280x128xf32>
    %get3A_11 = vector.shape_cast %get3A_10 : vector<1x1280x128xf32> to vector<1280x128xf32>
    %add3A = arith.addf %get3A_6, %get3A_11 : vector<1280x128xf32>
    %get3A_12 = arith.constant 0 : index
    %get3A_13 = arith.constant 0 : index
    %get3A_14 = vector.load %arg1[%get3A_12, %get3A_13] : memref<1280x128xf32, #tpu.memory_space<vmem>>, vector<1280x128xf32>
    %add3A_15 = arith.addf %add3A, %get3A_14 : vector<1280x128xf32>
    %mul3A = arith.mulf %get3A_1, %add3A_15 : vector<1280x128xf32>
    %get3A_16 = arith.constant 0 : index
    %get3A_17 = arith.constant 0 : index
    %get3A_18 = vector.load %arg3[%get3A_16, %get3A_17] : memref<1x128xf32, #tpu.memory_space<vmem>>, vector<1x128xf32>
    %add3A_19 = vector.broadcast %get3A_18 : vector<1x128xf32> to vector<1280x128xf32>
    %add3A_20 = arith.addf %mul3A, %add3A_19 : vector<1280x128xf32>
    %max3A = arith.constant 0.000000e+00 : f32
    %max3A_21 = vector.broadcast %max3A : f32 to vector<1280x128xf32>
    %max3A_22 = arith.maximumf %add3A_20, %max3A_21 : vector<1280x128xf32>
    %mul3A_23 = arith.mulf %max3A_22, %get3A_1 : vector<1280x128xf32>
    %swap3A = arith.constant 0 : index
    %swap3A_24 = arith.constant 0 : index
    %swap3A_25 = vector.load %arg4[%swap3A, %swap3A_24] : memref<1280x128xf32, #tpu.memory_space<vmem>>, vector<1280x128xf32>
    tpu.vector_store %arg4[%swap3A, %swap3A_24], %mul3A_23 {strides = array<i32>} : memref<1280x128xf32, #tpu.memory_space<vmem>>, vector<1280x128xf32>,
    return
  }
}

module attributes {stable_mosaic.version = 14 : i64} {
  func.func @_k4_body(%arg0: memref<2x1280x128xf32, #tpu.memory_space<vmem>>, %arg1: memref<1280x128xf32, #tpu.memory_space<vmem>>, %arg2: memref<1280x128xf32, #tpu.memory_space<vmem>>, %arg3: memref<8x128x40xf32, #tpu.memory_space<vmem>>, %arg4: memref<1x40xf32, #tpu.memory_space<vmem>>, %arg5: memref<10000x40xf32, #tpu.memory_space<vmem>>) attributes {dimension_semantics = [], scalar_prefetch = 0 : i64, scratch_operands = 0 : i64, tpu.core_type = #tpu.core_type<tc>} {
    %get3A = arith.constant 0 : index
    %get3A_0 = arith.constant 0 : index
    %get3A_1 = vector.load %arg2[%get3A, %get3A_0] : memref<1280x128xf32, #tpu.memory_space<vmem>>, vector<1280x128xf32>
    %get3A_2 = arith.constant 0 : index
    %get3A_3 = arith.constant 0 : index
    %get3A_4 = arith.constant 0 : index
    %get3A_5 = vector.load %arg0[%get3A_2, %get3A_3, %get3A_4] : memref<2x1280x128xf32, #tpu.memory_space<vmem>>, vector<1x1280x128xf32>
    %get3A_6 = vector.shape_cast %get3A_5 : vector<1x1280x128xf32> to vector<1280x128xf32>
    %get3A_7 = arith.constant 1 : index
    %get3A_8 = arith.constant 0 : index
    %get3A_9 = arith.constant 0 : index
    %get3A_10 = vector.load %arg0[%get3A_7, %get3A_8, %get3A_9] : memref<2x1280x128xf32, #tpu.memory_space<vmem>>, vector<1x1280x128xf32>
    %get3A_11 = vector.shape_cast %get3A_10 : vector<1x1280x128xf32> to vector<1280x128xf32>
    %add3A = arith.addf %get3A_6, %get3A_11 : vector<1280x128xf32>
    %get3A_12 = arith.constant 0 : index
    %get3A_13 = arith.constant 0 : index
    %get3A_14 = vector.load %arg1[%get3A_12, %get3A_13] : memref<1280x128xf32, #tpu.memory_space<vmem>>, vector<1280x128xf32>
    %add3A_15 = arith.addf %add3A, %get3A_14 : vector<1280x128xf32>
    %mul3A = arith.mulf %get3A_1, %add3A_15 : vector<1280x128xf32>
    %get3A_16 = arith.constant 0 : index
    %get3A_17 = arith.constant 0 : index
    %get3A_18 = arith.constant 0 : index
    %get3A_19 = vector.load %arg3[%get3A_16, %get3A_17, %get3A_18] : memref<8x128x40xf32, #tpu.memory_space<vmem>>, vector<1x128x40xf32>
    %get3A_20 = vector.shape_cast %get3A_19 : vector<1x128x40xf32> to vector<128x40xf32>
    %dot_general3A = arith.constant dense<0.000000e+00> : vector<1280x40xf32>
    %dot_general3A_21 = tpu.matmul %mul3A, %get3A_20, %dot_general3A {dimension_numbers = #tpu.dot_dimension_numbers<[1], [0], [0], [1], [0, 0, 1, 1], [], []>, transpose_lhs_hint = false} : vector<1280x128xf32>, vector<128x40xf32>, vector<1280x40xf32> -> vector<1280x40xf32>
    %get3A_22 = arith.constant 0 : index
    %get3A_23 = arith.constant 0 : index
    %get3A_24 = vector.load %arg4[%get3A_22, %get3A_23] : memref<1x40xf32, #tpu.memory_space<vmem>>, vector<1x40xf32>
    %add3A_25 = vector.broadcast %get3A_24 : vector<1x40xf32> to vector<1280x40xf32>
    %add3A_26 = arith.addf %dot_general3A_21, %add3A_25 : vector<1280x40xf32>
    %reduce_max3A = arith.constant dense<0xFF800000> : vector<1280xf32>
    %reduce_max3A_27 = vector.multi_reduction <maximumf>, %add3A_26, %reduce_max3A [1] : vector<1280x40xf32> to vector<1280xf32>
    %broadcast_in_dim3A = vector.shape_cast %reduce_max3A_27 : vector<1280xf32> to vector<1280x1xf32>
    %sub3A = vector.broadcast %broadcast_in_dim3A : vector<1280x1xf32> to vector<1280x40xf32>
    %sub3A_28 = arith.subf %add3A_26, %sub3A : vector<1280x40xf32>
    %exp3A = math.exp %sub3A_28 : vector<1280x40xf32>
    %sub3A_29 = vector.broadcast %broadcast_in_dim3A : vector<1280x1xf32> to vector<1280x40xf32>
    %sub3A_30 = arith.subf %add3A_26, %sub3A_29 : vector<1280x40xf32>
    %reduce_sum3A = arith.constant dense<0.000000e+00> : vector<1280xf32>
    %reduce_sum3A_31 = vector.multi_reduction <add>, %exp3A, %reduce_sum3A [1] : vector<1280x40xf32> to vector<1280xf32>
    %broadcast_in_dim3A_32 = vector.shape_cast %reduce_sum3A_31 : vector<1280xf32> to vector<1280x1xf32>
    %log3A = math.log %broadcast_in_dim3A_32 : vector<1280x1xf32>
    %sub3A_33 = vector.broadcast %log3A : vector<1280x1xf32> to vector<1280x40xf32>
    %sub3A_34 = arith.subf %sub3A_30, %sub3A_33 : vector<1280x40xf32>
    %reshape3A = vector.shape_cast %sub3A_34 : vector<1280x40xf32> to vector<1280x1x40xf32>
    %get3A_35 = arith.constant 1 : index
    %get3A_36 = arith.constant 0 : index
    %get3A_37 = arith.constant 0 : index
    %get3A_38 = vector.load %arg3[%get3A_35, %get3A_36, %get3A_37] : memref<8x128x40xf32, #tpu.memory_space<vmem>>, vector<1x128x40xf32>
    %get3A_39 = vector.shape_cast %get3A_38 : vector<1x128x40xf32> to vector<128x40xf32>
    %dot_general3A_40 = arith.constant dense<0.000000e+00> : vector<1280x40xf32>
    %dot_general3A_41 = tpu.matmul %mul3A, %get3A_39, %dot_general3A_40 {dimension_numbers = #tpu.dot_dimension_numbers<[1], [0], [0], [1], [0, 0, 1, 1], [], []>, transpose_lhs_hint = false} : vector<1280x128xf32>, vector<128x40xf32>, vector<1280x40xf32> -> vector<1280x40xf32>
    %get3A_42 = arith.constant 0 : index
    %get3A_43 = arith.constant 0 : index
    %get3A_44 = vector.load %arg4[%get3A_42, %get3A_43] : memref<1x40xf32, #tpu.memory_space<vmem>>, vector<1x40xf32>
    %add3A_45 = vector.broadcast %get3A_44 : vector<1x40xf32> to vector<1280x40xf32>
    %add3A_46 = arith.addf %dot_general3A_41, %add3A_45 : vector<1280x40xf32>
    %reduce_max3A_47 = arith.constant dense<0xFF800000> : vector<1280xf32>
    %reduce_max3A_48 = vector.multi_reduction <maximumf>, %add3A_46, %reduce_max3A_47 [1] : vector<1280x40xf32> to vector<1280xf32>
    %broadcast_in_dim3A_49 = vector.shape_cast %reduce_max3A_48 : vector<1280xf32> to vector<1280x1xf32>
    %sub3A_50 = vector.broadcast %broadcast_in_dim3A_49 : vector<1280x1xf32> to vector<1280x40xf32>
    %sub3A_51 = arith.subf %add3A_46, %sub3A_50 : vector<1280x40xf32>
    %exp3A_52 = math.exp %sub3A_51 : vector<1280x40xf32>
    %sub3A_53 = vector.broadcast %broadcast_in_dim3A_49 : vector<1280x1xf32> to vector<1280x40xf32>
    %sub3A_54 = arith.subf %add3A_46, %sub3A_53 : vector<1280x40xf32>
    %reduce_sum3A_55 = arith.constant dense<0.000000e+00> : vector<1280xf32>
    %reduce_sum3A_56 = vector.multi_reduction <add>, %exp3A_52, %reduce_sum3A_55 [1] : vector<1280x40xf32> to vector<1280xf32>
    %broadcast_in_dim3A_57 = vector.shape_cast %reduce_sum3A_56 : vector<1280xf32> to vector<1280x1xf32>
    %log3A_58 = math.log %broadcast_in_dim3A_57 : vector<1280x1xf32>
    %sub3A_59 = vector.broadcast %log3A_58 : vector<1280x1xf32> to vector<1280x40xf32>
    %sub3A_60 = arith.subf %sub3A_54, %sub3A_59 : vector<1280x40xf32>
    %reshape3A_61 = vector.shape_cast %sub3A_60 : vector<1280x40xf32> to vector<1280x1x40xf32>
    %get3A_62 = arith.constant 2 : index
    %get3A_63 = arith.constant 0 : index
    %get3A_64 = arith.constant 0 : index
    %get3A_65 = vector.load %arg3[%get3A_62, %get3A_63, %get3A_64] : memref<8x128x40xf32, #tpu.memory_space<vmem>>, vector<1x128x40xf32>
    %get3A_66 = vector.shape_cast %get3A_65 : vector<1x128x40xf32> to vector<128x40xf32>
    %dot_general3A_67 = arith.constant dense<0.000000e+00> : vector<1280x40xf32>
    %dot_general3A_68 = tpu.matmul %mul3A, %get3A_66, %dot_general3A_67 {dimension_numbers = #tpu.dot_dimension_numbers<[1], [0], [0], [1], [0, 0, 1, 1], [], []>, transpose_lhs_hint = false} : vector<1280x128xf32>, vector<128x40xf32>, vector<1280x40xf32> -> vector<1280x40xf32>
    %get3A_69 = arith.constant 0 : index
    %get3A_70 = arith.constant 0 : index
    %get3A_71 = vector.load %arg4[%get3A_69, %get3A_70] : memref<1x40xf32, #tpu.memory_space<vmem>>, vector<1x40xf32>
    %add3A_72 = vector.broadcast %get3A_71 : vector<1x40xf32> to vector<1280x40xf32>
    %add3A_73 = arith.addf %dot_general3A_68, %add3A_72 : vector<1280x40xf32>
    %reduce_max3A_74 = arith.constant dense<0xFF800000> : vector<1280xf32>
    %reduce_max3A_75 = vector.multi_reduction <maximumf>, %add3A_73, %reduce_max3A_74 [1] : vector<1280x40xf32> to vector<1280xf32>
    %broadcast_in_dim3A_76 = vector.shape_cast %reduce_max3A_75 : vector<1280xf32> to vector<1280x1xf32>
    %sub3A_77 = vector.broadcast %broadcast_in_dim3A_76 : vector<1280x1xf32> to vector<1280x40xf32>
    %sub3A_78 = arith.subf %add3A_73, %sub3A_77 : vector<1280x40xf32>
    %exp3A_79 = math.exp %sub3A_78 : vector<1280x40xf32>
    %sub3A_80 = vector.broadcast %broadcast_in_dim3A_76 : vector<1280x1xf32> to vector<1280x40xf32>
    %sub3A_81 = arith.subf %add3A_73, %sub3A_80 : vector<1280x40xf32>
    %reduce_sum3A_82 = arith.constant dense<0.000000e+00> : vector<1280xf32>
    %reduce_sum3A_83 = vector.multi_reduction <add>, %exp3A_79, %reduce_sum3A_82 [1] : vector<1280x40xf32> to vector<1280xf32>
    %broadcast_in_dim3A_84 = vector.shape_cast %reduce_sum3A_83 : vector<1280xf32> to vector<1280x1xf32>
    %log3A_85 = math.log %broadcast_in_dim3A_84 : vector<1280x1xf32>
    %sub3A_86 = vector.broadcast %log3A_85 : vector<1280x1xf32> to vector<1280x40xf32>
    %sub3A_87 = arith.subf %sub3A_81, %sub3A_86 : vector<1280x40xf32>
    %reshape3A_88 = vector.shape_cast %sub3A_87 : vector<1280x40xf32> to vector<1280x1x40xf32>
    %get3A_89 = arith.constant 3 : index
    %get3A_90 = arith.constant 0 : index
    %get3A_91 = arith.constant 0 : index
    %get3A_92 = vector.load %arg3[%get3A_89, %get3A_90, %get3A_91] : memref<8x128x40xf32, #tpu.memory_space<vmem>>, vector<1x128x40xf32>
    %get3A_93 = vector.shape_cast %get3A_92 : vector<1x128x40xf32> to vector<128x40xf32>
    %dot_general3A_94 = arith.constant dense<0.000000e+00> : vector<1280x40xf32>
    %dot_general3A_95 = tpu.matmul %mul3A, %get3A_93, %dot_general3A_94 {dimension_numbers = #tpu.dot_dimension_numbers<[1], [0], [0], [1], [0, 0, 1, 1], [], []>, transpose_lhs_hint = false} : vector<1280x128xf32>, vector<128x40xf32>, vector<1280x40xf32> -> vector<1280x40xf32>
    %get3A_96 = arith.constant 0 : index
    %get3A_97 = arith.constant 0 : index
    %get3A_98 = vector.load %arg4[%get3A_96, %get3A_97] : memref<1x40xf32, #tpu.memory_space<vmem>>, vector<1x40xf32>
    %add3A_99 = vector.broadcast %get3A_98 : vector<1x40xf32> to vector<1280x40xf32>
    %add3A_100 = arith.addf %dot_general3A_95, %add3A_99 : vector<1280x40xf32>
    %reduce_max3A_101 = arith.constant dense<0xFF800000> : vector<1280xf32>
    %reduce_max3A_102 = vector.multi_reduction <maximumf>, %add3A_100, %reduce_max3A_101 [1] : vector<1280x40xf32> to vector<1280xf32>
    %broadcast_in_dim3A_103 = vector.shape_cast %reduce_max3A_102 : vector<1280xf32> to vector<1280x1xf32>
    %sub3A_104 = vector.broadcast %broadcast_in_dim3A_103 : vector<1280x1xf32> to vector<1280x40xf32>
    %sub3A_105 = arith.subf %add3A_100, %sub3A_104 : vector<1280x40xf32>
    %exp3A_106 = math.exp %sub3A_105 : vector<1280x40xf32>
    %sub3A_107 = vector.broadcast %broadcast_in_dim3A_103 : vector<1280x1xf32> to vector<1280x40xf32>
    %sub3A_108 = arith.subf %add3A_100, %sub3A_107 : vector<1280x40xf32>
    %reduce_sum3A_109 = arith.constant dense<0.000000e+00> : vector<1280xf32>
    %reduce_sum3A_110 = vector.multi_reduction <add>, %exp3A_106, %reduce_sum3A_109 [1] : vector<1280x40xf32> to vector<1280xf32>
    %broadcast_in_dim3A_111 = vector.shape_cast %reduce_sum3A_110 : vector<1280xf32> to vector<1280x1xf32>
    %log3A_112 = math.log %broadcast_in_dim3A_111 : vector<1280x1xf32>
    %sub3A_113 = vector.broadcast %log3A_112 : vector<1280x1xf32> to vector<1280x40xf32>
    %sub3A_114 = arith.subf %sub3A_108, %sub3A_113 : vector<1280x40xf32>
    %reshape3A_115 = vector.shape_cast %sub3A_114 : vector<1280x40xf32> to vector<1280x1x40xf32>
    %get3A_116 = arith.constant 4 : index
    %get3A_117 = arith.constant 0 : index
    %get3A_118 = arith.constant 0 : index
    %get3A_119 = vector.load %arg3[%get3A_116, %get3A_117, %get3A_118] : memref<8x128x40xf32, #tpu.memory_space<vmem>>, vector<1x128x40xf32>
    %get3A_120 = vector.shape_cast %get3A_119 : vector<1x128x40xf32> to vector<128x40xf32>
    %dot_general3A_121 = arith.constant dense<0.000000e+00> : vector<1280x40xf32>
    %dot_general3A_122 = tpu.matmul %mul3A, %get3A_120, %dot_general3A_121 {dimension_numbers = #tpu.dot_dimension_numbers<[1], [0], [0], [1], [0, 0, 1, 1], [], []>, transpose_lhs_hint = false} : vector<1280x128xf32>, vector<128x40xf32>, vector<1280x40xf32> -> vector<1280x40xf32>
    %get3A_123 = arith.constant 0 : index
    %get3A_124 = arith.constant 0 : index
    %get3A_125 = vector.load %arg4[%get3A_123, %get3A_124] : memref<1x40xf32, #tpu.memory_space<vmem>>, vector<1x40xf32>
    %add3A_126 = vector.broadcast %get3A_125 : vector<1x40xf32> to vector<1280x40xf32>
    %add3A_127 = arith.addf %dot_general3A_122, %add3A_126 : vector<1280x40xf32>
    %reduce_max3A_128 = arith.constant dense<0xFF800000> : vector<1280xf32>
    %reduce_max3A_129 = vector.multi_reduction <maximumf>, %add3A_127, %reduce_max3A_128 [1] : vector<1280x40xf32> to vector<1280xf32>
    %broadcast_in_dim3A_130 = vector.shape_cast %reduce_max3A_129 : vector<1280xf32> to vector<1280x1xf32>
    %sub3A_131 = vector.broadcast %broadcast_in_dim3A_130 : vector<1280x1xf32> to vector<1280x40xf32>
    %sub3A_132 = arith.subf %add3A_127, %sub3A_131 : vector<1280x40xf32>
    %exp3A_133 = math.exp %sub3A_132 : vector<1280x40xf32>
    %sub3A_134 = vector.broadcast %broadcast_in_dim3A_130 : vector<1280x1xf32> to vector<1280x40xf32>
    %sub3A_135 = arith.subf %add3A_127, %sub3A_134 : vector<1280x40xf32>
    %reduce_sum3A_136 = arith.constant dense<0.000000e+00> : vector<1280xf32>
    %reduce_sum3A_137 = vector.multi_reduction <add>, %exp3A_133, %reduce_sum3A_136 [1] : vector<1280x40xf32> to vector<1280xf32>
    %broadcast_in_dim3A_138 = vector.shape_cast %reduce_sum3A_137 : vector<1280xf32> to vector<1280x1xf32>
    %log3A_139 = math.log %broadcast_in_dim3A_138 : vector<1280x1xf32>
    %sub3A_140 = vector.broadcast %log3A_139 : vector<1280x1xf32> to vector<1280x40xf32>
    %sub3A_141 = arith.subf %sub3A_135, %sub3A_140 : vector<1280x40xf32>
    %reshape3A_142 = vector.shape_cast %sub3A_141 : vector<1280x40xf32> to vector<1280x1x40xf32>
    %get3A_143 = arith.constant 5 : index
    %get3A_144 = arith.constant 0 : index
    %get3A_145 = arith.constant 0 : index
    %get3A_146 = vector.load %arg3[%get3A_143, %get3A_144, %get3A_145] : memref<8x128x40xf32, #tpu.memory_space<vmem>>, vector<1x128x40xf32>
    %get3A_147 = vector.shape_cast %get3A_146 : vector<1x128x40xf32> to vector<128x40xf32>
    %dot_general3A_148 = arith.constant dense<0.000000e+00> : vector<1280x40xf32>
    %dot_general3A_149 = tpu.matmul %mul3A, %get3A_147, %dot_general3A_148 {dimension_numbers = #tpu.dot_dimension_numbers<[1], [0], [0], [1], [0, 0, 1, 1], [], []>, transpose_lhs_hint = false} : vector<1280x128xf32>, vector<128x40xf32>, vector<1280x40xf32> -> vector<1280x40xf32>
    %get3A_150 = arith.constant 0 : index
    %get3A_151 = arith.constant 0 : index
    %get3A_152 = vector.load %arg4[%get3A_150, %get3A_151] : memref<1x40xf32, #tpu.memory_space<vmem>>, vector<1x40xf32>
    %add3A_153 = vector.broadcast %get3A_152 : vector<1x40xf32> to vector<1280x40xf32>
    %add3A_154 = arith.addf %dot_general3A_149, %add3A_153 : vector<1280x40xf32>
    %reduce_max3A_155 = arith.constant dense<0xFF800000> : vector<1280xf32>
    %reduce_max3A_156 = vector.multi_reduction <maximumf>, %add3A_154, %reduce_max3A_155 [1] : vector<1280x40xf32> to vector<1280xf32>
    %broadcast_in_dim3A_157 = vector.shape_cast %reduce_max3A_156 : vector<1280xf32> to vector<1280x1xf32>
    %sub3A_158 = vector.broadcast %broadcast_in_dim3A_157 : vector<1280x1xf32> to vector<1280x40xf32>
    %sub3A_159 = arith.subf %add3A_154, %sub3A_158 : vector<1280x40xf32>
    %exp3A_160 = math.exp %sub3A_159 : vector<1280x40xf32>
    %sub3A_161 = vector.broadcast %broadcast_in_dim3A_157 : vector<1280x1xf32> to vector<1280x40xf32>
    %sub3A_162 = arith.subf %add3A_154, %sub3A_161 : vector<1280x40xf32>
    %reduce_sum3A_163 = arith.constant dense<0.000000e+00> : vector<1280xf32>
    %reduce_sum3A_164 = vector.multi_reduction <add>, %exp3A_160, %reduce_sum3A_163 [1] : vector<1280x40xf32> to vector<1280xf32>
    %broadcast_in_dim3A_165 = vector.shape_cast %reduce_sum3A_164 : vector<1280xf32> to vector<1280x1xf32>
    %log3A_166 = math.log %broadcast_in_dim3A_165 : vector<1280x1xf32>
    %sub3A_167 = vector.broadcast %log3A_166 : vector<1280x1xf32> to vector<1280x40xf32>
    %sub3A_168 = arith.subf %sub3A_162, %sub3A_167 : vector<1280x40xf32>
    %reshape3A_169 = vector.shape_cast %sub3A_168 : vector<1280x40xf32> to vector<1280x1x40xf32>
    %get3A_170 = arith.constant 6 : index
    %get3A_171 = arith.constant 0 : index
    %get3A_172 = arith.constant 0 : index
    %get3A_173 = vector.load %arg3[%get3A_170, %get3A_171, %get3A_172] : memref<8x128x40xf32, #tpu.memory_space<vmem>>, vector<1x128x40xf32>
    %get3A_174 = vector.shape_cast %get3A_173 : vector<1x128x40xf32> to vector<128x40xf32>
    %dot_general3A_175 = arith.constant dense<0.000000e+00> : vector<1280x40xf32>
    %dot_general3A_176 = tpu.matmul %mul3A, %get3A_174, %dot_general3A_175 {dimension_numbers = #tpu.dot_dimension_numbers<[1], [0], [0], [1], [0, 0, 1, 1], [], []>, transpose_lhs_hint = false} : vector<1280x128xf32>, vector<128x40xf32>, vector<1280x40xf32> -> vector<1280x40xf32>
    %get3A_177 = arith.constant 0 : index
    %get3A_178 = arith.constant 0 : index
    %get3A_179 = vector.load %arg4[%get3A_177, %get3A_178] : memref<1x40xf32, #tpu.memory_space<vmem>>, vector<1x40xf32>
    %add3A_180 = vector.broadcast %get3A_179 : vector<1x40xf32> to vector<1280x40xf32>
    %add3A_181 = arith.addf %dot_general3A_176, %add3A_180 : vector<1280x40xf32>
    %reduce_max3A_182 = arith.constant dense<0xFF800000> : vector<1280xf32>
    %reduce_max3A_183 = vector.multi_reduction <maximumf>, %add3A_181, %reduce_max3A_182 [1] : vector<1280x40xf32> to vector<1280xf32>
    %broadcast_in_dim3A_184 = vector.shape_cast %reduce_max3A_183 : vector<1280xf32> to vector<1280x1xf32>
    %sub3A_185 = vector.broadcast %broadcast_in_dim3A_184 : vector<1280x1xf32> to vector<1280x40xf32>
    %sub3A_186 = arith.subf %add3A_181, %sub3A_185 : vector<1280x40xf32>
    %exp3A_187 = math.exp %sub3A_186 : vector<1280x40xf32>
    %sub3A_188 = vector.broadcast %broadcast_in_dim3A_184 : vector<1280x1xf32> to vector<1280x40xf32>
    %sub3A_189 = arith.subf %add3A_181, %sub3A_188 : vector<1280x40xf32>
    %reduce_sum3A_190 = arith.constant dense<0.000000e+00> : vector<1280xf32>
    %reduce_sum3A_191 = vector.multi_reduction <add>, %exp3A_187, %reduce_sum3A_190 [1] : vector<1280x40xf32> to vector<1280xf32>
    %broadcast_in_dim3A_192 = vector.shape_cast %reduce_sum3A_191 : vector<1280xf32> to vector<1280x1xf32>
    %log3A_193 = math.log %broadcast_in_dim3A_192 : vector<1280x1xf32>
    %sub3A_194 = vector.broadcast %log3A_193 : vector<1280x1xf32> to vector<1280x40xf32>
    %sub3A_195 = arith.subf %sub3A_189, %sub3A_194 : vector<1280x40xf32>
    %reshape3A_196 = vector.shape_cast %sub3A_195 : vector<1280x40xf32> to vector<1280x1x40xf32>
    %get3A_197 = arith.constant 7 : index
    %get3A_198 = arith.constant 0 : index
    %get3A_199 = arith.constant 0 : index
    %get3A_200 = vector.load %arg3[%get3A_197, %get3A_198, %get3A_199] : memref<8x128x40xf32, #tpu.memory_space<vmem>>, vector<1x128x40xf32>
    %get3A_201 = vector.shape_cast %get3A_200 : vector<1x128x40xf32> to vector<128x40xf32>
    %dot_general3A_202 = arith.constant dense<0.000000e+00> : vector<1280x40xf32>
    %dot_general3A_203 = tpu.matmul %mul3A, %get3A_201, %dot_general3A_202 {dimension_numbers = #tpu.dot_dimension_numbers<[1], [0], [0], [1], [0, 0, 1, 1], [], []>, transpose_lhs_hint = false} : vector<1280x128xf32>, vector<128x40xf32>, vector<1280x40xf32> -> vector<1280x40xf32>
    %get3A_204 = arith.constant 0 : index
    %get3A_205 = arith.constant 0 : index
    %get3A_206 = vector.load %arg4[%get3A_204, %get3A_205] : memref<1x40xf32, #tpu.memory_space<vmem>>, vector<1x40xf32>
    %add3A_207 = vector.broadcast %get3A_206 : vector<1x40xf32> to vector<1280x40xf32>
    %add3A_208 = arith.addf %dot_general3A_203, %add3A_207 : vector<1280x40xf32>
    %reduce_max3A_209 = arith.constant dense<0xFF800000> : vector<1280xf32>
    %reduce_max3A_210 = vector.multi_reduction <maximumf>, %add3A_208, %reduce_max3A_209 [1] : vector<1280x40xf32> to vector<1280xf32>
    %broadcast_in_dim3A_211 = vector.shape_cast %reduce_max3A_210 : vector<1280xf32> to vector<1280x1xf32>
    %sub3A_212 = vector.broadcast %broadcast_in_dim3A_211 : vector<1280x1xf32> to vector<1280x40xf32>
    %sub3A_213 = arith.subf %add3A_208, %sub3A_212 : vector<1280x40xf32>
    %exp3A_214 = math.exp %sub3A_213 : vector<1280x40xf32>
    %sub3A_215 = vector.broadcast %broadcast_in_dim3A_211 : vector<1280x1xf32> to vector<1280x40xf32>
    %sub3A_216 = arith.subf %add3A_208, %sub3A_215 : vector<1280x40xf32>
    %reduce_sum3A_217 = arith.constant dense<0.000000e+00> : vector<1280xf32>
    %reduce_sum3A_218 = vector.multi_reduction <add>, %exp3A_214, %reduce_sum3A_217 [1] : vector<1280x40xf32> to vector<1280xf32>
    %broadcast_in_dim3A_219 = vector.shape_cast %reduce_sum3A_218 : vector<1280xf32> to vector<1280x1xf32>
    %log3A_220 = math.log %broadcast_in_dim3A_219 : vector<1280x1xf32>
    %sub3A_221 = vector.broadcast %log3A_220 : vector<1280x1xf32> to vector<1280x40xf32>
    %sub3A_222 = arith.subf %sub3A_216, %sub3A_221 : vector<1280x40xf32>
    %reshape3A_223 = vector.shape_cast %sub3A_222 : vector<1280x40xf32> to vector<1280x1x40xf32>
    %concatenate3A = tpu.concatenate %reshape3A, %reshape3A_61, %reshape3A_88, %reshape3A_115, %reshape3A_142, %reshape3A_169, %reshape3A_196, %reshape3A_223 in 1 : vector<1280x1x40xf32>, vector<1280x1x40xf32>, vector<1280x1x40xf32>, vector<1280x1x40xf32>, vector<1280x1x40xf32>, vector<1280x1x40xf32>, vector<1280x1x40xf32>, vector<1280x1x40xf32> -> vector<1280x8x40xf32>
    %reshape3A_224 = vector.shape_cast %concatenate3A : vector<1280x8x40xf32> to vector<10240x40xf32>
    %slice3A = vector.extract_strided_slice %reshape3A_224 {offsets = [0, 0], sizes = [10000, 40], strides = [1, 1]} : vector<10240x40xf32> to vector<10000x40xf32>
    %swap3A = arith.constant 0 : index
    %swap3A_225 = arith.constant 0 : index
    %swap3A_226 = vector.load %arg5[%swap3A, %swap3A_225] : memref<10000x40xf32, #tpu.memory_space<vmem>>, vector<10000x40xf32>
    tpu.vector_store %arg5[%swap3A, %swap3A_225], %slice3A {strides = array<i32>} : memref<10000x40xf32, #tpu.memory_space<vmem>>, vector<10000x40xf32>,
    return
  }
}

</mosaic_0001>

<sc_bundles>
// kernel: kernel.11.cloned.1.call-start
scs
__scs_entry_jumppad:
0x0: {  	(pc) =	sbr.rel $0x88, $3  }
0x1: {  	(tag) =	ssettag $0x0;
	lr =	simm.s32 $0x1  }
0x2: {  	[smem:$0x3F99] =	sst lr;
	_ =	strace $0xD0000000  }
0x3: {  	_ = 	snop  }
0x4: {  	_ = 	snop  }
0x5: {  	_ = 	snop  }
0x6: {  	_ = 	snop  }
0x7: {  	_ = 	snop  }
__scs_overlays_trampoline_lowered:
0x8: {  	[smem:$0x3FA8] =	sst s0  }
0x9: {  	[smem:$0x3FA9] =	sst s1  }
0xa: {  	[smem:$0x3FAA] =	sst s2  }
0xb: {  	[smem:$0x3FAB] =	sst s3  }
0xc: {  	[smem:$0x3FAC] =	sst s4  }
0xd: {  	[smem:$0x3FAD] =	sst s5  }
0xe: {  	[smem:$0x3FAE] =	sst s6  }
0xf: {  	[smem:$0x3FAF] =	sst s7  }
0x10: {  	[smem:$0x3FB0] =	sst s8  }
0x11: {  	[smem:$0x3FB1] =	sst s9;
	s0 =	simm.s32 @!p0 $0x0  }
0x12: {  	s1 =	sld [smem:$0x3F97];
	s0 =	simm.s32 @p0 $0x1  }
0x13: {  	[smem:$0x3FB2] =	sst s0;
	s0 =	simm.s32 @!p1 $0x0  }
0x14: {  	s2 =	sld [smem:$0x3F96];
	s0 =	simm.s32 @p1 $0x1  }
0x15: {  	[smem:$0x3FB3] =	sst s0;
	s0 =	simm.s32 @!p2 $0x0  }
0x16: {  	s3 =	sld [smem:$0x3FDB];
	s0 =	simm.s32 @p2 $0x1  }
0x17: {  	s4 =	simm.s32 $0x1BF5;
	[smem:$0x3FB5] =	sst s0  }
0x18: {  	s0 =	sld [smem:$0x3F98];
	_ =	swait.ge [sflag:s4], $0x0  }
0x19: {  	s7 =	sld [smem:$0x3F99]  }
0x1a: {  	s8 =	sadd.s32 $0xFFFFE003, lr  }
0x1b: {  	s9 =	sadd.s32 $0xFFFFFEF7, lr;
	s5 =	simm.s32 $0xFFFFFFFF;
	p2 =	slt.u32 s8, $0xFFFFF086  }
0x1c: {  	p1 =	slt.u32 s9, $0xF7A;
	s5 =	simm.s32 @!p2 $0x0  }
0x1d: {  	s5 =	simm.s32 @p1 $0x1;
	p0 =	seq.s32 s7, s2  }
0x1e: {  	s7 =	smul.u32 @!p0 $0xF7A, s2;
	p2 =	seq.s32 @!p0 s5, $0x0  }
0x1f: {  	s9 =	smul.u32 $0xF7A, s1;
	s8 =	simm.s32 @!p0 $0x1BF5;
	p2 =	por !p2, p0  }
0x20: {  	[sflag:s8] =	ssyncset.s32 @!p0 $0xFFFFF086;
	s6 =	sadd.s32 @!p0 s3, s7;
	s7 =	simm.s32 @!p0 $0x108  }
0x21: {  	s3 =	sadd.s32 s3, s9;
	s6 =	sadd.s32 @!p0 $0x88, s6;
	s7 =	simm.s32 @p2 $0x1082  }
0x22: {  	[simem:s7], [sflag:s8] =	dma.local @!p0 [hbm:s6], $0xF7A  }
0x23: {  	s9 =	sor.u32 $0xD0000000, s2;
	s6 =	simm.s32 $0x108;
	_ =	swait.ge @!p0 [sflag:s8], $0x0  }
0x24: {  	s3 =	sadd.s32 $0x88, s3;
	s6 =	simm.s32 @!p1 $0x1082;
	[sflag:s4] =	ssyncset.s32 $0xFFFFF086  }
0x25: {  	[simem:s6], [sflag:s4] =	dma.local [hbm:s3], $0xF7A  }
0x26: {  	[smem:$0x3F99] =	sst s1;
	(tag) =	ssettag s2;
	_ =	strace s9  }
0x27: {  	s1 =	sld [smem:$0x3FA9]  }
0x28: {  	s2 =	sld [smem:$0x3FAA]  }
0x29: {  	s4 =	sld [smem:$0x3FAC]  }
0x2a: {  	p0 =	seq.s32 s5, $0x0;
	s5 =	sld [smem:$0x3FAD]  }
0x2b: {  	s6 =	sld [smem:$0x3FAE]  }
0x2c: {  	s7 =	sld [smem:$0x3FAF]  }
0x2d: {  	s3 =	simm.s32 $0x108;
	s8 =	sld [smem:$0x3FB0]  }
0x2e: {  	s3 =	simm.s32 @!p0 $0x1082;
	s9 =	sld [smem:$0x3FB1]  }
0x2f: {  	lr =	sadd.s32 s0, s3;
	s0 =	sld [smem:$0x3FA8]  }
0x30: {  	s3 =	sld [smem:$0x3FAB]  }
0x31: {  	[smem:$0x3FB4] =	sst s10  }
0x32: {  	s10 =	sld [smem:$0x3FB2];
	_ =	sdelay $0x3  }
0x33: {  	p0 =	seq.s32 s10, $0x1;
	s10 =	sld [smem:$0x3FB4];
	_ =	sdelay $0x3  }
0x34: {  	[smem:$0x3FB4] =	sst s10  }
0x35: {  	s10 =	sld [smem:$0x3FB3];
	_ =	sdelay $0x3  }
0x36: {  	p1 =	seq.s32 s10, $0x1;
	s10 =	sld [smem:$0x3FB4];
	_ =	sdelay $0x3  }
0x37: {  	[smem:$0x3FB4] =	sst s10  }
0x38: {  	s10 =	sld [smem:$0x3FB5]  }
0x39: {  	_ = 	snop;
	(pc) =	sbr.ind lr, $3  }
0x3a: {  	_ = 	snop  }
0x3b: {  	_ = 	snop  }
0x3c: {  	p2 =	seq.s32 s10, $0x1;
	s10 =	sld [smem:$0x3FB4]  }
0x3d: {  	_ =	shalt  }
0x3e: {  	_ =	shalt  }
0x3f: {  	_ =	shalt  }
0x40: {  	_ =	shalt  }
0x41: {  	_ =	shalt  }
0x42: {  	_ =	shalt  }
0x43: {  	_ =	shalt  }
0x44: {  	_ =	shalt  }
0x45: {  	_ =	shalt  }
0x46: {  	_ =	shalt  }
0x47: {  	_ =	shalt  }
0x48: {  	_ =	shalt  }
0x49: {  	_ =	shalt  }
0x4a: {  	_ =	shalt  }
0x4b: {  	_ =	shalt  }
0x4c: {  	_ =	shalt  }
0x4d: {  	_ =	shalt  }
0x4e: {  	_ =	shalt  }
0x4f: {  	_ =	shalt  }
0x50: {  	_ =	shalt  }
0x51: {  	_ =	shalt  }
0x52: {  	_ =	shalt  }
0x53: {  	_ =	shalt  }
0x54: {  	_ =	shalt  }
0x55: {  	_ =	shalt  }
0x56: {  	_ =	shalt  }
0x57: {  	_ =	shalt  }
0x58: {  	_ =	shalt  }
0x59: {  	_ =	shalt  }
0x5a: {  	_ =	shalt  }
0x5b: {  	_ =	shalt  }
0x5c: {  	_ =	shalt  }
0x5d: {  	_ =	shalt  }
0x5e: {  	_ =	shalt  }
0x5f: {  	_ =	shalt  }
0x60: {  	_ =	shalt  }
0x61: {  	_ =	shalt  }
0x62: {  	_ =	shalt  }
0x63: {  	_ =	shalt  }
0x64: {  	_ =	shalt  }
0x65: {  	_ =	shalt  }
0x66: {  	_ =	shalt  }
0x67: {  	_ =	shalt  }
0x68: {  	_ =	shalt  }
0x69: {  	_ =	shalt  }
0x6a: {  	_ =	shalt  }
0x6b: {  	_ =	shalt  }
0x6c: {  	_ =	shalt  }
0x6d: {  	_ =	shalt  }
0x6e: {  	_ =	shalt  }
0x6f: {  	_ =	shalt  }
0x70: {  	_ =	shalt  }
0x71: {  	_ =	shalt  }
0x72: {  	_ =	shalt  }
0x73: {  	_ =	shalt  }
0x74: {  	_ =	shalt  }
0x75: {  	_ =	shalt  }
0x76: {  	_ =	shalt  }
0x77: {  	_ =	shalt  }
0x78: {  	_ =	shalt  }
0x79: {  	_ =	shalt  }
0x7a: {  	_ =	shalt  }
0x7b: {  	_ =	shalt  }
0x7c: {  	_ =	shalt  }
0x7d: {  	_ =	shalt  }
0x7e: {  	_ =	shalt  }
0x7f: {  	_ =	shalt  }
0x80: {  	_ =	shalt  }
0x81: {  	_ =	shalt  }
0x82: {  	_ =	shalt  }
0x83: {  	_ =	shalt  }
0x84: {  	_ =	shalt  }
0x85: {  	_ =	shalt  }
0x86: {  	_ =	shalt  }
0x87: {  	_ =	shalt  }
.Lfunc_end0:
.L_simem_size_0:
called_computation_lowered:
.L_overlay_start_0:
0x88: {  	s2 =	sld [smem:$0x3FD9]  }
0x89: {  	s3 =	sld [smem:$0x3FFE];
	_ =	sdelay $0x1  }
0x8a: {  	s1 =	srdreg.scid  }
0x8b: {  	s0 =	sand.u32 $0x1, s1  }
0x8c: {  	s17 =	sshll.u32 s0, $0xA;
	s2 =	sadd.s32 s3, s2  }
0x8d: {  	s2 =	sadd.s32 s2, s17  }
0x8e: {  	[smem:$0x3FC0] =	sst s2  }
0x8f: {  	_ = 	snop  }
0x90: {  	s2 =	sld [smem:$0x3FD0];
	(tm) =	ssettm $0x1  }
0x91: {  	s18 =	sld [smem:$0x3FFB];
	_ =	sdelay $0x3  }
0x92: {  	_ =	strace s18  }
0x93: {  	s3 =	sld [smem:$0x3FFC];
	_ =	sdelay $0x3  }
0x94: {  	_ =	strace s3  }
0x95: {  	s3 =	sld [smem:$0x3FFD];
	_ =	sdelay $0x3  }
0x96: {  	_ =	strace s3  }
0x97: {  	_ =	strace $0x8FFFFFFF  }
0x98: {  	s19 =	sld [smem:$0x3FDB];
	_ =	sdelay $0x1  }
0x99: {  	s4 =	simm.s32 $_scs_section_size  }
0x9a: {  	s5 =	simm.s32 $_size__tile_overlayer_lowered;
	s6 =	simm.s32 $_tile_overlayer_lowered  }
0x9b: {  	s22 =	simm.s32 $0x1BFF;
	s21 =	sshll.u32 s6, $0x1;
	s3 =	sadd.s32 s4, s19  }
0x9c: {  	s7 =	simm.s32 $0x0;
	s20 =	sshll.u32 s5, $0x1;
	s5 =	sadd.s32 s21, s3  }
0x9d: {  	[timem:s7], [sflag:s22] =	dma.local [hbm:s5], s20  }
0x9e: {  	_ =	swait.ge [sflag:s22], s20  }
0x9f: {  	s4 =	ssub.s32 $0x0, s20;
	[sflag:s22] =	ssyncset.done $0x0  }
0xa0: {  	[sflag:s22] =	ssyncadd.s32 s4;
	_ =	sdelay $0x1  }
0xa1: {  	s23 =	simm.s32 $0x1B8B  }
0xa2: {  	_ =	swait.ge [sflag:s23], $0x1  }
0xa3: {  	[sflag:s23] =	ssyncset.done $0x0  }
0xa4: {  	s25 =	simm.s32 $0x1B8E;
	s24 =	sld [smem:$0x3FFE];
	[sflag:s23] =	ssyncadd.s32 $0xFFFFFFFF  }
0xa5: {  	s26 =	simm.s32 $execute0_lowered;
	[smem:$0x3FD2] =	sst s25  }
0xa6: {  	s5 =	sshll.u32 s26, $0x1;
	_ =	strace $0x80000046;
	[dreg:$0x1] =	wrdreg $0xFFFFFFFF  }
0xa7: {  	s28 =	simm.s32 $_size_execute0_lowered;
	s3 =	sadd.s32 s3, s5;
	[dreg:$0x0] =	wrdreg $0x0  }
0xa8: {  	s5 =	sshll.u32 s28, $0x1;
	[dreg:$0x2] =	wrdreg s3  }
0xa9: {  	[dreg:$0x3] =	wrdreg s5  }
0xaa: {  	[dreg:$0x4] =	wrdreg $0xC0  }
0xab: {  	_ =	task [dreg:s7], $0x5FFFF  }
0xac: {  	[dreg:$0x1] =	wrdreg $0xFFFFFFFF  }
0xad: {  	[dreg:$0x0] =	wrdreg $0x60  }
0xae: {  	[dreg:$0x2] =	wrdreg s24  }
0xaf: {  	[dreg:$0x3] =	wrdreg s2  }
0xb0: {  	[dreg:$0x4] =	wrdreg $0x30000  }
0xb1: {  	[dreg:$0x5] =	wrdreg $0x9  }
0xb2: {  	_ =	task.clear_ibuf [dreg:s7], $0x6FFFF;
	_ =	strace $0x90000046  }
0xb3: {  	s29 =	simm.s32 $0x9;
	_ =	strace $0x80000048  }
0xb4: {  	_ =	swait.ge [sflag:s29], $0x1  }
0xb5: {  	[sflag:s29] =	ssyncadd.s32 $0xFFFFFFFF  }
0xb6: {  	_ =	strace $0x90000048  }
0xb7: {  	_ =	sfence  }
0xb8: {  	s30 =	sld [smem:$0x0];
	_ =	sdelay $0x2  }
0xb9: {  	s31 =	sshll.u32 s1, $0xD;
	s1 =	sshrl.u32 s1, $0x2  }
0xba: {  	s3 =	sand.u32 $0x4000, s31;
	s1 =	sadd.s32 s1, s30  }
0xbb: {  	s0 =	sor.u32 s3, s0;
	s1 =	sshll.u32 s1, $0x11  }
0xbc: {  	s0 =	sor.u32 s1, s0  }
0xbd: {  	s0 =	sadd.s32 $0x8F2B, s0  }
0xbe: {  	[sflag:s0] =	ssyncadd.remote.s32 $0x1  }
0xbf: {  	_ =	sfence.sel $0xFFFF  }
0xc0: {  	[dreg:$0x0] =	wrdreg $0xFFFFFFFF;
	(pc) =	sbr.abs _section_cstart, $3  }
0xc1: {  	[dreg:$0x1] =	wrdreg $0xFFFFFFFF  }
0xc2: {  	_ =	task.clear_ibuf [dreg:s7], $0x2FFFF;
	_ =	strace $0x9FFFFFFF  }
0xc3: {  	(tm) =	ssettm $0x7FFFFFFF  }
tec
execute0_lowered:
.L_overlay_start_1:
0x0: {  	(tag) =	ssettag $0x1  }
0x1: {  	s9 =	rddreg [dreg:$0x0]  }
0x2: {  	s10 =	rddreg [dreg:$0x1]  }
0x3: {  	s2 =	rddreg [dreg:$0x2]  }
0x4: {  	s0 =	rddreg [dreg:$0x3];
	s4 =	srdreg.scid  }
0x5: {  	s3 =	simm.s32 $0x0;
	s1 =	stileid.u32;
	s16 =	simm.s32 $0x100  }
0x6: {  	s17 =	simm.s32 $0x180;
	s18 =	simm.s32 $0x200;
	s19 =	simm.s32 $0x280  }
0x7: {  	s20 =	simm.s32 $0x300;
	s21 =	simm.s32 $0x380;
	s22 =	simm.s32 $0x1  }
0x8: {  	s23 =	simm.s32 $0x0;
	s5 =	sand.u32 $0x1, s4;
	[smem:$0x7FF] =	sst s3  }
0x9: {  	s8 =	smul.u32 $0x2800, s1;
	s31 =	sshll.u32 s1, $0x6;
	s4 =	sshll.u32 s5, $0x4  }
0xa: {  	_ =	strace $0x80000047;
	s6 =	ssub.s32 $0x2, s5;
	s30 =	smul.u32 $0x28000, s5  }
0xb: {  	s12 =	sor.u32 s1, s4;
	s7 =	sshrl.u32 s8, $0x3;
	s11 =	sshrl.u32 s6, $0x1  }
0xc: {  	s4 =	sadd.s32 $0x17E00, s9;
	s14 =	sadd.s32 s8, s2;
	s13 =	smul.u32 $0x2800, s12  }
0xd: {  	s7 =	sadd.s32 s7, s9;
	s11 =	ssub.s32 s6, s11;
	s6 =	sor.u32 $0x1C02, s31  }
0xe: {  	p0 =	seq.s32 s12, $0x1F;
	s12 =	sshrl.u32 s14, $0x3;
	s14 =	simm.s32 $0x2800  }
0xf: {  	s5 =	sadd.s32 $0x18000, s7;
	s11 =	smax.u32 s11, $0x1;
	s29 =	sshrl.u32 s13, $0x3  }
0x10: {  	s13 =	sadd.s32 s8, s30;
	s8 =	sadd.s32 $0x17B40, s9;
	s15 =	sadd.s32 s9, s29  }
0x11: {  	s9 =	sadd.s32 $0x3FC0, s9;
	s13 =	sshrl.u32 s13, $0x3;
	s7 =	sadd.s32 $0xE040, s15  }
0x12: {  	s10 =	sadd.s32 s10, s13;
	s13 =	simm.s32 $0x2;
	s15 =	simm.s32 $0x80  }
.LBB2_1:
0x13: {  	[spmem:s12], [sflag:s6] =	dma.local [hbm:s5], $0x500  }
0x14: {  	_ =	swait.ge [sflag:s13], $0x500  }
0x15: {  	[sflag:s13] =	ssyncset.done $0x0  }
0x16: {  	[sflag:s13] =	ssyncadd.s32 $0xFFFFFB00  }
0x17: {  	[tilespmem:s14], [sflag:$0x2] =	stream.linear.gather [hbm4b:s4+s3], $0x800, $0x38;
	[tilespmem:$0x5800] =	vst v63  }
0x18: {  	_ =	swait.ge [sflag:s13], $0x800  }
0x19: {  	[sflag:s13] =	ssyncset.done $0x0  }
0x1a: {  	s24 =	simm.s32 @p0 $0x0;
	s25 =	simm.s32 @p0 $0x2;
	[sflag:s13] =	ssyncadd.s32 $0xFFFFF800  }
0x1b: {  	[tilespmem:s24], [sflag:$0x2] =	stream.linear.gather @p0 [hbm4b:s8+s24], $0xA00, $0x38;
	[tilespmem:$0x5800] =	vst v63  }
0x1c: {  	_ =	swait.ge @p0 [sflag:s25], $0xA00  }
0x1d: {  	[sflag:s25] =	ssyncset.done @p0 $0x0  }
0x1e: {  	s26 =	simm.s32 @p0 $0xA00;
	[sflag:s25] =	ssyncadd.s32 @p0 $0xFFFFF600  }
0x1f: {  	[tilespmem:s26], [sflag:$0x2] =	stream.linear.gather @p0 [hbm4b:s9+s24], $0x1E00, $0x38;
	[tilespmem:$0x5800] =	vst v63  }
0x20: {  	_ =	swait.ge @p0 [sflag:s25], $0x1E00  }
0x21: {  	[sflag:s25] =	ssyncset.done @p0 $0x0  }
0x22: {  	s24 =	simm.s32 @!p0 $0x0;
	[sflag:s25] =	ssyncadd.s32 @p0 $0xFFFFE200  }
0x23: {  	[tilespmem:s24], [sflag:$0x2] =	stream.linear.gather @!p0 [hbm4b:s7+s24], $0x2800, $0x38;
	[tilespmem:$0x5800] =	vst v63  }
0x24: {  	s24 =	simm.s32 @!p0 $0x2  }
0x25: {  	_ =	swait.ge @!p0 [sflag:s24], $0x2800  }
0x26: {  	[sflag:s24] =	ssyncset.done @!p0 $0x0  }
0x27: {  	[sflag:s24] =	ssyncadd.s32 @!p0 $0xFFFFD800  }
0x28: {  	[bflag:$0x0] =	sbarrier.arrive $0xFFFF  }
0x29: {  	[spmem:s2] =	stream.indirect.scatter.add.f32 [tilespmem:s14], [sflag:$0x1], $0x10, s3, s15, $0xb8;
	[tilespmem:$0x5800] =	vst v63  }
0x2a: {  	_ = 	snop  }
0x2b: {  	[spmem:s2] =	stream.indirect.scatter.add.f32 [tilespmem:s14], [sflag:$0x1], $0x10, s15, s15, $0xb8;
	[tilespmem:$0x5800] =	vst v63  }
0x2c: {  	_ = 	snop  }
0x2d: {  	[spmem:s2] =	stream.indirect.scatter.add.f32 [tilespmem:s14], [sflag:$0x1], $0x10, s16, s15, $0xb8;
	[tilespmem:$0x5800] =	vst v63  }
0x2e: {  	_ = 	snop  }
0x2f: {  	[spmem:s2] =	stream.indirect.scatter.add.f32 [tilespmem:s14], [sflag:$0x1], $0x10, s17, s15, $0xb8;
	[tilespmem:$0x5800] =	vst v63  }
0x30: {  	_ = 	snop  }
0x31: {  	[spmem:s2] =	stream.indirect.scatter.add.f32 [tilespmem:s14], [sflag:$0x1], $0x10, s18, s15, $0xb8;
	[tilespmem:$0x5800] =	vst v63  }
0x32: {  	_ = 	snop  }
0x33: {  	[spmem:s2] =	stream.indirect.scatter.add.f32 [tilespmem:s14], [sflag:$0x1], $0x10, s19, s15, $0xb8;
	[tilespmem:$0x5800] =	vst v63  }
0x34: {  	_ = 	snop  }
0x35: {  	[spmem:s2] =	stream.indirect.scatter.add.f32 [tilespmem:s14], [sflag:$0x1], $0x10, s20, s15, $0xb8;
	[tilespmem:$0x5800] =	vst v63  }
0x36: {  	_ = 	snop  }
0x37: {  	[spmem:s2] =	stream.indirect.scatter.add.f32 [tilespmem:s14], [sflag:$0x1], $0x10, s21, s15, $0xb8;
	[tilespmem:$0x5800] =	vst v63  }
0x38: {  	s29 =	simm.s32 $0x400  }
0x39: {  	[spmem:s2] =	stream.indirect.scatter.add.f32 [tilespmem:s14], [sflag:$0x1], $0x10, s29, s15, $0xb8;
	[tilespmem:$0x5800] =	vst v63  }
0x3a: {  	s30 =	simm.s32 $0x480  }
0x3b: {  	[spmem:s2] =	stream.indirect.scatter.add.f32 [tilespmem:s14], [sflag:$0x1], $0x10, s30, s15, $0xb8;
	[tilespmem:$0x5800] =	vst v63  }
0x3c: {  	s31 =	simm.s32 $0x500  }
0x3d: {  	[spmem:s2] =	stream.indirect.scatter.add.f32 [tilespmem:s14], [sflag:$0x1], $0x10, s31, s15, $0xb8;
	[tilespmem:$0x5800] =	vst v63  }
0x3e: {  	s25 =	simm.s32 $0x580  }
0x3f: {  	[spmem:s2] =	stream.indirect.scatter.add.f32 [tilespmem:s14], [sflag:$0x1], $0x10, s25, s15, $0xb8;
	[tilespmem:$0x5800] =	vst v63  }
0x40: {  	s26 =	simm.s32 $0x600  }
0x41: {  	[spmem:s2] =	stream.indirect.scatter.add.f32 [tilespmem:s14], [sflag:$0x1], $0x10, s26, s15, $0xb8;
	[tilespmem:$0x5800] =	vst v63  }
0x42: {  	s29 =	simm.s32 $0x680  }
0x43: {  	[spmem:s2] =	stream.indirect.scatter.add.f32 [tilespmem:s14], [sflag:$0x1], $0x10, s29, s15, $0xb8;
	[tilespmem:$0x5800] =	vst v63  }
0x44: {  	s30 =	simm.s32 $0x700  }
0x45: {  	[spmem:s2] =	stream.indirect.scatter.add.f32 [tilespmem:s14], [sflag:$0x1], $0x10, s30, s15, $0xb8;
	[tilespmem:$0x5800] =	vst v63  }
0x46: {  	s31 =	simm.s32 $0x780  }
0x47: {  	[spmem:s2] =	stream.indirect.scatter.add.f32 [tilespmem:s14], [sflag:$0x1], $0x10, s31, s15, $0xb8;
	[tilespmem:$0x5800] =	vst v63  }
0x48: {  	_ =	swait.ge [sflag:s22], $0x800  }
0x49: {  	[sflag:s22] =	ssyncset.done $0x0  }
0x4a: {  	[sflag:s22] =	ssyncadd.s32 $0xFFFFF800  }
0x4b: {  	_ =	swait.ge [sflag:s22], $0x800  }
0x4c: {  	[sflag:s22] =	ssyncset.done $0x0  }
0x4d: {  	[sflag:s22] =	ssyncadd.s32 $0xFFFFF800  }
0x4e: {  	_ =	swait.ge [sflag:s22], $0x800  }
0x4f: {  	[sflag:s22] =	ssyncset.done $0x0  }
0x50: {  	[sflag:s22] =	ssyncadd.s32 $0xFFFFF800  }
0x51: {  	_ =	swait.ge [sflag:s22], $0x800  }
0x52: {  	[sflag:s22] =	ssyncset.done $0x0  }
0x53: {  	[sflag:s22] =	ssyncadd.s32 $0xFFFFF800  }
0x54: {  	_ =	swait.ge [sflag:s22], $0x800  }
0x55: {  	[sflag:s22] =	ssyncset.done $0x0  }
0x56: {  	[sflag:s22] =	ssyncadd.s32 $0xFFFFF800  }
0x57: {  	_ =	swait.ge [sflag:s22], $0x800  }
0x58: {  	[sflag:s22] =	ssyncset.done $0x0  }
0x59: {  	[sflag:s22] =	ssyncadd.s32 $0xFFFFF800  }
0x5a: {  	_ =	swait.ge [sflag:s22], $0x800  }
0x5b: {  	[sflag:s22] =	ssyncset.done $0x0  }
0x5c: {  	[sflag:s22] =	ssyncadd.s32 $0xFFFFF800  }
0x5d: {  	_ =	swait.ge [sflag:s22], $0x800  }
0x5e: {  	s28 =	simm.s32 $0x2000;
	s26 =	simm.s32 $0x400;
	[sflag:s22] =	ssyncset.done $0x0  }
.LBB2_2:
0x5f: {  	s29 =	sadd.s32 $0x400, s26  }
0x60: {  	[sflag:s22] =	ssyncadd.s32 $0xFFFFF800;
	s25 =	smov.u32 s28;
	s24 =	sadd.s32 $0x1000, s28  }
0x61: {  	[spmem:s2] =	stream.indirect.scatter.add.f32 [tilespmem:s14], [sflag:$0x1], $0x10, s29, s15, $0xb8;
	[tilespmem:$0x5800] =	vst v63  }
0x62: {  	p1 =	sne.s32 s28, $0x8000;
	s28 =	sadd.s32 $0x480, s26  }
0x63: {  	[spmem:s2] =	stream.indirect.scatter.add.f32 [tilespmem:s14], [sflag:$0x1], $0x10, s28, s15, $0xb8;
	[tilespmem:$0x5800] =	vst v63  }
0x64: {  	s28 =	sadd.s32 $0x500, s26  }
0x65: {  	[spmem:s2] =	stream.indirect.scatter.add.f32 [tilespmem:s14], [sflag:$0x1], $0x10, s28, s15, $0xb8;
	[tilespmem:$0x5800] =	vst v63  }
0x66: {  	s28 =	sadd.s32 $0x580, s26  }
0x67: {  	[spmem:s2] =	stream.indirect.scatter.add.f32 [tilespmem:s14], [sflag:$0x1], $0x10, s28, s15, $0xb8;
	[tilespmem:$0x5800] =	vst v63  }
0x68: {  	s28 =	sadd.s32 $0x600, s26  }
0x69: {  	[spmem:s2] =	stream.indirect.scatter.add.f32 [tilespmem:s14], [sflag:$0x1], $0x10, s28, s15, $0xb8;
	[tilespmem:$0x5800] =	vst v63  }
0x6a: {  	s28 =	sadd.s32 $0x680, s26  }
0x6b: {  	[spmem:s2] =	stream.indirect.scatter.add.f32 [tilespmem:s14], [sflag:$0x1], $0x10, s28, s15, $0xb8;
	[tilespmem:$0x5800] =	vst v63  }
0x6c: {  	s28 =	sadd.s32 $0x700, s26  }
0x6d: {  	[spmem:s2] =	stream.indirect.scatter.add.f32 [tilespmem:s14], [sflag:$0x1], $0x10, s28, s15, $0xb8;
	[tilespmem:$0x5800] =	vst v63  }
0x6e: {  	s26 =	sadd.s32 $0x780, s26  }
0x6f: {  	[spmem:s2] =	stream.indirect.scatter.add.f32 [tilespmem:s14], [sflag:$0x1], $0x10, s26, s15, $0xb8;
	[tilespmem:$0x5800] =	vst v63  }
0x70: {  	_ =	swait.ge [sflag:s22], $0x800  }
0x71: {  	[sflag:s22] =	ssyncset.done $0x0  }
0x72: {  	[sflag:s22] =	ssyncadd.s32 $0xFFFFF800  }
0x73: {  	_ =	swait.ge [sflag:s22], $0x800  }
0x74: {  	[sflag:s22] =	ssyncset.done $0x0  }
0x75: {  	[sflag:s22] =	ssyncadd.s32 $0xFFFFF800  }
0x76: {  	_ =	swait.ge [sflag:s22], $0x800  }
0x77: {  	[sflag:s22] =	ssyncset.done $0x0  }
0x78: {  	[sflag:s22] =	ssyncadd.s32 $0xFFFFF800  }
0x79: {  	_ =	swait.ge [sflag:s22], $0x800  }
0x7a: {  	[sflag:s22] =	ssyncset.done $0x0  }
0x7b: {  	[sflag:s22] =	ssyncadd.s32 $0xFFFFF800  }
0x7c: {  	_ =	swait.ge [sflag:s22], $0x800  }
0x7d: {  	[sflag:s22] =	ssyncset.done $0x0  }
0x7e: {  	[sflag:s22] =	ssyncadd.s32 $0xFFFFF800  }
0x7f: {  	_ =	swait.ge [sflag:s22], $0x800  }
0x80: {  	[sflag:s22] =	ssyncset.done $0x0  }
0x81: {  	[sflag:s22] =	ssyncadd.s32 $0xFFFFF800  }
.Ltmp0:
0x82: {  	_ =	swait.ge [sflag:s22], $0x800;
	(pc) =	sbr.rel @p1 .LBB2_2-.Ltmp0, $4  }
0x83: {  	[sflag:s22] =	ssyncset.done $0x0  }
0x84: {  	[sflag:s22] =	ssyncadd.s32 $0xFFFFF800  }
0x85: {  	_ =	swait.ge [sflag:s22], $0x800  }
0x86: {  	s28 =	smov.u32 s24;
	s26 =	sshra.s32 s25, $0x2;
	[sflag:s22] =	ssyncset.done $0x0  }
0x87: {  	s24 =	sadd.s32 $0x400, s26;
	[sflag:s22] =	ssyncadd.s32 $0xFFFFF800  }
0x88: {  	[spmem:s2] =	stream.indirect.scatter.add.f32 [tilespmem:s14], [sflag:$0x1], $0x10, s24, s15, $0xb8;
	[tilespmem:$0x5800] =	vst v63  }
0x89: {  	s30 =	sadd.s32 $0x480, s26  }
0x8a: {  	[spmem:s2] =	stream.indirect.scatter.add.f32 [tilespmem:s14], [sflag:$0x1], $0x10, s30, s15, $0xb8;
	[tilespmem:$0x5800] =	vst v63  }
0x8b: {  	s31 =	sadd.s32 $0x500, s26  }
0x8c: {  	[spmem:s2] =	stream.indirect.scatter.add.f32 [tilespmem:s14], [sflag:$0x1], $0x10, s31, s15, $0xb8;
	[tilespmem:$0x5800] =	vst v63  }
0x8d: {  	s25 =	sadd.s32 $0x580, s26  }
0x8e: {  	[spmem:s2] =	stream.indirect.scatter.add.f32 [tilespmem:s14], [sflag:$0x1], $0x10, s25, s15, $0xb8;
	[tilespmem:$0x5800] =	vst v63  }
0x8f: {  	s28 =	sadd.s32 $0x600, s26  }
0x90: {  	[spmem:s2] =	stream.indirect.scatter.add.f32 [tilespmem:s14], [sflag:$0x1], $0x10, s28, s15, $0xb8;
	[tilespmem:$0x5800] =	vst v63  }
0x91: {  	s29 =	sadd.s32 $0x680, s26  }
0x92: {  	[spmem:s2] =	stream.indirect.scatter.add.f32 [tilespmem:s14], [sflag:$0x1], $0x10, s29, s15, $0xb8;
	[tilespmem:$0x5800] =	vst v63  }
0x93: {  	s30 =	sadd.s32 $0x700, s26  }
0x94: {  	[spmem:s2] =	stream.indirect.scatter.add.f32 [tilespmem:s14], [sflag:$0x1], $0x10, s30, s15, $0xb8;
	[tilespmem:$0x5800] =	vst v63  }
0x95: {  	s31 =	sadd.s32 $0x780, s26  }
0x96: {  	[spmem:s2] =	stream.indirect.scatter.add.f32 [tilespmem:s14], [sflag:$0x1], $0x10, s31, s15, $0xb8;
	[tilespmem:$0x5800] =	vst v63  }
0x97: {  	_ =	swait.ge [sflag:s22], $0x800  }
0x98: {  	[sflag:s22] =	ssyncset.done $0x0  }
0x99: {  	[sflag:s22] =	ssyncadd.s32 $0xFFFFF800  }
0x9a: {  	_ =	swait.ge [sflag:s22], $0x800  }
0x9b: {  	[sflag:s22] =	ssyncset.done $0x0  }
0x9c: {  	[sflag:s22] =	ssyncadd.s32 $0xFFFFF800  }
0x9d: {  	_ =	swait.ge [sflag:s22], $0x800  }
0x9e: {  	[sflag:s22] =	ssyncset.done $0x0  }
0x9f: {  	[sflag:s22] =	ssyncadd.s32 $0xFFFFF800  }
0xa0: {  	_ =	swait.ge [sflag:s22], $0x800  }
0xa1: {  	[sflag:s22] =	ssyncset.done $0x0  }
0xa2: {  	[sflag:s22] =	ssyncadd.s32 $0xFFFFF800  }
0xa3: {  	_ =	swait.ge [sflag:s22], $0x800  }
0xa4: {  	[sflag:s22] =	ssyncset.done $0x0  }
0xa5: {  	[sflag:s22] =	ssyncadd.s32 $0xFFFFF800  }
0xa6: {  	_ =	swait.ge [sflag:s22], $0x800  }
0xa7: {  	[sflag:s22] =	ssyncset.done $0x0  }
0xa8: {  	[sflag:s22] =	ssyncadd.s32 $0xFFFFF800  }
0xa9: {  	_ =	swait.ge [sflag:s22], $0x800  }
0xaa: {  	[sflag:s22] =	ssyncset.done $0x0  }
0xab: {  	[sflag:s22] =	ssyncadd.s32 $0xFFFFF800  }
0xac: {  	_ =	swait.ge [sflag:s22], $0x800  }
0xad: {  	[sflag:s22] =	ssyncset.done $0x0  }
0xae: {  	[sflag:s22] =	ssyncadd.s32 $0xFFFFF800  }
0xaf: {  	_ =	swait.ge [sflag:s22], $0x800  }
0xb0: {  	[sflag:s22] =	ssyncset.done $0x0  }
0xb1: {  	[sflag:s22] =	ssyncadd.s32 $0xFFFFF800  }
0xb2: {  	_ =	swait.ge [sflag:s22], $0x800  }
0xb3: {  	[sflag:s22] =	ssyncset.done $0x0  }
0xb4: {  	[sflag:s22] =	ssyncadd.s32 $0xFFFFF800  }
0xb5: {  	_ =	swait.ge [sflag:s22], $0x800  }
0xb6: {  	[sflag:s22] =	ssyncset.done $0x0  }
0xb7: {  	[sflag:s22] =	ssyncadd.s32 $0xFFFFF800  }
0xb8: {  	_ =	swait.ge [sflag:s22], $0x800  }
0xb9: {  	[sflag:s22] =	ssyncset.done $0x0  }
0xba: {  	[sflag:s22] =	ssyncadd.s32 $0xFFFFF800  }
0xbb: {  	_ =	swait.ge [sflag:s22], $0x800  }
0xbc: {  	[sflag:s22] =	ssyncset.done $0x0  }
0xbd: {  	[sflag:s22] =	ssyncadd.s32 $0xFFFFF800  }
0xbe: {  	_ =	swait.ge [sflag:s22], $0x800  }
0xbf: {  	[sflag:s22] =	ssyncset.done $0x0  }
0xc0: {  	[sflag:s22] =	ssyncadd.s32 $0xFFFFF800  }
0xc1: {  	_ =	swait.ge [sflag:s22], $0x800  }
0xc2: {  	[sflag:s22] =	ssyncset.done $0x0  }
0xc3: {  	[sflag:s22] =	ssyncadd.s32 $0xFFFFF800  }
0xc4: {  	_ =	swait.ge [sflag:s22], $0x800  }
0xc5: {  	s23 =	sadd.s32 $0x1, s23;
	[sflag:s22] =	ssyncset.done $0x0  }
0xc6: {  	p1 =	sne.s32 s23, s11;
	[sflag:s22] =	ssyncadd.s32 $0xFFFFF800  }
.Ltmp1:
0xc7: {  	[bflag:$0x0] =	sbarrier.arrive $0xFFFF;
	(pc) =	sbr.rel @p1 .LBB2_1-.Ltmp1, $4  }
0xc8: {  	[hbm:s10], [sflag:s6] =	dma.local [spmem:s12], $0x500  }
0xc9: {  	_ =	swait.ge [sflag:s13], $0x500  }
0xca: {  	[sflag:s13] =	ssyncset.done $0x0  }
0xcb: {  	[sflag:s13] =	ssyncadd.s32 $0xFFFFFB00  }
0xcc: {  	_ =	sfence.sel $0x180000  }
0xcd: {  	[bflag:$0x0] =	sbarrier.arrive $0xFFFF  }
0xce: {  	p0 =	sne.s32 s1, $0x0;
	_ =	strace $0x90000047  }
0xcf: {  	s0 =	sadd.s32 @!p0 $0x100000, s0;
	[bflag:$0x2] =	sbarrier.arrive $0xFFFF  }
0xd0: {  	[sflag:s0] =	ssyncadd.tile.s32 @!p0 $0x1;
	_ =	shalt  }
.Lfunc_end2:
_tile_overlayer_lowered:
.L_overlay_start_2:
0xd1: {  	(tag) =	ssettag $0x2  }
0xd2: {  	s0 =	rddreg [dreg:$0x0];
	s2 =	stileid.u32  }
0xd3: {  	s1 =	rddreg [dreg:$0x1];
	p0 =	sne.s32 s2, $0x0  }
0xd4: {  	s3 =	rddreg [dreg:$0x2];
	[bflag:$0x3] =	sbarrier.arrive $0xFFFF;
	s2 =	simm.s32 @!p0 $0x1C02  }
0xd5: {  	[timem:s3], [sflag:s2] =	dma.local @!p0 [hbm:s0], s1  }
0xd6: {  	s0 =	simm.s32 @!p0 $0x2  }
0xd7: {  	_ =	swait.ge @!p0 [sflag:s0], s1  }
0xd8: {  	s1 =	ssub.s32 @!p0 $0x0, s1;
	[sflag:s0] =	ssyncset.done @!p0 $0x0  }
0xd9: {  	[sflag:s0] =	ssyncadd.s32 @!p0 s1  }
0xda: {  	[bflag:$0x3] =	sbarrier.arrive $0xFFFF  }
0xdb: {  	_ =	shalt  }

// kernel: kernel.14.cloned.1.call-start
scs
__scs_entry_jumppad:
0x0: {  	(pc) =	sbr.rel $0x88, $3  }
0x1: {  	(tag) =	ssettag $0x0;
	lr =	simm.s32 $0x1  }
0x2: {  	[smem:$0x3F99] =	sst lr;
	_ =	strace $0xD0000000  }
0x3: {  	_ = 	snop  }
0x4: {  	_ = 	snop  }
0x5: {  	_ = 	snop  }
0x6: {  	_ = 	snop  }
0x7: {  	_ = 	snop  }
__scs_overlays_trampoline_lowered:
0x8: {  	[smem:$0x3FA8] =	sst s0  }
0x9: {  	[smem:$0x3FA9] =	sst s1  }
0xa: {  	[smem:$0x3FAA] =	sst s2  }
0xb: {  	[smem:$0x3FAB] =	sst s3  }
0xc: {  	[smem:$0x3FAC] =	sst s4  }
0xd: {  	[smem:$0x3FAD] =	sst s5  }
0xe: {  	[smem:$0x3FAE] =	sst s6  }
0xf: {  	[smem:$0x3FAF] =	sst s7  }
0x10: {  	[smem:$0x3FB0] =	sst s8  }
0x11: {  	[smem:$0x3FB1] =	sst s9;
	s0 =	simm.s32 @!p0 $0x0  }
0x12: {  	s1 =	sld [smem:$0x3F97];
	s0 =	simm.s32 @p0 $0x1  }
0x13: {  	[smem:$0x3FB2] =	sst s0;
	s0 =	simm.s32 @!p1 $0x0  }
0x14: {  	s2 =	sld [smem:$0x3F96];
	s0 =	simm.s32 @p1 $0x1  }
0x15: {  	[smem:$0x3FB3] =	sst s0;
	s0 =	simm.s32 @!p2 $0x0  }
0x16: {  	s3 =	sld [smem:$0x3FDB];
	s0 =	simm.s32 @p2 $0x1  }
0x17: {  	s4 =	simm.s32 $0x1BF5;
	[smem:$0x3FB5] =	sst s0  }
0x18: {  	s0 =	sld [smem:$0x3F98];
	_ =	swait.ge [sflag:s4], $0x0  }
0x19: {  	s7 =	sld [smem:$0x3F99]  }
0x1a: {  	s8 =	sadd.s32 $0xFFFFE003, lr  }
0x1b: {  	s9 =	sadd.s32 $0xFFFFFEF7, lr;
	s5 =	simm.s32 $0xFFFFFFFF;
	p2 =	slt.u32 s8, $0xFFFFF086  }
0x1c: {  	p1 =	slt.u32 s9, $0xF7A;
	s5 =	simm.s32 @!p2 $0x0  }
0x1d: {  	s5 =	simm.s32 @p1 $0x1;
	p0 =	seq.s32 s7, s2  }
0x1e: {  	s7 =	smul.u32 @!p0 $0xF7A, s2;
	p2 =	seq.s32 @!p0 s5, $0x0  }
0x1f: {  	s9 =	smul.u32 $0xF7A, s1;
	s8 =	simm.s32 @!p0 $0x1BF5;
	p2 =	por !p2, p0  }
0x20: {  	[sflag:s8] =	ssyncset.s32 @!p0 $0xFFFFF086;
	s6 =	sadd.s32 @!p0 s3, s7;
	s7 =	simm.s32 @!p0 $0x108  }
0x21: {  	s3 =	sadd.s32 s3, s9;
	s6 =	sadd.s32 @!p0 $0x88, s6;
	s7 =	simm.s32 @p2 $0x1082  }
0x22: {  	[simem:s7], [sflag:s8] =	dma.local @!p0 [hbm:s6], $0xF7A  }
0x23: {  	s9 =	sor.u32 $0xD0000000, s2;
	s6 =	simm.s32 $0x108;
	_ =	swait.ge @!p0 [sflag:s8], $0x0  }
0x24: {  	s3 =	sadd.s32 $0x88, s3;
	s6 =	simm.s32 @!p1 $0x1082;
	[sflag:s4] =	ssyncset.s32 $0xFFFFF086  }
0x25: {  	[simem:s6], [sflag:s4] =	dma.local [hbm:s3], $0xF7A  }
0x26: {  	[smem:$0x3F99] =	sst s1;
	(tag) =	ssettag s2;
	_ =	strace s9  }
0x27: {  	s1 =	sld [smem:$0x3FA9]  }
0x28: {  	s2 =	sld [smem:$0x3FAA]  }
0x29: {  	s4 =	sld [smem:$0x3FAC]  }
0x2a: {  	p0 =	seq.s32 s5, $0x0;
	s5 =	sld [smem:$0x3FAD]  }
0x2b: {  	s6 =	sld [smem:$0x3FAE]  }
0x2c: {  	s7 =	sld [smem:$0x3FAF]  }
0x2d: {  	s3 =	simm.s32 $0x108;
	s8 =	sld [smem:$0x3FB0]  }
0x2e: {  	s3 =	simm.s32 @!p0 $0x1082;
	s9 =	sld [smem:$0x3FB1]  }
0x2f: {  	lr =	sadd.s32 s0, s3;
	s0 =	sld [smem:$0x3FA8]  }
0x30: {  	s3 =	sld [smem:$0x3FAB]  }
0x31: {  	[smem:$0x3FB4] =	sst s10  }
0x32: {  	s10 =	sld [smem:$0x3FB2];
	_ =	sdelay $0x3  }
0x33: {  	p0 =	seq.s32 s10, $0x1;
	s10 =	sld [smem:$0x3FB4];
	_ =	sdelay $0x3  }
0x34: {  	[smem:$0x3FB4] =	sst s10  }
0x35: {  	s10 =	sld [smem:$0x3FB3];
	_ =	sdelay $0x3  }
0x36: {  	p1 =	seq.s32 s10, $0x1;
	s10 =	sld [smem:$0x3FB4];
	_ =	sdelay $0x3  }
0x37: {  	[smem:$0x3FB4] =	sst s10  }
0x38: {  	s10 =	sld [smem:$0x3FB5]  }
0x39: {  	_ = 	snop;
	(pc) =	sbr.ind lr, $3  }
0x3a: {  	_ = 	snop  }
0x3b: {  	_ = 	snop  }
0x3c: {  	p2 =	seq.s32 s10, $0x1;
	s10 =	sld [smem:$0x3FB4]  }
0x3d: {  	_ =	shalt  }
0x3e: {  	_ =	shalt  }
0x3f: {  	_ =	shalt  }
0x40: {  	_ =	shalt  }
0x41: {  	_ =	shalt  }
0x42: {  	_ =	shalt  }
0x43: {  	_ =	shalt  }
0x44: {  	_ =	shalt  }
0x45: {  	_ =	shalt  }
0x46: {  	_ =	shalt  }
0x47: {  	_ =	shalt  }
0x48: {  	_ =	shalt  }
0x49: {  	_ =	shalt  }
0x4a: {  	_ =	shalt  }
0x4b: {  	_ =	shalt  }
0x4c: {  	_ =	shalt  }
0x4d: {  	_ =	shalt  }
0x4e: {  	_ =	shalt  }
0x4f: {  	_ =	shalt  }
0x50: {  	_ =	shalt  }
0x51: {  	_ =	shalt  }
0x52: {  	_ =	shalt  }
0x53: {  	_ =	shalt  }
0x54: {  	_ =	shalt  }
0x55: {  	_ =	shalt  }
0x56: {  	_ =	shalt  }
0x57: {  	_ =	shalt  }
0x58: {  	_ =	shalt  }
0x59: {  	_ =	shalt  }
0x5a: {  	_ =	shalt  }
0x5b: {  	_ =	shalt  }
0x5c: {  	_ =	shalt  }
0x5d: {  	_ =	shalt  }
0x5e: {  	_ =	shalt  }
0x5f: {  	_ =	shalt  }
0x60: {  	_ =	shalt  }
0x61: {  	_ =	shalt  }
0x62: {  	_ =	shalt  }
0x63: {  	_ =	shalt  }
0x64: {  	_ =	shalt  }
0x65: {  	_ =	shalt  }
0x66: {  	_ =	shalt  }
0x67: {  	_ =	shalt  }
0x68: {  	_ =	shalt  }
0x69: {  	_ =	shalt  }
0x6a: {  	_ =	shalt  }
0x6b: {  	_ =	shalt  }
0x6c: {  	_ =	shalt  }
0x6d: {  	_ =	shalt  }
0x6e: {  	_ =	shalt  }
0x6f: {  	_ =	shalt  }
0x70: {  	_ =	shalt  }
0x71: {  	_ =	shalt  }
0x72: {  	_ =	shalt  }
0x73: {  	_ =	shalt  }
0x74: {  	_ =	shalt  }
0x75: {  	_ =	shalt  }
0x76: {  	_ =	shalt  }
0x77: {  	_ =	shalt  }
0x78: {  	_ =	shalt  }
0x79: {  	_ =	shalt  }
0x7a: {  	_ =	shalt  }
0x7b: {  	_ =	shalt  }
0x7c: {  	_ =	shalt  }
0x7d: {  	_ =	shalt  }
0x7e: {  	_ =	shalt  }
0x7f: {  	_ =	shalt  }
0x80: {  	_ =	shalt  }
0x81: {  	_ =	shalt  }
0x82: {  	_ =	shalt  }
0x83: {  	_ =	shalt  }
0x84: {  	_ =	shalt  }
0x85: {  	_ =	shalt  }
0x86: {  	_ =	shalt  }
0x87: {  	_ =	shalt  }
.Lfunc_end0:
.L_simem_size_0:
called_computation.1_lowered:
.L_overlay_start_0:
0x88: {  	s2 =	sld [smem:$0x3FD9]  }
0x89: {  	s3 =	sld [smem:$0x3FFE];
	_ =	sdelay $0x1  }
0x8a: {  	s1 =	srdreg.scid  }
0x8b: {  	s0 =	sand.u32 $0x1, s1  }
0x8c: {  	s17 =	sshll.u32 s0, $0xA;
	s2 =	sadd.s32 s3, s2  }
0x8d: {  	s2 =	sadd.s32 s2, s17  }
0x8e: {  	[smem:$0x3FC0] =	sst s2  }
0x8f: {  	_ = 	snop  }
0x90: {  	s2 =	sld [smem:$0x3FD0];
	(tm) =	ssettm $0x1  }
0x91: {  	s18 =	sld [smem:$0x3FFB];
	_ =	sdelay $0x3  }
0x92: {  	_ =	strace s18  }
0x93: {  	s3 =	sld [smem:$0x3FFC];
	_ =	sdelay $0x3  }
0x94: {  	_ =	strace s3  }
0x95: {  	s3 =	sld [smem:$0x3FFD];
	_ =	sdelay $0x3  }
0x96: {  	_ =	strace s3  }
0x97: {  	_ =	strace $0x8FFFFFFF  }
0x98: {  	s19 =	sld [smem:$0x3FDB];
	_ =	sdelay $0x1  }
0x99: {  	s4 =	simm.s32 $_scs_section_size  }
0x9a: {  	s5 =	simm.s32 $_size__tile_overlayer_lowered;
	s6 =	simm.s32 $_tile_overlayer_lowered  }
0x9b: {  	s22 =	simm.s32 $0x1BFF;
	s21 =	sshll.u32 s6, $0x1;
	s3 =	sadd.s32 s4, s19  }
0x9c: {  	s7 =	simm.s32 $0x0;
	s20 =	sshll.u32 s5, $0x1;
	s5 =	sadd.s32 s21, s3  }
0x9d: {  	[timem:s7], [sflag:s22] =	dma.local [hbm:s5], s20  }
0x9e: {  	_ =	swait.ge [sflag:s22], s20  }
0x9f: {  	s4 =	ssub.s32 $0x0, s20;
	[sflag:s22] =	ssyncset.done $0x0  }
0xa0: {  	[sflag:s22] =	ssyncadd.s32 s4;
	_ =	sdelay $0x1  }
0xa1: {  	s23 =	simm.s32 $0x1B8B  }
0xa2: {  	_ =	swait.ge [sflag:s23], $0x1  }
0xa3: {  	[sflag:s23] =	ssyncset.done $0x0  }
0xa4: {  	s25 =	simm.s32 $0x1B8E;
	s24 =	sld [smem:$0x3FFE];
	[sflag:s23] =	ssyncadd.s32 $0xFFFFFFFF  }
0xa5: {  	s26 =	simm.s32 $execute0_lowered;
	[smem:$0x3FD2] =	sst s25  }
0xa6: {  	s5 =	sshll.u32 s26, $0x1;
	_ =	strace $0x80000049;
	[dreg:$0x1] =	wrdreg $0xFFFFFFFF  }
0xa7: {  	s28 =	simm.s32 $_size_execute0_lowered;
	s3 =	sadd.s32 s3, s5;
	[dreg:$0x0] =	wrdreg $0x0  }
0xa8: {  	s5 =	sshll.u32 s28, $0x1;
	[dreg:$0x2] =	wrdreg s3  }
0xa9: {  	[dreg:$0x3] =	wrdreg s5  }
0xaa: {  	[dreg:$0x4] =	wrdreg $0xC0  }
0xab: {  	_ =	task [dreg:s7], $0x5FFFF  }
0xac: {  	[dreg:$0x1] =	wrdreg $0xFFFFFFFF  }
0xad: {  	[dreg:$0x0] =	wrdreg $0x60  }
0xae: {  	[dreg:$0x2] =	wrdreg s24  }
0xaf: {  	[dreg:$0x3] =	wrdreg s2  }
0xb0: {  	[dreg:$0x4] =	wrdreg $0xA0000  }
0xb1: {  	[dreg:$0x5] =	wrdreg $0x9  }
0xb2: {  	_ =	task.clear_ibuf [dreg:s7], $0x6FFFF;
	_ =	strace $0x90000049  }
0xb3: {  	s29 =	simm.s32 $0x9;
	_ =	strace $0x8000004B  }
0xb4: {  	_ =	swait.ge [sflag:s29], $0x1  }
0xb5: {  	[sflag:s29] =	ssyncadd.s32 $0xFFFFFFFF  }
0xb6: {  	_ =	strace $0x9000004B  }
0xb7: {  	_ =	sfence  }
0xb8: {  	s30 =	sld [smem:$0x0];
	_ =	sdelay $0x2  }
0xb9: {  	s31 =	sshll.u32 s1, $0xD;
	s1 =	sshrl.u32 s1, $0x2  }
0xba: {  	s3 =	sand.u32 $0x4000, s31;
	s1 =	sadd.s32 s1, s30  }
0xbb: {  	s0 =	sor.u32 s3, s0;
	s1 =	sshll.u32 s1, $0x11  }
0xbc: {  	s0 =	sor.u32 s1, s0  }
0xbd: {  	s0 =	sadd.s32 $0x8F2B, s0  }
0xbe: {  	[sflag:s0] =	ssyncadd.remote.s32 $0x1  }
0xbf: {  	_ =	sfence.sel $0xFFFF  }
0xc0: {  	[dreg:$0x0] =	wrdreg $0xFFFFFFFF;
	(pc) =	sbr.abs _section_cstart, $3  }
0xc1: {  	[dreg:$0x1] =	wrdreg $0xFFFFFFFF  }
0xc2: {  	_ =	task.clear_ibuf [dreg:s7], $0x2FFFF;
	_ =	strace $0x9FFFFFFF  }
0xc3: {  	(tm) =	ssettm $0x7FFFFFFF  }
tec
execute0_lowered:
.L_overlay_start_1:
0x0: {  	(tag) =	ssettag $0x1  }
0x1: {  	s1 =	rddreg [dreg:$0x0]  }
0x2: {  	s0 =	srdreg.scid;
	s3 =	rddreg [dreg:$0x1]  }
0x3: {  	s11 =	stileid.u32;
	s2 =	rddreg [dreg:$0x2];
	s20 =	simm.s32 $0x0  }
0x4: {  	s16 =	simm.s32 $0x5;
	s17 =	simm.s32 $0x80;
	s18 =	simm.s32 $0x5000  }
0x5: {  	s19 =	simm.s32 $0x5800;
	s28 =	simm.s32 $0x2;
	s29 =	simm.s32 $0x7800  }
0x6: {  	s30 =	simm.s32 $0x8000;
	s31 =	simm.s32 $0x8800;
	s0 =	sand.u32 $0x1, s0  }
0x7: {  	[smem:$0x7FF] =	sst s20;
	s10 =	smul.u32 $0x2800, s11;
	s8 =	sadd.s32 $0x3C00, s1  }
0x8: {  	s23 =	sshll.u32 s11, $0x6;
	s26 =	sadd.s32 $0xDF00, s1;
	s12 =	sadd.s32 $0x3FC0, s1  }
0x9: {  	s20 =	simm.s32 $0x0;
	s4 =	sshll.u32 s0, $0x4;
	_ =	strace $0x8000004A  }
0xa: {  	s7 =	ssub.s32 $0x2, s0;
	[dreg:$0x4] =	wrdreg s8;
	s0 =	smul.u32 $0x28000, s0  }
0xb: {  	[dreg:$0x8] =	wrdreg s26;
	s26 =	simm.s32 $0x4;
	s5 =	sor.u32 s11, s4  }
0xc: {  	s4 =	sadd.s32 $0x1D000, s1;
	s21 =	sshrl.u32 s10, $0x3;
	s22 =	sshrl.u32 s7, $0x1  }
0xd: {  	s15 =	sadd.s32 s10, s2;
	s11 =	sadd.s32 $0x17B40, s1;
	s6 =	smul.u32 $0x2800, s5  }
0xe: {  	s14 =	ssub.s32 s7, s22;
	s7 =	sor.u32 $0x1C05, s23;
	s0 =	sadd.s32 s10, s0  }
0xf: {  	p0 =	seq.s32 s5, $0x1F;
	s15 =	sshrl.u32 s15, $0x3;
	s23 =	simm.s32 $0x6800  }
0x10: {  	s0 =	sshrl.u32 s0, $0x3;
	s14 =	smax.u32 s14, $0x1;
	s6 =	sshrl.u32 s6, $0x3  }
.Ltmp0:
0x11: {  	s9 =	sadd.s32 s6, s1;
	s6 =	sadd.s32 s21, s1;
	(pc) =	sbr.rel .LBB2_1-.Ltmp0, $4  }
0x12: {  	s13 =	sadd.s32 s3, s0;
	s0 =	simm.s32 $0x9800;
	s6 =	sadd.s32 $0x18000, s6  }
0x13: {  	s3 =	simm.s32 $0x3;
	s24 =	sadd.s32 $0x4400, s9;
	[dreg:$0x5] =	wrdreg s6  }
0x14: {  	s21 =	simm.s32 $0x6000;
	s25 =	sadd.s32 $0xE040, s9;
	[dreg:$0x6] =	wrdreg s24  }
0x15: {  	s1 =	simm.s32 $0x9000;
	[dreg:$0x7] =	wrdreg s25;
	s25 =	simm.s32 $0x7000  }
.LBB2_6:
0x16: {  	_ =	swait.ge [sflag:s26], $0x800  }
0x17: {  	[sflag:s26] =	ssyncset.done $0x0  }
0x18: {  	[sflag:s26] =	ssyncadd.s32 $0xFFFFF800  }
0x19: {  	_ =	swait.ge [sflag:s26], $0x800  }
0x1a: {  	[sflag:s26] =	ssyncset.done $0x0  }
0x1b: {  	[sflag:s26] =	ssyncadd.s32 $0xFFFFF800  }
0x1c: {  	_ =	swait.ge [sflag:s26], $0x800  }
0x1d: {  	[sflag:s26] =	ssyncset.done $0x0  }
0x1e: {  	[sflag:s26] =	ssyncadd.s32 $0xFFFFF800  }
0x1f: {  	_ =	swait.ge [sflag:s26], $0x800  }
0x20: {  	[sflag:s26] =	ssyncset.done $0x0  }
0x21: {  	[sflag:s26] =	ssyncadd.s32 $0xFFFFF800  }
0x22: {  	_ =	swait.ge [sflag:s26], $0x800  }
0x23: {  	s20 =	sadd.s32 $0x1, s20;
	[sflag:s26] =	ssyncset.done $0x0  }
0x24: {  	p1 =	sne.s32 s20, s14;
	[sflag:s26] =	ssyncadd.s32 $0xFFFFF800  }
.Ltmp1:
0x25: {  	[bflag:$0x0] =	sbarrier.arrive $0xFFFF;
	(pc) =	sbr.rel @!p1 .LBB2_7-.Ltmp1, $4  }
0x26: {  	[hbm:s13], [sflag:s7] =	dma.local [spmem:s15], $0x500  }
0x27: {  	_ =	swait.ge [sflag:s16], $0x500  }
0x28: {  	[sflag:s16] =	ssyncset.done $0x0  }
0x29: {  	[sflag:s16] =	ssyncadd.s32 $0xFFFFFB00  }
.LBB2_1:
0x2a: {  	s5 =	rddreg [dreg:$0x5]  }
0x2b: {  	[spmem:s15], [sflag:s7] =	dma.local [hbm:s5], $0x500  }
0x2c: {  	_ =	swait.ge [sflag:s16], $0x500  }
0x2d: {  	s22 =	simm.s32 @p0 $0x5;
	[sflag:s16] =	ssyncset.done $0x0  }
0x2e: {  	s5 =	simm.s32 @p0 $0x0;
	s6 =	rddreg [dreg:$0x8];
	[sflag:s16] =	ssyncadd.s32 $0xFFFFFB00  }
0x2f: {  	[tilespmem:s5], [sflag:$0x5] =	stream.linear.gather @p0 [hbm4b:s6+s5], $0xA00, $0x38;
	[tilespmem:$0xC800] =	vst v63  }
0x30: {  	_ =	swait.ge @p0 [sflag:s22], $0xA00  }
0x31: {  	[sflag:s22] =	ssyncset.done @p0 $0x0  }
0x32: {  	s24 =	simm.s32 @p0 $0x2800;
	[sflag:s22] =	ssyncadd.s32 @p0 $0xFFFFF600  }
0x33: {  	[tilespmem:s24], [sflag:$0x5] =	stream.linear.gather @p0 [hbm4b:s11+s5], $0xA00, $0x38;
	[tilespmem:$0xC800] =	vst v63  }
0x34: {  	_ =	swait.ge @p0 [sflag:s22], $0xA00  }
0x35: {  	[sflag:s22] =	ssyncset.done @p0 $0x0  }
0x36: {  	s24 =	simm.s32 @p0 $0xA00;
	s6 =	rddreg [dreg:$0x4];
	[sflag:s22] =	ssyncadd.s32 @p0 $0xFFFFF600  }
0x37: {  	[tilespmem:s24], [sflag:$0x5] =	stream.linear.gather @p0 [hbm4b:s6+s5], $0x1E00, $0x38;
	[tilespmem:$0xC800] =	vst v63  }
0x38: {  	_ =	swait.ge @p0 [sflag:s22], $0x1E00  }
0x39: {  	[sflag:s22] =	ssyncset.done @p0 $0x0  }
0x3a: {  	s24 =	simm.s32 @p0 $0x3200;
	[sflag:s22] =	ssyncadd.s32 @p0 $0xFFFFE200  }
0x3b: {  	[tilespmem:s24], [sflag:$0x5] =	stream.linear.gather @p0 [hbm4b:s12+s5], $0x1E00, $0x38;
	[tilespmem:$0xC800] =	vst v63  }
0x3c: {  	_ =	swait.ge @p0 [sflag:s22], $0x1E00  }
0x3d: {  	s5 =	simm.s32 @!p0 $0x0;
	[sflag:s22] =	ssyncset.done @p0 $0x0  }
0x3e: {  	s6 =	rddreg [dreg:$0x6];
	[sflag:s22] =	ssyncadd.s32 @p0 $0xFFFFE200;
	s22 =	simm.s32 @!p0 $0x5  }
0x3f: {  	[tilespmem:s5], [sflag:$0x5] =	stream.linear.gather @!p0 [hbm4b:s6+s5], $0x2800, $0x38;
	[tilespmem:$0xC800] =	vst v63  }
0x40: {  	_ =	swait.ge @!p0 [sflag:s22], $0x2800  }
0x41: {  	[sflag:s22] =	ssyncset.done @!p0 $0x0  }
0x42: {  	s24 =	simm.s32 @!p0 $0x2800;
	s6 =	rddreg [dreg:$0x7];
	[sflag:s22] =	ssyncadd.s32 @!p0 $0xFFFFD800  }
0x43: {  	[tilespmem:s24], [sflag:$0x5] =	stream.linear.gather @!p0 [hbm4b:s6+s5], $0x2800, $0x38;
	[tilespmem:$0xC800] =	vst v63  }
0x44: {  	_ =	swait.ge @!p0 [sflag:s22], $0x2800  }
0x45: {  	[sflag:s22] =	ssyncset.done @!p0 $0x0  }
0x46: {  	[sflag:s22] =	ssyncadd.s32 @!p0 $0xFFFFD800  }
0x47: {  	s9 =	simm.s32 $0x0;
	[bflag:$0x0] =	sbarrier.arrive $0xFFFF  }
0x48: {  	[tilespmem:s18], [sflag:$0x1] =	stream.indirect.gather [hbm4b:s4+s17], $0x10, s9, s17, $0xb8;
	[tilespmem:$0xC800] =	vst v63  }
0x49: {  	_ = 	snop  }
0x4a: {  	[tilespmem:s19], [sflag:$0x1] =	stream.indirect.gather [hbm4b:s4+s17], $0x10, s17, s17, $0xb8;
	[tilespmem:$0xC800] =	vst v63  }
0x4b: {  	s10 =	simm.s32 $0x100  }
0x4c: {  	[tilespmem:s21], [sflag:$0x1] =	stream.indirect.gather [hbm4b:s4+s17], $0x10, s10, s17, $0xb8;
	[tilespmem:$0xC800] =	vst v63  }
.Ltmp2:
0x4d: {  	s22 =	simm.s32 $0x180;
	(pc) =	sbr.rel .LBB2_2-.Ltmp2, $4  }
0x4e: {  	[tilespmem:s23], [sflag:$0x1] =	stream.indirect.gather [hbm4b:s4+s17], $0x10, s22, s17, $0xb8;
	[tilespmem:$0xC800] =	vst v63  }
0x4f: {  	s24 =	simm.s32 $0x200  }
0x50: {  	[tilespmem:s25], [sflag:$0x1] =	stream.indirect.gather [hbm4b:s4+s17], $0x10, s24, s17, $0xb8;
	[tilespmem:$0xC800] =	vst v63  }
0x51: {  	s22 =	simm.s32 $0x0;
	s24 =	simm.s32 $0x0  }
.LBB2_5:
0x52: {  	s22 =	sadd.s32 $0xA00, s22  }
0x53: {  	p1 =	sne.s32 s22, $0xA000  }
.Ltmp3:
0x54: {  	_ = 	snop;
	(pc) =	sbr.rel @!p1 .LBB2_6-.Ltmp3, $2  }
0x55: {  	_ =	sdelay $0x2  }
0x56: {  	s24 =	sadd.s32 $0x1, s24  }
.LBB2_2:
0x57: {  	s5 =	sand.u32 $0x1, s24  }
0x58: {  	p1 =	seq.s32 s5, $0x1  }
0x59: {  	s6 =	simm.s32 @!p1 $0x1  }
0x5a: {  	_ =	swait.ge @!p1 [sflag:s6], $0x800  }
0x5b: {  	[sflag:s6] =	ssyncset.done @!p1 $0x0  }
0x5c: {  	[sflag:s6] =	ssyncadd.s32 @!p1 $0xFFFFF800  }
0x5d: {  	_ =	swait.ge @!p1 [sflag:s6], $0x800  }
0x5e: {  	[sflag:s6] =	ssyncset.done @!p1 $0x0  }
0x5f: {  	[sflag:s6] =	ssyncadd.s32 @!p1 $0xFFFFF800  }
0x60: {  	_ =	swait.ge @!p1 [sflag:s6], $0x800  }
0x61: {  	[sflag:s6] =	ssyncset.done @!p1 $0x0  }
0x62: {  	[sflag:s6] =	ssyncadd.s32 @!p1 $0xFFFFF800  }
0x63: {  	_ =	swait.ge @!p1 [sflag:s6], $0x800  }
0x64: {  	[sflag:s6] =	ssyncset.done @!p1 $0x0  }
0x65: {  	[sflag:s6] =	ssyncadd.s32 @!p1 $0xFFFFF800  }
0x66: {  	_ =	swait.ge @!p1 [sflag:s6], $0x800  }
0x67: {  	[sflag:s6] =	ssyncset.done @!p1 $0x0  }
0x68: {  	[sflag:s6] =	ssyncadd.s32 @!p1 $0xFFFFF800;
	s6 =	sshra.s32 @!p1 s22, $0x2  }
0x69: {  	s9 =	simm.s32 @!p1 $0x80;
	s10 =	simm.s32 @!p1 $0x5000;
	s8 =	sadd.s32 @!p1 $0x2800, s6  }
0x6a: {  	[spmem:s2] =	stream.indirect.scatter.add.f32 @!p1 [tilespmem:s10], [sflag:$0x3], $0x10, s8, s9, $0xb8;
	[tilespmem:$0xC800] =	vst v63  }
0x6b: {  	s8 =	sadd.s32 @!p1 $0x2880, s6;
	s10 =	simm.s32 @!p1 $0x5800  }
0x6c: {  	[spmem:s2] =	stream.indirect.scatter.add.f32 @!p1 [tilespmem:s10], [sflag:$0x3], $0x10, s8, s9, $0xb8;
	[tilespmem:$0xC800] =	vst v63  }
0x6d: {  	s8 =	sadd.s32 @!p1 $0x2900, s6;
	s10 =	simm.s32 @!p1 $0x6000  }
0x6e: {  	[spmem:s2] =	stream.indirect.scatter.add.f32 @!p1 [tilespmem:s10], [sflag:$0x3], $0x10, s8, s9, $0xb8;
	[tilespmem:$0xC800] =	vst v63  }
0x6f: {  	p2 =	seq.s32 @!p1 s22, $0x0;
	s8 =	sadd.s32 @!p1 $0x2980, s6;
	s10 =	simm.s32 @!p1 $0x6800  }
0x70: {  	[spmem:s2] =	stream.indirect.scatter.add.f32 @!p1 [tilespmem:s10], [sflag:$0x3], $0x10, s8, s9, $0xb8;
	[tilespmem:$0xC800] =	vst v63  }
0x71: {  	p2 =	por p2, p1;
	s8 =	sadd.s32 @!p1 $0x2A00, s6;
	s10 =	simm.s32 @!p1 $0x7000  }
0x72: {  	[spmem:s2] =	stream.indirect.scatter.add.f32 @!p1 [tilespmem:s10], [sflag:$0x3], $0x10, s8, s9, $0xb8;
	[tilespmem:$0xC800] =	vst v63  }
0x73: {  	s8 =	simm.s32 @!p2 $0x4  }
0x74: {  	_ =	swait.ge @!p2 [sflag:s8], $0x800  }
0x75: {  	[sflag:s8] =	ssyncset.done @!p2 $0x0  }
0x76: {  	[sflag:s8] =	ssyncadd.s32 @!p2 $0xFFFFF800  }
0x77: {  	_ =	swait.ge @!p2 [sflag:s8], $0x800  }
0x78: {  	[sflag:s8] =	ssyncset.done @!p2 $0x0  }
0x79: {  	[sflag:s8] =	ssyncadd.s32 @!p2 $0xFFFFF800  }
0x7a: {  	_ =	swait.ge @!p2 [sflag:s8], $0x800  }
0x7b: {  	[sflag:s8] =	ssyncset.done @!p2 $0x0  }
0x7c: {  	[sflag:s8] =	ssyncadd.s32 @!p2 $0xFFFFF800  }
0x7d: {  	_ =	swait.ge @!p2 [sflag:s8], $0x800  }
0x7e: {  	[sflag:s8] =	ssyncset.done @!p2 $0x0  }
0x7f: {  	[sflag:s8] =	ssyncadd.s32 @!p2 $0xFFFFF800  }
0x80: {  	_ =	swait.ge @!p2 [sflag:s8], $0x800  }
0x81: {  	[sflag:s8] =	ssyncset.done @!p2 $0x0  }
0x82: {  	s10 =	simm.s32 @!p1 $0x7800;
	[sflag:s8] =	ssyncadd.s32 @!p2 $0xFFFFF800;
	s8 =	sadd.s32 @!p1 $0x280, s6  }
0x83: {  	[tilespmem:s10], [sflag:$0x2] =	stream.indirect.gather @!p1 [hbm4b:s4+s9], $0x10, s8, s9, $0xb8;
	[tilespmem:$0xC800] =	vst v63  }
0x84: {  	s8 =	sadd.s32 @!p1 $0x300, s6;
	s10 =	simm.s32 @!p1 $0x8000  }
0x85: {  	[tilespmem:s10], [sflag:$0x2] =	stream.indirect.gather @!p1 [hbm4b:s4+s9], $0x10, s8, s9, $0xb8;
	[tilespmem:$0xC800] =	vst v63  }
0x86: {  	s8 =	sadd.s32 @!p1 $0x380, s6;
	s10 =	simm.s32 @!p1 $0x8800  }
0x87: {  	[tilespmem:s10], [sflag:$0x2] =	stream.indirect.gather @!p1 [hbm4b:s4+s9], $0x10, s8, s9, $0xb8;
	[tilespmem:$0xC800] =	vst v63  }
0x88: {  	s8 =	sadd.s32 @!p1 $0x400, s6;
	s10 =	simm.s32 @!p1 $0x9000  }
0x89: {  	[tilespmem:s10], [sflag:$0x2] =	stream.indirect.gather @!p1 [hbm4b:s4+s9], $0x10, s8, s9, $0xb8;
	[tilespmem:$0xC800] =	vst v63  }
0x8a: {  	p2 =	seq.s32 @!p1 s5, $0x0;
	s6 =	sadd.s32 @!p1 $0x480, s6;
	s8 =	simm.s32 @!p1 $0x9800  }
0x8b: {  	[tilespmem:s8], [sflag:$0x2] =	stream.indirect.gather @!p1 [hbm4b:s4+s9], $0x10, s6, s9, $0xb8;
	[tilespmem:$0xC800] =	vst v63  }
0x8c: {  	p1 =	por p1, !p2  }
.Ltmp4:
0x8d: {  	_ = 	snop;
	(pc) =	sbr.rel @!p1 .LBB2_5-.Ltmp4, $1  }
0x8e: {  	_ =	sdelay $0x3  }
0x8f: {  	_ =	swait.ge [sflag:s28], $0x800  }
0x90: {  	[sflag:s28] =	ssyncset.done $0x0  }
0x91: {  	[sflag:s28] =	ssyncadd.s32 $0xFFFFF800  }
0x92: {  	_ =	swait.ge [sflag:s28], $0x800  }
0x93: {  	[sflag:s28] =	ssyncset.done $0x0  }
0x94: {  	[sflag:s28] =	ssyncadd.s32 $0xFFFFF800  }
0x95: {  	_ =	swait.ge [sflag:s28], $0x800  }
0x96: {  	[sflag:s28] =	ssyncset.done $0x0  }
0x97: {  	[sflag:s28] =	ssyncadd.s32 $0xFFFFF800  }
0x98: {  	_ =	swait.ge [sflag:s28], $0x800  }
0x99: {  	[sflag:s28] =	ssyncset.done $0x0  }
0x9a: {  	[sflag:s28] =	ssyncadd.s32 $0xFFFFF800  }
0x9b: {  	_ =	swait.ge [sflag:s28], $0x800  }
0x9c: {  	s5 =	sshra.s32 s22, $0x2;
	[sflag:s28] =	ssyncset.done $0x0  }
0x9d: {  	s6 =	sadd.s32 $0x2800, s5;
	[sflag:s28] =	ssyncadd.s32 $0xFFFFF800  }
0x9e: {  	[spmem:s2] =	stream.indirect.scatter.add.f32 [tilespmem:s29], [sflag:$0x4], $0x10, s6, s17, $0xb8;
	[tilespmem:$0xC800] =	vst v63  }
0x9f: {  	s10 =	sadd.s32 $0x2880, s5  }
0xa0: {  	[spmem:s2] =	stream.indirect.scatter.add.f32 [tilespmem:s30], [sflag:$0x4], $0x10, s10, s17, $0xb8;
	[tilespmem:$0xC800] =	vst v63  }
0xa1: {  	s8 =	sadd.s32 $0x2900, s5  }
0xa2: {  	[spmem:s2] =	stream.indirect.scatter.add.f32 [tilespmem:s31], [sflag:$0x4], $0x10, s8, s17, $0xb8;
	[tilespmem:$0xC800] =	vst v63  }
0xa3: {  	s9 =	sadd.s32 $0x2980, s5  }
0xa4: {  	[spmem:s2] =	stream.indirect.scatter.add.f32 [tilespmem:s1], [sflag:$0x4], $0x10, s9, s17, $0xb8;
	[tilespmem:$0xC800] =	vst v63  }
0xa5: {  	s10 =	sadd.s32 $0x2A00, s5  }
0xa6: {  	[spmem:s2] =	stream.indirect.scatter.add.f32 [tilespmem:s0], [sflag:$0x4], $0x10, s10, s17, $0xb8;
	[tilespmem:$0xC800] =	vst v63  }
0xa7: {  	_ =	swait.ge [sflag:s3], $0x800  }
0xa8: {  	[sflag:s3] =	ssyncset.done $0x0  }
0xa9: {  	[sflag:s3] =	ssyncadd.s32 $0xFFFFF800  }
0xaa: {  	_ =	swait.ge [sflag:s3], $0x800  }
0xab: {  	[sflag:s3] =	ssyncset.done $0x0  }
0xac: {  	[sflag:s3] =	ssyncadd.s32 $0xFFFFF800  }
0xad: {  	_ =	swait.ge [sflag:s3], $0x800  }
0xae: {  	[sflag:s3] =	ssyncset.done $0x0  }
0xaf: {  	[sflag:s3] =	ssyncadd.s32 $0xFFFFF800  }
0xb0: {  	p1 =	seq.s32 s22, $0x9600;
	_ =	swait.ge [sflag:s3], $0x800  }
.Ltmp5:
0xb1: {  	[sflag:s3] =	ssyncset.done $0x0;
	(pc) =	sbr.rel @p1 .LBB2_6-.Ltmp5, $4  }
0xb2: {  	[sflag:s3] =	ssyncadd.s32 $0xFFFFF800  }
0xb3: {  	_ =	swait.ge [sflag:s3], $0x800  }
0xb4: {  	[sflag:s3] =	ssyncset.done $0x0  }
0xb5: {  	[sflag:s3] =	ssyncadd.s32 $0xFFFFF800  }
0xb6: {  	s6 =	sadd.s32 $0x280, s5  }
0xb7: {  	[tilespmem:s18], [sflag:$0x1] =	stream.indirect.gather [hbm4b:s4+s17], $0x10, s6, s17, $0xb8;
	[tilespmem:$0xC800] =	vst v63  }
0xb8: {  	s10 =	sadd.s32 $0x300, s5  }
0xb9: {  	[tilespmem:s19], [sflag:$0x1] =	stream.indirect.gather [hbm4b:s4+s17], $0x10, s10, s17, $0xb8;
	[tilespmem:$0xC800] =	vst v63  }
0xba: {  	s8 =	sadd.s32 $0x380, s5  }
0xbb: {  	[tilespmem:s21], [sflag:$0x1] =	stream.indirect.gather [hbm4b:s4+s17], $0x10, s8, s17, $0xb8;
	[tilespmem:$0xC800] =	vst v63  }
.Ltmp6:
0xbc: {  	_ = 	snop;
	(pc) =	sbr.rel .LBB2_5-.Ltmp6, $4  }
0xbd: {  	s9 =	sadd.s32 $0x400, s5  }
0xbe: {  	[tilespmem:s23], [sflag:$0x1] =	stream.indirect.gather [hbm4b:s4+s17], $0x10, s9, s17, $0xb8;
	[tilespmem:$0xC800] =	vst v63  }
0xbf: {  	s10 =	sadd.s32 $0x480, s5  }
0xc0: {  	[tilespmem:s25], [sflag:$0x1] =	stream.indirect.gather [hbm4b:s4+s17], $0x10, s10, s17, $0xb8;
	[tilespmem:$0xC800] =	vst v63  }
.LBB2_7:
0xc1: {  	_ =	sfence.sel $0x180000  }
0xc2: {  	[bflag:$0x0] =	sbarrier.arrive $0xFFFF  }
0xc3: {  	_ =	strace $0x9000004A  }
0xc4: {  	s0 =	stileid.u32;
	[bflag:$0x2] =	sbarrier.arrive $0xFFFF  }
0xc5: {  	p0 =	sne.s32 s0, $0x0;
	s0 =	rddreg [dreg:$0x3]  }
0xc6: {  	s0 =	sadd.s32 @!p0 $0x100000, s0  }
0xc7: {  	[sflag:s0] =	ssyncadd.tile.s32 @!p0 $0x1;
	_ =	shalt  }
.Lfunc_end2:
_tile_overlayer_lowered:
.L_overlay_start_2:
0xc8: {  	(tag) =	ssettag $0x2  }
0xc9: {  	s0 =	rddreg [dreg:$0x0];
	s2 =	stileid.u32  }
0xca: {  	s1 =	rddreg [dreg:$0x1];
	p0 =	sne.s32 s2, $0x0  }
0xcb: {  	s3 =	rddreg [dreg:$0x2];
	[bflag:$0x3] =	sbarrier.arrive $0xFFFF;
	s2 =	simm.s32 @!p0 $0x1C05  }
0xcc: {  	[timem:s3], [sflag:s2] =	dma.local @!p0 [hbm:s0], s1  }
0xcd: {  	s0 =	simm.s32 @!p0 $0x5  }
0xce: {  	_ =	swait.ge @!p0 [sflag:s0], s1  }
0xcf: {  	s1 =	ssub.s32 @!p0 $0x0, s1;
	[sflag:s0] =	ssyncset.done @!p0 $0x0  }
0xd0: {  	[sflag:s0] =	ssyncadd.s32 @!p0 s1  }
0xd1: {  	[bflag:$0x3] =	sbarrier.arrive $0xFFFF  }
0xd2: {  	_ =	shalt  }

// kernel: kernel.17.cloned.1.call-start
scs
__scs_entry_jumppad:
0x0: {  	(pc) =	sbr.rel $0x88, $3  }
0x1: {  	(tag) =	ssettag $0x0;
	lr =	simm.s32 $0x1  }
0x2: {  	[smem:$0x3F99] =	sst lr;
	_ =	strace $0xD0000000  }
0x3: {  	_ = 	snop  }
0x4: {  	_ = 	snop  }
0x5: {  	_ = 	snop  }
0x6: {  	_ = 	snop  }
0x7: {  	_ = 	snop  }
__scs_overlays_trampoline_lowered:
0x8: {  	[smem:$0x3FA8] =	sst s0  }
0x9: {  	[smem:$0x3FA9] =	sst s1  }
0xa: {  	[smem:$0x3FAA] =	sst s2  }
0xb: {  	[smem:$0x3FAB] =	sst s3  }
0xc: {  	[smem:$0x3FAC] =	sst s4  }
0xd: {  	[smem:$0x3FAD] =	sst s5  }
0xe: {  	[smem:$0x3FAE] =	sst s6  }
0xf: {  	[smem:$0x3FAF] =	sst s7  }
0x10: {  	[smem:$0x3FB0] =	sst s8  }
0x11: {  	[smem:$0x3FB1] =	sst s9;
	s0 =	simm.s32 @!p0 $0x0  }
0x12: {  	s1 =	sld [smem:$0x3F97];
	s0 =	simm.s32 @p0 $0x1  }
0x13: {  	[smem:$0x3FB2] =	sst s0;
	s0 =	simm.s32 @!p1 $0x0  }
0x14: {  	s2 =	sld [smem:$0x3F96];
	s0 =	simm.s32 @p1 $0x1  }
0x15: {  	[smem:$0x3FB3] =	sst s0;
	s0 =	simm.s32 @!p2 $0x0  }
0x16: {  	s3 =	sld [smem:$0x3FDB];
	s0 =	simm.s32 @p2 $0x1  }
0x17: {  	s4 =	simm.s32 $0x1BF5;
	[smem:$0x3FB5] =	sst s0  }
0x18: {  	s0 =	sld [smem:$0x3F98];
	_ =	swait.ge [sflag:s4], $0x0  }
0x19: {  	s7 =	sld [smem:$0x3F99]  }
0x1a: {  	s8 =	sadd.s32 $0xFFFFE003, lr  }
0x1b: {  	s9 =	sadd.s32 $0xFFFFFEF7, lr;
	s5 =	simm.s32 $0xFFFFFFFF;
	p2 =	slt.u32 s8, $0xFFFFF086  }
0x1c: {  	p1 =	slt.u32 s9, $0xF7A;
	s5 =	simm.s32 @!p2 $0x0  }
0x1d: {  	s5 =	simm.s32 @p1 $0x1;
	p0 =	seq.s32 s7, s2  }
0x1e: {  	s7 =	smul.u32 @!p0 $0xF7A, s2;
	p2 =	seq.s32 @!p0 s5, $0x0  }
0x1f: {  	s9 =	smul.u32 $0xF7A, s1;
	s8 =	simm.s32 @!p0 $0x1BF5;
	p2 =	por !p2, p0  }
0x20: {  	[sflag:s8] =	ssyncset.s32 @!p0 $0xFFFFF086;
	s6 =	sadd.s32 @!p0 s3, s7;
	s7 =	simm.s32 @!p0 $0x108  }
0x21: {  	s3 =	sadd.s32 s3, s9;
	s6 =	sadd.s32 @!p0 $0x88, s6;
	s7 =	simm.s32 @p2 $0x1082  }
0x22: {  	[simem:s7], [sflag:s8] =	dma.local @!p0 [hbm:s6], $0xF7A  }
0x23: {  	s9 =	sor.u32 $0xD0000000, s2;
	s6 =	simm.s32 $0x108;
	_ =	swait.ge @!p0 [sflag:s8], $0x0  }
0x24: {  	s3 =	sadd.s32 $0x88, s3;
	s6 =	simm.s32 @!p1 $0x1082;
	[sflag:s4] =	ssyncset.s32 $0xFFFFF086  }
0x25: {  	[simem:s6], [sflag:s4] =	dma.local [hbm:s3], $0xF7A  }
0x26: {  	[smem:$0x3F99] =	sst s1;
	(tag) =	ssettag s2;
	_ =	strace s9  }
0x27: {  	s1 =	sld [smem:$0x3FA9]  }
0x28: {  	s2 =	sld [smem:$0x3FAA]  }
0x29: {  	s4 =	sld [smem:$0x3FAC]  }
0x2a: {  	p0 =	seq.s32 s5, $0x0;
	s5 =	sld [smem:$0x3FAD]  }
0x2b: {  	s6 =	sld [smem:$0x3FAE]  }
0x2c: {  	s7 =	sld [smem:$0x3FAF]  }
0x2d: {  	s3 =	simm.s32 $0x108;
	s8 =	sld [smem:$0x3FB0]  }
0x2e: {  	s3 =	simm.s32 @!p0 $0x1082;
	s9 =	sld [smem:$0x3FB1]  }
0x2f: {  	lr =	sadd.s32 s0, s3;
	s0 =	sld [smem:$0x3FA8]  }
0x30: {  	s3 =	sld [smem:$0x3FAB]  }
0x31: {  	[smem:$0x3FB4] =	sst s10  }
0x32: {  	s10 =	sld [smem:$0x3FB2];
	_ =	sdelay $0x3  }
0x33: {  	p0 =	seq.s32 s10, $0x1;
	s10 =	sld [smem:$0x3FB4];
	_ =	sdelay $0x3  }
0x34: {  	[smem:$0x3FB4] =	sst s10  }
0x35: {  	s10 =	sld [smem:$0x3FB3];
	_ =	sdelay $0x3  }
0x36: {  	p1 =	seq.s32 s10, $0x1;
	s10 =	sld [smem:$0x3FB4];
	_ =	sdelay $0x3  }
0x37: {  	[smem:$0x3FB4] =	sst s10  }
0x38: {  	s10 =	sld [smem:$0x3FB5]  }
0x39: {  	_ = 	snop;
	(pc) =	sbr.ind lr, $3  }
0x3a: {  	_ = 	snop  }
0x3b: {  	_ = 	snop  }
0x3c: {  	p2 =	seq.s32 s10, $0x1;
	s10 =	sld [smem:$0x3FB4]  }
0x3d: {  	_ =	shalt  }
0x3e: {  	_ =	shalt  }
0x3f: {  	_ =	shalt  }
0x40: {  	_ =	shalt  }
0x41: {  	_ =	shalt  }
0x42: {  	_ =	shalt  }
0x43: {  	_ =	shalt  }
0x44: {  	_ =	shalt  }
0x45: {  	_ =	shalt  }
0x46: {  	_ =	shalt  }
0x47: {  	_ =	shalt  }
0x48: {  	_ =	shalt  }
0x49: {  	_ =	shalt  }
0x4a: {  	_ =	shalt  }
0x4b: {  	_ =	shalt  }
0x4c: {  	_ =	shalt  }
0x4d: {  	_ =	shalt  }
0x4e: {  	_ =	shalt  }
0x4f: {  	_ =	shalt  }
0x50: {  	_ =	shalt  }
0x51: {  	_ =	shalt  }
0x52: {  	_ =	shalt  }
0x53: {  	_ =	shalt  }
0x54: {  	_ =	shalt  }
0x55: {  	_ =	shalt  }
0x56: {  	_ =	shalt  }
0x57: {  	_ =	shalt  }
0x58: {  	_ =	shalt  }
0x59: {  	_ =	shalt  }
0x5a: {  	_ =	shalt  }
0x5b: {  	_ =	shalt  }
0x5c: {  	_ =	shalt  }
0x5d: {  	_ =	shalt  }
0x5e: {  	_ =	shalt  }
0x5f: {  	_ =	shalt  }
0x60: {  	_ =	shalt  }
0x61: {  	_ =	shalt  }
0x62: {  	_ =	shalt  }
0x63: {  	_ =	shalt  }
0x64: {  	_ =	shalt  }
0x65: {  	_ =	shalt  }
0x66: {  	_ =	shalt  }
0x67: {  	_ =	shalt  }
0x68: {  	_ =	shalt  }
0x69: {  	_ =	shalt  }
0x6a: {  	_ =	shalt  }
0x6b: {  	_ =	shalt  }
0x6c: {  	_ =	shalt  }
0x6d: {  	_ =	shalt  }
0x6e: {  	_ =	shalt  }
0x6f: {  	_ =	shalt  }
0x70: {  	_ =	shalt  }
0x71: {  	_ =	shalt  }
0x72: {  	_ =	shalt  }
0x73: {  	_ =	shalt  }
0x74: {  	_ =	shalt  }
0x75: {  	_ =	shalt  }
0x76: {  	_ =	shalt  }
0x77: {  	_ =	shalt  }
0x78: {  	_ =	shalt  }
0x79: {  	_ =	shalt  }
0x7a: {  	_ =	shalt  }
0x7b: {  	_ =	shalt  }
0x7c: {  	_ =	shalt  }
0x7d: {  	_ =	shalt  }
0x7e: {  	_ =	shalt  }
0x7f: {  	_ =	shalt  }
0x80: {  	_ =	shalt  }
0x81: {  	_ =	shalt  }
0x82: {  	_ =	shalt  }
0x83: {  	_ =	shalt  }
0x84: {  	_ =	shalt  }
0x85: {  	_ =	shalt  }
0x86: {  	_ =	shalt  }
0x87: {  	_ =	shalt  }
.Lfunc_end0:
.L_simem_size_0:
called_computation.2_lowered:
.L_overlay_start_0:
0x88: {  	s2 =	sld [smem:$0x3FD9]  }
0x89: {  	s3 =	sld [smem:$0x3FFE];
	_ =	sdelay $0x1  }
0x8a: {  	s1 =	srdreg.scid  }
0x8b: {  	s0 =	sand.u32 $0x1, s1  }
0x8c: {  	s17 =	sshll.u32 s0, $0xA;
	s2 =	sadd.s32 s3, s2  }
0x8d: {  	s2 =	sadd.s32 s2, s17  }
0x8e: {  	[smem:$0x3FC0] =	sst s2  }
0x8f: {  	_ = 	snop  }
0x90: {  	s2 =	sld [smem:$0x3FD0];
	(tm) =	ssettm $0x1  }
0x91: {  	s18 =	sld [smem:$0x3FFB];
	_ =	sdelay $0x3  }
0x92: {  	_ =	strace s18  }
0x93: {  	s3 =	sld [smem:$0x3FFC];
	_ =	sdelay $0x3  }
0x94: {  	_ =	strace s3  }
0x95: {  	s3 =	sld [smem:$0x3FFD];
	_ =	sdelay $0x3  }
0x96: {  	_ =	strace s3  }
0x97: {  	_ =	strace $0x8FFFFFFF  }
0x98: {  	s19 =	sld [smem:$0x3FDB];
	_ =	sdelay $0x1  }
0x99: {  	s4 =	simm.s32 $_scs_section_size  }
0x9a: {  	s5 =	simm.s32 $_size__tile_overlayer_lowered;
	s6 =	simm.s32 $_tile_overlayer_lowered  }
0x9b: {  	s22 =	simm.s32 $0x1BFF;
	s21 =	sshll.u32 s6, $0x1;
	s3 =	sadd.s32 s4, s19  }
0x9c: {  	s7 =	simm.s32 $0x0;
	s20 =	sshll.u32 s5, $0x1;
	s5 =	sadd.s32 s21, s3  }
0x9d: {  	[timem:s7], [sflag:s22] =	dma.local [hbm:s5], s20  }
0x9e: {  	_ =	swait.ge [sflag:s22], s20  }
0x9f: {  	s4 =	ssub.s32 $0x0, s20;
	[sflag:s22] =	ssyncset.done $0x0  }
0xa0: {  	[sflag:s22] =	ssyncadd.s32 s4;
	_ =	sdelay $0x1  }
0xa1: {  	s23 =	simm.s32 $0x1B8B  }
0xa2: {  	_ =	swait.ge [sflag:s23], $0x1  }
0xa3: {  	[sflag:s23] =	ssyncset.done $0x0  }
0xa4: {  	s25 =	simm.s32 $0x1B8E;
	s24 =	sld [smem:$0x3FFE];
	[sflag:s23] =	ssyncadd.s32 $0xFFFFFFFF  }
0xa5: {  	s26 =	simm.s32 $execute0_lowered;
	[smem:$0x3FD2] =	sst s25  }
0xa6: {  	s5 =	sshll.u32 s26, $0x1;
	_ =	strace $0x8000004C;
	[dreg:$0x1] =	wrdreg $0xFFFFFFFF  }
0xa7: {  	s28 =	simm.s32 $_size_execute0_lowered;
	s3 =	sadd.s32 s3, s5;
	[dreg:$0x0] =	wrdreg $0x0  }
0xa8: {  	s5 =	sshll.u32 s28, $0x1;
	[dreg:$0x2] =	wrdreg s3  }
0xa9: {  	[dreg:$0x3] =	wrdreg s5  }
0xaa: {  	[dreg:$0x4] =	wrdreg $0xC0  }
0xab: {  	_ =	task [dreg:s7], $0x5FFFF  }
0xac: {  	[dreg:$0x1] =	wrdreg $0xFFFFFFFF  }
0xad: {  	[dreg:$0x0] =	wrdreg $0x60  }
0xae: {  	[dreg:$0x2] =	wrdreg s24  }
0xaf: {  	[dreg:$0x3] =	wrdreg s2  }
0xb0: {  	[dreg:$0x4] =	wrdreg $0xA0000  }
0xb1: {  	[dreg:$0x5] =	wrdreg $0x9  }
0xb2: {  	_ =	task.clear_ibuf [dreg:s7], $0x6FFFF;
	_ =	strace $0x9000004C  }
0xb3: {  	s29 =	simm.s32 $0x9;
	_ =	strace $0x8000004E  }
0xb4: {  	_ =	swait.ge [sflag:s29], $0x1  }
0xb5: {  	[sflag:s29] =	ssyncadd.s32 $0xFFFFFFFF  }
0xb6: {  	_ =	strace $0x9000004E  }
0xb7: {  	_ =	sfence  }
0xb8: {  	s30 =	sld [smem:$0x0];
	_ =	sdelay $0x2  }
0xb9: {  	s31 =	sshll.u32 s1, $0xD;
	s1 =	sshrl.u32 s1, $0x2  }
0xba: {  	s3 =	sand.u32 $0x4000, s31;
	s1 =	sadd.s32 s1, s30  }
0xbb: {  	s0 =	sor.u32 s3, s0;
	s1 =	sshll.u32 s1, $0x11  }
0xbc: {  	s0 =	sor.u32 s1, s0  }
0xbd: {  	s0 =	sadd.s32 $0x8F2B, s0  }
0xbe: {  	[sflag:s0] =	ssyncadd.remote.s32 $0x1  }
0xbf: {  	_ =	sfence.sel $0xFFFF  }
0xc0: {  	[dreg:$0x0] =	wrdreg $0xFFFFFFFF;
	(pc) =	sbr.abs _section_cstart, $3  }
0xc1: {  	[dreg:$0x1] =	wrdreg $0xFFFFFFFF  }
0xc2: {  	_ =	task.clear_ibuf [dreg:s7], $0x2FFFF;
	_ =	strace $0x9FFFFFFF  }
0xc3: {  	(tm) =	ssettm $0x7FFFFFFF  }
tec
execute0_lowered:
.L_overlay_start_1:
0x0: {  	(tag) =	ssettag $0x1  }
0x1: {  	s1 =	rddreg [dreg:$0x0]  }
0x2: {  	s0 =	srdreg.scid;
	s3 =	rddreg [dreg:$0x1]  }
0x3: {  	s11 =	stileid.u32;
	s2 =	rddreg [dreg:$0x2];
	s20 =	simm.s32 $0x0  }
0x4: {  	s16 =	simm.s32 $0x5;
	s17 =	simm.s32 $0x80;
	s18 =	simm.s32 $0x5000  }
0x5: {  	s19 =	simm.s32 $0x5800;
	s28 =	simm.s32 $0x2;
	s29 =	simm.s32 $0x7800  }
0x6: {  	s30 =	simm.s32 $0x8000;
	s31 =	simm.s32 $0x8800;
	s0 =	sand.u32 $0x1, s0  }
0x7: {  	[smem:$0x7FF] =	sst s20;
	s10 =	smul.u32 $0x2800, s11;
	s8 =	sadd.s32 $0x3C00, s1  }
0x8: {  	s23 =	sshll.u32 s11, $0x6;
	s26 =	sadd.s32 $0xDF00, s1;
	s12 =	sadd.s32 $0x3FC0, s1  }
0x9: {  	s20 =	simm.s32 $0x0;
	s4 =	sshll.u32 s0, $0x4;
	_ =	strace $0x8000004D  }
0xa: {  	s7 =	ssub.s32 $0x2, s0;
	[dreg:$0x4] =	wrdreg s8;
	s0 =	smul.u32 $0x28000, s0  }
0xb: {  	[dreg:$0x8] =	wrdreg s26;
	s26 =	simm.s32 $0x4;
	s5 =	sor.u32 s11, s4  }
0xc: {  	s4 =	sadd.s32 $0x1D000, s1;
	s21 =	sshrl.u32 s10, $0x3;
	s22 =	sshrl.u32 s7, $0x1  }
0xd: {  	s15 =	sadd.s32 s10, s2;
	s11 =	sadd.s32 $0x17B40, s1;
	s6 =	smul.u32 $0x2800, s5  }
0xe: {  	s14 =	ssub.s32 s7, s22;
	s7 =	sor.u32 $0x1C05, s23;
	s0 =	sadd.s32 s10, s0  }
0xf: {  	p0 =	seq.s32 s5, $0x1F;
	s15 =	sshrl.u32 s15, $0x3;
	s23 =	simm.s32 $0x6800  }
0x10: {  	s0 =	sshrl.u32 s0, $0x3;
	s14 =	smax.u32 s14, $0x1;
	s6 =	sshrl.u32 s6, $0x3  }
.Ltmp0:
0x11: {  	s9 =	sadd.s32 s6, s1;
	s6 =	sadd.s32 s21, s1;
	(pc) =	sbr.rel .LBB2_1-.Ltmp0, $4  }
0x12: {  	s13 =	sadd.s32 s3, s0;
	s0 =	simm.s32 $0x9800;
	s6 =	sadd.s32 $0x18000, s6  }
0x13: {  	s3 =	simm.s32 $0x3;
	s24 =	sadd.s32 $0x4400, s9;
	[dreg:$0x5] =	wrdreg s6  }
0x14: {  	s21 =	simm.s32 $0x6000;
	s25 =	sadd.s32 $0xE040, s9;
	[dreg:$0x6] =	wrdreg s24  }
0x15: {  	s1 =	simm.s32 $0x9000;
	[dreg:$0x7] =	wrdreg s25;
	s25 =	simm.s32 $0x7000  }
.LBB2_6:
0x16: {  	_ =	swait.ge [sflag:s26], $0x800  }
0x17: {  	[sflag:s26] =	ssyncset.done $0x0  }
0x18: {  	[sflag:s26] =	ssyncadd.s32 $0xFFFFF800  }
0x19: {  	_ =	swait.ge [sflag:s26], $0x800  }
0x1a: {  	[sflag:s26] =	ssyncset.done $0x0  }
0x1b: {  	[sflag:s26] =	ssyncadd.s32 $0xFFFFF800  }
0x1c: {  	_ =	swait.ge [sflag:s26], $0x800  }
0x1d: {  	[sflag:s26] =	ssyncset.done $0x0  }
0x1e: {  	[sflag:s26] =	ssyncadd.s32 $0xFFFFF800  }
0x1f: {  	_ =	swait.ge [sflag:s26], $0x800  }
0x20: {  	[sflag:s26] =	ssyncset.done $0x0  }
0x21: {  	[sflag:s26] =	ssyncadd.s32 $0xFFFFF800  }
0x22: {  	_ =	swait.ge [sflag:s26], $0x800  }
0x23: {  	s20 =	sadd.s32 $0x1, s20;
	[sflag:s26] =	ssyncset.done $0x0  }
0x24: {  	p1 =	sne.s32 s20, s14;
	[sflag:s26] =	ssyncadd.s32 $0xFFFFF800  }
.Ltmp1:
0x25: {  	[bflag:$0x0] =	sbarrier.arrive $0xFFFF;
	(pc) =	sbr.rel @!p1 .LBB2_7-.Ltmp1, $4  }
0x26: {  	[hbm:s13], [sflag:s7] =	dma.local [spmem:s15], $0x500  }
0x27: {  	_ =	swait.ge [sflag:s16], $0x500  }
0x28: {  	[sflag:s16] =	ssyncset.done $0x0  }
0x29: {  	[sflag:s16] =	ssyncadd.s32 $0xFFFFFB00  }
.LBB2_1:
0x2a: {  	s5 =	rddreg [dreg:$0x5]  }
0x2b: {  	[spmem:s15], [sflag:s7] =	dma.local [hbm:s5], $0x500  }
0x2c: {  	_ =	swait.ge [sflag:s16], $0x500  }
0x2d: {  	s22 =	simm.s32 @p0 $0x5;
	[sflag:s16] =	ssyncset.done $0x0  }
0x2e: {  	s5 =	simm.s32 @p0 $0x0;
	s6 =	rddreg [dreg:$0x8];
	[sflag:s16] =	ssyncadd.s32 $0xFFFFFB00  }
0x2f: {  	[tilespmem:s5], [sflag:$0x5] =	stream.linear.gather @p0 [hbm4b:s6+s5], $0xA00, $0x38;
	[tilespmem:$0xC800] =	vst v63  }
0x30: {  	_ =	swait.ge @p0 [sflag:s22], $0xA00  }
0x31: {  	[sflag:s22] =	ssyncset.done @p0 $0x0  }
0x32: {  	s24 =	simm.s32 @p0 $0x2800;
	[sflag:s22] =	ssyncadd.s32 @p0 $0xFFFFF600  }
0x33: {  	[tilespmem:s24], [sflag:$0x5] =	stream.linear.gather @p0 [hbm4b:s11+s5], $0xA00, $0x38;
	[tilespmem:$0xC800] =	vst v63  }
0x34: {  	_ =	swait.ge @p0 [sflag:s22], $0xA00  }
0x35: {  	[sflag:s22] =	ssyncset.done @p0 $0x0  }
0x36: {  	s24 =	simm.s32 @p0 $0xA00;
	s6 =	rddreg [dreg:$0x4];
	[sflag:s22] =	ssyncadd.s32 @p0 $0xFFFFF600  }
0x37: {  	[tilespmem:s24], [sflag:$0x5] =	stream.linear.gather @p0 [hbm4b:s6+s5], $0x1E00, $0x38;
	[tilespmem:$0xC800] =	vst v63  }
0x38: {  	_ =	swait.ge @p0 [sflag:s22], $0x1E00  }
0x39: {  	[sflag:s22] =	ssyncset.done @p0 $0x0  }
0x3a: {  	s24 =	simm.s32 @p0 $0x3200;
	[sflag:s22] =	ssyncadd.s32 @p0 $0xFFFFE200  }
0x3b: {  	[tilespmem:s24], [sflag:$0x5] =	stream.linear.gather @p0 [hbm4b:s12+s5], $0x1E00, $0x38;
	[tilespmem:$0xC800] =	vst v63  }
0x3c: {  	_ =	swait.ge @p0 [sflag:s22], $0x1E00  }
0x3d: {  	s5 =	simm.s32 @!p0 $0x0;
	[sflag:s22] =	ssyncset.done @p0 $0x0  }
0x3e: {  	s6 =	rddreg [dreg:$0x6];
	[sflag:s22] =	ssyncadd.s32 @p0 $0xFFFFE200;
	s22 =	simm.s32 @!p0 $0x5  }
0x3f: {  	[tilespmem:s5], [sflag:$0x5] =	stream.linear.gather @!p0 [hbm4b:s6+s5], $0x2800, $0x38;
	[tilespmem:$0xC800] =	vst v63  }
0x40: {  	_ =	swait.ge @!p0 [sflag:s22], $0x2800  }
0x41: {  	[sflag:s22] =	ssyncset.done @!p0 $0x0  }
0x42: {  	s24 =	simm.s32 @!p0 $0x2800;
	s6 =	rddreg [dreg:$0x7];
	[sflag:s22] =	ssyncadd.s32 @!p0 $0xFFFFD800  }
0x43: {  	[tilespmem:s24], [sflag:$0x5] =	stream.linear.gather @!p0 [hbm4b:s6+s5], $0x2800, $0x38;
	[tilespmem:$0xC800] =	vst v63  }
0x44: {  	_ =	swait.ge @!p0 [sflag:s22], $0x2800  }
0x45: {  	[sflag:s22] =	ssyncset.done @!p0 $0x0  }
0x46: {  	[sflag:s22] =	ssyncadd.s32 @!p0 $0xFFFFD800  }
0x47: {  	s9 =	simm.s32 $0x0;
	[bflag:$0x0] =	sbarrier.arrive $0xFFFF  }
0x48: {  	[tilespmem:s18], [sflag:$0x1] =	stream.indirect.gather [hbm4b:s4+s17], $0x10, s9, s17, $0xb8;
	[tilespmem:$0xC800] =	vst v63  }
0x49: {  	_ = 	snop  }
0x4a: {  	[tilespmem:s19], [sflag:$0x1] =	stream.indirect.gather [hbm4b:s4+s17], $0x10, s17, s17, $0xb8;
	[tilespmem:$0xC800] =	vst v63  }
0x4b: {  	s10 =	simm.s32 $0x100  }
0x4c: {  	[tilespmem:s21], [sflag:$0x1] =	stream.indirect.gather [hbm4b:s4+s17], $0x10, s10, s17, $0xb8;
	[tilespmem:$0xC800] =	vst v63  }
.Ltmp2:
0x4d: {  	s22 =	simm.s32 $0x180;
	(pc) =	sbr.rel .LBB2_2-.Ltmp2, $4  }
0x4e: {  	[tilespmem:s23], [sflag:$0x1] =	stream.indirect.gather [hbm4b:s4+s17], $0x10, s22, s17, $0xb8;
	[tilespmem:$0xC800] =	vst v63  }
0x4f: {  	s24 =	simm.s32 $0x200  }
0x50: {  	[tilespmem:s25], [sflag:$0x1] =	stream.indirect.gather [hbm4b:s4+s17], $0x10, s24, s17, $0xb8;
	[tilespmem:$0xC800] =	vst v63  }
0x51: {  	s22 =	simm.s32 $0x0;
	s24 =	simm.s32 $0x0  }
.LBB2_5:
0x52: {  	s22 =	sadd.s32 $0xA00, s22  }
0x53: {  	p1 =	sne.s32 s22, $0xA000  }
.Ltmp3:
0x54: {  	_ = 	snop;
	(pc) =	sbr.rel @!p1 .LBB2_6-.Ltmp3, $2  }
0x55: {  	_ =	sdelay $0x2  }
0x56: {  	s24 =	sadd.s32 $0x1, s24  }
.LBB2_2:
0x57: {  	s5 =	sand.u32 $0x1, s24  }
0x58: {  	p1 =	seq.s32 s5, $0x1  }
0x59: {  	s6 =	simm.s32 @!p1 $0x1  }
0x5a: {  	_ =	swait.ge @!p1 [sflag:s6], $0x800  }
0x5b: {  	[sflag:s6] =	ssyncset.done @!p1 $0x0  }
0x5c: {  	[sflag:s6] =	ssyncadd.s32 @!p1 $0xFFFFF800  }
0x5d: {  	_ =	swait.ge @!p1 [sflag:s6], $0x800  }
0x5e: {  	[sflag:s6] =	ssyncset.done @!p1 $0x0  }
0x5f: {  	[sflag:s6] =	ssyncadd.s32 @!p1 $0xFFFFF800  }
0x60: {  	_ =	swait.ge @!p1 [sflag:s6], $0x800  }
0x61: {  	[sflag:s6] =	ssyncset.done @!p1 $0x0  }
0x62: {  	[sflag:s6] =	ssyncadd.s32 @!p1 $0xFFFFF800  }
0x63: {  	_ =	swait.ge @!p1 [sflag:s6], $0x800  }
0x64: {  	[sflag:s6] =	ssyncset.done @!p1 $0x0  }
0x65: {  	[sflag:s6] =	ssyncadd.s32 @!p1 $0xFFFFF800  }
0x66: {  	_ =	swait.ge @!p1 [sflag:s6], $0x800  }
0x67: {  	[sflag:s6] =	ssyncset.done @!p1 $0x0  }
0x68: {  	[sflag:s6] =	ssyncadd.s32 @!p1 $0xFFFFF800;
	s6 =	sshra.s32 @!p1 s22, $0x2  }
0x69: {  	s9 =	simm.s32 @!p1 $0x80;
	s10 =	simm.s32 @!p1 $0x5000;
	s8 =	sadd.s32 @!p1 $0x2800, s6  }
0x6a: {  	[spmem:s2] =	stream.indirect.scatter.add.f32 @!p1 [tilespmem:s10], [sflag:$0x3], $0x10, s8, s9, $0xb8;
	[tilespmem:$0xC800] =	vst v63  }
0x6b: {  	s8 =	sadd.s32 @!p1 $0x2880, s6;
	s10 =	simm.s32 @!p1 $0x5800  }
0x6c: {  	[spmem:s2] =	stream.indirect.scatter.add.f32 @!p1 [tilespmem:s10], [sflag:$0x3], $0x10, s8, s9, $0xb8;
	[tilespmem:$0xC800] =	vst v63  }
0x6d: {  	s8 =	sadd.s32 @!p1 $0x2900, s6;
	s10 =	simm.s32 @!p1 $0x6000  }
0x6e: {  	[spmem:s2] =	stream.indirect.scatter.add.f32 @!p1 [tilespmem:s10], [sflag:$0x3], $0x10, s8, s9, $0xb8;
	[tilespmem:$0xC800] =	vst v63  }
0x6f: {  	p2 =	seq.s32 @!p1 s22, $0x0;
	s8 =	sadd.s32 @!p1 $0x2980, s6;
	s10 =	simm.s32 @!p1 $0x6800  }
0x70: {  	[spmem:s2] =	stream.indirect.scatter.add.f32 @!p1 [tilespmem:s10], [sflag:$0x3], $0x10, s8, s9, $0xb8;
	[tilespmem:$0xC800] =	vst v63  }
0x71: {  	p2 =	por p2, p1;
	s8 =	sadd.s32 @!p1 $0x2A00, s6;
	s10 =	simm.s32 @!p1 $0x7000  }
0x72: {  	[spmem:s2] =	stream.indirect.scatter.add.f32 @!p1 [tilespmem:s10], [sflag:$0x3], $0x10, s8, s9, $0xb8;
	[tilespmem:$0xC800] =	vst v63  }
0x73: {  	s8 =	simm.s32 @!p2 $0x4  }
0x74: {  	_ =	swait.ge @!p2 [sflag:s8], $0x800  }
0x75: {  	[sflag:s8] =	ssyncset.done @!p2 $0x0  }
0x76: {  	[sflag:s8] =	ssyncadd.s32 @!p2 $0xFFFFF800  }
0x77: {  	_ =	swait.ge @!p2 [sflag:s8], $0x800  }
0x78: {  	[sflag:s8] =	ssyncset.done @!p2 $0x0  }
0x79: {  	[sflag:s8] =	ssyncadd.s32 @!p2 $0xFFFFF800  }
0x7a: {  	_ =	swait.ge @!p2 [sflag:s8], $0x800  }
0x7b: {  	[sflag:s8] =	ssyncset.done @!p2 $0x0  }
0x7c: {  	[sflag:s8] =	ssyncadd.s32 @!p2 $0xFFFFF800  }
0x7d: {  	_ =	swait.ge @!p2 [sflag:s8], $0x800  }
0x7e: {  	[sflag:s8] =	ssyncset.done @!p2 $0x0  }
0x7f: {  	[sflag:s8] =	ssyncadd.s32 @!p2 $0xFFFFF800  }
0x80: {  	_ =	swait.ge @!p2 [sflag:s8], $0x800  }
0x81: {  	[sflag:s8] =	ssyncset.done @!p2 $0x0  }
0x82: {  	s10 =	simm.s32 @!p1 $0x7800;
	[sflag:s8] =	ssyncadd.s32 @!p2 $0xFFFFF800;
	s8 =	sadd.s32 @!p1 $0x280, s6  }
0x83: {  	[tilespmem:s10], [sflag:$0x2] =	stream.indirect.gather @!p1 [hbm4b:s4+s9], $0x10, s8, s9, $0xb8;
	[tilespmem:$0xC800] =	vst v63  }
0x84: {  	s8 =	sadd.s32 @!p1 $0x300, s6;
	s10 =	simm.s32 @!p1 $0x8000  }
0x85: {  	[tilespmem:s10], [sflag:$0x2] =	stream.indirect.gather @!p1 [hbm4b:s4+s9], $0x10, s8, s9, $0xb8;
	[tilespmem:$0xC800] =	vst v63  }
0x86: {  	s8 =	sadd.s32 @!p1 $0x380, s6;
	s10 =	simm.s32 @!p1 $0x8800  }
0x87: {  	[tilespmem:s10], [sflag:$0x2] =	stream.indirect.gather @!p1 [hbm4b:s4+s9], $0x10, s8, s9, $0xb8;
	[tilespmem:$0xC800] =	vst v63  }
0x88: {  	s8 =	sadd.s32 @!p1 $0x400, s6;
	s10 =	simm.s32 @!p1 $0x9000  }
0x89: {  	[tilespmem:s10], [sflag:$0x2] =	stream.indirect.gather @!p1 [hbm4b:s4+s9], $0x10, s8, s9, $0xb8;
	[tilespmem:$0xC800] =	vst v63  }
0x8a: {  	p2 =	seq.s32 @!p1 s5, $0x0;
	s6 =	sadd.s32 @!p1 $0x480, s6;
	s8 =	simm.s32 @!p1 $0x9800  }
0x8b: {  	[tilespmem:s8], [sflag:$0x2] =	stream.indirect.gather @!p1 [hbm4b:s4+s9], $0x10, s6, s9, $0xb8;
	[tilespmem:$0xC800] =	vst v63  }
0x8c: {  	p1 =	por p1, !p2  }
.Ltmp4:
0x8d: {  	_ = 	snop;
	(pc) =	sbr.rel @!p1 .LBB2_5-.Ltmp4, $1  }
0x8e: {  	_ =	sdelay $0x3  }
0x8f: {  	_ =	swait.ge [sflag:s28], $0x800  }
0x90: {  	[sflag:s28] =	ssyncset.done $0x0  }
0x91: {  	[sflag:s28] =	ssyncadd.s32 $0xFFFFF800  }
0x92: {  	_ =	swait.ge [sflag:s28], $0x800  }
0x93: {  	[sflag:s28] =	ssyncset.done $0x0  }
0x94: {  	[sflag:s28] =	ssyncadd.s32 $0xFFFFF800  }
0x95: {  	_ =	swait.ge [sflag:s28], $0x800  }
0x96: {  	[sflag:s28] =	ssyncset.done $0x0  }
0x97: {  	[sflag:s28] =	ssyncadd.s32 $0xFFFFF800  }
0x98: {  	_ =	swait.ge [sflag:s28], $0x800  }
0x99: {  	[sflag:s28] =	ssyncset.done $0x0  }
0x9a: {  	[sflag:s28] =	ssyncadd.s32 $0xFFFFF800  }
0x9b: {  	_ =	swait.ge [sflag:s28], $0x800  }
0x9c: {  	s5 =	sshra.s32 s22, $0x2;
	[sflag:s28] =	ssyncset.done $0x0  }
0x9d: {  	s6 =	sadd.s32 $0x2800, s5;
	[sflag:s28] =	ssyncadd.s32 $0xFFFFF800  }
0x9e: {  	[spmem:s2] =	stream.indirect.scatter.add.f32 [tilespmem:s29], [sflag:$0x4], $0x10, s6, s17, $0xb8;
	[tilespmem:$0xC800] =	vst v63  }
0x9f: {  	s10 =	sadd.s32 $0x2880, s5  }
0xa0: {  	[spmem:s2] =	stream.indirect.scatter.add.f32 [tilespmem:s30], [sflag:$0x4], $0x10, s10, s17, $0xb8;
	[tilespmem:$0xC800] =	vst v63  }
0xa1: {  	s8 =	sadd.s32 $0x2900, s5  }
0xa2: {  	[spmem:s2] =	stream.indirect.scatter.add.f32 [tilespmem:s31], [sflag:$0x4], $0x10, s8, s17, $0xb8;
	[tilespmem:$0xC800] =	vst v63  }
0xa3: {  	s9 =	sadd.s32 $0x2980, s5  }
0xa4: {  	[spmem:s2] =	stream.indirect.scatter.add.f32 [tilespmem:s1], [sflag:$0x4], $0x10, s9, s17, $0xb8;
	[tilespmem:$0xC800] =	vst v63  }
0xa5: {  	s10 =	sadd.s32 $0x2A00, s5  }
0xa6: {  	[spmem:s2] =	stream.indirect.scatter.add.f32 [tilespmem:s0], [sflag:$0x4], $0x10, s10, s17, $0xb8;
	[tilespmem:$0xC800] =	vst v63  }
0xa7: {  	_ =	swait.ge [sflag:s3], $0x800  }
0xa8: {  	[sflag:s3] =	ssyncset.done $0x0  }
0xa9: {  	[sflag:s3] =	ssyncadd.s32 $0xFFFFF800  }
0xaa: {  	_ =	swait.ge [sflag:s3], $0x800  }
0xab: {  	[sflag:s3] =	ssyncset.done $0x0  }
0xac: {  	[sflag:s3] =	ssyncadd.s32 $0xFFFFF800  }
0xad: {  	_ =	swait.ge [sflag:s3], $0x800  }
0xae: {  	[sflag:s3] =	ssyncset.done $0x0  }
0xaf: {  	[sflag:s3] =	ssyncadd.s32 $0xFFFFF800  }
0xb0: {  	p1 =	seq.s32 s22, $0x9600;
	_ =	swait.ge [sflag:s3], $0x800  }
.Ltmp5:
0xb1: {  	[sflag:s3] =	ssyncset.done $0x0;
	(pc) =	sbr.rel @p1 .LBB2_6-.Ltmp5, $4  }
0xb2: {  	[sflag:s3] =	ssyncadd.s32 $0xFFFFF800  }
0xb3: {  	_ =	swait.ge [sflag:s3], $0x800  }
0xb4: {  	[sflag:s3] =	ssyncset.done $0x0  }
0xb5: {  	[sflag:s3] =	ssyncadd.s32 $0xFFFFF800  }
0xb6: {  	s6 =	sadd.s32 $0x280, s5  }
0xb7: {  	[tilespmem:s18], [sflag:$0x1] =	stream.indirect.gather [hbm4b:s4+s17], $0x10, s6, s17, $0xb8;
	[tilespmem:$0xC800] =	vst v63  }
0xb8: {  	s10 =	sadd.s32 $0x300, s5  }
0xb9: {  	[tilespmem:s19], [sflag:$0x1] =	stream.indirect.gather [hbm4b:s4+s17], $0x10, s10, s17, $0xb8;
	[tilespmem:$0xC800] =	vst v63  }
0xba: {  	s8 =	sadd.s32 $0x380, s5  }
0xbb: {  	[tilespmem:s21], [sflag:$0x1] =	stream.indirect.gather [hbm4b:s4+s17], $0x10, s8, s17, $0xb8;
	[tilespmem:$0xC800] =	vst v63  }
.Ltmp6:
0xbc: {  	_ = 	snop;
	(pc) =	sbr.rel .LBB2_5-.Ltmp6, $4  }
0xbd: {  	s9 =	sadd.s32 $0x400, s5  }
0xbe: {  	[tilespmem:s23], [sflag:$0x1] =	stream.indirect.gather [hbm4b:s4+s17], $0x10, s9, s17, $0xb8;
	[tilespmem:$0xC800] =	vst v63  }
0xbf: {  	s10 =	sadd.s32 $0x480, s5  }
0xc0: {  	[tilespmem:s25], [sflag:$0x1] =	stream.indirect.gather [hbm4b:s4+s17], $0x10, s10, s17, $0xb8;
	[tilespmem:$0xC800] =	vst v63  }
.LBB2_7:
0xc1: {  	_ =	sfence.sel $0x180000  }
0xc2: {  	[bflag:$0x0] =	sbarrier.arrive $0xFFFF  }
0xc3: {  	_ =	strace $0x9000004D  }
0xc4: {  	s0 =	stileid.u32;
	[bflag:$0x2] =	sbarrier.arrive $0xFFFF  }
0xc5: {  	p0 =	sne.s32 s0, $0x0;
	s0 =	rddreg [dreg:$0x3]  }
0xc6: {  	s0 =	sadd.s32 @!p0 $0x100000, s0  }
0xc7: {  	[sflag:s0] =	ssyncadd.tile.s32 @!p0 $0x1;
	_ =	shalt  }
.Lfunc_end2:
_tile_overlayer_lowered:
.L_overlay_start_2:
0xc8: {  	(tag) =	ssettag $0x2  }
0xc9: {  	s0 =	rddreg [dreg:$0x0];
	s2 =	stileid.u32  }
0xca: {  	s1 =	rddreg [dreg:$0x1];
	p0 =	sne.s32 s2, $0x0  }
0xcb: {  	s3 =	rddreg [dreg:$0x2];
	[bflag:$0x3] =	sbarrier.arrive $0xFFFF;
	s2 =	simm.s32 @!p0 $0x1C05  }
0xcc: {  	[timem:s3], [sflag:s2] =	dma.local @!p0 [hbm:s0], s1  }
0xcd: {  	s0 =	simm.s32 @!p0 $0x5  }
0xce: {  	_ =	swait.ge @!p0 [sflag:s0], s1  }
0xcf: {  	s1 =	ssub.s32 @!p0 $0x0, s1;
	[sflag:s0] =	ssyncset.done @!p0 $0x0  }
0xd0: {  	[sflag:s0] =	ssyncadd.s32 @!p0 s1  }
0xd1: {  	[bflag:$0x3] =	sbarrier.arrive $0xFFFF  }
0xd2: {  	_ =	shalt  }

// kernel: kernel.20.cloned.1.call-start
scs
__scs_entry_jumppad:
0x0: {  	(pc) =	sbr.rel $0x88, $3  }
0x1: {  	(tag) =	ssettag $0x0;
	lr =	simm.s32 $0x1  }
0x2: {  	[smem:$0x3F99] =	sst lr;
	_ =	strace $0xD0000000  }
0x3: {  	_ = 	snop  }
0x4: {  	_ = 	snop  }
0x5: {  	_ = 	snop  }
0x6: {  	_ = 	snop  }
0x7: {  	_ = 	snop  }
__scs_overlays_trampoline_lowered:
0x8: {  	[smem:$0x3FA8] =	sst s0  }
0x9: {  	[smem:$0x3FA9] =	sst s1  }
0xa: {  	[smem:$0x3FAA] =	sst s2  }
0xb: {  	[smem:$0x3FAB] =	sst s3  }
0xc: {  	[smem:$0x3FAC] =	sst s4  }
0xd: {  	[smem:$0x3FAD] =	sst s5  }
0xe: {  	[smem:$0x3FAE] =	sst s6  }
0xf: {  	[smem:$0x3FAF] =	sst s7  }
0x10: {  	[smem:$0x3FB0] =	sst s8  }
0x11: {  	[smem:$0x3FB1] =	sst s9;
	s0 =	simm.s32 @!p0 $0x0  }
0x12: {  	s1 =	sld [smem:$0x3F97];
	s0 =	simm.s32 @p0 $0x1  }
0x13: {  	[smem:$0x3FB2] =	sst s0;
	s0 =	simm.s32 @!p1 $0x0  }
0x14: {  	s2 =	sld [smem:$0x3F96];
	s0 =	simm.s32 @p1 $0x1  }
0x15: {  	[smem:$0x3FB3] =	sst s0;
	s0 =	simm.s32 @!p2 $0x0  }
0x16: {  	s3 =	sld [smem:$0x3FDB];
	s0 =	simm.s32 @p2 $0x1  }
0x17: {  	s4 =	simm.s32 $0x1BF5;
	[smem:$0x3FB5] =	sst s0  }
0x18: {  	s0 =	sld [smem:$0x3F98];
	_ =	swait.ge [sflag:s4], $0x0  }
0x19: {  	s7 =	sld [smem:$0x3F99]  }
0x1a: {  	s8 =	sadd.s32 $0xFFFFE003, lr  }
0x1b: {  	s9 =	sadd.s32 $0xFFFFFEF7, lr;
	s5 =	simm.s32 $0xFFFFFFFF;
	p2 =	slt.u32 s8, $0xFFFFF086  }
0x1c: {  	p1 =	slt.u32 s9, $0xF7A;
	s5 =	simm.s32 @!p2 $0x0  }
0x1d: {  	s5 =	simm.s32 @p1 $0x1;
	p0 =	seq.s32 s7, s2  }
0x1e: {  	s7 =	smul.u32 @!p0 $0xF7A, s2;
	p2 =	seq.s32 @!p0 s5, $0x0  }
0x1f: {  	s9 =	smul.u32 $0xF7A, s1;
	s8 =	simm.s32 @!p0 $0x1BF5;
	p2 =	por !p2, p0  }
0x20: {  	[sflag:s8] =	ssyncset.s32 @!p0 $0xFFFFF086;
	s6 =	sadd.s32 @!p0 s3, s7;
	s7 =	simm.s32 @!p0 $0x108  }
0x21: {  	s3 =	sadd.s32 s3, s9;
	s6 =	sadd.s32 @!p0 $0x88, s6;
	s7 =	simm.s32 @p2 $0x1082  }
0x22: {  	[simem:s7], [sflag:s8] =	dma.local @!p0 [hbm:s6], $0xF7A  }
0x23: {  	s9 =	sor.u32 $0xD0000000, s2;
	s6 =	simm.s32 $0x108;
	_ =	swait.ge @!p0 [sflag:s8], $0x0  }
0x24: {  	s3 =	sadd.s32 $0x88, s3;
	s6 =	simm.s32 @!p1 $0x1082;
	[sflag:s4] =	ssyncset.s32 $0xFFFFF086  }
0x25: {  	[simem:s6], [sflag:s4] =	dma.local [hbm:s3], $0xF7A  }
0x26: {  	[smem:$0x3F99] =	sst s1;
	(tag) =	ssettag s2;
	_ =	strace s9  }
0x27: {  	s1 =	sld [smem:$0x3FA9]  }
0x28: {  	s2 =	sld [smem:$0x3FAA]  }
0x29: {  	s4 =	sld [smem:$0x3FAC]  }
0x2a: {  	p0 =	seq.s32 s5, $0x0;
	s5 =	sld [smem:$0x3FAD]  }
0x2b: {  	s6 =	sld [smem:$0x3FAE]  }
0x2c: {  	s7 =	sld [smem:$0x3FAF]  }
0x2d: {  	s3 =	simm.s32 $0x108;
	s8 =	sld [smem:$0x3FB0]  }
0x2e: {  	s3 =	simm.s32 @!p0 $0x1082;
	s9 =	sld [smem:$0x3FB1]  }
0x2f: {  	lr =	sadd.s32 s0, s3;
	s0 =	sld [smem:$0x3FA8]  }
0x30: {  	s3 =	sld [smem:$0x3FAB]  }
0x31: {  	[smem:$0x3FB4] =	sst s10  }
0x32: {  	s10 =	sld [smem:$0x3FB2];
	_ =	sdelay $0x3  }
0x33: {  	p0 =	seq.s32 s10, $0x1;
	s10 =	sld [smem:$0x3FB4];
	_ =	sdelay $0x3  }
0x34: {  	[smem:$0x3FB4] =	sst s10  }
0x35: {  	s10 =	sld [smem:$0x3FB3];
	_ =	sdelay $0x3  }
0x36: {  	p1 =	seq.s32 s10, $0x1;
	s10 =	sld [smem:$0x3FB4];
	_ =	sdelay $0x3  }
0x37: {  	[smem:$0x3FB4] =	sst s10  }
0x38: {  	s10 =	sld [smem:$0x3FB5]  }
0x39: {  	_ = 	snop;
	(pc) =	sbr.ind lr, $3  }
0x3a: {  	_ = 	snop  }
0x3b: {  	_ = 	snop  }
0x3c: {  	p2 =	seq.s32 s10, $0x1;
	s10 =	sld [smem:$0x3FB4]  }
0x3d: {  	_ =	shalt  }
0x3e: {  	_ =	shalt  }
0x3f: {  	_ =	shalt  }
0x40: {  	_ =	shalt  }
0x41: {  	_ =	shalt  }
0x42: {  	_ =	shalt  }
0x43: {  	_ =	shalt  }
0x44: {  	_ =	shalt  }
0x45: {  	_ =	shalt  }
0x46: {  	_ =	shalt  }
0x47: {  	_ =	shalt  }
0x48: {  	_ =	shalt  }
0x49: {  	_ =	shalt  }
0x4a: {  	_ =	shalt  }
0x4b: {  	_ =	shalt  }
0x4c: {  	_ =	shalt  }
0x4d: {  	_ =	shalt  }
0x4e: {  	_ =	shalt  }
0x4f: {  	_ =	shalt  }
0x50: {  	_ =	shalt  }
0x51: {  	_ =	shalt  }
0x52: {  	_ =	shalt  }
0x53: {  	_ =	shalt  }
0x54: {  	_ =	shalt  }
0x55: {  	_ =	shalt  }
0x56: {  	_ =	shalt  }
0x57: {  	_ =	shalt  }
0x58: {  	_ =	shalt  }
0x59: {  	_ =	shalt  }
0x5a: {  	_ =	shalt  }
0x5b: {  	_ =	shalt  }
0x5c: {  	_ =	shalt  }
0x5d: {  	_ =	shalt  }
0x5e: {  	_ =	shalt  }
0x5f: {  	_ =	shalt  }
0x60: {  	_ =	shalt  }
0x61: {  	_ =	shalt  }
0x62: {  	_ =	shalt  }
0x63: {  	_ =	shalt  }
0x64: {  	_ =	shalt  }
0x65: {  	_ =	shalt  }
0x66: {  	_ =	shalt  }
0x67: {  	_ =	shalt  }
0x68: {  	_ =	shalt  }
0x69: {  	_ =	shalt  }
0x6a: {  	_ =	shalt  }
0x6b: {  	_ =	shalt  }
0x6c: {  	_ =	shalt  }
0x6d: {  	_ =	shalt  }
0x6e: {  	_ =	shalt  }
0x6f: {  	_ =	shalt  }
0x70: {  	_ =	shalt  }
0x71: {  	_ =	shalt  }
0x72: {  	_ =	shalt  }
0x73: {  	_ =	shalt  }
0x74: {  	_ =	shalt  }
0x75: {  	_ =	shalt  }
0x76: {  	_ =	shalt  }
0x77: {  	_ =	shalt  }
0x78: {  	_ =	shalt  }
0x79: {  	_ =	shalt  }
0x7a: {  	_ =	shalt  }
0x7b: {  	_ =	shalt  }
0x7c: {  	_ =	shalt  }
0x7d: {  	_ =	shalt  }
0x7e: {  	_ =	shalt  }
0x7f: {  	_ =	shalt  }
0x80: {  	_ =	shalt  }
0x81: {  	_ =	shalt  }
0x82: {  	_ =	shalt  }
0x83: {  	_ =	shalt  }
0x84: {  	_ =	shalt  }
0x85: {  	_ =	shalt  }
0x86: {  	_ =	shalt  }
0x87: {  	_ =	shalt  }
.Lfunc_end0:
.L_simem_size_0:
called_computation.3_lowered:
.L_overlay_start_0:
0x88: {  	s2 =	sld [smem:$0x3FD9]  }
0x89: {  	s3 =	sld [smem:$0x3FFE];
	_ =	sdelay $0x1  }
0x8a: {  	s1 =	srdreg.scid  }
0x8b: {  	s0 =	sand.u32 $0x1, s1  }
0x8c: {  	s17 =	sshll.u32 s0, $0xA;
	s2 =	sadd.s32 s3, s2  }
0x8d: {  	s2 =	sadd.s32 s2, s17  }
0x8e: {  	[smem:$0x3FC0] =	sst s2  }
0x8f: {  	_ = 	snop  }
0x90: {  	s2 =	sld [smem:$0x3FD0];
	(tm) =	ssettm $0x1  }
0x91: {  	s18 =	sld [smem:$0x3FFB];
	_ =	sdelay $0x3  }
0x92: {  	_ =	strace s18  }
0x93: {  	s3 =	sld [smem:$0x3FFC];
	_ =	sdelay $0x3  }
0x94: {  	_ =	strace s3  }
0x95: {  	s3 =	sld [smem:$0x3FFD];
	_ =	sdelay $0x3  }
0x96: {  	_ =	strace s3  }
0x97: {  	_ =	strace $0x8FFFFFFF  }
0x98: {  	s19 =	sld [smem:$0x3FDB];
	_ =	sdelay $0x1  }
0x99: {  	s4 =	simm.s32 $_scs_section_size  }
0x9a: {  	s5 =	simm.s32 $_size__tile_overlayer_lowered;
	s6 =	simm.s32 $_tile_overlayer_lowered  }
0x9b: {  	s22 =	simm.s32 $0x1BFF;
	s21 =	sshll.u32 s6, $0x1;
	s3 =	sadd.s32 s4, s19  }
0x9c: {  	s7 =	simm.s32 $0x0;
	s20 =	sshll.u32 s5, $0x1;
	s5 =	sadd.s32 s21, s3  }
0x9d: {  	[timem:s7], [sflag:s22] =	dma.local [hbm:s5], s20  }
0x9e: {  	_ =	swait.ge [sflag:s22], s20  }
0x9f: {  	s4 =	ssub.s32 $0x0, s20;
	[sflag:s22] =	ssyncset.done $0x0  }
0xa0: {  	[sflag:s22] =	ssyncadd.s32 s4;
	_ =	sdelay $0x1  }
0xa1: {  	s23 =	simm.s32 $0x1B8B  }
0xa2: {  	_ =	swait.ge [sflag:s23], $0x1  }
0xa3: {  	[sflag:s23] =	ssyncset.done $0x0  }
0xa4: {  	s25 =	simm.s32 $0x1B8E;
	s24 =	sld [smem:$0x3FFE];
	[sflag:s23] =	ssyncadd.s32 $0xFFFFFFFF  }
0xa5: {  	s26 =	simm.s32 $execute0_lowered;
	[smem:$0x3FD2] =	sst s25  }
0xa6: {  	s5 =	sshll.u32 s26, $0x1;
	_ =	strace $0x8000004F;
	[dreg:$0x1] =	wrdreg $0xFFFFFFFF  }
0xa7: {  	s28 =	simm.s32 $_size_execute0_lowered;
	s3 =	sadd.s32 s3, s5;
	[dreg:$0x0] =	wrdreg $0x0  }
0xa8: {  	s5 =	sshll.u32 s28, $0x1;
	[dreg:$0x2] =	wrdreg s3  }
0xa9: {  	[dreg:$0x3] =	wrdreg s5  }
0xaa: {  	[dreg:$0x4] =	wrdreg $0xC0  }
0xab: {  	_ =	task [dreg:s7], $0x5FFFF  }
0xac: {  	[dreg:$0x1] =	wrdreg $0xFFFFFFFF  }
0xad: {  	[dreg:$0x0] =	wrdreg $0x60  }
0xae: {  	[dreg:$0x2] =	wrdreg s24  }
0xaf: {  	[dreg:$0x3] =	wrdreg s2  }
0xb0: {  	[dreg:$0x4] =	wrdreg $0xA0000  }
0xb1: {  	[dreg:$0x5] =	wrdreg $0x9  }
0xb2: {  	_ =	task.clear_ibuf [dreg:s7], $0x6FFFF;
	_ =	strace $0x9000004F  }
0xb3: {  	s29 =	simm.s32 $0x9;
	_ =	strace $0x80000051  }
0xb4: {  	_ =	swait.ge [sflag:s29], $0x1  }
0xb5: {  	[sflag:s29] =	ssyncadd.s32 $0xFFFFFFFF  }
0xb6: {  	_ =	strace $0x90000051  }
0xb7: {  	_ =	sfence  }
0xb8: {  	s30 =	sld [smem:$0x0];
	_ =	sdelay $0x2  }
0xb9: {  	s31 =	sshll.u32 s1, $0xD;
	s1 =	sshrl.u32 s1, $0x2  }
0xba: {  	s3 =	sand.u32 $0x4000, s31;
	s1 =	sadd.s32 s1, s30  }
0xbb: {  	s0 =	sor.u32 s3, s0;
	s1 =	sshll.u32 s1, $0x11  }
0xbc: {  	s0 =	sor.u32 s1, s0  }
0xbd: {  	s0 =	sadd.s32 $0x8F2B, s0  }
0xbe: {  	[sflag:s0] =	ssyncadd.remote.s32 $0x1  }
0xbf: {  	_ =	sfence.sel $0xFFFF  }
0xc0: {  	[dreg:$0x0] =	wrdreg $0xFFFFFFFF;
	(pc) =	sbr.abs _section_cstart, $3  }
0xc1: {  	[dreg:$0x1] =	wrdreg $0xFFFFFFFF  }
0xc2: {  	_ =	task.clear_ibuf [dreg:s7], $0x2FFFF;
	_ =	strace $0x9FFFFFFF  }
0xc3: {  	(tm) =	ssettm $0x7FFFFFFF  }
tec
execute0_lowered:
.L_overlay_start_1:
0x0: {  	(tag) =	ssettag $0x1  }
0x1: {  	s1 =	rddreg [dreg:$0x0]  }
0x2: {  	s0 =	srdreg.scid;
	s3 =	rddreg [dreg:$0x1]  }
0x3: {  	s11 =	stileid.u32;
	s2 =	rddreg [dreg:$0x2];
	s20 =	simm.s32 $0x0  }
0x4: {  	s16 =	simm.s32 $0x5;
	s17 =	simm.s32 $0x80;
	s18 =	simm.s32 $0x5000  }
0x5: {  	s19 =	simm.s32 $0x5800;
	s28 =	simm.s32 $0x2;
	s29 =	simm.s32 $0x7800  }
0x6: {  	s30 =	simm.s32 $0x8000;
	s31 =	simm.s32 $0x8800;
	s0 =	sand.u32 $0x1, s0  }
0x7: {  	[smem:$0x7FF] =	sst s20;
	s10 =	smul.u32 $0x2800, s11;
	s8 =	sadd.s32 $0x3C00, s1  }
0x8: {  	s23 =	sshll.u32 s11, $0x6;
	s26 =	sadd.s32 $0xDF00, s1;
	s12 =	sadd.s32 $0x3FC0, s1  }
0x9: {  	s20 =	simm.s32 $0x0;
	s4 =	sshll.u32 s0, $0x4;
	_ =	strace $0x80000050  }
0xa: {  	s7 =	ssub.s32 $0x2, s0;
	[dreg:$0x4] =	wrdreg s8;
	s0 =	smul.u32 $0x28000, s0  }
0xb: {  	[dreg:$0x8] =	wrdreg s26;
	s26 =	simm.s32 $0x4;
	s5 =	sor.u32 s11, s4  }
0xc: {  	s4 =	sadd.s32 $0x1D000, s1;
	s21 =	sshrl.u32 s10, $0x3;
	s22 =	sshrl.u32 s7, $0x1  }
0xd: {  	s15 =	sadd.s32 s10, s2;
	s11 =	sadd.s32 $0x17B40, s1;
	s6 =	smul.u32 $0x2800, s5  }
0xe: {  	s14 =	ssub.s32 s7, s22;
	s7 =	sor.u32 $0x1C05, s23;
	s0 =	sadd.s32 s10, s0  }
0xf: {  	p0 =	seq.s32 s5, $0x1F;
	s15 =	sshrl.u32 s15, $0x3;
	s23 =	simm.s32 $0x6800  }
0x10: {  	s0 =	sshrl.u32 s0, $0x3;
	s14 =	smax.u32 s14, $0x1;
	s6 =	sshrl.u32 s6, $0x3  }
.Ltmp0:
0x11: {  	s9 =	sadd.s32 s6, s1;
	s6 =	sadd.s32 s21, s1;
	(pc) =	sbr.rel .LBB2_1-.Ltmp0, $4  }
0x12: {  	s13 =	sadd.s32 s3, s0;
	s0 =	simm.s32 $0x9800;
	s6 =	sadd.s32 $0x18000, s6  }
0x13: {  	s3 =	simm.s32 $0x3;
	s24 =	sadd.s32 $0x4400, s9;
	[dreg:$0x5] =	wrdreg s6  }
0x14: {  	s21 =	simm.s32 $0x6000;
	s25 =	sadd.s32 $0xE040, s9;
	[dreg:$0x6] =	wrdreg s24  }
0x15: {  	s1 =	simm.s32 $0x9000;
	[dreg:$0x7] =	wrdreg s25;
	s25 =	simm.s32 $0x7000  }
.LBB2_6:
0x16: {  	_ =	swait.ge [sflag:s26], $0x800  }
0x17: {  	[sflag:s26] =	ssyncset.done $0x0  }
0x18: {  	[sflag:s26] =	ssyncadd.s32 $0xFFFFF800  }
0x19: {  	_ =	swait.ge [sflag:s26], $0x800  }
0x1a: {  	[sflag:s26] =	ssyncset.done $0x0  }
0x1b: {  	[sflag:s26] =	ssyncadd.s32 $0xFFFFF800  }
0x1c: {  	_ =	swait.ge [sflag:s26], $0x800  }
0x1d: {  	[sflag:s26] =	ssyncset.done $0x0  }
0x1e: {  	[sflag:s26] =	ssyncadd.s32 $0xFFFFF800  }
0x1f: {  	_ =	swait.ge [sflag:s26], $0x800  }
0x20: {  	[sflag:s26] =	ssyncset.done $0x0  }
0x21: {  	[sflag:s26] =	ssyncadd.s32 $0xFFFFF800  }
0x22: {  	_ =	swait.ge [sflag:s26], $0x800  }
0x23: {  	s20 =	sadd.s32 $0x1, s20;
	[sflag:s26] =	ssyncset.done $0x0  }
0x24: {  	p1 =	sne.s32 s20, s14;
	[sflag:s26] =	ssyncadd.s32 $0xFFFFF800  }
.Ltmp1:
0x25: {  	[bflag:$0x0] =	sbarrier.arrive $0xFFFF;
	(pc) =	sbr.rel @!p1 .LBB2_7-.Ltmp1, $4  }
0x26: {  	[hbm:s13], [sflag:s7] =	dma.local [spmem:s15], $0x500  }
0x27: {  	_ =	swait.ge [sflag:s16], $0x500  }
0x28: {  	[sflag:s16] =	ssyncset.done $0x0  }
0x29: {  	[sflag:s16] =	ssyncadd.s32 $0xFFFFFB00  }
.LBB2_1:
0x2a: {  	s5 =	rddreg [dreg:$0x5]  }
0x2b: {  	[spmem:s15], [sflag:s7] =	dma.local [hbm:s5], $0x500  }
0x2c: {  	_ =	swait.ge [sflag:s16], $0x500  }
0x2d: {  	s22 =	simm.s32 @p0 $0x5;
	[sflag:s16] =	ssyncset.done $0x0  }
0x2e: {  	s5 =	simm.s32 @p0 $0x0;
	s6 =	rddreg [dreg:$0x8];
	[sflag:s16] =	ssyncadd.s32 $0xFFFFFB00  }
0x2f: {  	[tilespmem:s5], [sflag:$0x5] =	stream.linear.gather @p0 [hbm4b:s6+s5], $0xA00, $0x38;
	[tilespmem:$0xC800] =	vst v63  }
0x30: {  	_ =	swait.ge @p0 [sflag:s22], $0xA00  }
0x31: {  	[sflag:s22] =	ssyncset.done @p0 $0x0  }
0x32: {  	s24 =	simm.s32 @p0 $0x2800;
	[sflag:s22] =	ssyncadd.s32 @p0 $0xFFFFF600  }
0x33: {  	[tilespmem:s24], [sflag:$0x5] =	stream.linear.gather @p0 [hbm4b:s11+s5], $0xA00, $0x38;
	[tilespmem:$0xC800] =	vst v63  }
0x34: {  	_ =	swait.ge @p0 [sflag:s22], $0xA00  }
0x35: {  	[sflag:s22] =	ssyncset.done @p0 $0x0  }
0x36: {  	s24 =	simm.s32 @p0 $0xA00;
	s6 =	rddreg [dreg:$0x4];
	[sflag:s22] =	ssyncadd.s32 @p0 $0xFFFFF600  }
0x37: {  	[tilespmem:s24], [sflag:$0x5] =	stream.linear.gather @p0 [hbm4b:s6+s5], $0x1E00, $0x38;
	[tilespmem:$0xC800] =	vst v63  }
0x38: {  	_ =	swait.ge @p0 [sflag:s22], $0x1E00  }
0x39: {  	[sflag:s22] =	ssyncset.done @p0 $0x0  }
0x3a: {  	s24 =	simm.s32 @p0 $0x3200;
	[sflag:s22] =	ssyncadd.s32 @p0 $0xFFFFE200  }
0x3b: {  	[tilespmem:s24], [sflag:$0x5] =	stream.linear.gather @p0 [hbm4b:s12+s5], $0x1E00, $0x38;
	[tilespmem:$0xC800] =	vst v63  }
0x3c: {  	_ =	swait.ge @p0 [sflag:s22], $0x1E00  }
0x3d: {  	s5 =	simm.s32 @!p0 $0x0;
	[sflag:s22] =	ssyncset.done @p0 $0x0  }
0x3e: {  	s6 =	rddreg [dreg:$0x6];
	[sflag:s22] =	ssyncadd.s32 @p0 $0xFFFFE200;
	s22 =	simm.s32 @!p0 $0x5  }
0x3f: {  	[tilespmem:s5], [sflag:$0x5] =	stream.linear.gather @!p0 [hbm4b:s6+s5], $0x2800, $0x38;
	[tilespmem:$0xC800] =	vst v63  }
0x40: {  	_ =	swait.ge @!p0 [sflag:s22], $0x2800  }
0x41: {  	[sflag:s22] =	ssyncset.done @!p0 $0x0  }
0x42: {  	s24 =	simm.s32 @!p0 $0x2800;
	s6 =	rddreg [dreg:$0x7];
	[sflag:s22] =	ssyncadd.s32 @!p0 $0xFFFFD800  }
0x43: {  	[tilespmem:s24], [sflag:$0x5] =	stream.linear.gather @!p0 [hbm4b:s6+s5], $0x2800, $0x38;
	[tilespmem:$0xC800] =	vst v63  }
0x44: {  	_ =	swait.ge @!p0 [sflag:s22], $0x2800  }
0x45: {  	[sflag:s22] =	ssyncset.done @!p0 $0x0  }
0x46: {  	[sflag:s22] =	ssyncadd.s32 @!p0 $0xFFFFD800  }
0x47: {  	s9 =	simm.s32 $0x0;
	[bflag:$0x0] =	sbarrier.arrive $0xFFFF  }
0x48: {  	[tilespmem:s18], [sflag:$0x1] =	stream.indirect.gather [hbm4b:s4+s17], $0x10, s9, s17, $0xb8;
	[tilespmem:$0xC800] =	vst v63  }
0x49: {  	_ = 	snop  }
0x4a: {  	[tilespmem:s19], [sflag:$0x1] =	stream.indirect.gather [hbm4b:s4+s17], $0x10, s17, s17, $0xb8;
	[tilespmem:$0xC800] =	vst v63  }
0x4b: {  	s10 =	simm.s32 $0x100  }
0x4c: {  	[tilespmem:s21], [sflag:$0x1] =	stream.indirect.gather [hbm4b:s4+s17], $0x10, s10, s17, $0xb8;
	[tilespmem:$0xC800] =	vst v63  }
.Ltmp2:
0x4d: {  	s22 =	simm.s32 $0x180;
	(pc) =	sbr.rel .LBB2_2-.Ltmp2, $4  }
0x4e: {  	[tilespmem:s23], [sflag:$0x1] =	stream.indirect.gather [hbm4b:s4+s17], $0x10, s22, s17, $0xb8;
	[tilespmem:$0xC800] =	vst v63  }
0x4f: {  	s24 =	simm.s32 $0x200  }
0x50: {  	[tilespmem:s25], [sflag:$0x1] =	stream.indirect.gather [hbm4b:s4+s17], $0x10, s24, s17, $0xb8;
	[tilespmem:$0xC800] =	vst v63  }
0x51: {  	s22 =	simm.s32 $0x0;
	s24 =	simm.s32 $0x0  }
.LBB2_5:
0x52: {  	s22 =	sadd.s32 $0xA00, s22  }
0x53: {  	p1 =	sne.s32 s22, $0xA000  }
.Ltmp3:
0x54: {  	_ = 	snop;
	(pc) =	sbr.rel @!p1 .LBB2_6-.Ltmp3, $2  }
0x55: {  	_ =	sdelay $0x2  }
0x56: {  	s24 =	sadd.s32 $0x1, s24  }
.LBB2_2:
0x57: {  	s5 =	sand.u32 $0x1, s24  }
0x58: {  	p1 =	seq.s32 s5, $0x1  }
0x59: {  	s6 =	simm.s32 @!p1 $0x1  }
0x5a: {  	_ =	swait.ge @!p1 [sflag:s6], $0x800  }
0x5b: {  	[sflag:s6] =	ssyncset.done @!p1 $0x0  }
0x5c: {  	[sflag:s6] =	ssyncadd.s32 @!p1 $0xFFFFF800  }
0x5d: {  	_ =	swait.ge @!p1 [sflag:s6], $0x800  }
0x5e: {  	[sflag:s6] =	ssyncset.done @!p1 $0x0  }
0x5f: {  	[sflag:s6] =	ssyncadd.s32 @!p1 $0xFFFFF800  }
0x60: {  	_ =	swait.ge @!p1 [sflag:s6], $0x800  }
0x61: {  	[sflag:s6] =	ssyncset.done @!p1 $0x0  }
0x62: {  	[sflag:s6] =	ssyncadd.s32 @!p1 $0xFFFFF800  }
0x63: {  	_ =	swait.ge @!p1 [sflag:s6], $0x800  }
0x64: {  	[sflag:s6] =	ssyncset.done @!p1 $0x0  }
0x65: {  	[sflag:s6] =	ssyncadd.s32 @!p1 $0xFFFFF800  }
0x66: {  	_ =	swait.ge @!p1 [sflag:s6], $0x800  }
0x67: {  	[sflag:s6] =	ssyncset.done @!p1 $0x0  }
0x68: {  	[sflag:s6] =	ssyncadd.s32 @!p1 $0xFFFFF800;
	s6 =	sshra.s32 @!p1 s22, $0x2  }
0x69: {  	s9 =	simm.s32 @!p1 $0x80;
	s10 =	simm.s32 @!p1 $0x5000;
	s8 =	sadd.s32 @!p1 $0x2800, s6  }
0x6a: {  	[spmem:s2] =	stream.indirect.scatter.add.f32 @!p1 [tilespmem:s10], [sflag:$0x3], $0x10, s8, s9, $0xb8;
	[tilespmem:$0xC800] =	vst v63  }
0x6b: {  	s8 =	sadd.s32 @!p1 $0x2880, s6;
	s10 =	simm.s32 @!p1 $0x5800  }
0x6c: {  	[spmem:s2] =	stream.indirect.scatter.add.f32 @!p1 [tilespmem:s10], [sflag:$0x3], $0x10, s8, s9, $0xb8;
	[tilespmem:$0xC800] =	vst v63  }
0x6d: {  	s8 =	sadd.s32 @!p1 $0x2900, s6;
	s10 =	simm.s32 @!p1 $0x6000  }
0x6e: {  	[spmem:s2] =	stream.indirect.scatter.add.f32 @!p1 [tilespmem:s10], [sflag:$0x3], $0x10, s8, s9, $0xb8;
	[tilespmem:$0xC800] =	vst v63  }
0x6f: {  	p2 =	seq.s32 @!p1 s22, $0x0;
	s8 =	sadd.s32 @!p1 $0x2980, s6;
	s10 =	simm.s32 @!p1 $0x6800  }
0x70: {  	[spmem:s2] =	stream.indirect.scatter.add.f32 @!p1 [tilespmem:s10], [sflag:$0x3], $0x10, s8, s9, $0xb8;
	[tilespmem:$0xC800] =	vst v63  }
0x71: {  	p2 =	por p2, p1;
	s8 =	sadd.s32 @!p1 $0x2A00, s6;
	s10 =	simm.s32 @!p1 $0x7000  }
0x72: {  	[spmem:s2] =	stream.indirect.scatter.add.f32 @!p1 [tilespmem:s10], [sflag:$0x3], $0x10, s8, s9, $0xb8;
	[tilespmem:$0xC800] =	vst v63  }
0x73: {  	s8 =	simm.s32 @!p2 $0x4  }
0x74: {  	_ =	swait.ge @!p2 [sflag:s8], $0x800  }
0x75: {  	[sflag:s8] =	ssyncset.done @!p2 $0x0  }
0x76: {  	[sflag:s8] =	ssyncadd.s32 @!p2 $0xFFFFF800  }
0x77: {  	_ =	swait.ge @!p2 [sflag:s8], $0x800  }
0x78: {  	[sflag:s8] =	ssyncset.done @!p2 $0x0  }
0x79: {  	[sflag:s8] =	ssyncadd.s32 @!p2 $0xFFFFF800  }
0x7a: {  	_ =	swait.ge @!p2 [sflag:s8], $0x800  }
0x7b: {  	[sflag:s8] =	ssyncset.done @!p2 $0x0  }
0x7c: {  	[sflag:s8] =	ssyncadd.s32 @!p2 $0xFFFFF800  }
0x7d: {  	_ =	swait.ge @!p2 [sflag:s8], $0x800  }
0x7e: {  	[sflag:s8] =	ssyncset.done @!p2 $0x0  }
0x7f: {  	[sflag:s8] =	ssyncadd.s32 @!p2 $0xFFFFF800  }
0x80: {  	_ =	swait.ge @!p2 [sflag:s8], $0x800  }
0x81: {  	[sflag:s8] =	ssyncset.done @!p2 $0x0  }
0x82: {  	s10 =	simm.s32 @!p1 $0x7800;
	[sflag:s8] =	ssyncadd.s32 @!p2 $0xFFFFF800;
	s8 =	sadd.s32 @!p1 $0x280, s6  }
0x83: {  	[tilespmem:s10], [sflag:$0x2] =	stream.indirect.gather @!p1 [hbm4b:s4+s9], $0x10, s8, s9, $0xb8;
	[tilespmem:$0xC800] =	vst v63  }
0x84: {  	s8 =	sadd.s32 @!p1 $0x300, s6;
	s10 =	simm.s32 @!p1 $0x8000  }
0x85: {  	[tilespmem:s10], [sflag:$0x2] =	stream.indirect.gather @!p1 [hbm4b:s4+s9], $0x10, s8, s9, $0xb8;
	[tilespmem:$0xC800] =	vst v63  }
0x86: {  	s8 =	sadd.s32 @!p1 $0x380, s6;
	s10 =	simm.s32 @!p1 $0x8800  }
0x87: {  	[tilespmem:s10], [sflag:$0x2] =	stream.indirect.gather @!p1 [hbm4b:s4+s9], $0x10, s8, s9, $0xb8;
	[tilespmem:$0xC800] =	vst v63  }
0x88: {  	s8 =	sadd.s32 @!p1 $0x400, s6;
	s10 =	simm.s32 @!p1 $0x9000  }
0x89: {  	[tilespmem:s10], [sflag:$0x2] =	stream.indirect.gather @!p1 [hbm4b:s4+s9], $0x10, s8, s9, $0xb8;
	[tilespmem:$0xC800] =	vst v63  }
0x8a: {  	p2 =	seq.s32 @!p1 s5, $0x0;
	s6 =	sadd.s32 @!p1 $0x480, s6;
	s8 =	simm.s32 @!p1 $0x9800  }
0x8b: {  	[tilespmem:s8], [sflag:$0x2] =	stream.indirect.gather @!p1 [hbm4b:s4+s9], $0x10, s6, s9, $0xb8;
	[tilespmem:$0xC800] =	vst v63  }
0x8c: {  	p1 =	por p1, !p2  }
.Ltmp4:
0x8d: {  	_ = 	snop;
	(pc) =	sbr.rel @!p1 .LBB2_5-.Ltmp4, $1  }
0x8e: {  	_ =	sdelay $0x3  }
0x8f: {  	_ =	swait.ge [sflag:s28], $0x800  }
0x90: {  	[sflag:s28] =	ssyncset.done $0x0  }
0x91: {  	[sflag:s28] =	ssyncadd.s32 $0xFFFFF800  }
0x92: {  	_ =	swait.ge [sflag:s28], $0x800  }
0x93: {  	[sflag:s28] =	ssyncset.done $0x0  }
0x94: {  	[sflag:s28] =	ssyncadd.s32 $0xFFFFF800  }
0x95: {  	_ =	swait.ge [sflag:s28], $0x800  }
0x96: {  	[sflag:s28] =	ssyncset.done $0x0  }
0x97: {  	[sflag:s28] =	ssyncadd.s32 $0xFFFFF800  }
0x98: {  	_ =	swait.ge [sflag:s28], $0x800  }
0x99: {  	[sflag:s28] =	ssyncset.done $0x0  }
0x9a: {  	[sflag:s28] =	ssyncadd.s32 $0xFFFFF800  }
0x9b: {  	_ =	swait.ge [sflag:s28], $0x800  }
0x9c: {  	s5 =	sshra.s32 s22, $0x2;
	[sflag:s28] =	ssyncset.done $0x0  }
0x9d: {  	s6 =	sadd.s32 $0x2800, s5;
	[sflag:s28] =	ssyncadd.s32 $0xFFFFF800  }
0x9e: {  	[spmem:s2] =	stream.indirect.scatter.add.f32 [tilespmem:s29], [sflag:$0x4], $0x10, s6, s17, $0xb8;
	[tilespmem:$0xC800] =	vst v63  }
0x9f: {  	s10 =	sadd.s32 $0x2880, s5  }
0xa0: {  	[spmem:s2] =	stream.indirect.scatter.add.f32 [tilespmem:s30], [sflag:$0x4], $0x10, s10, s17, $0xb8;
	[tilespmem:$0xC800] =	vst v63  }
0xa1: {  	s8 =	sadd.s32 $0x2900, s5  }
0xa2: {  	[spmem:s2] =	stream.indirect.scatter.add.f32 [tilespmem:s31], [sflag:$0x4], $0x10, s8, s17, $0xb8;
	[tilespmem:$0xC800] =	vst v63  }
0xa3: {  	s9 =	sadd.s32 $0x2980, s5  }
0xa4: {  	[spmem:s2] =	stream.indirect.scatter.add.f32 [tilespmem:s1], [sflag:$0x4], $0x10, s9, s17, $0xb8;
	[tilespmem:$0xC800] =	vst v63  }
0xa5: {  	s10 =	sadd.s32 $0x2A00, s5  }
0xa6: {  	[spmem:s2] =	stream.indirect.scatter.add.f32 [tilespmem:s0], [sflag:$0x4], $0x10, s10, s17, $0xb8;
	[tilespmem:$0xC800] =	vst v63  }
0xa7: {  	_ =	swait.ge [sflag:s3], $0x800  }
0xa8: {  	[sflag:s3] =	ssyncset.done $0x0  }
0xa9: {  	[sflag:s3] =	ssyncadd.s32 $0xFFFFF800  }
0xaa: {  	_ =	swait.ge [sflag:s3], $0x800  }
0xab: {  	[sflag:s3] =	ssyncset.done $0x0  }
0xac: {  	[sflag:s3] =	ssyncadd.s32 $0xFFFFF800  }
0xad: {  	_ =	swait.ge [sflag:s3], $0x800  }
0xae: {  	[sflag:s3] =	ssyncset.done $0x0  }
0xaf: {  	[sflag:s3] =	ssyncadd.s32 $0xFFFFF800  }
0xb0: {  	p1 =	seq.s32 s22, $0x9600;
	_ =	swait.ge [sflag:s3], $0x800  }
.Ltmp5:
0xb1: {  	[sflag:s3] =	ssyncset.done $0x0;
	(pc) =	sbr.rel @p1 .LBB2_6-.Ltmp5, $4  }
0xb2: {  	[sflag:s3] =	ssyncadd.s32 $0xFFFFF800  }
0xb3: {  	_ =	swait.ge [sflag:s3], $0x800  }
0xb4: {  	[sflag:s3] =	ssyncset.done $0x0  }
0xb5: {  	[sflag:s3] =	ssyncadd.s32 $0xFFFFF800  }
0xb6: {  	s6 =	sadd.s32 $0x280, s5  }
0xb7: {  	[tilespmem:s18], [sflag:$0x1] =	stream.indirect.gather [hbm4b:s4+s17], $0x10, s6, s17, $0xb8;
	[tilespmem:$0xC800] =	vst v63  }
0xb8: {  	s10 =	sadd.s32 $0x300, s5  }
0xb9: {  	[tilespmem:s19], [sflag:$0x1] =	stream.indirect.gather [hbm4b:s4+s17], $0x10, s10, s17, $0xb8;
	[tilespmem:$0xC800] =	vst v63  }
0xba: {  	s8 =	sadd.s32 $0x380, s5  }
0xbb: {  	[tilespmem:s21], [sflag:$0x1] =	stream.indirect.gather [hbm4b:s4+s17], $0x10, s8, s17, $0xb8;
	[tilespmem:$0xC800] =	vst v63  }
.Ltmp6:
0xbc: {  	_ = 	snop;
	(pc) =	sbr.rel .LBB2_5-.Ltmp6, $4  }
0xbd: {  	s9 =	sadd.s32 $0x400, s5  }
0xbe: {  	[tilespmem:s23], [sflag:$0x1] =	stream.indirect.gather [hbm4b:s4+s17], $0x10, s9, s17, $0xb8;
	[tilespmem:$0xC800] =	vst v63  }
0xbf: {  	s10 =	sadd.s32 $0x480, s5  }
0xc0: {  	[tilespmem:s25], [sflag:$0x1] =	stream.indirect.gather [hbm4b:s4+s17], $0x10, s10, s17, $0xb8;
	[tilespmem:$0xC800] =	vst v63  }
.LBB2_7:
0xc1: {  	_ =	sfence.sel $0x180000  }
0xc2: {  	[bflag:$0x0] =	sbarrier.arrive $0xFFFF  }
0xc3: {  	_ =	strace $0x90000050  }
0xc4: {  	s0 =	stileid.u32;
	[bflag:$0x2] =	sbarrier.arrive $0xFFFF  }
0xc5: {  	p0 =	sne.s32 s0, $0x0;
	s0 =	rddreg [dreg:$0x3]  }
0xc6: {  	s0 =	sadd.s32 @!p0 $0x100000, s0  }
0xc7: {  	[sflag:s0] =	ssyncadd.tile.s32 @!p0 $0x1;
	_ =	shalt  }
.Lfunc_end2:
_tile_overlayer_lowered:
.L_overlay_start_2:
0xc8: {  	(tag) =	ssettag $0x2  }
0xc9: {  	s0 =	rddreg [dreg:$0x0];
	s2 =	stileid.u32  }
0xca: {  	s1 =	rddreg [dreg:$0x1];
	p0 =	sne.s32 s2, $0x0  }
0xcb: {  	s3 =	rddreg [dreg:$0x2];
	[bflag:$0x3] =	sbarrier.arrive $0xFFFF;
	s2 =	simm.s32 @!p0 $0x1C05  }
0xcc: {  	[timem:s3], [sflag:s2] =	dma.local @!p0 [hbm:s0], s1  }
0xcd: {  	s0 =	simm.s32 @!p0 $0x5  }
0xce: {  	_ =	swait.ge @!p0 [sflag:s0], s1  }
0xcf: {  	s1 =	ssub.s32 @!p0 $0x0, s1;
	[sflag:s0] =	ssyncset.done @!p0 $0x0  }
0xd0: {  	[sflag:s0] =	ssyncadd.s32 @!p0 s1  }
0xd1: {  	[bflag:$0x3] =	sbarrier.arrive $0xFFFF  }
0xd2: {  	_ =	shalt  }

</sc_bundles>
